<compile_context>
chip_gen: v7x
topology: tpu7x:2x2x1
jax: 0.10.2.dev20260603
libtpu: 0.0.44.dev20260713+nightly
codegen_flags: <defaults>
</compile_context>

<pallas_src>
import functools

import jax
import jax.numpy as jnp
from jax import lax
from jax.experimental import pallas as pl
from jax.experimental.pallas import tpu as pltpu
from jax.experimental.pallas import tpu_sc as plsc

N = 10000
E = 320000
D_FEAT = 128
D_HID = 256
D_OUT = 128

NC = 2
NS = 16
W = 64
K = 100
NB = E // NS // K
EPT = E // NS
DROWS = EPT // 16
ZROWS = 80
NCH = N // ZROWS
TPC = -(-NCH // NS)
DGC = 16
DGR = N // DGC


def _zero_vmem(ref, nrows, ncols16):
    z = jnp.zeros((16,), jnp.float32)

    def body(i, carry):
        for j in range(ncols16):
            ref[i, pl.ds(j * 16, 16)] = z
        return carry

    lax.fori_loop(0, nrows, body, 0)


def _make_sc_pass(nphase, with_deg, poff=0):
    mesh = plsc.VectorSubcoreMesh(core_axis_name="c", subcore_axis_name="s")
    agg_ty = jax.ShapeDtypeStruct((N, NC * nphase * W), jnp.float32)
    deg_ty = jax.ShapeDtypeStruct((NS, DGR, DGC), jnp.float32)
    out_type = (agg_ty, deg_ty) if with_deg else agg_ty
    scratch = [
        pltpu.VMEM((NB, K), jnp.int32),
        pltpu.VMEM((NB, K), jnp.int32),
        pltpu.VMEM((2, K, W), jnp.float32),
        pltpu.VMEM((ZROWS, W), jnp.float32),
    ]
    if with_deg:
        scratch.append(pltpu.VMEM((DROWS, 16), jnp.int32))
        scratch.append(pltpu.VMEM((DGR, DGC), jnp.float32))
    scratch += [
        pltpu.VMEM_SHARED((N, W), jnp.float32),
    ] + [pltpu.SemaphoreType.DMA] * 2

    @functools.partial(pl.kernel, out_type=out_type, mesh=mesh,
                       scratch_types=scratch,
                       compiler_params=pltpu.CompilerParams(
                           use_tc_tiling_on_sc=False,
                           needs_layout_passes=False))
    def sc_pass(src_hbm, esrc, edst, *refs):
        if with_deg:
            (edstd, aggq, degp, srcv, dstv, rows, zf, dstd, degref,
             acc, *sems) = refs
        else:
            aggq, srcv, dstv, rows, zf, acc, *sems = refs
            degp = degref = dstd = None
        gsem = sems

        c = lax.axis_index("c")
        s = lax.axis_index("s")

        pltpu.sync_copy(edst.at[s], dstv)
        if with_deg:
            pltpu.sync_copy(edstd.at[s], dstd)
            _zero_vmem(degref, DGR, 1)

        _zero_vmem(zf, ZROWS, W // 16)
        for t in range(TPC):
            ch = s + t * NS

            @pl.when(ch < NCH)
            def _():
                pltpu.sync_copy(zf, acc.at[pl.ds(ch * ZROWS, ZROWS)])

        ones16 = jnp.ones((16,), jnp.float32)
        v4 = jnp.full((16,), 4, jnp.int32)
        v15 = jnp.full((16,), 15, jnp.int32)

        def deg_row(t):
            dv = dstd[t, :]
            r = lax.shift_right_logical(dv, v4)
            cc = lax.bitwise_and(dv, v15)
            plsc.addupdate_scatter(degref, [r, cc], ones16)

        def start_g(j, b):
            pltpu.async_copy(src_hbm.at[srcv.at[j]], rows.at[b], gsem[b])

        def wait_g(j, b):
            pltpu.make_async_copy(
                src_hbm.at[srcv.at[j]], rows.at[b], gsem[b]).wait()

        def do_s(j, b):
            pltpu.sync_copy(rows.at[b], acc.at[dstv.at[j]], add=True)

        dpc = DROWS // NB

        for p in range(nphase):
            pltpu.sync_copy(esrc.at[(poff + p) * NC + c, s], srcv)
            plsc.subcore_barrier()

            start_g(0, 0)
            start_g(1, 1)

            def body(i, carry):
                for q in range(2):
                    j = 2 * i + q
                    wait_g(j, q)
                    do_s(j, q)
                    if with_deg:
                        @pl.when(c == 0)
                        def _():
                            for t in range(dpc):
                                deg_row(dpc * j + t)

                    @pl.when(j + 2 < NB)
                    def _():
                        start_g(j + 2, q)
                return carry

            lax.fori_loop(0, NB // 2, body, 0)
            if with_deg:
                @pl.when(c == 0)
                def _():
                    for t in range(dpc * NB, DROWS):
                        deg_row(t)

            plsc.subcore_barrier()
            for t in range(TPC):
                ch = s + t * NS

                @pl.when(ch < NCH)
                def _():
                    r0 = ch * ZROWS
                    pltpu.sync_copy(
                        acc.at[pl.ds(r0, ZROWS)],
                        aggq.at[pl.ds(r0, ZROWS),
                                pl.ds((p * NC + c) * W, W)])
                    if p < nphase - 1:
                        pltpu.sync_copy(zf, acc.at[pl.ds(r0, ZROWS)])

        if with_deg:
            @pl.when(c == 0)
            def _():
                pltpu.sync_copy(degref, degp.at[s])

    return sc_pass


_BM = 2000
_BMD = 400


def _full(shape):
    return pl.BlockSpec(shape, lambda i: (0,) * len(shape))


def _deg_body(degp_ref, recip_ref):
    deg = jnp.sum(degp_ref[...], axis=0, keepdims=True)
    recip = 1.0 / jnp.maximum(deg, 1.0)
    recip_ref[...] = jnp.transpose(recip, (1, 0))


def _tc_deg(degp):
    return pl.pallas_call(
        _deg_body,
        grid=(1,),
        in_specs=[_full((NS, N))],
        out_specs=_full((N, 1)),
        out_shape=jax.ShapeDtypeStruct((N, 1), jnp.float32),
    )(degp)


_EB = E // 5


def _idx_body(src_ref, o2_ref, o4_ref):
    v = src_ref[...]
    o2_ref[0] = 2 * v
    o2_ref[1] = 2 * v + 1
    for q in range(4):
        o4_ref[q] = 4 * v + q


def _tc_idx(src):
    return pl.pallas_call(
        _idx_body,
        grid=(1,),
        in_specs=[_full((E,))],
        out_specs=[
            _full((2, E)),
            _full((4, E)),
        ],
        out_shape=[
            jax.ShapeDtypeStruct((2, E), jnp.int32),
            jax.ShapeDtypeStruct((4, E), jnp.int32),
        ],
    )(src)


def _mm_body(a_ref, w_ref, b_ref, o_ref):
    o_ref[...] = (jnp.dot(a_ref[...], w_ref[...],
                          preferred_element_type=jnp.float32) + b_ref[...])


def _mm_flat_body(a_ref, w_ref, b_ref, o_ref, *, ka):
    a = a_ref[...].reshape(_BM, ka)
    o_ref[...] = (jnp.dot(a, w_ref[...],
                          preferred_element_type=jnp.float32) + b_ref[...])


def _tc_mm(a, w, b):
    m, ka = a.shape
    ko, n = w.shape
    return pl.pallas_call(
        _mm_body,
        grid=(m // _BM,),
        in_specs=[
            pl.BlockSpec((_BM, ka), lambda i: (i, 0)),
            _full((ko, n)),
            _full((1, n)),
        ],
        out_specs=pl.BlockSpec((_BM, n), lambda i: (i, 0)),
        out_shape=jax.ShapeDtypeStruct((m, n), jnp.float32),
    )(a, w, b)


def _tc_mm_flat(a1d, w, b):
    ko, n = w.shape
    m = a1d.shape[0] // ko
    return pl.pallas_call(
        functools.partial(_mm_flat_body, ka=ko),
        grid=(m // _BM,),
        in_specs=[
            pl.BlockSpec((_BM * ko,), lambda i: (i,)),
            _full((ko, n)),
            _full((1, n)),
        ],
        out_specs=pl.BlockSpec((_BM, n), lambda i: (i, 0)),
        out_shape=jax.ShapeDtypeStruct((m, n), jnp.float32),
    )(a1d, w, b)


def _agg_mm_body(agg_ref, recip_ref, w_ref, r_ref, o_ref, *, ka, n, relu,
                 flat_out):
    a = agg_ref[...].reshape(_BM, ka) * recip_ref[...]
    o = (jnp.dot(a, w_ref[...], preferred_element_type=jnp.float32)
         + r_ref[...])
    if relu:
        o = jnp.maximum(o, 0.0)
    o_ref[...] = o.reshape(_BM * n) if flat_out else o


def _tc_agg_mm(agg1d, recip, w, rest, relu, flat_out=False):
    ka, n = w.shape
    m = agg1d.shape[0] // ka
    out_shape = jax.ShapeDtypeStruct(
        (m * n,) if flat_out else (m, n), jnp.float32)
    out_spec = (pl.BlockSpec((_BM * n,), lambda i: (i,)) if flat_out
                else pl.BlockSpec((_BM, n), lambda i: (i, 0)))
    return pl.pallas_call(
        functools.partial(_agg_mm_body, ka=ka, n=n, relu=relu,
                          flat_out=flat_out),
        grid=(m // _BM,),
        in_specs=[
            pl.BlockSpec((_BM * ka,), lambda i: (i,)),
            pl.BlockSpec((_BM, 1), lambda i: (i, 0)),
            _full((ka, n)),
            pl.BlockSpec((_BM, n), lambda i: (i, 0)),
        ],
        out_specs=out_spec,
        out_shape=out_shape,
    )(agg1d, recip, w, rest)


_sc_pass1 = _make_sc_pass(1, with_deg=True)
_sc_pass2 = _make_sc_pass(2, with_deg=False)


def kernel(x, edge_index, W1l, b1, W1r, W2l, b2, W2r):
    src = edge_index[0].astype(jnp.int32)
    dst = edge_index[1].astype(jnp.int32)

    e2, e4 = _tc_idx(src)
    esrc2 = e2.reshape(2, NS, NB, K)
    esrc4 = e4.reshape(4, NS, NB, K)
    edst = dst.reshape(NS, NB, K)
    edstd = dst.reshape(NS, DROWS, 16)

    agg1, degp = _sc_pass1(x.reshape(2 * N, W), esrc2, edst, edstd)
    recip = _tc_deg(degp.reshape(NS, N))
    xr = _tc_mm(x, W1r.T, b1.reshape(1, D_HID))
    h1d = _tc_agg_mm(agg1.reshape(-1), recip, W1l.T, xr, relu=True,
                     flat_out=True)
    h4 = h1d.reshape(4 * N, W)
    a2 = _sc_pass2(h4, esrc4, edst)
    hr = _tc_mm_flat(h1d, W2r.T, b2.reshape(1, D_OUT))
    out = _tc_agg_mm(a2.reshape(-1), recip, W2l.T, hr, relu=False)
    return out

# --- scband reference (transcript-rebuilt; emitter-appended) ---
"""Pipeline reference for scband-gnnsageconv-53953379173287 (READ-ONLY COPY).

The authoritative reference and input builder live on the scoring server;
editing this copy changes nothing except your own understanding.
"""

import jax, jax.numpy as jnp
import numpy as np

N_NODES = 10000
N_EDGES = 320000
D_FEAT = 128
D_HID = 256  # out_channels * 2
D_OUT = 128


def _sage_conv(x, edge_index, Wl, bl, Wr):
    # PyG SAGEConv (aggr='mean', root_weight=True):
    #   out = lin_l(mean_{j in N(i)} x_j) + lin_r(x_i)
    src = edge_index[0]
    dst = edge_index[1]
    msgs = jnp.take(x, src, axis=0)
    agg_sum = jax.ops.segment_sum(msgs, dst, num_segments=x.shape[0])
    deg = jax.ops.segment_sum(jnp.ones((msgs.shape[0],), dtype=x.dtype), dst, num_segments=x.shape[0])
    agg = agg_sum / jnp.clip(deg, 1.0)[:, None]
    return agg @ Wl.T + bl + x @ Wr.T


def setup_inputs(seed: int = 0) -> dict:
    key = jax.random.key(seed)
    ks = jax.random.split(key, 8)
    x = jax.random.normal(ks[0], (N_NODES, D_FEAT), dtype=jnp.float32)
    edge_index = jax.random.randint(ks[1], (2, N_EDGES), 0, N_NODES, dtype=jnp.int64)
    s1 = 1.0 / np.sqrt(D_FEAT)
    s2 = 1.0 / np.sqrt(D_HID)
    W1l = jax.random.uniform(ks[2], (D_HID, D_FEAT), dtype=jnp.float32, minval=-s1, maxval=s1)
    b1 = jnp.zeros((D_HID,), dtype=jnp.float32)
    W1r = jax.random.uniform(ks[3], (D_HID, D_FEAT), dtype=jnp.float32, minval=-s1, maxval=s1)
    W2l = jax.random.uniform(ks[4], (D_OUT, D_HID), dtype=jnp.float32, minval=-s2, maxval=s2)
    b2 = jnp.zeros((D_OUT,), dtype=jnp.float32)
    W2r = jax.random.uniform(ks[5], (D_OUT, D_HID), dtype=jnp.float32, minval=-s2, maxval=s2)
    return {"x": x, "edge_index": edge_index, "W1l": W1l, "b1": b1, "W1r": W1r, "W2l": W2l, "b2": b2, "W2r": W2r}


def reference(x, edge_index, W1l, b1, W1r, W2l, b2, W2r):
    h = _sage_conv(x, edge_index, W1l, b1, W1r)
    h = jax.nn.relu(h)
    out = _sage_conv(h, edge_index, W2l, b2, W2r)
    return out

if __name__ == "__main__":
    import jax
    _d = setup_inputs()
    print(jax.jit(kernel)(*tuple(_d.values())))

</pallas_src>

<mosaic_0001>
#map = affine_map<(d0, d1) -> (0, 0)>
#map1 = affine_map<(d0, d1) -> (0, 0, 0, 0)>
#map2 = affine_map<(d0, d1) -> (0, 0, 0)>
module attributes {stable_mosaic.version = 14 : i64} {
  func.func @sc_pass(%arg0: i32, %arg1: i32, %arg2: memref<40000x64xf32, #tpu.memory_space<hbm>>, %arg3: memref<4x16x200x100xi32, #tpu.memory_space<hbm>>, %arg4: memref<16x200x100xi32, #tpu.memory_space<hbm>>, %arg5: memref<10000x256xf32, #tpu.memory_space<hbm>>, %arg6: memref<200x100xi32, #tpu.memory_space<vmem>>, %arg7: memref<200x100xi32, #tpu.memory_space<vmem>>, %arg8: memref<2x100x64xf32, #tpu.memory_space<vmem>>, %arg9: memref<80x64xf32, #tpu.memory_space<vmem>>, %arg10: memref<10000x64xf32, #tpu.memory_space<vmem_shared>>, %arg11: memref<!tpu.dma_semaphore, #tpu.memory_space<semaphore_mem>>, %arg12: memref<!tpu.dma_semaphore, #tpu.memory_space<semaphore_mem>>) attributes {dimension_semantics = [#tpu.dimension_semantics<core_parallel>, #tpu.dimension_semantics<subcore_parallel>], iteration_bounds = array<i64: 2, 16>, scalar_prefetch = 0 : i64, scratch_operands = 7 : i64, tpu.core_type = #tpu.core_type<sc_vector_subcore>, window_params = [{transform_indices = #map}, {transform_indices = #map1}, {transform_indices = #map2}, {transform_indices = #map}]} {
    "tpu.region"() ({
      %run_scoped3A = tpu.sem_alloc : memref<!tpu.dma_semaphore, #tpu.memory_space<semaphore_mem>>
      %dma_start3A_242 = arith.constant 0 : i32
      %dma_start3A_243 = arith.constant 0 : i32
      %dma_start3A_244 = tpu.memref_slice %arg4[%arg1, %dma_start3A_242, %dma_start3A_243] : memref<16x200x100xi32, #tpu.memory_space<hbm>> -> memref<1x200x100xi32, #tpu.memory_space<hbm>>
      %dma_start3A_245 = tpu.memref_squeeze %dma_start3A_244 : memref<1x200x100xi32, #tpu.memory_space<hbm>> -> memref<200x100xi32, #tpu.memory_space<hbm>>
      %dma_start3A_246 = arith.constant 0 : i32
      %dma_start3A_247 = arith.constant 0 : i32
      %dma_start3A_248 = tpu.memref_slice %arg4[%arg1, %dma_start3A_246, %dma_start3A_247] : memref<16x200x100xi32, #tpu.memory_space<hbm>> -> memref<1x200x100xi32, #tpu.memory_space<hbm>>
      %dma_start3A_249 = tpu.memref_squeeze %dma_start3A_248 : memref<1x200x100xi32, #tpu.memory_space<hbm>> -> memref<200x100xi32, #tpu.memory_space<hbm>>
      tpu.enqueue_dma source(%dma_start3A_249 : memref<200x100xi32, #tpu.memory_space<hbm>>) target(%arg7 : memref<200x100xi32, #tpu.memory_space<vmem>>) target_semaphore(%run_scoped3A : memref<!tpu.dma_semaphore, #tpu.memory_space<semaphore_mem>>)
      %dma_wait3A = arith.constant 0 : i32
      %dma_wait3A_250 = arith.constant 0 : i32
      %dma_wait3A_251 = tpu.memref_slice %arg4[%arg1, %dma_wait3A, %dma_wait3A_250] : memref<16x200x100xi32, #tpu.memory_space<hbm>> -> memref<1x200x100xi32, #tpu.memory_space<hbm>>
      %dma_wait3A_252 = tpu.memref_squeeze %dma_wait3A_251 : memref<1x200x100xi32, #tpu.memory_space<hbm>> -> memref<200x100xi32, #tpu.memory_space<hbm>>
      %dma_wait3A_253 = arith.constant 0 : i32
      %dma_wait3A_254 = arith.constant 0 : i32
      %dma_wait3A_255 = tpu.memref_slice %arg4[%arg1, %dma_wait3A_253, %dma_wait3A_254] : memref<16x200x100xi32, #tpu.memory_space<hbm>> -> memref<1x200x100xi32, #tpu.memory_space<hbm>>
      %dma_wait3A_256 = tpu.memref_squeeze %dma_wait3A_255 : memref<1x200x100xi32, #tpu.memory_space<hbm>> -> memref<200x100xi32, #tpu.memory_space<hbm>>
      tpu.wait_dma2 semaphore(%run_scoped3A : memref<!tpu.dma_semaphore, #tpu.memory_space<semaphore_mem>>) src(%dma_wait3A_256 : memref<200x100xi32, #tpu.memory_space<hbm>>) dst(%arg7 : memref<200x100xi32, #tpu.memory_space<vmem>>)
      tpu.yield
    }) : () -> ()
    %broadcast_in_dim3A = arith.constant 0.000000e+00 : f32
    %broadcast_in_dim3A_0 = vector.broadcast %broadcast_in_dim3A : f32 to vector<16xf32>
    %scan3A = arith.constant 0 : i32
    %scan3A_1 = arith.constant 0 : i32
    %scan3A_2 = arith.constant 80 : i32
    %scan3A_3 = arith.addi %scan3A_1, %scan3A_2 : i32
    %scan3A_4 = arith.constant 1 : i32
    scf.for %scan3A_242 = %scan3A_1 to %scan3A_3 step %scan3A_4  : i32 {
      %swap3A = arith.index_cast %scan3A_242 : i32 to index
      %swap3A_243 = arith.constant 0 : index
      %swap3A_244 = tpu.vector_load %arg9[%swap3A, %swap3A_243] {strides = array<i32>} : memref<80x64xf32, #tpu.memory_space<vmem>>, vector<16xf32>,
      tpu.vector_store %arg9[%swap3A, %swap3A_243], %broadcast_in_dim3A_0 {strides = array<i32>} : memref<80x64xf32, #tpu.memory_space<vmem>>, vector<16xf32>,
      %swap3A_245 = arith.index_cast %scan3A_242 : i32 to index
      %swap3A_246 = arith.constant 16 : index
      %swap3A_247 = tpu.vector_load %arg9[%swap3A_245, %swap3A_246] {strides = array<i32>} : memref<80x64xf32, #tpu.memory_space<vmem>>, vector<16xf32>,
      tpu.vector_store %arg9[%swap3A_245, %swap3A_246], %broadcast_in_dim3A_0 {strides = array<i32>} : memref<80x64xf32, #tpu.memory_space<vmem>>, vector<16xf32>,
      %swap3A_248 = arith.index_cast %scan3A_242 : i32 to index
      %swap3A_249 = arith.constant 32 : index
      %swap3A_250 = tpu.vector_load %arg9[%swap3A_248, %swap3A_249] {strides = array<i32>} : memref<80x64xf32, #tpu.memory_space<vmem>>, vector<16xf32>,
      tpu.vector_store %arg9[%swap3A_248, %swap3A_249], %broadcast_in_dim3A_0 {strides = array<i32>} : memref<80x64xf32, #tpu.memory_space<vmem>>, vector<16xf32>,
      %swap3A_251 = arith.index_cast %scan3A_242 : i32 to index
      %swap3A_252 = arith.constant 48 : index
      %swap3A_253 = tpu.vector_load %arg9[%swap3A_251, %swap3A_252] {strides = array<i32>} : memref<80x64xf32, #tpu.memory_space<vmem>>, vector<16xf32>,
      tpu.vector_store %arg9[%swap3A_251, %swap3A_252], %broadcast_in_dim3A_0 {strides = array<i32>} : memref<80x64xf32, #tpu.memory_space<vmem>>, vector<16xf32>,
    }
    %scan3A_5 = arith.constant 80 : i32
    %add3A = arith.constant 0 : i32
    %add3A_6 = arith.addi %arg1, %add3A : i32
    %lt3A = arith.constant 125 : i32
    %lt3A_7 = arith.cmpi slt, %add3A_6, %lt3A : i32
    %convert_element_type3A = arith.extui %lt3A_7 : i1 to i32
    %cond3A = arith.constant 0 : i32
    %cond3A_8 = arith.cmpi ne, %convert_element_type3A, %cond3A : i32
    scf.if %cond3A_8 {
      %mul3A = arith.constant 80 : i32
      %mul3A_242 = arith.muli %add3A_6, %mul3A : i32
      "tpu.region"() ({
        %run_scoped3A = tpu.sem_alloc : memref<!tpu.dma_semaphore, #tpu.memory_space<semaphore_mem>>
        %dma_start3A_243 = arith.constant 0 : i32
        %dma_start3A_244 = tpu.memref_slice %arg10[%mul3A_242, %dma_start3A_243] : memref<10000x64xf32, #tpu.memory_space<vmem_shared>> -> memref<80x64xf32, #tpu.memory_space<vmem_shared>>
        %dma_start3A_245 = arith.constant 0 : i32
        %dma_start3A_246 = tpu.memref_slice %arg10[%mul3A_242, %dma_start3A_245] : memref<10000x64xf32, #tpu.memory_space<vmem_shared>> -> memref<80x64xf32, #tpu.memory_space<vmem_shared>>
        tpu.enqueue_dma source(%arg9 : memref<80x64xf32, #tpu.memory_space<vmem>>) target(%dma_start3A_246 : memref<80x64xf32, #tpu.memory_space<vmem_shared>>) target_semaphore(%run_scoped3A : memref<!tpu.dma_semaphore, #tpu.memory_space<semaphore_mem>>)
        %dma_wait3A = arith.constant 0 : i32
        %dma_wait3A_247 = tpu.memref_slice %arg10[%mul3A_242, %dma_wait3A] : memref<10000x64xf32, #tpu.memory_space<vmem_shared>> -> memref<80x64xf32, #tpu.memory_space<vmem_shared>>
        %dma_wait3A_248 = arith.constant 0 : i32
        %dma_wait3A_249 = tpu.memref_slice %arg10[%mul3A_242, %dma_wait3A_248] : memref<10000x64xf32, #tpu.memory_space<vmem_shared>> -> memref<80x64xf32, #tpu.memory_space<vmem_shared>>
        tpu.wait_dma2 semaphore(%run_scoped3A : memref<!tpu.dma_semaphore, #tpu.memory_space<semaphore_mem>>) src(%arg9 : memref<80x64xf32, #tpu.memory_space<vmem>>) dst(%dma_wait3A_249 : memref<80x64xf32, #tpu.memory_space<vmem_shared>>)
        tpu.yield
      }) : () -> ()
    } else {
    }
    %add3A_9 = arith.constant 16 : i32
    %add3A_10 = arith.addi %arg1, %add3A_9 : i32
    %lt3A_11 = arith.constant 125 : i32
    %lt3A_12 = arith.cmpi slt, %add3A_10, %lt3A_11 : i32
    %convert_element_type3A_13 = arith.extui %lt3A_12 : i1 to i32
    %cond3A_14 = arith.constant 0 : i32
    %cond3A_15 = arith.cmpi ne, %convert_element_type3A_13, %cond3A_14 : i32
    scf.if %cond3A_15 {
      %mul3A = arith.constant 80 : i32
      %mul3A_242 = arith.muli %add3A_10, %mul3A : i32
      "tpu.region"() ({
        %run_scoped3A = tpu.sem_alloc : memref<!tpu.dma_semaphore, #tpu.memory_space<semaphore_mem>>
        %dma_start3A_243 = arith.constant 0 : i32
        %dma_start3A_244 = tpu.memref_slice %arg10[%mul3A_242, %dma_start3A_243] : memref<10000x64xf32, #tpu.memory_space<vmem_shared>> -> memref<80x64xf32, #tpu.memory_space<vmem_shared>>
        %dma_start3A_245 = arith.constant 0 : i32
        %dma_start3A_246 = tpu.memref_slice %arg10[%mul3A_242, %dma_start3A_245] : memref<10000x64xf32, #tpu.memory_space<vmem_shared>> -> memref<80x64xf32, #tpu.memory_space<vmem_shared>>
        tpu.enqueue_dma source(%arg9 : memref<80x64xf32, #tpu.memory_space<vmem>>) target(%dma_start3A_246 : memref<80x64xf32, #tpu.memory_space<vmem_shared>>) target_semaphore(%run_scoped3A : memref<!tpu.dma_semaphore, #tpu.memory_space<semaphore_mem>>)
        %dma_wait3A = arith.constant 0 : i32
        %dma_wait3A_247 = tpu.memref_slice %arg10[%mul3A_242, %dma_wait3A] : memref<10000x64xf32, #tpu.memory_space<vmem_shared>> -> memref<80x64xf32, #tpu.memory_space<vmem_shared>>
        %dma_wait3A_248 = arith.constant 0 : i32
        %dma_wait3A_249 = tpu.memref_slice %arg10[%mul3A_242, %dma_wait3A_248] : memref<10000x64xf32, #tpu.memory_space<vmem_shared>> -> memref<80x64xf32, #tpu.memory_space<vmem_shared>>
        tpu.wait_dma2 semaphore(%run_scoped3A : memref<!tpu.dma_semaphore, #tpu.memory_space<semaphore_mem>>) src(%arg9 : memref<80x64xf32, #tpu.memory_space<vmem>>) dst(%dma_wait3A_249 : memref<80x64xf32, #tpu.memory_space<vmem_shared>>)
        tpu.yield
      }) : () -> ()
    } else {
    }
    %add3A_16 = arith.constant 32 : i32
    %add3A_17 = arith.addi %arg1, %add3A_16 : i32
    %lt3A_18 = arith.constant 125 : i32
    %lt3A_19 = arith.cmpi slt, %add3A_17, %lt3A_18 : i32
    %convert_element_type3A_20 = arith.extui %lt3A_19 : i1 to i32
    %cond3A_21 = arith.constant 0 : i32
    %cond3A_22 = arith.cmpi ne, %convert_element_type3A_20, %cond3A_21 : i32
    scf.if %cond3A_22 {
      %mul3A = arith.constant 80 : i32
      %mul3A_242 = arith.muli %add3A_17, %mul3A : i32
      "tpu.region"() ({
        %run_scoped3A = tpu.sem_alloc : memref<!tpu.dma_semaphore, #tpu.memory_space<semaphore_mem>>
        %dma_start3A_243 = arith.constant 0 : i32
        %dma_start3A_244 = tpu.memref_slice %arg10[%mul3A_242, %dma_start3A_243] : memref<10000x64xf32, #tpu.memory_space<vmem_shared>> -> memref<80x64xf32, #tpu.memory_space<vmem_shared>>
        %dma_start3A_245 = arith.constant 0 : i32
        %dma_start3A_246 = tpu.memref_slice %arg10[%mul3A_242, %dma_start3A_245] : memref<10000x64xf32, #tpu.memory_space<vmem_shared>> -> memref<80x64xf32, #tpu.memory_space<vmem_shared>>
        tpu.enqueue_dma source(%arg9 : memref<80x64xf32, #tpu.memory_space<vmem>>) target(%dma_start3A_246 : memref<80x64xf32, #tpu.memory_space<vmem_shared>>) target_semaphore(%run_scoped3A : memref<!tpu.dma_semaphore, #tpu.memory_space<semaphore_mem>>)
        %dma_wait3A = arith.constant 0 : i32
        %dma_wait3A_247 = tpu.memref_slice %arg10[%mul3A_242, %dma_wait3A] : memref<10000x64xf32, #tpu.memory_space<vmem_shared>> -> memref<80x64xf32, #tpu.memory_space<vmem_shared>>
        %dma_wait3A_248 = arith.constant 0 : i32
        %dma_wait3A_249 = tpu.memref_slice %arg10[%mul3A_242, %dma_wait3A_248] : memref<10000x64xf32, #tpu.memory_space<vmem_shared>> -> memref<80x64xf32, #tpu.memory_space<vmem_shared>>
        tpu.wait_dma2 semaphore(%run_scoped3A : memref<!tpu.dma_semaphore, #tpu.memory_space<semaphore_mem>>) src(%arg9 : memref<80x64xf32, #tpu.memory_space<vmem>>) dst(%dma_wait3A_249 : memref<80x64xf32, #tpu.memory_space<vmem_shared>>)
        tpu.yield
      }) : () -> ()
    } else {
    }
    %add3A_23 = arith.constant 48 : i32
    %add3A_24 = arith.addi %arg1, %add3A_23 : i32
    %lt3A_25 = arith.constant 125 : i32
    %lt3A_26 = arith.cmpi slt, %add3A_24, %lt3A_25 : i32
    %convert_element_type3A_27 = arith.extui %lt3A_26 : i1 to i32
    %cond3A_28 = arith.constant 0 : i32
    %cond3A_29 = arith.cmpi ne, %convert_element_type3A_27, %cond3A_28 : i32
    scf.if %cond3A_29 {
      %mul3A = arith.constant 80 : i32
      %mul3A_242 = arith.muli %add3A_24, %mul3A : i32
      "tpu.region"() ({
        %run_scoped3A = tpu.sem_alloc : memref<!tpu.dma_semaphore, #tpu.memory_space<semaphore_mem>>
        %dma_start3A_243 = arith.constant 0 : i32
        %dma_start3A_244 = tpu.memref_slice %arg10[%mul3A_242, %dma_start3A_243] : memref<10000x64xf32, #tpu.memory_space<vmem_shared>> -> memref<80x64xf32, #tpu.memory_space<vmem_shared>>
        %dma_start3A_245 = arith.constant 0 : i32
        %dma_start3A_246 = tpu.memref_slice %arg10[%mul3A_242, %dma_start3A_245] : memref<10000x64xf32, #tpu.memory_space<vmem_shared>> -> memref<80x64xf32, #tpu.memory_space<vmem_shared>>
        tpu.enqueue_dma source(%arg9 : memref<80x64xf32, #tpu.memory_space<vmem>>) target(%dma_start3A_246 : memref<80x64xf32, #tpu.memory_space<vmem_shared>>) target_semaphore(%run_scoped3A : memref<!tpu.dma_semaphore, #tpu.memory_space<semaphore_mem>>)
        %dma_wait3A = arith.constant 0 : i32
        %dma_wait3A_247 = tpu.memref_slice %arg10[%mul3A_242, %dma_wait3A] : memref<10000x64xf32, #tpu.memory_space<vmem_shared>> -> memref<80x64xf32, #tpu.memory_space<vmem_shared>>
        %dma_wait3A_248 = arith.constant 0 : i32
        %dma_wait3A_249 = tpu.memref_slice %arg10[%mul3A_242, %dma_wait3A_248] : memref<10000x64xf32, #tpu.memory_space<vmem_shared>> -> memref<80x64xf32, #tpu.memory_space<vmem_shared>>
        tpu.wait_dma2 semaphore(%run_scoped3A : memref<!tpu.dma_semaphore, #tpu.memory_space<semaphore_mem>>) src(%arg9 : memref<80x64xf32, #tpu.memory_space<vmem>>) dst(%dma_wait3A_249 : memref<80x64xf32, #tpu.memory_space<vmem_shared>>)
        tpu.yield
      }) : () -> ()
    } else {
    }
    %add3A_30 = arith.constant 64 : i32
    %add3A_31 = arith.addi %arg1, %add3A_30 : i32
    %lt3A_32 = arith.constant 125 : i32
    %lt3A_33 = arith.cmpi slt, %add3A_31, %lt3A_32 : i32
    %convert_element_type3A_34 = arith.extui %lt3A_33 : i1 to i32
    %cond3A_35 = arith.constant 0 : i32
    %cond3A_36 = arith.cmpi ne, %convert_element_type3A_34, %cond3A_35 : i32
    scf.if %cond3A_36 {
      %mul3A = arith.constant 80 : i32
      %mul3A_242 = arith.muli %add3A_31, %mul3A : i32
      "tpu.region"() ({
        %run_scoped3A = tpu.sem_alloc : memref<!tpu.dma_semaphore, #tpu.memory_space<semaphore_mem>>
        %dma_start3A_243 = arith.constant 0 : i32
        %dma_start3A_244 = tpu.memref_slice %arg10[%mul3A_242, %dma_start3A_243] : memref<10000x64xf32, #tpu.memory_space<vmem_shared>> -> memref<80x64xf32, #tpu.memory_space<vmem_shared>>
        %dma_start3A_245 = arith.constant 0 : i32
        %dma_start3A_246 = tpu.memref_slice %arg10[%mul3A_242, %dma_start3A_245] : memref<10000x64xf32, #tpu.memory_space<vmem_shared>> -> memref<80x64xf32, #tpu.memory_space<vmem_shared>>
        tpu.enqueue_dma source(%arg9 : memref<80x64xf32, #tpu.memory_space<vmem>>) target(%dma_start3A_246 : memref<80x64xf32, #tpu.memory_space<vmem_shared>>) target_semaphore(%run_scoped3A : memref<!tpu.dma_semaphore, #tpu.memory_space<semaphore_mem>>)
        %dma_wait3A = arith.constant 0 : i32
        %dma_wait3A_247 = tpu.memref_slice %arg10[%mul3A_242, %dma_wait3A] : memref<10000x64xf32, #tpu.memory_space<vmem_shared>> -> memref<80x64xf32, #tpu.memory_space<vmem_shared>>
        %dma_wait3A_248 = arith.constant 0 : i32
        %dma_wait3A_249 = tpu.memref_slice %arg10[%mul3A_242, %dma_wait3A_248] : memref<10000x64xf32, #tpu.memory_space<vmem_shared>> -> memref<80x64xf32, #tpu.memory_space<vmem_shared>>
        tpu.wait_dma2 semaphore(%run_scoped3A : memref<!tpu.dma_semaphore, #tpu.memory_space<semaphore_mem>>) src(%arg9 : memref<80x64xf32, #tpu.memory_space<vmem>>) dst(%dma_wait3A_249 : memref<80x64xf32, #tpu.memory_space<vmem_shared>>)
        tpu.yield
      }) : () -> ()
    } else {
    }
    %add3A_37 = arith.constant 80 : i32
    %add3A_38 = arith.addi %arg1, %add3A_37 : i32
    %lt3A_39 = arith.constant 125 : i32
    %lt3A_40 = arith.cmpi slt, %add3A_38, %lt3A_39 : i32
    %convert_element_type3A_41 = arith.extui %lt3A_40 : i1 to i32
    %cond3A_42 = arith.constant 0 : i32
    %cond3A_43 = arith.cmpi ne, %convert_element_type3A_41, %cond3A_42 : i32
    scf.if %cond3A_43 {
      %mul3A = arith.constant 80 : i32
      %mul3A_242 = arith.muli %add3A_38, %mul3A : i32
      "tpu.region"() ({
        %run_scoped3A = tpu.sem_alloc : memref<!tpu.dma_semaphore, #tpu.memory_space<semaphore_mem>>
        %dma_start3A_243 = arith.constant 0 : i32
        %dma_start3A_244 = tpu.memref_slice %arg10[%mul3A_242, %dma_start3A_243] : memref<10000x64xf32, #tpu.memory_space<vmem_shared>> -> memref<80x64xf32, #tpu.memory_space<vmem_shared>>
        %dma_start3A_245 = arith.constant 0 : i32
        %dma_start3A_246 = tpu.memref_slice %arg10[%mul3A_242, %dma_start3A_245] : memref<10000x64xf32, #tpu.memory_space<vmem_shared>> -> memref<80x64xf32, #tpu.memory_space<vmem_shared>>
        tpu.enqueue_dma source(%arg9 : memref<80x64xf32, #tpu.memory_space<vmem>>) target(%dma_start3A_246 : memref<80x64xf32, #tpu.memory_space<vmem_shared>>) target_semaphore(%run_scoped3A : memref<!tpu.dma_semaphore, #tpu.memory_space<semaphore_mem>>)
        %dma_wait3A = arith.constant 0 : i32
        %dma_wait3A_247 = tpu.memref_slice %arg10[%mul3A_242, %dma_wait3A] : memref<10000x64xf32, #tpu.memory_space<vmem_shared>> -> memref<80x64xf32, #tpu.memory_space<vmem_shared>>
        %dma_wait3A_248 = arith.constant 0 : i32
        %dma_wait3A_249 = tpu.memref_slice %arg10[%mul3A_242, %dma_wait3A_248] : memref<10000x64xf32, #tpu.memory_space<vmem_shared>> -> memref<80x64xf32, #tpu.memory_space<vmem_shared>>
        tpu.wait_dma2 semaphore(%run_scoped3A : memref<!tpu.dma_semaphore, #tpu.memory_space<semaphore_mem>>) src(%arg9 : memref<80x64xf32, #tpu.memory_space<vmem>>) dst(%dma_wait3A_249 : memref<80x64xf32, #tpu.memory_space<vmem_shared>>)
        tpu.yield
      }) : () -> ()
    } else {
    }
    %add3A_44 = arith.constant 96 : i32
    %add3A_45 = arith.addi %arg1, %add3A_44 : i32
    %lt3A_46 = arith.constant 125 : i32
    %lt3A_47 = arith.cmpi slt, %add3A_45, %lt3A_46 : i32
    %convert_element_type3A_48 = arith.extui %lt3A_47 : i1 to i32
    %cond3A_49 = arith.constant 0 : i32
    %cond3A_50 = arith.cmpi ne, %convert_element_type3A_48, %cond3A_49 : i32
    scf.if %cond3A_50 {
      %mul3A = arith.constant 80 : i32
      %mul3A_242 = arith.muli %add3A_45, %mul3A : i32
      "tpu.region"() ({
        %run_scoped3A = tpu.sem_alloc : memref<!tpu.dma_semaphore, #tpu.memory_space<semaphore_mem>>
        %dma_start3A_243 = arith.constant 0 : i32
        %dma_start3A_244 = tpu.memref_slice %arg10[%mul3A_242, %dma_start3A_243] : memref<10000x64xf32, #tpu.memory_space<vmem_shared>> -> memref<80x64xf32, #tpu.memory_space<vmem_shared>>
        %dma_start3A_245 = arith.constant 0 : i32
        %dma_start3A_246 = tpu.memref_slice %arg10[%mul3A_242, %dma_start3A_245] : memref<10000x64xf32, #tpu.memory_space<vmem_shared>> -> memref<80x64xf32, #tpu.memory_space<vmem_shared>>
        tpu.enqueue_dma source(%arg9 : memref<80x64xf32, #tpu.memory_space<vmem>>) target(%dma_start3A_246 : memref<80x64xf32, #tpu.memory_space<vmem_shared>>) target_semaphore(%run_scoped3A : memref<!tpu.dma_semaphore, #tpu.memory_space<semaphore_mem>>)
        %dma_wait3A = arith.constant 0 : i32
        %dma_wait3A_247 = tpu.memref_slice %arg10[%mul3A_242, %dma_wait3A] : memref<10000x64xf32, #tpu.memory_space<vmem_shared>> -> memref<80x64xf32, #tpu.memory_space<vmem_shared>>
        %dma_wait3A_248 = arith.constant 0 : i32
        %dma_wait3A_249 = tpu.memref_slice %arg10[%mul3A_242, %dma_wait3A_248] : memref<10000x64xf32, #tpu.memory_space<vmem_shared>> -> memref<80x64xf32, #tpu.memory_space<vmem_shared>>
        tpu.wait_dma2 semaphore(%run_scoped3A : memref<!tpu.dma_semaphore, #tpu.memory_space<semaphore_mem>>) src(%arg9 : memref<80x64xf32, #tpu.memory_space<vmem>>) dst(%dma_wait3A_249 : memref<80x64xf32, #tpu.memory_space<vmem_shared>>)
        tpu.yield
      }) : () -> ()
    } else {
    }
    %add3A_51 = arith.constant 112 : i32
    %add3A_52 = arith.addi %arg1, %add3A_51 : i32
    %lt3A_53 = arith.constant 125 : i32
    %lt3A_54 = arith.cmpi slt, %add3A_52, %lt3A_53 : i32
    %convert_element_type3A_55 = arith.extui %lt3A_54 : i1 to i32
    %cond3A_56 = arith.constant 0 : i32
    %cond3A_57 = arith.cmpi ne, %convert_element_type3A_55, %cond3A_56 : i32
    scf.if %cond3A_57 {
      %mul3A = arith.constant 80 : i32
      %mul3A_242 = arith.muli %add3A_52, %mul3A : i32
      "tpu.region"() ({
        %run_scoped3A = tpu.sem_alloc : memref<!tpu.dma_semaphore, #tpu.memory_space<semaphore_mem>>
        %dma_start3A_243 = arith.constant 0 : i32
        %dma_start3A_244 = tpu.memref_slice %arg10[%mul3A_242, %dma_start3A_243] : memref<10000x64xf32, #tpu.memory_space<vmem_shared>> -> memref<80x64xf32, #tpu.memory_space<vmem_shared>>
        %dma_start3A_245 = arith.constant 0 : i32
        %dma_start3A_246 = tpu.memref_slice %arg10[%mul3A_242, %dma_start3A_245] : memref<10000x64xf32, #tpu.memory_space<vmem_shared>> -> memref<80x64xf32, #tpu.memory_space<vmem_shared>>
        tpu.enqueue_dma source(%arg9 : memref<80x64xf32, #tpu.memory_space<vmem>>) target(%dma_start3A_246 : memref<80x64xf32, #tpu.memory_space<vmem_shared>>) target_semaphore(%run_scoped3A : memref<!tpu.dma_semaphore, #tpu.memory_space<semaphore_mem>>)
        %dma_wait3A = arith.constant 0 : i32
        %dma_wait3A_247 = tpu.memref_slice %arg10[%mul3A_242, %dma_wait3A] : memref<10000x64xf32, #tpu.memory_space<vmem_shared>> -> memref<80x64xf32, #tpu.memory_space<vmem_shared>>
        %dma_wait3A_248 = arith.constant 0 : i32
        %dma_wait3A_249 = tpu.memref_slice %arg10[%mul3A_242, %dma_wait3A_248] : memref<10000x64xf32, #tpu.memory_space<vmem_shared>> -> memref<80x64xf32, #tpu.memory_space<vmem_shared>>
        tpu.wait_dma2 semaphore(%run_scoped3A : memref<!tpu.dma_semaphore, #tpu.memory_space<semaphore_mem>>) src(%arg9 : memref<80x64xf32, #tpu.memory_space<vmem>>) dst(%dma_wait3A_249 : memref<80x64xf32, #tpu.memory_space<vmem_shared>>)
        tpu.yield
      }) : () -> ()
    } else {
    }
    %broadcast_in_dim3A_58 = arith.constant 1.000000e+00 : f32
    %broadcast_in_dim3A_59 = vector.broadcast %broadcast_in_dim3A_58 : f32 to vector<16xf32>
    %broadcast_in_dim3A_60 = arith.constant 4 : i32
    %broadcast_in_dim3A_61 = vector.broadcast %broadcast_in_dim3A_60 : i32 to vector<16xi32>
    %broadcast_in_dim3A_62 = arith.constant 15 : i32
    %broadcast_in_dim3A_63 = vector.broadcast %broadcast_in_dim3A_62 : i32 to vector<16xi32>
    %add3A_64 = arith.constant 0 : i32
    %add3A_65 = arith.addi %add3A_64, %arg0 : i32
    "tpu.region"() ({
      %run_scoped3A = tpu.sem_alloc : memref<!tpu.dma_semaphore, #tpu.memory_space<semaphore_mem>>
      %dma_start3A_242 = arith.constant 0 : i32
      %dma_start3A_243 = arith.constant 0 : i32
      %dma_start3A_244 = tpu.memref_slice %arg3[%add3A_65, %arg1, %dma_start3A_242, %dma_start3A_243] : memref<4x16x200x100xi32, #tpu.memory_space<hbm>> -> memref<1x1x200x100xi32, #tpu.memory_space<hbm>>
      %dma_start3A_245 = tpu.memref_squeeze %dma_start3A_244 : memref<1x1x200x100xi32, #tpu.memory_space<hbm>> -> memref<200x100xi32, #tpu.memory_space<hbm>>
      %dma_start3A_246 = arith.constant 0 : i32
      %dma_start3A_247 = arith.constant 0 : i32
      %dma_start3A_248 = tpu.memref_slice %arg3[%add3A_65, %arg1, %dma_start3A_246, %dma_start3A_247] : memref<4x16x200x100xi32, #tpu.memory_space<hbm>> -> memref<1x1x200x100xi32, #tpu.memory_space<hbm>>
      %dma_start3A_249 = tpu.memref_squeeze %dma_start3A_248 : memref<1x1x200x100xi32, #tpu.memory_space<hbm>> -> memref<200x100xi32, #tpu.memory_space<hbm>>
      tpu.enqueue_dma source(%dma_start3A_249 : memref<200x100xi32, #tpu.memory_space<hbm>>) target(%arg6 : memref<200x100xi32, #tpu.memory_space<vmem>>) target_semaphore(%run_scoped3A : memref<!tpu.dma_semaphore, #tpu.memory_space<semaphore_mem>>)
      %dma_wait3A = arith.constant 0 : i32
      %dma_wait3A_250 = arith.constant 0 : i32
      %dma_wait3A_251 = tpu.memref_slice %arg3[%add3A_65, %arg1, %dma_wait3A, %dma_wait3A_250] : memref<4x16x200x100xi32, #tpu.memory_space<hbm>> -> memref<1x1x200x100xi32, #tpu.memory_space<hbm>>
      %dma_wait3A_252 = tpu.memref_squeeze %dma_wait3A_251 : memref<1x1x200x100xi32, #tpu.memory_space<hbm>> -> memref<200x100xi32, #tpu.memory_space<hbm>>
      %dma_wait3A_253 = arith.constant 0 : i32
      %dma_wait3A_254 = arith.constant 0 : i32
      %dma_wait3A_255 = tpu.memref_slice %arg3[%add3A_65, %arg1, %dma_wait3A_253, %dma_wait3A_254] : memref<4x16x200x100xi32, #tpu.memory_space<hbm>> -> memref<1x1x200x100xi32, #tpu.memory_space<hbm>>
      %dma_wait3A_256 = tpu.memref_squeeze %dma_wait3A_255 : memref<1x1x200x100xi32, #tpu.memory_space<hbm>> -> memref<200x100xi32, #tpu.memory_space<hbm>>
      tpu.wait_dma2 semaphore(%run_scoped3A : memref<!tpu.dma_semaphore, #tpu.memory_space<semaphore_mem>>) src(%dma_wait3A_256 : memref<200x100xi32, #tpu.memory_space<hbm>>) dst(%arg6 : memref<200x100xi32, #tpu.memory_space<vmem>>)
      tpu.yield
    }) : () -> ()
    %barrier3A = arith.constant 0 : index
    tpu.barrier barrier_id(%barrier3A)
    %dma_start3A = arith.constant 0 : i32
    %dma_start3A_66 = arith.constant 0 : i32
    %dma_start3A_67 = arith.constant 0 : i32
    %dma_start3A_68 = arith.constant 0 : i32
    %dma_start3A_69 = tpu.memref_slice %arg8[%dma_start3A_66, %dma_start3A_67, %dma_start3A_68] : memref<2x100x64xf32, #tpu.memory_space<vmem>> -> memref<1x100x64xf32, #tpu.memory_space<vmem>>
    %dma_start3A_70 = tpu.memref_squeeze %dma_start3A_69 : memref<1x100x64xf32, #tpu.memory_space<vmem>> -> memref<100x64xf32, #tpu.memory_space<vmem>>
    %dma_start3A_71 = arith.constant 0 : i32
    %dma_start3A_72 = tpu.memref_slice %arg6[%dma_start3A, %dma_start3A_71] : memref<200x100xi32, #tpu.memory_space<vmem>> -> memref<1x100xi32, #tpu.memory_space<vmem>>
    %dma_start3A_73 = tpu.memref_squeeze %dma_start3A_72 : memref<1x100xi32, #tpu.memory_space<vmem>> -> memref<100xi32, #tpu.memory_space<vmem>>
    %dma_start3A_74 = arith.constant 0 : i32
    %dma_start3A_75 = arith.constant 0 : i32
    %dma_start3A_76 = tpu.memref_slice %arg2[%dma_start3A_74, %dma_start3A_75] : memref<40000x64xf32, #tpu.memory_space<hbm>> -> memref<40000x64xf32, #tpu.memory_space<hbm>>
    tpu.enqueue_indirect_dma source(%dma_start3A_76 : memref<40000x64xf32, #tpu.memory_space<hbm>>) target(%dma_start3A_70 : memref<100x64xf32, #tpu.memory_space<vmem>>) offsets(%dma_start3A_73 : memref<100xi32, #tpu.memory_space<vmem>>) semaphore(%arg11 : memref<!tpu.dma_semaphore, #tpu.memory_space<semaphore_mem>>)
    %dma_start3A_77 = arith.constant 1 : i32
    %dma_start3A_78 = arith.constant 1 : i32
    %dma_start3A_79 = arith.constant 0 : i32
    %dma_start3A_80 = arith.constant 0 : i32
    %dma_start3A_81 = tpu.memref_slice %arg8[%dma_start3A_78, %dma_start3A_79, %dma_start3A_80] : memref<2x100x64xf32, #tpu.memory_space<vmem>> -> memref<1x100x64xf32, #tpu.memory_space<vmem>>
    %dma_start3A_82 = tpu.memref_squeeze %dma_start3A_81 : memref<1x100x64xf32, #tpu.memory_space<vmem>> -> memref<100x64xf32, #tpu.memory_space<vmem>>
    %dma_start3A_83 = arith.constant 0 : i32
    %dma_start3A_84 = tpu.memref_slice %arg6[%dma_start3A_77, %dma_start3A_83] : memref<200x100xi32, #tpu.memory_space<vmem>> -> memref<1x100xi32, #tpu.memory_space<vmem>>
    %dma_start3A_85 = tpu.memref_squeeze %dma_start3A_84 : memref<1x100xi32, #tpu.memory_space<vmem>> -> memref<100xi32, #tpu.memory_space<vmem>>
    %dma_start3A_86 = arith.constant 0 : i32
    %dma_start3A_87 = arith.constant 0 : i32
    %dma_start3A_88 = tpu.memref_slice %arg2[%dma_start3A_86, %dma_start3A_87] : memref<40000x64xf32, #tpu.memory_space<hbm>> -> memref<40000x64xf32, #tpu.memory_space<hbm>>
    tpu.enqueue_indirect_dma source(%dma_start3A_88 : memref<40000x64xf32, #tpu.memory_space<hbm>>) target(%dma_start3A_82 : memref<100x64xf32, #tpu.memory_space<vmem>>) offsets(%dma_start3A_85 : memref<100xi32, #tpu.memory_space<vmem>>) semaphore(%arg12 : memref<!tpu.dma_semaphore, #tpu.memory_space<semaphore_mem>>)
    %scan3A_89 = arith.constant 0 : i32
    %scan3A_90 = arith.constant 0 : i32
    %scan3A_91 = arith.constant 100 : i32
    %scan3A_92 = arith.addi %scan3A_90, %scan3A_91 : i32
    %scan3A_93 = arith.constant 1 : i32
    scf.for %scan3A_242 = %scan3A_90 to %scan3A_92 step %scan3A_93  : i32 {
      %mul3A = arith.constant 2 : i32
      %mul3A_243 = arith.muli %mul3A, %scan3A_242 : i32
      %add3A_244 = arith.constant 0 : i32
      %add3A_245 = arith.addi %mul3A_243, %add3A_244 : i32
      %dma_wait3A = arith.constant 0 : i32
      %dma_wait3A_246 = arith.constant 0 : i32
      %dma_wait3A_247 = arith.constant 0 : i32
      %dma_wait3A_248 = tpu.memref_slice %arg8[%dma_wait3A, %dma_wait3A_246, %dma_wait3A_247] : memref<2x100x64xf32, #tpu.memory_space<vmem>> -> memref<1x100x64xf32, #tpu.memory_space<vmem>>
      %dma_wait3A_249 = tpu.memref_squeeze %dma_wait3A_248 : memref<1x100x64xf32, #tpu.memory_space<vmem>> -> memref<100x64xf32, #tpu.memory_space<vmem>>
      %dma_wait3A_250 = arith.constant 0 : i32
      %dma_wait3A_251 = tpu.memref_slice %arg6[%add3A_245, %dma_wait3A_250] : memref<200x100xi32, #tpu.memory_space<vmem>> -> memref<1x100xi32, #tpu.memory_space<vmem>>
      %dma_wait3A_252 = tpu.memref_squeeze %dma_wait3A_251 : memref<1x100xi32, #tpu.memory_space<vmem>> -> memref<100xi32, #tpu.memory_space<vmem>>
      %dma_wait3A_253 = arith.constant 0 : i32
      %dma_wait3A_254 = arith.constant 0 : i32
      %dma_wait3A_255 = tpu.memref_slice %arg2[%dma_wait3A_253, %dma_wait3A_254] : memref<40000x64xf32, #tpu.memory_space<hbm>> -> memref<40000x64xf32, #tpu.memory_space<hbm>>
      tpu.wait_indirect_dma semaphore(%arg11 : memref<!tpu.dma_semaphore, #tpu.memory_space<semaphore_mem>>) src(%dma_wait3A_255 : memref<40000x64xf32, #tpu.memory_space<hbm>>) dst(%dma_wait3A_249 : memref<100x64xf32, #tpu.memory_space<vmem>>)
      %run_scoped3A = arith.constant 0 : i32
      "tpu.region"() ({
        %run_scoped3A_286 = tpu.sem_alloc : memref<!tpu.dma_semaphore, #tpu.memory_space<semaphore_mem>>
        %dma_start3A_287 = arith.constant 0 : i32
        %dma_start3A_288 = arith.constant 0 : i32
        %dma_start3A_289 = tpu.memref_slice %arg8[%run_scoped3A, %dma_start3A_287, %dma_start3A_288] : memref<2x100x64xf32, #tpu.memory_space<vmem>> -> memref<1x100x64xf32, #tpu.memory_space<vmem>>
        %dma_start3A_290 = tpu.memref_squeeze %dma_start3A_289 : memref<1x100x64xf32, #tpu.memory_space<vmem>> -> memref<100x64xf32, #tpu.memory_space<vmem>>
        %dma_start3A_291 = arith.constant 0 : i32
        %dma_start3A_292 = tpu.memref_slice %arg7[%add3A_245, %dma_start3A_291] : memref<200x100xi32, #tpu.memory_space<vmem>> -> memref<1x100xi32, #tpu.memory_space<vmem>>
        %dma_start3A_293 = tpu.memref_squeeze %dma_start3A_292 : memref<1x100xi32, #tpu.memory_space<vmem>> -> memref<100xi32, #tpu.memory_space<vmem>>
        %dma_start3A_294 = arith.constant 0 : i32
        %dma_start3A_295 = arith.constant 0 : i32
        %dma_start3A_296 = tpu.memref_slice %arg10[%dma_start3A_294, %dma_start3A_295] : memref<10000x64xf32, #tpu.memory_space<vmem_shared>> -> memref<10000x64xf32, #tpu.memory_space<vmem_shared>>
        tpu.enqueue_indirect_dma source(%dma_start3A_290 : memref<100x64xf32, #tpu.memory_space<vmem>>) target(%dma_start3A_296 : memref<10000x64xf32, #tpu.memory_space<vmem_shared>>) offsets(%dma_start3A_293 : memref<100xi32, #tpu.memory_space<vmem>>) semaphore(%run_scoped3A_286 : memref<!tpu.dma_semaphore, #tpu.memory_space<semaphore_mem>>) {add = true}
        %dma_wait3A_297 = arith.constant 0 : i32
        %dma_wait3A_298 = arith.constant 0 : i32
        %dma_wait3A_299 = tpu.memref_slice %arg8[%run_scoped3A, %dma_wait3A_297, %dma_wait3A_298] : memref<2x100x64xf32, #tpu.memory_space<vmem>> -> memref<1x100x64xf32, #tpu.memory_space<vmem>>
        %dma_wait3A_300 = tpu.memref_squeeze %dma_wait3A_299 : memref<1x100x64xf32, #tpu.memory_space<vmem>> -> memref<100x64xf32, #tpu.memory_space<vmem>>
        %dma_wait3A_301 = arith.constant 0 : i32
        %dma_wait3A_302 = tpu.memref_slice %arg7[%add3A_245, %dma_wait3A_301] : memref<200x100xi32, #tpu.memory_space<vmem>> -> memref<1x100xi32, #tpu.memory_space<vmem>>
        %dma_wait3A_303 = tpu.memref_squeeze %dma_wait3A_302 : memref<1x100xi32, #tpu.memory_space<vmem>> -> memref<100xi32, #tpu.memory_space<vmem>>
        %dma_wait3A_304 = arith.constant 0 : i32
        %dma_wait3A_305 = arith.constant 0 : i32
        %dma_wait3A_306 = tpu.memref_slice %arg10[%dma_wait3A_304, %dma_wait3A_305] : memref<10000x64xf32, #tpu.memory_space<vmem_shared>> -> memref<10000x64xf32, #tpu.memory_space<vmem_shared>>
        tpu.wait_indirect_dma semaphore(%run_scoped3A_286 : memref<!tpu.dma_semaphore, #tpu.memory_space<semaphore_mem>>) src(%dma_wait3A_300 : memref<100x64xf32, #tpu.memory_space<vmem>>) dst(%dma_wait3A_306 : memref<10000x64xf32, #tpu.memory_space<vmem_shared>>)
        tpu.yield
      }) : () -> ()
      %add3A_256 = arith.constant 2 : i32
      %add3A_257 = arith.addi %add3A_245, %add3A_256 : i32
      %lt3A_258 = arith.constant 200 : i32
      %lt3A_259 = arith.cmpi slt, %add3A_257, %lt3A_258 : i32
      %convert_element_type3A_260 = arith.extui %lt3A_259 : i1 to i32
      %cond3A_261 = arith.constant 0 : i32
      %cond3A_262 = arith.cmpi ne, %convert_element_type3A_260, %cond3A_261 : i32
      scf.if %cond3A_262 {
        %add3A_286 = arith.constant 2 : i32
        %add3A_287 = arith.addi %add3A_245, %add3A_286 : i32
        %dma_start3A_288 = arith.constant 0 : i32
        %dma_start3A_289 = arith.constant 0 : i32
        %dma_start3A_290 = arith.constant 0 : i32
        %dma_start3A_291 = tpu.memref_slice %arg8[%dma_start3A_288, %dma_start3A_289, %dma_start3A_290] : memref<2x100x64xf32, #tpu.memory_space<vmem>> -> memref<1x100x64xf32, #tpu.memory_space<vmem>>
        %dma_start3A_292 = tpu.memref_squeeze %dma_start3A_291 : memref<1x100x64xf32, #tpu.memory_space<vmem>> -> memref<100x64xf32, #tpu.memory_space<vmem>>
        %dma_start3A_293 = arith.constant 0 : i32
        %dma_start3A_294 = tpu.memref_slice %arg6[%add3A_287, %dma_start3A_293] : memref<200x100xi32, #tpu.memory_space<vmem>> -> memref<1x100xi32, #tpu.memory_space<vmem>>
        %dma_start3A_295 = tpu.memref_squeeze %dma_start3A_294 : memref<1x100xi32, #tpu.memory_space<vmem>> -> memref<100xi32, #tpu.memory_space<vmem>>
        %dma_start3A_296 = arith.constant 0 : i32
        %dma_start3A_297 = arith.constant 0 : i32
        %dma_start3A_298 = tpu.memref_slice %arg2[%dma_start3A_296, %dma_start3A_297] : memref<40000x64xf32, #tpu.memory_space<hbm>> -> memref<40000x64xf32, #tpu.memory_space<hbm>>
        tpu.enqueue_indirect_dma source(%dma_start3A_298 : memref<40000x64xf32, #tpu.memory_space<hbm>>) target(%dma_start3A_292 : memref<100x64xf32, #tpu.memory_space<vmem>>) offsets(%dma_start3A_295 : memref<100xi32, #tpu.memory_space<vmem>>) semaphore(%arg11 : memref<!tpu.dma_semaphore, #tpu.memory_space<semaphore_mem>>)
      } else {
      }
      %mul3A_263 = arith.constant 2 : i32
      %mul3A_264 = arith.muli %mul3A_263, %scan3A_242 : i32
      %add3A_265 = arith.constant 1 : i32
      %add3A_266 = arith.addi %mul3A_264, %add3A_265 : i32
      %dma_wait3A_267 = arith.constant 1 : i32
      %dma_wait3A_268 = arith.constant 0 : i32
      %dma_wait3A_269 = arith.constant 0 : i32
      %dma_wait3A_270 = tpu.memref_slice %arg8[%dma_wait3A_267, %dma_wait3A_268, %dma_wait3A_269] : memref<2x100x64xf32, #tpu.memory_space<vmem>> -> memref<1x100x64xf32, #tpu.memory_space<vmem>>
      %dma_wait3A_271 = tpu.memref_squeeze %dma_wait3A_270 : memref<1x100x64xf32, #tpu.memory_space<vmem>> -> memref<100x64xf32, #tpu.memory_space<vmem>>
      %dma_wait3A_272 = arith.constant 0 : i32
      %dma_wait3A_273 = tpu.memref_slice %arg6[%add3A_266, %dma_wait3A_272] : memref<200x100xi32, #tpu.memory_space<vmem>> -> memref<1x100xi32, #tpu.memory_space<vmem>>
      %dma_wait3A_274 = tpu.memref_squeeze %dma_wait3A_273 : memref<1x100xi32, #tpu.memory_space<vmem>> -> memref<100xi32, #tpu.memory_space<vmem>>
      %dma_wait3A_275 = arith.constant 0 : i32
      %dma_wait3A_276 = arith.constant 0 : i32
      %dma_wait3A_277 = tpu.memref_slice %arg2[%dma_wait3A_275, %dma_wait3A_276] : memref<40000x64xf32, #tpu.memory_space<hbm>> -> memref<40000x64xf32, #tpu.memory_space<hbm>>
      tpu.wait_indirect_dma semaphore(%arg12 : memref<!tpu.dma_semaphore, #tpu.memory_space<semaphore_mem>>) src(%dma_wait3A_277 : memref<40000x64xf32, #tpu.memory_space<hbm>>) dst(%dma_wait3A_271 : memref<100x64xf32, #tpu.memory_space<vmem>>)
      %run_scoped3A_278 = arith.constant 1 : i32
      "tpu.region"() ({
        %run_scoped3A_286 = tpu.sem_alloc : memref<!tpu.dma_semaphore, #tpu.memory_space<semaphore_mem>>
        %dma_start3A_287 = arith.constant 0 : i32
        %dma_start3A_288 = arith.constant 0 : i32
        %dma_start3A_289 = tpu.memref_slice %arg8[%run_scoped3A_278, %dma_start3A_287, %dma_start3A_288] : memref<2x100x64xf32, #tpu.memory_space<vmem>> -> memref<1x100x64xf32, #tpu.memory_space<vmem>>
        %dma_start3A_290 = tpu.memref_squeeze %dma_start3A_289 : memref<1x100x64xf32, #tpu.memory_space<vmem>> -> memref<100x64xf32, #tpu.memory_space<vmem>>
        %dma_start3A_291 = arith.constant 0 : i32
        %dma_start3A_292 = tpu.memref_slice %arg7[%add3A_266, %dma_start3A_291] : memref<200x100xi32, #tpu.memory_space<vmem>> -> memref<1x100xi32, #tpu.memory_space<vmem>>
        %dma_start3A_293 = tpu.memref_squeeze %dma_start3A_292 : memref<1x100xi32, #tpu.memory_space<vmem>> -> memref<100xi32, #tpu.memory_space<vmem>>
        %dma_start3A_294 = arith.constant 0 : i32
        %dma_start3A_295 = arith.constant 0 : i32
        %dma_start3A_296 = tpu.memref_slice %arg10[%dma_start3A_294, %dma_start3A_295] : memref<10000x64xf32, #tpu.memory_space<vmem_shared>> -> memref<10000x64xf32, #tpu.memory_space<vmem_shared>>
        tpu.enqueue_indirect_dma source(%dma_start3A_290 : memref<100x64xf32, #tpu.memory_space<vmem>>) target(%dma_start3A_296 : memref<10000x64xf32, #tpu.memory_space<vmem_shared>>) offsets(%dma_start3A_293 : memref<100xi32, #tpu.memory_space<vmem>>) semaphore(%run_scoped3A_286 : memref<!tpu.dma_semaphore, #tpu.memory_space<semaphore_mem>>) {add = true}
        %dma_wait3A_297 = arith.constant 0 : i32
        %dma_wait3A_298 = arith.constant 0 : i32
        %dma_wait3A_299 = tpu.memref_slice %arg8[%run_scoped3A_278, %dma_wait3A_297, %dma_wait3A_298] : memref<2x100x64xf32, #tpu.memory_space<vmem>> -> memref<1x100x64xf32, #tpu.memory_space<vmem>>
        %dma_wait3A_300 = tpu.memref_squeeze %dma_wait3A_299 : memref<1x100x64xf32, #tpu.memory_space<vmem>> -> memref<100x64xf32, #tpu.memory_space<vmem>>
        %dma_wait3A_301 = arith.constant 0 : i32
        %dma_wait3A_302 = tpu.memref_slice %arg7[%add3A_266, %dma_wait3A_301] : memref<200x100xi32, #tpu.memory_space<vmem>> -> memref<1x100xi32, #tpu.memory_space<vmem>>
        %dma_wait3A_303 = tpu.memref_squeeze %dma_wait3A_302 : memref<1x100xi32, #tpu.memory_space<vmem>> -> memref<100xi32, #tpu.memory_space<vmem>>
        %dma_wait3A_304 = arith.constant 0 : i32
        %dma_wait3A_305 = arith.constant 0 : i32
        %dma_wait3A_306 = tpu.memref_slice %arg10[%dma_wait3A_304, %dma_wait3A_305] : memref<10000x64xf32, #tpu.memory_space<vmem_shared>> -> memref<10000x64xf32, #tpu.memory_space<vmem_shared>>
        tpu.wait_indirect_dma semaphore(%run_scoped3A_286 : memref<!tpu.dma_semaphore, #tpu.memory_space<semaphore_mem>>) src(%dma_wait3A_300 : memref<100x64xf32, #tpu.memory_space<vmem>>) dst(%dma_wait3A_306 : memref<10000x64xf32, #tpu.memory_space<vmem_shared>>)
        tpu.yield
      }) : () -> ()
      %add3A_279 = arith.constant 2 : i32
      %add3A_280 = arith.addi %add3A_266, %add3A_279 : i32
      %lt3A_281 = arith.constant 200 : i32
      %lt3A_282 = arith.cmpi slt, %add3A_280, %lt3A_281 : i32
      %convert_element_type3A_283 = arith.extui %lt3A_282 : i1 to i32
      %cond3A_284 = arith.constant 0 : i32
      %cond3A_285 = arith.cmpi ne, %convert_element_type3A_283, %cond3A_284 : i32
      scf.if %cond3A_285 {
        %add3A_286 = arith.constant 2 : i32
        %add3A_287 = arith.addi %add3A_266, %add3A_286 : i32
        %dma_start3A_288 = arith.constant 1 : i32
        %dma_start3A_289 = arith.constant 0 : i32
        %dma_start3A_290 = arith.constant 0 : i32
        %dma_start3A_291 = tpu.memref_slice %arg8[%dma_start3A_288, %dma_start3A_289, %dma_start3A_290] : memref<2x100x64xf32, #tpu.memory_space<vmem>> -> memref<1x100x64xf32, #tpu.memory_space<vmem>>
        %dma_start3A_292 = tpu.memref_squeeze %dma_start3A_291 : memref<1x100x64xf32, #tpu.memory_space<vmem>> -> memref<100x64xf32, #tpu.memory_space<vmem>>
        %dma_start3A_293 = arith.constant 0 : i32
        %dma_start3A_294 = tpu.memref_slice %arg6[%add3A_287, %dma_start3A_293] : memref<200x100xi32, #tpu.memory_space<vmem>> -> memref<1x100xi32, #tpu.memory_space<vmem>>
        %dma_start3A_295 = tpu.memref_squeeze %dma_start3A_294 : memref<1x100xi32, #tpu.memory_space<vmem>> -> memref<100xi32, #tpu.memory_space<vmem>>
        %dma_start3A_296 = arith.constant 0 : i32
        %dma_start3A_297 = arith.constant 0 : i32
        %dma_start3A_298 = tpu.memref_slice %arg2[%dma_start3A_296, %dma_start3A_297] : memref<40000x64xf32, #tpu.memory_space<hbm>> -> memref<40000x64xf32, #tpu.memory_space<hbm>>
        tpu.enqueue_indirect_dma source(%dma_start3A_298 : memref<40000x64xf32, #tpu.memory_space<hbm>>) target(%dma_start3A_292 : memref<100x64xf32, #tpu.memory_space<vmem>>) offsets(%dma_start3A_295 : memref<100xi32, #tpu.memory_space<vmem>>) semaphore(%arg12 : memref<!tpu.dma_semaphore, #tpu.memory_space<semaphore_mem>>)
      } else {
      }
    }
    %scan3A_94 = arith.constant 100 : i32
    %barrier3A_95 = arith.constant 0 : index
    tpu.barrier barrier_id(%barrier3A_95)
    %add3A_96 = arith.constant 0 : i32
    %add3A_97 = arith.addi %arg1, %add3A_96 : i32
    %lt3A_98 = arith.constant 125 : i32
    %lt3A_99 = arith.cmpi slt, %add3A_97, %lt3A_98 : i32
    %convert_element_type3A_100 = arith.extui %lt3A_99 : i1 to i32
    %cond3A_101 = arith.constant 0 : i32
    %cond3A_102 = arith.cmpi ne, %convert_element_type3A_100, %cond3A_101 : i32
    scf.if %cond3A_102 {
      %mul3A = arith.constant 80 : i32
      %mul3A_242 = arith.muli %add3A_97, %mul3A : i32
      %add3A_243 = arith.constant 0 : i32
      %add3A_244 = arith.addi %add3A_243, %arg0 : i32
      %mul3A_245 = arith.constant 64 : i32
      %mul3A_246 = arith.muli %add3A_244, %mul3A_245 : i32
      "tpu.region"() ({
        %run_scoped3A = tpu.sem_alloc : memref<!tpu.dma_semaphore, #tpu.memory_space<semaphore_mem>>
        %dma_start3A_247 = tpu.memref_slice %arg5[%mul3A_242, %mul3A_246] : memref<10000x256xf32, #tpu.memory_space<hbm>> -> memref<80x64xf32, #tpu.memory_space<hbm>>
        %dma_start3A_248 = arith.constant 0 : i32
        %dma_start3A_249 = tpu.memref_slice %arg10[%mul3A_242, %dma_start3A_248] : memref<10000x64xf32, #tpu.memory_space<vmem_shared>> -> memref<80x64xf32, #tpu.memory_space<vmem_shared>>
        tpu.enqueue_dma source(%dma_start3A_249 : memref<80x64xf32, #tpu.memory_space<vmem_shared>>) target(%dma_start3A_247 : memref<80x64xf32, #tpu.memory_space<hbm>>) target_semaphore(%run_scoped3A : memref<!tpu.dma_semaphore, #tpu.memory_space<semaphore_mem>>)
        %dma_wait3A = tpu.memref_slice %arg5[%mul3A_242, %mul3A_246] : memref<10000x256xf32, #tpu.memory_space<hbm>> -> memref<80x64xf32, #tpu.memory_space<hbm>>
        %dma_wait3A_250 = arith.constant 0 : i32
        %dma_wait3A_251 = tpu.memref_slice %arg10[%mul3A_242, %dma_wait3A_250] : memref<10000x64xf32, #tpu.memory_space<vmem_shared>> -> memref<80x64xf32, #tpu.memory_space<vmem_shared>>
        tpu.wait_dma2 semaphore(%run_scoped3A : memref<!tpu.dma_semaphore, #tpu.memory_space<semaphore_mem>>) src(%dma_wait3A_251 : memref<80x64xf32, #tpu.memory_space<vmem_shared>>) dst(%dma_wait3A : memref<80x64xf32, #tpu.memory_space<hbm>>)
        tpu.yield
      }) : () -> ()
      "tpu.region"() ({
        %run_scoped3A = tpu.sem_alloc : memref<!tpu.dma_semaphore, #tpu.memory_space<semaphore_mem>>
        %dma_start3A_247 = arith.constant 0 : i32
        %dma_start3A_248 = tpu.memref_slice %arg10[%mul3A_242, %dma_start3A_247] : memref<10000x64xf32, #tpu.memory_space<vmem_shared>> -> memref<80x64xf32, #tpu.memory_space<vmem_shared>>
        %dma_start3A_249 = arith.constant 0 : i32
        %dma_start3A_250 = tpu.memref_slice %arg10[%mul3A_242, %dma_start3A_249] : memref<10000x64xf32, #tpu.memory_space<vmem_shared>> -> memref<80x64xf32, #tpu.memory_space<vmem_shared>>
        tpu.enqueue_dma source(%arg9 : memref<80x64xf32, #tpu.memory_space<vmem>>) target(%dma_start3A_250 : memref<80x64xf32, #tpu.memory_space<vmem_shared>>) target_semaphore(%run_scoped3A : memref<!tpu.dma_semaphore, #tpu.memory_space<semaphore_mem>>)
        %dma_wait3A = arith.constant 0 : i32
        %dma_wait3A_251 = tpu.memref_slice %arg10[%mul3A_242, %dma_wait3A] : memref<10000x64xf32, #tpu.memory_space<vmem_shared>> -> memref<80x64xf32, #tpu.memory_space<vmem_shared>>
        %dma_wait3A_252 = arith.constant 0 : i32
        %dma_wait3A_253 = tpu.memref_slice %arg10[%mul3A_242, %dma_wait3A_252] : memref<10000x64xf32, #tpu.memory_space<vmem_shared>> -> memref<80x64xf32, #tpu.memory_space<vmem_shared>>
        tpu.wait_dma2 semaphore(%run_scoped3A : memref<!tpu.dma_semaphore, #tpu.memory_space<semaphore_mem>>) src(%arg9 : memref<80x64xf32, #tpu.memory_space<vmem>>) dst(%dma_wait3A_253 : memref<80x64xf32, #tpu.memory_space<vmem_shared>>)
        tpu.yield
      }) : () -> ()
    } else {
    }
    %add3A_103 = arith.constant 16 : i32
    %add3A_104 = arith.addi %arg1, %add3A_103 : i32
    %lt3A_105 = arith.constant 125 : i32
    %lt3A_106 = arith.cmpi slt, %add3A_104, %lt3A_105 : i32
    %convert_element_type3A_107 = arith.extui %lt3A_106 : i1 to i32
    %cond3A_108 = arith.constant 0 : i32
    %cond3A_109 = arith.cmpi ne, %convert_element_type3A_107, %cond3A_108 : i32
    scf.if %cond3A_109 {
      %mul3A = arith.constant 80 : i32
      %mul3A_242 = arith.muli %add3A_104, %mul3A : i32
      %add3A_243 = arith.constant 0 : i32
      %add3A_244 = arith.addi %add3A_243, %arg0 : i32
      %mul3A_245 = arith.constant 64 : i32
      %mul3A_246 = arith.muli %add3A_244, %mul3A_245 : i32
      "tpu.region"() ({
        %run_scoped3A = tpu.sem_alloc : memref<!tpu.dma_semaphore, #tpu.memory_space<semaphore_mem>>
        %dma_start3A_247 = tpu.memref_slice %arg5[%mul3A_242, %mul3A_246] : memref<10000x256xf32, #tpu.memory_space<hbm>> -> memref<80x64xf32, #tpu.memory_space<hbm>>
        %dma_start3A_248 = arith.constant 0 : i32
        %dma_start3A_249 = tpu.memref_slice %arg10[%mul3A_242, %dma_start3A_248] : memref<10000x64xf32, #tpu.memory_space<vmem_shared>> -> memref<80x64xf32, #tpu.memory_space<vmem_shared>>
        tpu.enqueue_dma source(%dma_start3A_249 : memref<80x64xf32, #tpu.memory_space<vmem_shared>>) target(%dma_start3A_247 : memref<80x64xf32, #tpu.memory_space<hbm>>) target_semaphore(%run_scoped3A : memref<!tpu.dma_semaphore, #tpu.memory_space<semaphore_mem>>)
        %dma_wait3A = tpu.memref_slice %arg5[%mul3A_242, %mul3A_246] : memref<10000x256xf32, #tpu.memory_space<hbm>> -> memref<80x64xf32, #tpu.memory_space<hbm>>
        %dma_wait3A_250 = arith.constant 0 : i32
        %dma_wait3A_251 = tpu.memref_slice %arg10[%mul3A_242, %dma_wait3A_250] : memref<10000x64xf32, #tpu.memory_space<vmem_shared>> -> memref<80x64xf32, #tpu.memory_space<vmem_shared>>
        tpu.wait_dma2 semaphore(%run_scoped3A : memref<!tpu.dma_semaphore, #tpu.memory_space<semaphore_mem>>) src(%dma_wait3A_251 : memref<80x64xf32, #tpu.memory_space<vmem_shared>>) dst(%dma_wait3A : memref<80x64xf32, #tpu.memory_space<hbm>>)
        tpu.yield
      }) : () -> ()
      "tpu.region"() ({
        %run_scoped3A = tpu.sem_alloc : memref<!tpu.dma_semaphore, #tpu.memory_space<semaphore_mem>>
        %dma_start3A_247 = arith.constant 0 : i32
        %dma_start3A_248 = tpu.memref_slice %arg10[%mul3A_242, %dma_start3A_247] : memref<10000x64xf32, #tpu.memory_space<vmem_shared>> -> memref<80x64xf32, #tpu.memory_space<vmem_shared>>
        %dma_start3A_249 = arith.constant 0 : i32
        %dma_start3A_250 = tpu.memref_slice %arg10[%mul3A_242, %dma_start3A_249] : memref<10000x64xf32, #tpu.memory_space<vmem_shared>> -> memref<80x64xf32, #tpu.memory_space<vmem_shared>>
        tpu.enqueue_dma source(%arg9 : memref<80x64xf32, #tpu.memory_space<vmem>>) target(%dma_start3A_250 : memref<80x64xf32, #tpu.memory_space<vmem_shared>>) target_semaphore(%run_scoped3A : memref<!tpu.dma_semaphore, #tpu.memory_space<semaphore_mem>>)
        %dma_wait3A = arith.constant 0 : i32
        %dma_wait3A_251 = tpu.memref_slice %arg10[%mul3A_242, %dma_wait3A] : memref<10000x64xf32, #tpu.memory_space<vmem_shared>> -> memref<80x64xf32, #tpu.memory_space<vmem_shared>>
        %dma_wait3A_252 = arith.constant 0 : i32
        %dma_wait3A_253 = tpu.memref_slice %arg10[%mul3A_242, %dma_wait3A_252] : memref<10000x64xf32, #tpu.memory_space<vmem_shared>> -> memref<80x64xf32, #tpu.memory_space<vmem_shared>>
        tpu.wait_dma2 semaphore(%run_scoped3A : memref<!tpu.dma_semaphore, #tpu.memory_space<semaphore_mem>>) src(%arg9 : memref<80x64xf32, #tpu.memory_space<vmem>>) dst(%dma_wait3A_253 : memref<80x64xf32, #tpu.memory_space<vmem_shared>>)
        tpu.yield
      }) : () -> ()
    } else {
    }
    %add3A_110 = arith.constant 32 : i32
    %add3A_111 = arith.addi %arg1, %add3A_110 : i32
    %lt3A_112 = arith.constant 125 : i32
    %lt3A_113 = arith.cmpi slt, %add3A_111, %lt3A_112 : i32
    %convert_element_type3A_114 = arith.extui %lt3A_113 : i1 to i32
    %cond3A_115 = arith.constant 0 : i32
    %cond3A_116 = arith.cmpi ne, %convert_element_type3A_114, %cond3A_115 : i32
    scf.if %cond3A_116 {
      %mul3A = arith.constant 80 : i32
      %mul3A_242 = arith.muli %add3A_111, %mul3A : i32
      %add3A_243 = arith.constant 0 : i32
      %add3A_244 = arith.addi %add3A_243, %arg0 : i32
      %mul3A_245 = arith.constant 64 : i32
      %mul3A_246 = arith.muli %add3A_244, %mul3A_245 : i32
      "tpu.region"() ({
        %run_scoped3A = tpu.sem_alloc : memref<!tpu.dma_semaphore, #tpu.memory_space<semaphore_mem>>
        %dma_start3A_247 = tpu.memref_slice %arg5[%mul3A_242, %mul3A_246] : memref<10000x256xf32, #tpu.memory_space<hbm>> -> memref<80x64xf32, #tpu.memory_space<hbm>>
        %dma_start3A_248 = arith.constant 0 : i32
        %dma_start3A_249 = tpu.memref_slice %arg10[%mul3A_242, %dma_start3A_248] : memref<10000x64xf32, #tpu.memory_space<vmem_shared>> -> memref<80x64xf32, #tpu.memory_space<vmem_shared>>
        tpu.enqueue_dma source(%dma_start3A_249 : memref<80x64xf32, #tpu.memory_space<vmem_shared>>) target(%dma_start3A_247 : memref<80x64xf32, #tpu.memory_space<hbm>>) target_semaphore(%run_scoped3A : memref<!tpu.dma_semaphore, #tpu.memory_space<semaphore_mem>>)
        %dma_wait3A = tpu.memref_slice %arg5[%mul3A_242, %mul3A_246] : memref<10000x256xf32, #tpu.memory_space<hbm>> -> memref<80x64xf32, #tpu.memory_space<hbm>>
        %dma_wait3A_250 = arith.constant 0 : i32
        %dma_wait3A_251 = tpu.memref_slice %arg10[%mul3A_242, %dma_wait3A_250] : memref<10000x64xf32, #tpu.memory_space<vmem_shared>> -> memref<80x64xf32, #tpu.memory_space<vmem_shared>>
        tpu.wait_dma2 semaphore(%run_scoped3A : memref<!tpu.dma_semaphore, #tpu.memory_space<semaphore_mem>>) src(%dma_wait3A_251 : memref<80x64xf32, #tpu.memory_space<vmem_shared>>) dst(%dma_wait3A : memref<80x64xf32, #tpu.memory_space<hbm>>)
        tpu.yield
      }) : () -> ()
      "tpu.region"() ({
        %run_scoped3A = tpu.sem_alloc : memref<!tpu.dma_semaphore, #tpu.memory_space<semaphore_mem>>
        %dma_start3A_247 = arith.constant 0 : i32
        %dma_start3A_248 = tpu.memref_slice %arg10[%mul3A_242, %dma_start3A_247] : memref<10000x64xf32, #tpu.memory_space<vmem_shared>> -> memref<80x64xf32, #tpu.memory_space<vmem_shared>>
        %dma_start3A_249 = arith.constant 0 : i32
        %dma_start3A_250 = tpu.memref_slice %arg10[%mul3A_242, %dma_start3A_249] : memref<10000x64xf32, #tpu.memory_space<vmem_shared>> -> memref<80x64xf32, #tpu.memory_space<vmem_shared>>
        tpu.enqueue_dma source(%arg9 : memref<80x64xf32, #tpu.memory_space<vmem>>) target(%dma_start3A_250 : memref<80x64xf32, #tpu.memory_space<vmem_shared>>) target_semaphore(%run_scoped3A : memref<!tpu.dma_semaphore, #tpu.memory_space<semaphore_mem>>)
        %dma_wait3A = arith.constant 0 : i32
        %dma_wait3A_251 = tpu.memref_slice %arg10[%mul3A_242, %dma_wait3A] : memref<10000x64xf32, #tpu.memory_space<vmem_shared>> -> memref<80x64xf32, #tpu.memory_space<vmem_shared>>
        %dma_wait3A_252 = arith.constant 0 : i32
        %dma_wait3A_253 = tpu.memref_slice %arg10[%mul3A_242, %dma_wait3A_252] : memref<10000x64xf32, #tpu.memory_space<vmem_shared>> -> memref<80x64xf32, #tpu.memory_space<vmem_shared>>
        tpu.wait_dma2 semaphore(%run_scoped3A : memref<!tpu.dma_semaphore, #tpu.memory_space<semaphore_mem>>) src(%arg9 : memref<80x64xf32, #tpu.memory_space<vmem>>) dst(%dma_wait3A_253 : memref<80x64xf32, #tpu.memory_space<vmem_shared>>)
        tpu.yield
      }) : () -> ()
    } else {
    }
    %add3A_117 = arith.constant 48 : i32
    %add3A_118 = arith.addi %arg1, %add3A_117 : i32
    %lt3A_119 = arith.constant 125 : i32
    %lt3A_120 = arith.cmpi slt, %add3A_118, %lt3A_119 : i32
    %convert_element_type3A_121 = arith.extui %lt3A_120 : i1 to i32
    %cond3A_122 = arith.constant 0 : i32
    %cond3A_123 = arith.cmpi ne, %convert_element_type3A_121, %cond3A_122 : i32
    scf.if %cond3A_123 {
      %mul3A = arith.constant 80 : i32
      %mul3A_242 = arith.muli %add3A_118, %mul3A : i32
      %add3A_243 = arith.constant 0 : i32
      %add3A_244 = arith.addi %add3A_243, %arg0 : i32
      %mul3A_245 = arith.constant 64 : i32
      %mul3A_246 = arith.muli %add3A_244, %mul3A_245 : i32
      "tpu.region"() ({
        %run_scoped3A = tpu.sem_alloc : memref<!tpu.dma_semaphore, #tpu.memory_space<semaphore_mem>>
        %dma_start3A_247 = tpu.memref_slice %arg5[%mul3A_242, %mul3A_246] : memref<10000x256xf32, #tpu.memory_space<hbm>> -> memref<80x64xf32, #tpu.memory_space<hbm>>
        %dma_start3A_248 = arith.constant 0 : i32
        %dma_start3A_249 = tpu.memref_slice %arg10[%mul3A_242, %dma_start3A_248] : memref<10000x64xf32, #tpu.memory_space<vmem_shared>> -> memref<80x64xf32, #tpu.memory_space<vmem_shared>>
        tpu.enqueue_dma source(%dma_start3A_249 : memref<80x64xf32, #tpu.memory_space<vmem_shared>>) target(%dma_start3A_247 : memref<80x64xf32, #tpu.memory_space<hbm>>) target_semaphore(%run_scoped3A : memref<!tpu.dma_semaphore, #tpu.memory_space<semaphore_mem>>)
        %dma_wait3A = tpu.memref_slice %arg5[%mul3A_242, %mul3A_246] : memref<10000x256xf32, #tpu.memory_space<hbm>> -> memref<80x64xf32, #tpu.memory_space<hbm>>
        %dma_wait3A_250 = arith.constant 0 : i32
        %dma_wait3A_251 = tpu.memref_slice %arg10[%mul3A_242, %dma_wait3A_250] : memref<10000x64xf32, #tpu.memory_space<vmem_shared>> -> memref<80x64xf32, #tpu.memory_space<vmem_shared>>
        tpu.wait_dma2 semaphore(%run_scoped3A : memref<!tpu.dma_semaphore, #tpu.memory_space<semaphore_mem>>) src(%dma_wait3A_251 : memref<80x64xf32, #tpu.memory_space<vmem_shared>>) dst(%dma_wait3A : memref<80x64xf32, #tpu.memory_space<hbm>>)
        tpu.yield
      }) : () -> ()
      "tpu.region"() ({
        %run_scoped3A = tpu.sem_alloc : memref<!tpu.dma_semaphore, #tpu.memory_space<semaphore_mem>>
        %dma_start3A_247 = arith.constant 0 : i32
        %dma_start3A_248 = tpu.memref_slice %arg10[%mul3A_242, %dma_start3A_247] : memref<10000x64xf32, #tpu.memory_space<vmem_shared>> -> memref<80x64xf32, #tpu.memory_space<vmem_shared>>
        %dma_start3A_249 = arith.constant 0 : i32
        %dma_start3A_250 = tpu.memref_slice %arg10[%mul3A_242, %dma_start3A_249] : memref<10000x64xf32, #tpu.memory_space<vmem_shared>> -> memref<80x64xf32, #tpu.memory_space<vmem_shared>>
        tpu.enqueue_dma source(%arg9 : memref<80x64xf32, #tpu.memory_space<vmem>>) target(%dma_start3A_250 : memref<80x64xf32, #tpu.memory_space<vmem_shared>>) target_semaphore(%run_scoped3A : memref<!tpu.dma_semaphore, #tpu.memory_space<semaphore_mem>>)
        %dma_wait3A = arith.constant 0 : i32
        %dma_wait3A_251 = tpu.memref_slice %arg10[%mul3A_242, %dma_wait3A] : memref<10000x64xf32, #tpu.memory_space<vmem_shared>> -> memref<80x64xf32, #tpu.memory_space<vmem_shared>>
        %dma_wait3A_252 = arith.constant 0 : i32
        %dma_wait3A_253 = tpu.memref_slice %arg10[%mul3A_242, %dma_wait3A_252] : memref<10000x64xf32, #tpu.memory_space<vmem_shared>> -> memref<80x64xf32, #tpu.memory_space<vmem_shared>>
        tpu.wait_dma2 semaphore(%run_scoped3A : memref<!tpu.dma_semaphore, #tpu.memory_space<semaphore_mem>>) src(%arg9 : memref<80x64xf32, #tpu.memory_space<vmem>>) dst(%dma_wait3A_253 : memref<80x64xf32, #tpu.memory_space<vmem_shared>>)
        tpu.yield
      }) : () -> ()
    } else {
    }
    %add3A_124 = arith.constant 64 : i32
    %add3A_125 = arith.addi %arg1, %add3A_124 : i32
    %lt3A_126 = arith.constant 125 : i32
    %lt3A_127 = arith.cmpi slt, %add3A_125, %lt3A_126 : i32
    %convert_element_type3A_128 = arith.extui %lt3A_127 : i1 to i32
    %cond3A_129 = arith.constant 0 : i32
    %cond3A_130 = arith.cmpi ne, %convert_element_type3A_128, %cond3A_129 : i32
    scf.if %cond3A_130 {
      %mul3A = arith.constant 80 : i32
      %mul3A_242 = arith.muli %add3A_125, %mul3A : i32
      %add3A_243 = arith.constant 0 : i32
      %add3A_244 = arith.addi %add3A_243, %arg0 : i32
      %mul3A_245 = arith.constant 64 : i32
      %mul3A_246 = arith.muli %add3A_244, %mul3A_245 : i32
      "tpu.region"() ({
        %run_scoped3A = tpu.sem_alloc : memref<!tpu.dma_semaphore, #tpu.memory_space<semaphore_mem>>
        %dma_start3A_247 = tpu.memref_slice %arg5[%mul3A_242, %mul3A_246] : memref<10000x256xf32, #tpu.memory_space<hbm>> -> memref<80x64xf32, #tpu.memory_space<hbm>>
        %dma_start3A_248 = arith.constant 0 : i32
        %dma_start3A_249 = tpu.memref_slice %arg10[%mul3A_242, %dma_start3A_248] : memref<10000x64xf32, #tpu.memory_space<vmem_shared>> -> memref<80x64xf32, #tpu.memory_space<vmem_shared>>
        tpu.enqueue_dma source(%dma_start3A_249 : memref<80x64xf32, #tpu.memory_space<vmem_shared>>) target(%dma_start3A_247 : memref<80x64xf32, #tpu.memory_space<hbm>>) target_semaphore(%run_scoped3A : memref<!tpu.dma_semaphore, #tpu.memory_space<semaphore_mem>>)
        %dma_wait3A = tpu.memref_slice %arg5[%mul3A_242, %mul3A_246] : memref<10000x256xf32, #tpu.memory_space<hbm>> -> memref<80x64xf32, #tpu.memory_space<hbm>>
        %dma_wait3A_250 = arith.constant 0 : i32
        %dma_wait3A_251 = tpu.memref_slice %arg10[%mul3A_242, %dma_wait3A_250] : memref<10000x64xf32, #tpu.memory_space<vmem_shared>> -> memref<80x64xf32, #tpu.memory_space<vmem_shared>>
        tpu.wait_dma2 semaphore(%run_scoped3A : memref<!tpu.dma_semaphore, #tpu.memory_space<semaphore_mem>>) src(%dma_wait3A_251 : memref<80x64xf32, #tpu.memory_space<vmem_shared>>) dst(%dma_wait3A : memref<80x64xf32, #tpu.memory_space<hbm>>)
        tpu.yield
      }) : () -> ()
      "tpu.region"() ({
        %run_scoped3A = tpu.sem_alloc : memref<!tpu.dma_semaphore, #tpu.memory_space<semaphore_mem>>
        %dma_start3A_247 = arith.constant 0 : i32
        %dma_start3A_248 = tpu.memref_slice %arg10[%mul3A_242, %dma_start3A_247] : memref<10000x64xf32, #tpu.memory_space<vmem_shared>> -> memref<80x64xf32, #tpu.memory_space<vmem_shared>>
        %dma_start3A_249 = arith.constant 0 : i32
        %dma_start3A_250 = tpu.memref_slice %arg10[%mul3A_242, %dma_start3A_249] : memref<10000x64xf32, #tpu.memory_space<vmem_shared>> -> memref<80x64xf32, #tpu.memory_space<vmem_shared>>
        tpu.enqueue_dma source(%arg9 : memref<80x64xf32, #tpu.memory_space<vmem>>) target(%dma_start3A_250 : memref<80x64xf32, #tpu.memory_space<vmem_shared>>) target_semaphore(%run_scoped3A : memref<!tpu.dma_semaphore, #tpu.memory_space<semaphore_mem>>)
        %dma_wait3A = arith.constant 0 : i32
        %dma_wait3A_251 = tpu.memref_slice %arg10[%mul3A_242, %dma_wait3A] : memref<10000x64xf32, #tpu.memory_space<vmem_shared>> -> memref<80x64xf32, #tpu.memory_space<vmem_shared>>
        %dma_wait3A_252 = arith.constant 0 : i32
        %dma_wait3A_253 = tpu.memref_slice %arg10[%mul3A_242, %dma_wait3A_252] : memref<10000x64xf32, #tpu.memory_space<vmem_shared>> -> memref<80x64xf32, #tpu.memory_space<vmem_shared>>
        tpu.wait_dma2 semaphore(%run_scoped3A : memref<!tpu.dma_semaphore, #tpu.memory_space<semaphore_mem>>) src(%arg9 : memref<80x64xf32, #tpu.memory_space<vmem>>) dst(%dma_wait3A_253 : memref<80x64xf32, #tpu.memory_space<vmem_shared>>)
        tpu.yield
      }) : () -> ()
    } else {
    }
    %add3A_131 = arith.constant 80 : i32
    %add3A_132 = arith.addi %arg1, %add3A_131 : i32
    %lt3A_133 = arith.constant 125 : i32
    %lt3A_134 = arith.cmpi slt, %add3A_132, %lt3A_133 : i32
    %convert_element_type3A_135 = arith.extui %lt3A_134 : i1 to i32
    %cond3A_136 = arith.constant 0 : i32
    %cond3A_137 = arith.cmpi ne, %convert_element_type3A_135, %cond3A_136 : i32
    scf.if %cond3A_137 {
      %mul3A = arith.constant 80 : i32
      %mul3A_242 = arith.muli %add3A_132, %mul3A : i32
      %add3A_243 = arith.constant 0 : i32
      %add3A_244 = arith.addi %add3A_243, %arg0 : i32
      %mul3A_245 = arith.constant 64 : i32
      %mul3A_246 = arith.muli %add3A_244, %mul3A_245 : i32
      "tpu.region"() ({
        %run_scoped3A = tpu.sem_alloc : memref<!tpu.dma_semaphore, #tpu.memory_space<semaphore_mem>>
        %dma_start3A_247 = tpu.memref_slice %arg5[%mul3A_242, %mul3A_246] : memref<10000x256xf32, #tpu.memory_space<hbm>> -> memref<80x64xf32, #tpu.memory_space<hbm>>
        %dma_start3A_248 = arith.constant 0 : i32
        %dma_start3A_249 = tpu.memref_slice %arg10[%mul3A_242, %dma_start3A_248] : memref<10000x64xf32, #tpu.memory_space<vmem_shared>> -> memref<80x64xf32, #tpu.memory_space<vmem_shared>>
        tpu.enqueue_dma source(%dma_start3A_249 : memref<80x64xf32, #tpu.memory_space<vmem_shared>>) target(%dma_start3A_247 : memref<80x64xf32, #tpu.memory_space<hbm>>) target_semaphore(%run_scoped3A : memref<!tpu.dma_semaphore, #tpu.memory_space<semaphore_mem>>)
        %dma_wait3A = tpu.memref_slice %arg5[%mul3A_242, %mul3A_246] : memref<10000x256xf32, #tpu.memory_space<hbm>> -> memref<80x64xf32, #tpu.memory_space<hbm>>
        %dma_wait3A_250 = arith.constant 0 : i32
        %dma_wait3A_251 = tpu.memref_slice %arg10[%mul3A_242, %dma_wait3A_250] : memref<10000x64xf32, #tpu.memory_space<vmem_shared>> -> memref<80x64xf32, #tpu.memory_space<vmem_shared>>
        tpu.wait_dma2 semaphore(%run_scoped3A : memref<!tpu.dma_semaphore, #tpu.memory_space<semaphore_mem>>) src(%dma_wait3A_251 : memref<80x64xf32, #tpu.memory_space<vmem_shared>>) dst(%dma_wait3A : memref<80x64xf32, #tpu.memory_space<hbm>>)
        tpu.yield
      }) : () -> ()
      "tpu.region"() ({
        %run_scoped3A = tpu.sem_alloc : memref<!tpu.dma_semaphore, #tpu.memory_space<semaphore_mem>>
        %dma_start3A_247 = arith.constant 0 : i32
        %dma_start3A_248 = tpu.memref_slice %arg10[%mul3A_242, %dma_start3A_247] : memref<10000x64xf32, #tpu.memory_space<vmem_shared>> -> memref<80x64xf32, #tpu.memory_space<vmem_shared>>
        %dma_start3A_249 = arith.constant 0 : i32
        %dma_start3A_250 = tpu.memref_slice %arg10[%mul3A_242, %dma_start3A_249] : memref<10000x64xf32, #tpu.memory_space<vmem_shared>> -> memref<80x64xf32, #tpu.memory_space<vmem_shared>>
        tpu.enqueue_dma source(%arg9 : memref<80x64xf32, #tpu.memory_space<vmem>>) target(%dma_start3A_250 : memref<80x64xf32, #tpu.memory_space<vmem_shared>>) target_semaphore(%run_scoped3A : memref<!tpu.dma_semaphore, #tpu.memory_space<semaphore_mem>>)
        %dma_wait3A = arith.constant 0 : i32
        %dma_wait3A_251 = tpu.memref_slice %arg10[%mul3A_242, %dma_wait3A] : memref<10000x64xf32, #tpu.memory_space<vmem_shared>> -> memref<80x64xf32, #tpu.memory_space<vmem_shared>>
        %dma_wait3A_252 = arith.constant 0 : i32
        %dma_wait3A_253 = tpu.memref_slice %arg10[%mul3A_242, %dma_wait3A_252] : memref<10000x64xf32, #tpu.memory_space<vmem_shared>> -> memref<80x64xf32, #tpu.memory_space<vmem_shared>>
        tpu.wait_dma2 semaphore(%run_scoped3A : memref<!tpu.dma_semaphore, #tpu.memory_space<semaphore_mem>>) src(%arg9 : memref<80x64xf32, #tpu.memory_space<vmem>>) dst(%dma_wait3A_253 : memref<80x64xf32, #tpu.memory_space<vmem_shared>>)
        tpu.yield
      }) : () -> ()
    } else {
    }
    %add3A_138 = arith.constant 96 : i32
    %add3A_139 = arith.addi %arg1, %add3A_138 : i32
    %lt3A_140 = arith.constant 125 : i32
    %lt3A_141 = arith.cmpi slt, %add3A_139, %lt3A_140 : i32
    %convert_element_type3A_142 = arith.extui %lt3A_141 : i1 to i32
    %cond3A_143 = arith.constant 0 : i32
    %cond3A_144 = arith.cmpi ne, %convert_element_type3A_142, %cond3A_143 : i32
    scf.if %cond3A_144 {
      %mul3A = arith.constant 80 : i32
      %mul3A_242 = arith.muli %add3A_139, %mul3A : i32
      %add3A_243 = arith.constant 0 : i32
      %add3A_244 = arith.addi %add3A_243, %arg0 : i32
      %mul3A_245 = arith.constant 64 : i32
      %mul3A_246 = arith.muli %add3A_244, %mul3A_245 : i32
      "tpu.region"() ({
        %run_scoped3A = tpu.sem_alloc : memref<!tpu.dma_semaphore, #tpu.memory_space<semaphore_mem>>
        %dma_start3A_247 = tpu.memref_slice %arg5[%mul3A_242, %mul3A_246] : memref<10000x256xf32, #tpu.memory_space<hbm>> -> memref<80x64xf32, #tpu.memory_space<hbm>>
        %dma_start3A_248 = arith.constant 0 : i32
        %dma_start3A_249 = tpu.memref_slice %arg10[%mul3A_242, %dma_start3A_248] : memref<10000x64xf32, #tpu.memory_space<vmem_shared>> -> memref<80x64xf32, #tpu.memory_space<vmem_shared>>
        tpu.enqueue_dma source(%dma_start3A_249 : memref<80x64xf32, #tpu.memory_space<vmem_shared>>) target(%dma_start3A_247 : memref<80x64xf32, #tpu.memory_space<hbm>>) target_semaphore(%run_scoped3A : memref<!tpu.dma_semaphore, #tpu.memory_space<semaphore_mem>>)
        %dma_wait3A = tpu.memref_slice %arg5[%mul3A_242, %mul3A_246] : memref<10000x256xf32, #tpu.memory_space<hbm>> -> memref<80x64xf32, #tpu.memory_space<hbm>>
        %dma_wait3A_250 = arith.constant 0 : i32
        %dma_wait3A_251 = tpu.memref_slice %arg10[%mul3A_242, %dma_wait3A_250] : memref<10000x64xf32, #tpu.memory_space<vmem_shared>> -> memref<80x64xf32, #tpu.memory_space<vmem_shared>>
        tpu.wait_dma2 semaphore(%run_scoped3A : memref<!tpu.dma_semaphore, #tpu.memory_space<semaphore_mem>>) src(%dma_wait3A_251 : memref<80x64xf32, #tpu.memory_space<vmem_shared>>) dst(%dma_wait3A : memref<80x64xf32, #tpu.memory_space<hbm>>)
        tpu.yield
      }) : () -> ()
      "tpu.region"() ({
        %run_scoped3A = tpu.sem_alloc : memref<!tpu.dma_semaphore, #tpu.memory_space<semaphore_mem>>
        %dma_start3A_247 = arith.constant 0 : i32
        %dma_start3A_248 = tpu.memref_slice %arg10[%mul3A_242, %dma_start3A_247] : memref<10000x64xf32, #tpu.memory_space<vmem_shared>> -> memref<80x64xf32, #tpu.memory_space<vmem_shared>>
        %dma_start3A_249 = arith.constant 0 : i32
        %dma_start3A_250 = tpu.memref_slice %arg10[%mul3A_242, %dma_start3A_249] : memref<10000x64xf32, #tpu.memory_space<vmem_shared>> -> memref<80x64xf32, #tpu.memory_space<vmem_shared>>
        tpu.enqueue_dma source(%arg9 : memref<80x64xf32, #tpu.memory_space<vmem>>) target(%dma_start3A_250 : memref<80x64xf32, #tpu.memory_space<vmem_shared>>) target_semaphore(%run_scoped3A : memref<!tpu.dma_semaphore, #tpu.memory_space<semaphore_mem>>)
        %dma_wait3A = arith.constant 0 : i32
        %dma_wait3A_251 = tpu.memref_slice %arg10[%mul3A_242, %dma_wait3A] : memref<10000x64xf32, #tpu.memory_space<vmem_shared>> -> memref<80x64xf32, #tpu.memory_space<vmem_shared>>
        %dma_wait3A_252 = arith.constant 0 : i32
        %dma_wait3A_253 = tpu.memref_slice %arg10[%mul3A_242, %dma_wait3A_252] : memref<10000x64xf32, #tpu.memory_space<vmem_shared>> -> memref<80x64xf32, #tpu.memory_space<vmem_shared>>
        tpu.wait_dma2 semaphore(%run_scoped3A : memref<!tpu.dma_semaphore, #tpu.memory_space<semaphore_mem>>) src(%arg9 : memref<80x64xf32, #tpu.memory_space<vmem>>) dst(%dma_wait3A_253 : memref<80x64xf32, #tpu.memory_space<vmem_shared>>)
        tpu.yield
      }) : () -> ()
    } else {
    }
    %add3A_145 = arith.constant 112 : i32
    %add3A_146 = arith.addi %arg1, %add3A_145 : i32
    %lt3A_147 = arith.constant 125 : i32
    %lt3A_148 = arith.cmpi slt, %add3A_146, %lt3A_147 : i32
    %convert_element_type3A_149 = arith.extui %lt3A_148 : i1 to i32
    %cond3A_150 = arith.constant 0 : i32
    %cond3A_151 = arith.cmpi ne, %convert_element_type3A_149, %cond3A_150 : i32
    scf.if %cond3A_151 {
      %mul3A = arith.constant 80 : i32
      %mul3A_242 = arith.muli %add3A_146, %mul3A : i32
      %add3A_243 = arith.constant 0 : i32
      %add3A_244 = arith.addi %add3A_243, %arg0 : i32
      %mul3A_245 = arith.constant 64 : i32
      %mul3A_246 = arith.muli %add3A_244, %mul3A_245 : i32
      "tpu.region"() ({
        %run_scoped3A = tpu.sem_alloc : memref<!tpu.dma_semaphore, #tpu.memory_space<semaphore_mem>>
        %dma_start3A_247 = tpu.memref_slice %arg5[%mul3A_242, %mul3A_246] : memref<10000x256xf32, #tpu.memory_space<hbm>> -> memref<80x64xf32, #tpu.memory_space<hbm>>
        %dma_start3A_248 = arith.constant 0 : i32
        %dma_start3A_249 = tpu.memref_slice %arg10[%mul3A_242, %dma_start3A_248] : memref<10000x64xf32, #tpu.memory_space<vmem_shared>> -> memref<80x64xf32, #tpu.memory_space<vmem_shared>>
        tpu.enqueue_dma source(%dma_start3A_249 : memref<80x64xf32, #tpu.memory_space<vmem_shared>>) target(%dma_start3A_247 : memref<80x64xf32, #tpu.memory_space<hbm>>) target_semaphore(%run_scoped3A : memref<!tpu.dma_semaphore, #tpu.memory_space<semaphore_mem>>)
        %dma_wait3A = tpu.memref_slice %arg5[%mul3A_242, %mul3A_246] : memref<10000x256xf32, #tpu.memory_space<hbm>> -> memref<80x64xf32, #tpu.memory_space<hbm>>
        %dma_wait3A_250 = arith.constant 0 : i32
        %dma_wait3A_251 = tpu.memref_slice %arg10[%mul3A_242, %dma_wait3A_250] : memref<10000x64xf32, #tpu.memory_space<vmem_shared>> -> memref<80x64xf32, #tpu.memory_space<vmem_shared>>
        tpu.wait_dma2 semaphore(%run_scoped3A : memref<!tpu.dma_semaphore, #tpu.memory_space<semaphore_mem>>) src(%dma_wait3A_251 : memref<80x64xf32, #tpu.memory_space<vmem_shared>>) dst(%dma_wait3A : memref<80x64xf32, #tpu.memory_space<hbm>>)
        tpu.yield
      }) : () -> ()
      "tpu.region"() ({
        %run_scoped3A = tpu.sem_alloc : memref<!tpu.dma_semaphore, #tpu.memory_space<semaphore_mem>>
        %dma_start3A_247 = arith.constant 0 : i32
        %dma_start3A_248 = tpu.memref_slice %arg10[%mul3A_242, %dma_start3A_247] : memref<10000x64xf32, #tpu.memory_space<vmem_shared>> -> memref<80x64xf32, #tpu.memory_space<vmem_shared>>
        %dma_start3A_249 = arith.constant 0 : i32
        %dma_start3A_250 = tpu.memref_slice %arg10[%mul3A_242, %dma_start3A_249] : memref<10000x64xf32, #tpu.memory_space<vmem_shared>> -> memref<80x64xf32, #tpu.memory_space<vmem_shared>>
        tpu.enqueue_dma source(%arg9 : memref<80x64xf32, #tpu.memory_space<vmem>>) target(%dma_start3A_250 : memref<80x64xf32, #tpu.memory_space<vmem_shared>>) target_semaphore(%run_scoped3A : memref<!tpu.dma_semaphore, #tpu.memory_space<semaphore_mem>>)
        %dma_wait3A = arith.constant 0 : i32
        %dma_wait3A_251 = tpu.memref_slice %arg10[%mul3A_242, %dma_wait3A] : memref<10000x64xf32, #tpu.memory_space<vmem_shared>> -> memref<80x64xf32, #tpu.memory_space<vmem_shared>>
        %dma_wait3A_252 = arith.constant 0 : i32
        %dma_wait3A_253 = tpu.memref_slice %arg10[%mul3A_242, %dma_wait3A_252] : memref<10000x64xf32, #tpu.memory_space<vmem_shared>> -> memref<80x64xf32, #tpu.memory_space<vmem_shared>>
        tpu.wait_dma2 semaphore(%run_scoped3A : memref<!tpu.dma_semaphore, #tpu.memory_space<semaphore_mem>>) src(%arg9 : memref<80x64xf32, #tpu.memory_space<vmem>>) dst(%dma_wait3A_253 : memref<80x64xf32, #tpu.memory_space<vmem_shared>>)
        tpu.yield
      }) : () -> ()
    } else {
    }
    %add3A_152 = arith.constant 2 : i32
    %add3A_153 = arith.addi %add3A_152, %arg0 : i32
    "tpu.region"() ({
      %run_scoped3A = tpu.sem_alloc : memref<!tpu.dma_semaphore, #tpu.memory_space<semaphore_mem>>
      %dma_start3A_242 = arith.constant 0 : i32
      %dma_start3A_243 = arith.constant 0 : i32
      %dma_start3A_244 = tpu.memref_slice %arg3[%add3A_153, %arg1, %dma_start3A_242, %dma_start3A_243] : memref<4x16x200x100xi32, #tpu.memory_space<hbm>> -> memref<1x1x200x100xi32, #tpu.memory_space<hbm>>
      %dma_start3A_245 = tpu.memref_squeeze %dma_start3A_244 : memref<1x1x200x100xi32, #tpu.memory_space<hbm>> -> memref<200x100xi32, #tpu.memory_space<hbm>>
      %dma_start3A_246 = arith.constant 0 : i32
      %dma_start3A_247 = arith.constant 0 : i32
      %dma_start3A_248 = tpu.memref_slice %arg3[%add3A_153, %arg1, %dma_start3A_246, %dma_start3A_247] : memref<4x16x200x100xi32, #tpu.memory_space<hbm>> -> memref<1x1x200x100xi32, #tpu.memory_space<hbm>>
      %dma_start3A_249 = tpu.memref_squeeze %dma_start3A_248 : memref<1x1x200x100xi32, #tpu.memory_space<hbm>> -> memref<200x100xi32, #tpu.memory_space<hbm>>
      tpu.enqueue_dma source(%dma_start3A_249 : memref<200x100xi32, #tpu.memory_space<hbm>>) target(%arg6 : memref<200x100xi32, #tpu.memory_space<vmem>>) target_semaphore(%run_scoped3A : memref<!tpu.dma_semaphore, #tpu.memory_space<semaphore_mem>>)
      %dma_wait3A = arith.constant 0 : i32
      %dma_wait3A_250 = arith.constant 0 : i32
      %dma_wait3A_251 = tpu.memref_slice %arg3[%add3A_153, %arg1, %dma_wait3A, %dma_wait3A_250] : memref<4x16x200x100xi32, #tpu.memory_space<hbm>> -> memref<1x1x200x100xi32, #tpu.memory_space<hbm>>
      %dma_wait3A_252 = tpu.memref_squeeze %dma_wait3A_251 : memref<1x1x200x100xi32, #tpu.memory_space<hbm>> -> memref<200x100xi32, #tpu.memory_space<hbm>>
      %dma_wait3A_253 = arith.constant 0 : i32
      %dma_wait3A_254 = arith.constant 0 : i32
      %dma_wait3A_255 = tpu.memref_slice %arg3[%add3A_153, %arg1, %dma_wait3A_253, %dma_wait3A_254] : memref<4x16x200x100xi32, #tpu.memory_space<hbm>> -> memref<1x1x200x100xi32, #tpu.memory_space<hbm>>
      %dma_wait3A_256 = tpu.memref_squeeze %dma_wait3A_255 : memref<1x1x200x100xi32, #tpu.memory_space<hbm>> -> memref<200x100xi32, #tpu.memory_space<hbm>>
      tpu.wait_dma2 semaphore(%run_scoped3A : memref<!tpu.dma_semaphore, #tpu.memory_space<semaphore_mem>>) src(%dma_wait3A_256 : memref<200x100xi32, #tpu.memory_space<hbm>>) dst(%arg6 : memref<200x100xi32, #tpu.memory_space<vmem>>)
      tpu.yield
    }) : () -> ()
    %barrier3A_154 = arith.constant 0 : index
    tpu.barrier barrier_id(%barrier3A_154)
    %dma_start3A_155 = arith.constant 0 : i32
    %dma_start3A_156 = arith.constant 0 : i32
    %dma_start3A_157 = arith.constant 0 : i32
    %dma_start3A_158 = arith.constant 0 : i32
    %dma_start3A_159 = tpu.memref_slice %arg8[%dma_start3A_156, %dma_start3A_157, %dma_start3A_158] : memref<2x100x64xf32, #tpu.memory_space<vmem>> -> memref<1x100x64xf32, #tpu.memory_space<vmem>>
    %dma_start3A_160 = tpu.memref_squeeze %dma_start3A_159 : memref<1x100x64xf32, #tpu.memory_space<vmem>> -> memref<100x64xf32, #tpu.memory_space<vmem>>
    %dma_start3A_161 = arith.constant 0 : i32
    %dma_start3A_162 = tpu.memref_slice %arg6[%dma_start3A_155, %dma_start3A_161] : memref<200x100xi32, #tpu.memory_space<vmem>> -> memref<1x100xi32, #tpu.memory_space<vmem>>
    %dma_start3A_163 = tpu.memref_squeeze %dma_start3A_162 : memref<1x100xi32, #tpu.memory_space<vmem>> -> memref<100xi32, #tpu.memory_space<vmem>>
    %dma_start3A_164 = arith.constant 0 : i32
    %dma_start3A_165 = arith.constant 0 : i32
    %dma_start3A_166 = tpu.memref_slice %arg2[%dma_start3A_164, %dma_start3A_165] : memref<40000x64xf32, #tpu.memory_space<hbm>> -> memref<40000x64xf32, #tpu.memory_space<hbm>>
    tpu.enqueue_indirect_dma source(%dma_start3A_166 : memref<40000x64xf32, #tpu.memory_space<hbm>>) target(%dma_start3A_160 : memref<100x64xf32, #tpu.memory_space<vmem>>) offsets(%dma_start3A_163 : memref<100xi32, #tpu.memory_space<vmem>>) semaphore(%arg11 : memref<!tpu.dma_semaphore, #tpu.memory_space<semaphore_mem>>)
    %dma_start3A_167 = arith.constant 1 : i32
    %dma_start3A_168 = arith.constant 1 : i32
    %dma_start3A_169 = arith.constant 0 : i32
    %dma_start3A_170 = arith.constant 0 : i32
    %dma_start3A_171 = tpu.memref_slice %arg8[%dma_start3A_168, %dma_start3A_169, %dma_start3A_170] : memref<2x100x64xf32, #tpu.memory_space<vmem>> -> memref<1x100x64xf32, #tpu.memory_space<vmem>>
    %dma_start3A_172 = tpu.memref_squeeze %dma_start3A_171 : memref<1x100x64xf32, #tpu.memory_space<vmem>> -> memref<100x64xf32, #tpu.memory_space<vmem>>
    %dma_start3A_173 = arith.constant 0 : i32
    %dma_start3A_174 = tpu.memref_slice %arg6[%dma_start3A_167, %dma_start3A_173] : memref<200x100xi32, #tpu.memory_space<vmem>> -> memref<1x100xi32, #tpu.memory_space<vmem>>
    %dma_start3A_175 = tpu.memref_squeeze %dma_start3A_174 : memref<1x100xi32, #tpu.memory_space<vmem>> -> memref<100xi32, #tpu.memory_space<vmem>>
    %dma_start3A_176 = arith.constant 0 : i32
    %dma_start3A_177 = arith.constant 0 : i32
    %dma_start3A_178 = tpu.memref_slice %arg2[%dma_start3A_176, %dma_start3A_177] : memref<40000x64xf32, #tpu.memory_space<hbm>> -> memref<40000x64xf32, #tpu.memory_space<hbm>>
    tpu.enqueue_indirect_dma source(%dma_start3A_178 : memref<40000x64xf32, #tpu.memory_space<hbm>>) target(%dma_start3A_172 : memref<100x64xf32, #tpu.memory_space<vmem>>) offsets(%dma_start3A_175 : memref<100xi32, #tpu.memory_space<vmem>>) semaphore(%arg12 : memref<!tpu.dma_semaphore, #tpu.memory_space<semaphore_mem>>)
    %scan3A_179 = arith.constant 0 : i32
    %scan3A_180 = arith.constant 0 : i32
    %scan3A_181 = arith.constant 100 : i32
    %scan3A_182 = arith.addi %scan3A_180, %scan3A_181 : i32
    %scan3A_183 = arith.constant 1 : i32
    scf.for %scan3A_242 = %scan3A_180 to %scan3A_182 step %scan3A_183  : i32 {
      %mul3A = arith.constant 2 : i32
      %mul3A_243 = arith.muli %mul3A, %scan3A_242 : i32
      %add3A_244 = arith.constant 0 : i32
      %add3A_245 = arith.addi %mul3A_243, %add3A_244 : i32
      %dma_wait3A = arith.constant 0 : i32
      %dma_wait3A_246 = arith.constant 0 : i32
      %dma_wait3A_247 = arith.constant 0 : i32
      %dma_wait3A_248 = tpu.memref_slice %arg8[%dma_wait3A, %dma_wait3A_246, %dma_wait3A_247] : memref<2x100x64xf32, #tpu.memory_space<vmem>> -> memref<1x100x64xf32, #tpu.memory_space<vmem>>
      %dma_wait3A_249 = tpu.memref_squeeze %dma_wait3A_248 : memref<1x100x64xf32, #tpu.memory_space<vmem>> -> memref<100x64xf32, #tpu.memory_space<vmem>>
      %dma_wait3A_250 = arith.constant 0 : i32
      %dma_wait3A_251 = tpu.memref_slice %arg6[%add3A_245, %dma_wait3A_250] : memref<200x100xi32, #tpu.memory_space<vmem>> -> memref<1x100xi32, #tpu.memory_space<vmem>>
      %dma_wait3A_252 = tpu.memref_squeeze %dma_wait3A_251 : memref<1x100xi32, #tpu.memory_space<vmem>> -> memref<100xi32, #tpu.memory_space<vmem>>
      %dma_wait3A_253 = arith.constant 0 : i32
      %dma_wait3A_254 = arith.constant 0 : i32
      %dma_wait3A_255 = tpu.memref_slice %arg2[%dma_wait3A_253, %dma_wait3A_254] : memref<40000x64xf32, #tpu.memory_space<hbm>> -> memref<40000x64xf32, #tpu.memory_space<hbm>>
      tpu.wait_indirect_dma semaphore(%arg11 : memref<!tpu.dma_semaphore, #tpu.memory_space<semaphore_mem>>) src(%dma_wait3A_255 : memref<40000x64xf32, #tpu.memory_space<hbm>>) dst(%dma_wait3A_249 : memref<100x64xf32, #tpu.memory_space<vmem>>)
      %run_scoped3A = arith.constant 0 : i32
      "tpu.region"() ({
        %run_scoped3A_286 = tpu.sem_alloc : memref<!tpu.dma_semaphore, #tpu.memory_space<semaphore_mem>>
        %dma_start3A_287 = arith.constant 0 : i32
        %dma_start3A_288 = arith.constant 0 : i32
        %dma_start3A_289 = tpu.memref_slice %arg8[%run_scoped3A, %dma_start3A_287, %dma_start3A_288] : memref<2x100x64xf32, #tpu.memory_space<vmem>> -> memref<1x100x64xf32, #tpu.memory_space<vmem>>
        %dma_start3A_290 = tpu.memref_squeeze %dma_start3A_289 : memref<1x100x64xf32, #tpu.memory_space<vmem>> -> memref<100x64xf32, #tpu.memory_space<vmem>>
        %dma_start3A_291 = arith.constant 0 : i32
        %dma_start3A_292 = tpu.memref_slice %arg7[%add3A_245, %dma_start3A_291] : memref<200x100xi32, #tpu.memory_space<vmem>> -> memref<1x100xi32, #tpu.memory_space<vmem>>
        %dma_start3A_293 = tpu.memref_squeeze %dma_start3A_292 : memref<1x100xi32, #tpu.memory_space<vmem>> -> memref<100xi32, #tpu.memory_space<vmem>>
        %dma_start3A_294 = arith.constant 0 : i32
        %dma_start3A_295 = arith.constant 0 : i32
        %dma_start3A_296 = tpu.memref_slice %arg10[%dma_start3A_294, %dma_start3A_295] : memref<10000x64xf32, #tpu.memory_space<vmem_shared>> -> memref<10000x64xf32, #tpu.memory_space<vmem_shared>>
        tpu.enqueue_indirect_dma source(%dma_start3A_290 : memref<100x64xf32, #tpu.memory_space<vmem>>) target(%dma_start3A_296 : memref<10000x64xf32, #tpu.memory_space<vmem_shared>>) offsets(%dma_start3A_293 : memref<100xi32, #tpu.memory_space<vmem>>) semaphore(%run_scoped3A_286 : memref<!tpu.dma_semaphore, #tpu.memory_space<semaphore_mem>>) {add = true}
        %dma_wait3A_297 = arith.constant 0 : i32
        %dma_wait3A_298 = arith.constant 0 : i32
        %dma_wait3A_299 = tpu.memref_slice %arg8[%run_scoped3A, %dma_wait3A_297, %dma_wait3A_298] : memref<2x100x64xf32, #tpu.memory_space<vmem>> -> memref<1x100x64xf32, #tpu.memory_space<vmem>>
        %dma_wait3A_300 = tpu.memref_squeeze %dma_wait3A_299 : memref<1x100x64xf32, #tpu.memory_space<vmem>> -> memref<100x64xf32, #tpu.memory_space<vmem>>
        %dma_wait3A_301 = arith.constant 0 : i32
        %dma_wait3A_302 = tpu.memref_slice %arg7[%add3A_245, %dma_wait3A_301] : memref<200x100xi32, #tpu.memory_space<vmem>> -> memref<1x100xi32, #tpu.memory_space<vmem>>
        %dma_wait3A_303 = tpu.memref_squeeze %dma_wait3A_302 : memref<1x100xi32, #tpu.memory_space<vmem>> -> memref<100xi32, #tpu.memory_space<vmem>>
        %dma_wait3A_304 = arith.constant 0 : i32
        %dma_wait3A_305 = arith.constant 0 : i32
        %dma_wait3A_306 = tpu.memref_slice %arg10[%dma_wait3A_304, %dma_wait3A_305] : memref<10000x64xf32, #tpu.memory_space<vmem_shared>> -> memref<10000x64xf32, #tpu.memory_space<vmem_shared>>
        tpu.wait_indirect_dma semaphore(%run_scoped3A_286 : memref<!tpu.dma_semaphore, #tpu.memory_space<semaphore_mem>>) src(%dma_wait3A_300 : memref<100x64xf32, #tpu.memory_space<vmem>>) dst(%dma_wait3A_306 : memref<10000x64xf32, #tpu.memory_space<vmem_shared>>)
        tpu.yield
      }) : () -> ()
      %add3A_256 = arith.constant 2 : i32
      %add3A_257 = arith.addi %add3A_245, %add3A_256 : i32
      %lt3A_258 = arith.constant 200 : i32
      %lt3A_259 = arith.cmpi slt, %add3A_257, %lt3A_258 : i32
      %convert_element_type3A_260 = arith.extui %lt3A_259 : i1 to i32
      %cond3A_261 = arith.constant 0 : i32
      %cond3A_262 = arith.cmpi ne, %convert_element_type3A_260, %cond3A_261 : i32
      scf.if %cond3A_262 {
        %add3A_286 = arith.constant 2 : i32
        %add3A_287 = arith.addi %add3A_245, %add3A_286 : i32
        %dma_start3A_288 = arith.constant 0 : i32
        %dma_start3A_289 = arith.constant 0 : i32
        %dma_start3A_290 = arith.constant 0 : i32
        %dma_start3A_291 = tpu.memref_slice %arg8[%dma_start3A_288, %dma_start3A_289, %dma_start3A_290] : memref<2x100x64xf32, #tpu.memory_space<vmem>> -> memref<1x100x64xf32, #tpu.memory_space<vmem>>
        %dma_start3A_292 = tpu.memref_squeeze %dma_start3A_291 : memref<1x100x64xf32, #tpu.memory_space<vmem>> -> memref<100x64xf32, #tpu.memory_space<vmem>>
        %dma_start3A_293 = arith.constant 0 : i32
        %dma_start3A_294 = tpu.memref_slice %arg6[%add3A_287, %dma_start3A_293] : memref<200x100xi32, #tpu.memory_space<vmem>> -> memref<1x100xi32, #tpu.memory_space<vmem>>
        %dma_start3A_295 = tpu.memref_squeeze %dma_start3A_294 : memref<1x100xi32, #tpu.memory_space<vmem>> -> memref<100xi32, #tpu.memory_space<vmem>>
        %dma_start3A_296 = arith.constant 0 : i32
        %dma_start3A_297 = arith.constant 0 : i32
        %dma_start3A_298 = tpu.memref_slice %arg2[%dma_start3A_296, %dma_start3A_297] : memref<40000x64xf32, #tpu.memory_space<hbm>> -> memref<40000x64xf32, #tpu.memory_space<hbm>>
        tpu.enqueue_indirect_dma source(%dma_start3A_298 : memref<40000x64xf32, #tpu.memory_space<hbm>>) target(%dma_start3A_292 : memref<100x64xf32, #tpu.memory_space<vmem>>) offsets(%dma_start3A_295 : memref<100xi32, #tpu.memory_space<vmem>>) semaphore(%arg11 : memref<!tpu.dma_semaphore, #tpu.memory_space<semaphore_mem>>)
      } else {
      }
      %mul3A_263 = arith.constant 2 : i32
      %mul3A_264 = arith.muli %mul3A_263, %scan3A_242 : i32
      %add3A_265 = arith.constant 1 : i32
      %add3A_266 = arith.addi %mul3A_264, %add3A_265 : i32
      %dma_wait3A_267 = arith.constant 1 : i32
      %dma_wait3A_268 = arith.constant 0 : i32
      %dma_wait3A_269 = arith.constant 0 : i32
      %dma_wait3A_270 = tpu.memref_slice %arg8[%dma_wait3A_267, %dma_wait3A_268, %dma_wait3A_269] : memref<2x100x64xf32, #tpu.memory_space<vmem>> -> memref<1x100x64xf32, #tpu.memory_space<vmem>>
      %dma_wait3A_271 = tpu.memref_squeeze %dma_wait3A_270 : memref<1x100x64xf32, #tpu.memory_space<vmem>> -> memref<100x64xf32, #tpu.memory_space<vmem>>
      %dma_wait3A_272 = arith.constant 0 : i32
      %dma_wait3A_273 = tpu.memref_slice %arg6[%add3A_266, %dma_wait3A_272] : memref<200x100xi32, #tpu.memory_space<vmem>> -> memref<1x100xi32, #tpu.memory_space<vmem>>
      %dma_wait3A_274 = tpu.memref_squeeze %dma_wait3A_273 : memref<1x100xi32, #tpu.memory_space<vmem>> -> memref<100xi32, #tpu.memory_space<vmem>>
      %dma_wait3A_275 = arith.constant 0 : i32
      %dma_wait3A_276 = arith.constant 0 : i32
      %dma_wait3A_277 = tpu.memref_slice %arg2[%dma_wait3A_275, %dma_wait3A_276] : memref<40000x64xf32, #tpu.memory_space<hbm>> -> memref<40000x64xf32, #tpu.memory_space<hbm>>
      tpu.wait_indirect_dma semaphore(%arg12 : memref<!tpu.dma_semaphore, #tpu.memory_space<semaphore_mem>>) src(%dma_wait3A_277 : memref<40000x64xf32, #tpu.memory_space<hbm>>) dst(%dma_wait3A_271 : memref<100x64xf32, #tpu.memory_space<vmem>>)
      %run_scoped3A_278 = arith.constant 1 : i32
      "tpu.region"() ({
        %run_scoped3A_286 = tpu.sem_alloc : memref<!tpu.dma_semaphore, #tpu.memory_space<semaphore_mem>>
        %dma_start3A_287 = arith.constant 0 : i32
        %dma_start3A_288 = arith.constant 0 : i32
        %dma_start3A_289 = tpu.memref_slice %arg8[%run_scoped3A_278, %dma_start3A_287, %dma_start3A_288] : memref<2x100x64xf32, #tpu.memory_space<vmem>> -> memref<1x100x64xf32, #tpu.memory_space<vmem>>
        %dma_start3A_290 = tpu.memref_squeeze %dma_start3A_289 : memref<1x100x64xf32, #tpu.memory_space<vmem>> -> memref<100x64xf32, #tpu.memory_space<vmem>>
        %dma_start3A_291 = arith.constant 0 : i32
        %dma_start3A_292 = tpu.memref_slice %arg7[%add3A_266, %dma_start3A_291] : memref<200x100xi32, #tpu.memory_space<vmem>> -> memref<1x100xi32, #tpu.memory_space<vmem>>
        %dma_start3A_293 = tpu.memref_squeeze %dma_start3A_292 : memref<1x100xi32, #tpu.memory_space<vmem>> -> memref<100xi32, #tpu.memory_space<vmem>>
        %dma_start3A_294 = arith.constant 0 : i32
        %dma_start3A_295 = arith.constant 0 : i32
        %dma_start3A_296 = tpu.memref_slice %arg10[%dma_start3A_294, %dma_start3A_295] : memref<10000x64xf32, #tpu.memory_space<vmem_shared>> -> memref<10000x64xf32, #tpu.memory_space<vmem_shared>>
        tpu.enqueue_indirect_dma source(%dma_start3A_290 : memref<100x64xf32, #tpu.memory_space<vmem>>) target(%dma_start3A_296 : memref<10000x64xf32, #tpu.memory_space<vmem_shared>>) offsets(%dma_start3A_293 : memref<100xi32, #tpu.memory_space<vmem>>) semaphore(%run_scoped3A_286 : memref<!tpu.dma_semaphore, #tpu.memory_space<semaphore_mem>>) {add = true}
        %dma_wait3A_297 = arith.constant 0 : i32
        %dma_wait3A_298 = arith.constant 0 : i32
        %dma_wait3A_299 = tpu.memref_slice %arg8[%run_scoped3A_278, %dma_wait3A_297, %dma_wait3A_298] : memref<2x100x64xf32, #tpu.memory_space<vmem>> -> memref<1x100x64xf32, #tpu.memory_space<vmem>>
        %dma_wait3A_300 = tpu.memref_squeeze %dma_wait3A_299 : memref<1x100x64xf32, #tpu.memory_space<vmem>> -> memref<100x64xf32, #tpu.memory_space<vmem>>
        %dma_wait3A_301 = arith.constant 0 : i32
        %dma_wait3A_302 = tpu.memref_slice %arg7[%add3A_266, %dma_wait3A_301] : memref<200x100xi32, #tpu.memory_space<vmem>> -> memref<1x100xi32, #tpu.memory_space<vmem>>
        %dma_wait3A_303 = tpu.memref_squeeze %dma_wait3A_302 : memref<1x100xi32, #tpu.memory_space<vmem>> -> memref<100xi32, #tpu.memory_space<vmem>>
        %dma_wait3A_304 = arith.constant 0 : i32
        %dma_wait3A_305 = arith.constant 0 : i32
        %dma_wait3A_306 = tpu.memref_slice %arg10[%dma_wait3A_304, %dma_wait3A_305] : memref<10000x64xf32, #tpu.memory_space<vmem_shared>> -> memref<10000x64xf32, #tpu.memory_space<vmem_shared>>
        tpu.wait_indirect_dma semaphore(%run_scoped3A_286 : memref<!tpu.dma_semaphore, #tpu.memory_space<semaphore_mem>>) src(%dma_wait3A_300 : memref<100x64xf32, #tpu.memory_space<vmem>>) dst(%dma_wait3A_306 : memref<10000x64xf32, #tpu.memory_space<vmem_shared>>)
        tpu.yield
      }) : () -> ()
      %add3A_279 = arith.constant 2 : i32
      %add3A_280 = arith.addi %add3A_266, %add3A_279 : i32
      %lt3A_281 = arith.constant 200 : i32
      %lt3A_282 = arith.cmpi slt, %add3A_280, %lt3A_281 : i32
      %convert_element_type3A_283 = arith.extui %lt3A_282 : i1 to i32
      %cond3A_284 = arith.constant 0 : i32
      %cond3A_285 = arith.cmpi ne, %convert_element_type3A_283, %cond3A_284 : i32
      scf.if %cond3A_285 {
        %add3A_286 = arith.constant 2 : i32
        %add3A_287 = arith.addi %add3A_266, %add3A_286 : i32
        %dma_start3A_288 = arith.constant 1 : i32
        %dma_start3A_289 = arith.constant 0 : i32
        %dma_start3A_290 = arith.constant 0 : i32
        %dma_start3A_291 = tpu.memref_slice %arg8[%dma_start3A_288, %dma_start3A_289, %dma_start3A_290] : memref<2x100x64xf32, #tpu.memory_space<vmem>> -> memref<1x100x64xf32, #tpu.memory_space<vmem>>
        %dma_start3A_292 = tpu.memref_squeeze %dma_start3A_291 : memref<1x100x64xf32, #tpu.memory_space<vmem>> -> memref<100x64xf32, #tpu.memory_space<vmem>>
        %dma_start3A_293 = arith.constant 0 : i32
        %dma_start3A_294 = tpu.memref_slice %arg6[%add3A_287, %dma_start3A_293] : memref<200x100xi32, #tpu.memory_space<vmem>> -> memref<1x100xi32, #tpu.memory_space<vmem>>
        %dma_start3A_295 = tpu.memref_squeeze %dma_start3A_294 : memref<1x100xi32, #tpu.memory_space<vmem>> -> memref<100xi32, #tpu.memory_space<vmem>>
        %dma_start3A_296 = arith.constant 0 : i32
        %dma_start3A_297 = arith.constant 0 : i32
        %dma_start3A_298 = tpu.memref_slice %arg2[%dma_start3A_296, %dma_start3A_297] : memref<40000x64xf32, #tpu.memory_space<hbm>> -> memref<40000x64xf32, #tpu.memory_space<hbm>>
        tpu.enqueue_indirect_dma source(%dma_start3A_298 : memref<40000x64xf32, #tpu.memory_space<hbm>>) target(%dma_start3A_292 : memref<100x64xf32, #tpu.memory_space<vmem>>) offsets(%dma_start3A_295 : memref<100xi32, #tpu.memory_space<vmem>>) semaphore(%arg12 : memref<!tpu.dma_semaphore, #tpu.memory_space<semaphore_mem>>)
      } else {
      }
    }
    %scan3A_184 = arith.constant 100 : i32
    %barrier3A_185 = arith.constant 0 : index
    tpu.barrier barrier_id(%barrier3A_185)
    %add3A_186 = arith.constant 0 : i32
    %add3A_187 = arith.addi %arg1, %add3A_186 : i32
    %lt3A_188 = arith.constant 125 : i32
    %lt3A_189 = arith.cmpi slt, %add3A_187, %lt3A_188 : i32
    %convert_element_type3A_190 = arith.extui %lt3A_189 : i1 to i32
    %cond3A_191 = arith.constant 0 : i32
    %cond3A_192 = arith.cmpi ne, %convert_element_type3A_190, %cond3A_191 : i32
    scf.if %cond3A_192 {
      %mul3A = arith.constant 80 : i32
      %mul3A_242 = arith.muli %add3A_187, %mul3A : i32
      %add3A_243 = arith.constant 2 : i32
      %add3A_244 = arith.addi %add3A_243, %arg0 : i32
      %mul3A_245 = arith.constant 64 : i32
      %mul3A_246 = arith.muli %add3A_244, %mul3A_245 : i32
      "tpu.region"() ({
        %run_scoped3A = tpu.sem_alloc : memref<!tpu.dma_semaphore, #tpu.memory_space<semaphore_mem>>
        %dma_start3A_247 = tpu.memref_slice %arg5[%mul3A_242, %mul3A_246] : memref<10000x256xf32, #tpu.memory_space<hbm>> -> memref<80x64xf32, #tpu.memory_space<hbm>>
        %dma_start3A_248 = arith.constant 0 : i32
        %dma_start3A_249 = tpu.memref_slice %arg10[%mul3A_242, %dma_start3A_248] : memref<10000x64xf32, #tpu.memory_space<vmem_shared>> -> memref<80x64xf32, #tpu.memory_space<vmem_shared>>
        tpu.enqueue_dma source(%dma_start3A_249 : memref<80x64xf32, #tpu.memory_space<vmem_shared>>) target(%dma_start3A_247 : memref<80x64xf32, #tpu.memory_space<hbm>>) target_semaphore(%run_scoped3A : memref<!tpu.dma_semaphore, #tpu.memory_space<semaphore_mem>>)
        %dma_wait3A = tpu.memref_slice %arg5[%mul3A_242, %mul3A_246] : memref<10000x256xf32, #tpu.memory_space<hbm>> -> memref<80x64xf32, #tpu.memory_space<hbm>>
        %dma_wait3A_250 = arith.constant 0 : i32
        %dma_wait3A_251 = tpu.memref_slice %arg10[%mul3A_242, %dma_wait3A_250] : memref<10000x64xf32, #tpu.memory_space<vmem_shared>> -> memref<80x64xf32, #tpu.memory_space<vmem_shared>>
        tpu.wait_dma2 semaphore(%run_scoped3A : memref<!tpu.dma_semaphore, #tpu.memory_space<semaphore_mem>>) src(%dma_wait3A_251 : memref<80x64xf32, #tpu.memory_space<vmem_shared>>) dst(%dma_wait3A : memref<80x64xf32, #tpu.memory_space<hbm>>)
        tpu.yield
      }) : () -> ()
    } else {
    }
    %add3A_193 = arith.constant 16 : i32
    %add3A_194 = arith.addi %arg1, %add3A_193 : i32
    %lt3A_195 = arith.constant 125 : i32
    %lt3A_196 = arith.cmpi slt, %add3A_194, %lt3A_195 : i32
    %convert_element_type3A_197 = arith.extui %lt3A_196 : i1 to i32
    %cond3A_198 = arith.constant 0 : i32
    %cond3A_199 = arith.cmpi ne, %convert_element_type3A_197, %cond3A_198 : i32
    scf.if %cond3A_199 {
      %mul3A = arith.constant 80 : i32
      %mul3A_242 = arith.muli %add3A_194, %mul3A : i32
      %add3A_243 = arith.constant 2 : i32
      %add3A_244 = arith.addi %add3A_243, %arg0 : i32
      %mul3A_245 = arith.constant 64 : i32
      %mul3A_246 = arith.muli %add3A_244, %mul3A_245 : i32
      "tpu.region"() ({
        %run_scoped3A = tpu.sem_alloc : memref<!tpu.dma_semaphore, #tpu.memory_space<semaphore_mem>>
        %dma_start3A_247 = tpu.memref_slice %arg5[%mul3A_242, %mul3A_246] : memref<10000x256xf32, #tpu.memory_space<hbm>> -> memref<80x64xf32, #tpu.memory_space<hbm>>
        %dma_start3A_248 = arith.constant 0 : i32
        %dma_start3A_249 = tpu.memref_slice %arg10[%mul3A_242, %dma_start3A_248] : memref<10000x64xf32, #tpu.memory_space<vmem_shared>> -> memref<80x64xf32, #tpu.memory_space<vmem_shared>>
        tpu.enqueue_dma source(%dma_start3A_249 : memref<80x64xf32, #tpu.memory_space<vmem_shared>>) target(%dma_start3A_247 : memref<80x64xf32, #tpu.memory_space<hbm>>) target_semaphore(%run_scoped3A : memref<!tpu.dma_semaphore, #tpu.memory_space<semaphore_mem>>)
        %dma_wait3A = tpu.memref_slice %arg5[%mul3A_242, %mul3A_246] : memref<10000x256xf32, #tpu.memory_space<hbm>> -> memref<80x64xf32, #tpu.memory_space<hbm>>
        %dma_wait3A_250 = arith.constant 0 : i32
        %dma_wait3A_251 = tpu.memref_slice %arg10[%mul3A_242, %dma_wait3A_250] : memref<10000x64xf32, #tpu.memory_space<vmem_shared>> -> memref<80x64xf32, #tpu.memory_space<vmem_shared>>
        tpu.wait_dma2 semaphore(%run_scoped3A : memref<!tpu.dma_semaphore, #tpu.memory_space<semaphore_mem>>) src(%dma_wait3A_251 : memref<80x64xf32, #tpu.memory_space<vmem_shared>>) dst(%dma_wait3A : memref<80x64xf32, #tpu.memory_space<hbm>>)
        tpu.yield
      }) : () -> ()
    } else {
    }
    %add3A_200 = arith.constant 32 : i32
    %add3A_201 = arith.addi %arg1, %add3A_200 : i32
    %lt3A_202 = arith.constant 125 : i32
    %lt3A_203 = arith.cmpi slt, %add3A_201, %lt3A_202 : i32
    %convert_element_type3A_204 = arith.extui %lt3A_203 : i1 to i32
    %cond3A_205 = arith.constant 0 : i32
    %cond3A_206 = arith.cmpi ne, %convert_element_type3A_204, %cond3A_205 : i32
    scf.if %cond3A_206 {
      %mul3A = arith.constant 80 : i32
      %mul3A_242 = arith.muli %add3A_201, %mul3A : i32
      %add3A_243 = arith.constant 2 : i32
      %add3A_244 = arith.addi %add3A_243, %arg0 : i32
      %mul3A_245 = arith.constant 64 : i32
      %mul3A_246 = arith.muli %add3A_244, %mul3A_245 : i32
      "tpu.region"() ({
        %run_scoped3A = tpu.sem_alloc : memref<!tpu.dma_semaphore, #tpu.memory_space<semaphore_mem>>
        %dma_start3A_247 = tpu.memref_slice %arg5[%mul3A_242, %mul3A_246] : memref<10000x256xf32, #tpu.memory_space<hbm>> -> memref<80x64xf32, #tpu.memory_space<hbm>>
        %dma_start3A_248 = arith.constant 0 : i32
        %dma_start3A_249 = tpu.memref_slice %arg10[%mul3A_242, %dma_start3A_248] : memref<10000x64xf32, #tpu.memory_space<vmem_shared>> -> memref<80x64xf32, #tpu.memory_space<vmem_shared>>
        tpu.enqueue_dma source(%dma_start3A_249 : memref<80x64xf32, #tpu.memory_space<vmem_shared>>) target(%dma_start3A_247 : memref<80x64xf32, #tpu.memory_space<hbm>>) target_semaphore(%run_scoped3A : memref<!tpu.dma_semaphore, #tpu.memory_space<semaphore_mem>>)
        %dma_wait3A = tpu.memref_slice %arg5[%mul3A_242, %mul3A_246] : memref<10000x256xf32, #tpu.memory_space<hbm>> -> memref<80x64xf32, #tpu.memory_space<hbm>>
        %dma_wait3A_250 = arith.constant 0 : i32
        %dma_wait3A_251 = tpu.memref_slice %arg10[%mul3A_242, %dma_wait3A_250] : memref<10000x64xf32, #tpu.memory_space<vmem_shared>> -> memref<80x64xf32, #tpu.memory_space<vmem_shared>>
        tpu.wait_dma2 semaphore(%run_scoped3A : memref<!tpu.dma_semaphore, #tpu.memory_space<semaphore_mem>>) src(%dma_wait3A_251 : memref<80x64xf32, #tpu.memory_space<vmem_shared>>) dst(%dma_wait3A : memref<80x64xf32, #tpu.memory_space<hbm>>)
        tpu.yield
      }) : () -> ()
    } else {
    }
    %add3A_207 = arith.constant 48 : i32
    %add3A_208 = arith.addi %arg1, %add3A_207 : i32
    %lt3A_209 = arith.constant 125 : i32
    %lt3A_210 = arith.cmpi slt, %add3A_208, %lt3A_209 : i32
    %convert_element_type3A_211 = arith.extui %lt3A_210 : i1 to i32
    %cond3A_212 = arith.constant 0 : i32
    %cond3A_213 = arith.cmpi ne, %convert_element_type3A_211, %cond3A_212 : i32
    scf.if %cond3A_213 {
      %mul3A = arith.constant 80 : i32
      %mul3A_242 = arith.muli %add3A_208, %mul3A : i32
      %add3A_243 = arith.constant 2 : i32
      %add3A_244 = arith.addi %add3A_243, %arg0 : i32
      %mul3A_245 = arith.constant 64 : i32
      %mul3A_246 = arith.muli %add3A_244, %mul3A_245 : i32
      "tpu.region"() ({
        %run_scoped3A = tpu.sem_alloc : memref<!tpu.dma_semaphore, #tpu.memory_space<semaphore_mem>>
        %dma_start3A_247 = tpu.memref_slice %arg5[%mul3A_242, %mul3A_246] : memref<10000x256xf32, #tpu.memory_space<hbm>> -> memref<80x64xf32, #tpu.memory_space<hbm>>
        %dma_start3A_248 = arith.constant 0 : i32
        %dma_start3A_249 = tpu.memref_slice %arg10[%mul3A_242, %dma_start3A_248] : memref<10000x64xf32, #tpu.memory_space<vmem_shared>> -> memref<80x64xf32, #tpu.memory_space<vmem_shared>>
        tpu.enqueue_dma source(%dma_start3A_249 : memref<80x64xf32, #tpu.memory_space<vmem_shared>>) target(%dma_start3A_247 : memref<80x64xf32, #tpu.memory_space<hbm>>) target_semaphore(%run_scoped3A : memref<!tpu.dma_semaphore, #tpu.memory_space<semaphore_mem>>)
        %dma_wait3A = tpu.memref_slice %arg5[%mul3A_242, %mul3A_246] : memref<10000x256xf32, #tpu.memory_space<hbm>> -> memref<80x64xf32, #tpu.memory_space<hbm>>
        %dma_wait3A_250 = arith.constant 0 : i32
        %dma_wait3A_251 = tpu.memref_slice %arg10[%mul3A_242, %dma_wait3A_250] : memref<10000x64xf32, #tpu.memory_space<vmem_shared>> -> memref<80x64xf32, #tpu.memory_space<vmem_shared>>
        tpu.wait_dma2 semaphore(%run_scoped3A : memref<!tpu.dma_semaphore, #tpu.memory_space<semaphore_mem>>) src(%dma_wait3A_251 : memref<80x64xf32, #tpu.memory_space<vmem_shared>>) dst(%dma_wait3A : memref<80x64xf32, #tpu.memory_space<hbm>>)
        tpu.yield
      }) : () -> ()
    } else {
    }
    %add3A_214 = arith.constant 64 : i32
    %add3A_215 = arith.addi %arg1, %add3A_214 : i32
    %lt3A_216 = arith.constant 125 : i32
    %lt3A_217 = arith.cmpi slt, %add3A_215, %lt3A_216 : i32
    %convert_element_type3A_218 = arith.extui %lt3A_217 : i1 to i32
    %cond3A_219 = arith.constant 0 : i32
    %cond3A_220 = arith.cmpi ne, %convert_element_type3A_218, %cond3A_219 : i32
    scf.if %cond3A_220 {
      %mul3A = arith.constant 80 : i32
      %mul3A_242 = arith.muli %add3A_215, %mul3A : i32
      %add3A_243 = arith.constant 2 : i32
      %add3A_244 = arith.addi %add3A_243, %arg0 : i32
      %mul3A_245 = arith.constant 64 : i32
      %mul3A_246 = arith.muli %add3A_244, %mul3A_245 : i32
      "tpu.region"() ({
        %run_scoped3A = tpu.sem_alloc : memref<!tpu.dma_semaphore, #tpu.memory_space<semaphore_mem>>
        %dma_start3A_247 = tpu.memref_slice %arg5[%mul3A_242, %mul3A_246] : memref<10000x256xf32, #tpu.memory_space<hbm>> -> memref<80x64xf32, #tpu.memory_space<hbm>>
        %dma_start3A_248 = arith.constant 0 : i32
        %dma_start3A_249 = tpu.memref_slice %arg10[%mul3A_242, %dma_start3A_248] : memref<10000x64xf32, #tpu.memory_space<vmem_shared>> -> memref<80x64xf32, #tpu.memory_space<vmem_shared>>
        tpu.enqueue_dma source(%dma_start3A_249 : memref<80x64xf32, #tpu.memory_space<vmem_shared>>) target(%dma_start3A_247 : memref<80x64xf32, #tpu.memory_space<hbm>>) target_semaphore(%run_scoped3A : memref<!tpu.dma_semaphore, #tpu.memory_space<semaphore_mem>>)
        %dma_wait3A = tpu.memref_slice %arg5[%mul3A_242, %mul3A_246] : memref<10000x256xf32, #tpu.memory_space<hbm>> -> memref<80x64xf32, #tpu.memory_space<hbm>>
        %dma_wait3A_250 = arith.constant 0 : i32
        %dma_wait3A_251 = tpu.memref_slice %arg10[%mul3A_242, %dma_wait3A_250] : memref<10000x64xf32, #tpu.memory_space<vmem_shared>> -> memref<80x64xf32, #tpu.memory_space<vmem_shared>>
        tpu.wait_dma2 semaphore(%run_scoped3A : memref<!tpu.dma_semaphore, #tpu.memory_space<semaphore_mem>>) src(%dma_wait3A_251 : memref<80x64xf32, #tpu.memory_space<vmem_shared>>) dst(%dma_wait3A : memref<80x64xf32, #tpu.memory_space<hbm>>)
        tpu.yield
      }) : () -> ()
    } else {
    }
    %add3A_221 = arith.constant 80 : i32
    %add3A_222 = arith.addi %arg1, %add3A_221 : i32
    %lt3A_223 = arith.constant 125 : i32
    %lt3A_224 = arith.cmpi slt, %add3A_222, %lt3A_223 : i32
    %convert_element_type3A_225 = arith.extui %lt3A_224 : i1 to i32
    %cond3A_226 = arith.constant 0 : i32
    %cond3A_227 = arith.cmpi ne, %convert_element_type3A_225, %cond3A_226 : i32
    scf.if %cond3A_227 {
      %mul3A = arith.constant 80 : i32
      %mul3A_242 = arith.muli %add3A_222, %mul3A : i32
      %add3A_243 = arith.constant 2 : i32
      %add3A_244 = arith.addi %add3A_243, %arg0 : i32
      %mul3A_245 = arith.constant 64 : i32
      %mul3A_246 = arith.muli %add3A_244, %mul3A_245 : i32
      "tpu.region"() ({
        %run_scoped3A = tpu.sem_alloc : memref<!tpu.dma_semaphore, #tpu.memory_space<semaphore_mem>>
        %dma_start3A_247 = tpu.memref_slice %arg5[%mul3A_242, %mul3A_246] : memref<10000x256xf32, #tpu.memory_space<hbm>> -> memref<80x64xf32, #tpu.memory_space<hbm>>
        %dma_start3A_248 = arith.constant 0 : i32
        %dma_start3A_249 = tpu.memref_slice %arg10[%mul3A_242, %dma_start3A_248] : memref<10000x64xf32, #tpu.memory_space<vmem_shared>> -> memref<80x64xf32, #tpu.memory_space<vmem_shared>>
        tpu.enqueue_dma source(%dma_start3A_249 : memref<80x64xf32, #tpu.memory_space<vmem_shared>>) target(%dma_start3A_247 : memref<80x64xf32, #tpu.memory_space<hbm>>) target_semaphore(%run_scoped3A : memref<!tpu.dma_semaphore, #tpu.memory_space<semaphore_mem>>)
        %dma_wait3A = tpu.memref_slice %arg5[%mul3A_242, %mul3A_246] : memref<10000x256xf32, #tpu.memory_space<hbm>> -> memref<80x64xf32, #tpu.memory_space<hbm>>
        %dma_wait3A_250 = arith.constant 0 : i32
        %dma_wait3A_251 = tpu.memref_slice %arg10[%mul3A_242, %dma_wait3A_250] : memref<10000x64xf32, #tpu.memory_space<vmem_shared>> -> memref<80x64xf32, #tpu.memory_space<vmem_shared>>
        tpu.wait_dma2 semaphore(%run_scoped3A : memref<!tpu.dma_semaphore, #tpu.memory_space<semaphore_mem>>) src(%dma_wait3A_251 : memref<80x64xf32, #tpu.memory_space<vmem_shared>>) dst(%dma_wait3A : memref<80x64xf32, #tpu.memory_space<hbm>>)
        tpu.yield
      }) : () -> ()
    } else {
    }
    %add3A_228 = arith.constant 96 : i32
    %add3A_229 = arith.addi %arg1, %add3A_228 : i32
    %lt3A_230 = arith.constant 125 : i32
    %lt3A_231 = arith.cmpi slt, %add3A_229, %lt3A_230 : i32
    %convert_element_type3A_232 = arith.extui %lt3A_231 : i1 to i32
    %cond3A_233 = arith.constant 0 : i32
    %cond3A_234 = arith.cmpi ne, %convert_element_type3A_232, %cond3A_233 : i32
    scf.if %cond3A_234 {
      %mul3A = arith.constant 80 : i32
      %mul3A_242 = arith.muli %add3A_229, %mul3A : i32
      %add3A_243 = arith.constant 2 : i32
      %add3A_244 = arith.addi %add3A_243, %arg0 : i32
      %mul3A_245 = arith.constant 64 : i32
      %mul3A_246 = arith.muli %add3A_244, %mul3A_245 : i32
      "tpu.region"() ({
        %run_scoped3A = tpu.sem_alloc : memref<!tpu.dma_semaphore, #tpu.memory_space<semaphore_mem>>
        %dma_start3A_247 = tpu.memref_slice %arg5[%mul3A_242, %mul3A_246] : memref<10000x256xf32, #tpu.memory_space<hbm>> -> memref<80x64xf32, #tpu.memory_space<hbm>>
        %dma_start3A_248 = arith.constant 0 : i32
        %dma_start3A_249 = tpu.memref_slice %arg10[%mul3A_242, %dma_start3A_248] : memref<10000x64xf32, #tpu.memory_space<vmem_shared>> -> memref<80x64xf32, #tpu.memory_space<vmem_shared>>
        tpu.enqueue_dma source(%dma_start3A_249 : memref<80x64xf32, #tpu.memory_space<vmem_shared>>) target(%dma_start3A_247 : memref<80x64xf32, #tpu.memory_space<hbm>>) target_semaphore(%run_scoped3A : memref<!tpu.dma_semaphore, #tpu.memory_space<semaphore_mem>>)
        %dma_wait3A = tpu.memref_slice %arg5[%mul3A_242, %mul3A_246] : memref<10000x256xf32, #tpu.memory_space<hbm>> -> memref<80x64xf32, #tpu.memory_space<hbm>>
        %dma_wait3A_250 = arith.constant 0 : i32
        %dma_wait3A_251 = tpu.memref_slice %arg10[%mul3A_242, %dma_wait3A_250] : memref<10000x64xf32, #tpu.memory_space<vmem_shared>> -> memref<80x64xf32, #tpu.memory_space<vmem_shared>>
        tpu.wait_dma2 semaphore(%run_scoped3A : memref<!tpu.dma_semaphore, #tpu.memory_space<semaphore_mem>>) src(%dma_wait3A_251 : memref<80x64xf32, #tpu.memory_space<vmem_shared>>) dst(%dma_wait3A : memref<80x64xf32, #tpu.memory_space<hbm>>)
        tpu.yield
      }) : () -> ()
    } else {
    }
    %add3A_235 = arith.constant 112 : i32
    %add3A_236 = arith.addi %arg1, %add3A_235 : i32
    %lt3A_237 = arith.constant 125 : i32
    %lt3A_238 = arith.cmpi slt, %add3A_236, %lt3A_237 : i32
    %convert_element_type3A_239 = arith.extui %lt3A_238 : i1 to i32
    %cond3A_240 = arith.constant 0 : i32
    %cond3A_241 = arith.cmpi ne, %convert_element_type3A_239, %cond3A_240 : i32
    scf.if %cond3A_241 {
      %mul3A = arith.constant 80 : i32
      %mul3A_242 = arith.muli %add3A_236, %mul3A : i32
      %add3A_243 = arith.constant 2 : i32
      %add3A_244 = arith.addi %add3A_243, %arg0 : i32
      %mul3A_245 = arith.constant 64 : i32
      %mul3A_246 = arith.muli %add3A_244, %mul3A_245 : i32
      "tpu.region"() ({
        %run_scoped3A = tpu.sem_alloc : memref<!tpu.dma_semaphore, #tpu.memory_space<semaphore_mem>>
        %dma_start3A_247 = tpu.memref_slice %arg5[%mul3A_242, %mul3A_246] : memref<10000x256xf32, #tpu.memory_space<hbm>> -> memref<80x64xf32, #tpu.memory_space<hbm>>
        %dma_start3A_248 = arith.constant 0 : i32
        %dma_start3A_249 = tpu.memref_slice %arg10[%mul3A_242, %dma_start3A_248] : memref<10000x64xf32, #tpu.memory_space<vmem_shared>> -> memref<80x64xf32, #tpu.memory_space<vmem_shared>>
        tpu.enqueue_dma source(%dma_start3A_249 : memref<80x64xf32, #tpu.memory_space<vmem_shared>>) target(%dma_start3A_247 : memref<80x64xf32, #tpu.memory_space<hbm>>) target_semaphore(%run_scoped3A : memref<!tpu.dma_semaphore, #tpu.memory_space<semaphore_mem>>)
        %dma_wait3A = tpu.memref_slice %arg5[%mul3A_242, %mul3A_246] : memref<10000x256xf32, #tpu.memory_space<hbm>> -> memref<80x64xf32, #tpu.memory_space<hbm>>
        %dma_wait3A_250 = arith.constant 0 : i32
        %dma_wait3A_251 = tpu.memref_slice %arg10[%mul3A_242, %dma_wait3A_250] : memref<10000x64xf32, #tpu.memory_space<vmem_shared>> -> memref<80x64xf32, #tpu.memory_space<vmem_shared>>
        tpu.wait_dma2 semaphore(%run_scoped3A : memref<!tpu.dma_semaphore, #tpu.memory_space<semaphore_mem>>) src(%dma_wait3A_251 : memref<80x64xf32, #tpu.memory_space<vmem_shared>>) dst(%dma_wait3A : memref<80x64xf32, #tpu.memory_space<hbm>>)
        tpu.yield
      }) : () -> ()
    } else {
    }
    return
  }
}

#map = affine_map<(d0, d1) -> (0, 0)>
#map1 = affine_map<(d0, d1) -> (0, 0, 0, 0)>
#map2 = affine_map<(d0, d1) -> (0, 0, 0)>
module attributes {stable_mosaic.version = 14 : i64} {
  func.func @sc_pass(%arg0: i32, %arg1: i32, %arg2: memref<20000x64xf32, #tpu.memory_space<hbm>>, %arg3: memref<2x16x200x100xi32, #tpu.memory_space<hbm>>, %arg4: memref<16x200x100xi32, #tpu.memory_space<hbm>>, %arg5: memref<16x1250x16xi32, #tpu.memory_space<hbm>>, %arg6: memref<10000x128xf32, #tpu.memory_space<hbm>>, %arg7: memref<16x625x16xf32, #tpu.memory_space<hbm>>, %arg8: memref<200x100xi32, #tpu.memory_space<vmem>>, %arg9: memref<200x100xi32, #tpu.memory_space<vmem>>, %arg10: memref<2x100x64xf32, #tpu.memory_space<vmem>>, %arg11: memref<80x64xf32, #tpu.memory_space<vmem>>, %arg12: memref<1250x16xi32, #tpu.memory_space<vmem>>, %arg13: memref<625x16xf32, #tpu.memory_space<vmem>>, %arg14: memref<10000x64xf32, #tpu.memory_space<vmem_shared>>, %arg15: memref<!tpu.dma_semaphore, #tpu.memory_space<semaphore_mem>>, %arg16: memref<!tpu.dma_semaphore, #tpu.memory_space<semaphore_mem>>) attributes {dimension_semantics = [#tpu.dimension_semantics<core_parallel>, #tpu.dimension_semantics<subcore_parallel>], iteration_bounds = array<i64: 2, 16>, scalar_prefetch = 0 : i64, scratch_operands = 9 : i64, tpu.core_type = #tpu.core_type<sc_vector_subcore>, window_params = [{transform_indices = #map}, {transform_indices = #map1}, {transform_indices = #map2}, {transform_indices = #map2}, {transform_indices = #map}, {transform_indices = #map2}]} {
    "tpu.region"() ({
      %run_scoped3A = tpu.sem_alloc : memref<!tpu.dma_semaphore, #tpu.memory_space<semaphore_mem>>
      %dma_start3A_169 = arith.constant 0 : i32
      %dma_start3A_170 = arith.constant 0 : i32
      %dma_start3A_171 = tpu.memref_slice %arg4[%arg1, %dma_start3A_169, %dma_start3A_170] : memref<16x200x100xi32, #tpu.memory_space<hbm>> -> memref<1x200x100xi32, #tpu.memory_space<hbm>>
      %dma_start3A_172 = tpu.memref_squeeze %dma_start3A_171 : memref<1x200x100xi32, #tpu.memory_space<hbm>> -> memref<200x100xi32, #tpu.memory_space<hbm>>
      %dma_start3A_173 = arith.constant 0 : i32
      %dma_start3A_174 = arith.constant 0 : i32
      %dma_start3A_175 = tpu.memref_slice %arg4[%arg1, %dma_start3A_173, %dma_start3A_174] : memref<16x200x100xi32, #tpu.memory_space<hbm>> -> memref<1x200x100xi32, #tpu.memory_space<hbm>>
      %dma_start3A_176 = tpu.memref_squeeze %dma_start3A_175 : memref<1x200x100xi32, #tpu.memory_space<hbm>> -> memref<200x100xi32, #tpu.memory_space<hbm>>
      tpu.enqueue_dma source(%dma_start3A_176 : memref<200x100xi32, #tpu.memory_space<hbm>>) target(%arg9 : memref<200x100xi32, #tpu.memory_space<vmem>>) target_semaphore(%run_scoped3A : memref<!tpu.dma_semaphore, #tpu.memory_space<semaphore_mem>>)
      %dma_wait3A = arith.constant 0 : i32
      %dma_wait3A_177 = arith.constant 0 : i32
      %dma_wait3A_178 = tpu.memref_slice %arg4[%arg1, %dma_wait3A, %dma_wait3A_177] : memref<16x200x100xi32, #tpu.memory_space<hbm>> -> memref<1x200x100xi32, #tpu.memory_space<hbm>>
      %dma_wait3A_179 = tpu.memref_squeeze %dma_wait3A_178 : memref<1x200x100xi32, #tpu.memory_space<hbm>> -> memref<200x100xi32, #tpu.memory_space<hbm>>
      %dma_wait3A_180 = arith.constant 0 : i32
      %dma_wait3A_181 = arith.constant 0 : i32
      %dma_wait3A_182 = tpu.memref_slice %arg4[%arg1, %dma_wait3A_180, %dma_wait3A_181] : memref<16x200x100xi32, #tpu.memory_space<hbm>> -> memref<1x200x100xi32, #tpu.memory_space<hbm>>
      %dma_wait3A_183 = tpu.memref_squeeze %dma_wait3A_182 : memref<1x200x100xi32, #tpu.memory_space<hbm>> -> memref<200x100xi32, #tpu.memory_space<hbm>>
      tpu.wait_dma2 semaphore(%run_scoped3A : memref<!tpu.dma_semaphore, #tpu.memory_space<semaphore_mem>>) src(%dma_wait3A_183 : memref<200x100xi32, #tpu.memory_space<hbm>>) dst(%arg9 : memref<200x100xi32, #tpu.memory_space<vmem>>)
      tpu.yield
    }) : () -> ()
    "tpu.region"() ({
      %run_scoped3A = tpu.sem_alloc : memref<!tpu.dma_semaphore, #tpu.memory_space<semaphore_mem>>
      %dma_start3A_169 = arith.constant 0 : i32
      %dma_start3A_170 = arith.constant 0 : i32
      %dma_start3A_171 = tpu.memref_slice %arg5[%arg1, %dma_start3A_169, %dma_start3A_170] : memref<16x1250x16xi32, #tpu.memory_space<hbm>> -> memref<1x1250x16xi32, #tpu.memory_space<hbm>>
      %dma_start3A_172 = tpu.memref_squeeze %dma_start3A_171 : memref<1x1250x16xi32, #tpu.memory_space<hbm>> -> memref<1250x16xi32, #tpu.memory_space<hbm>>
      %dma_start3A_173 = arith.constant 0 : i32
      %dma_start3A_174 = arith.constant 0 : i32
      %dma_start3A_175 = tpu.memref_slice %arg5[%arg1, %dma_start3A_173, %dma_start3A_174] : memref<16x1250x16xi32, #tpu.memory_space<hbm>> -> memref<1x1250x16xi32, #tpu.memory_space<hbm>>
      %dma_start3A_176 = tpu.memref_squeeze %dma_start3A_175 : memref<1x1250x16xi32, #tpu.memory_space<hbm>> -> memref<1250x16xi32, #tpu.memory_space<hbm>>
      tpu.enqueue_dma source(%dma_start3A_176 : memref<1250x16xi32, #tpu.memory_space<hbm>>) target(%arg12 : memref<1250x16xi32, #tpu.memory_space<vmem>>) target_semaphore(%run_scoped3A : memref<!tpu.dma_semaphore, #tpu.memory_space<semaphore_mem>>)
      %dma_wait3A = arith.constant 0 : i32
      %dma_wait3A_177 = arith.constant 0 : i32
      %dma_wait3A_178 = tpu.memref_slice %arg5[%arg1, %dma_wait3A, %dma_wait3A_177] : memref<16x1250x16xi32, #tpu.memory_space<hbm>> -> memref<1x1250x16xi32, #tpu.memory_space<hbm>>
      %dma_wait3A_179 = tpu.memref_squeeze %dma_wait3A_178 : memref<1x1250x16xi32, #tpu.memory_space<hbm>> -> memref<1250x16xi32, #tpu.memory_space<hbm>>
      %dma_wait3A_180 = arith.constant 0 : i32
      %dma_wait3A_181 = arith.constant 0 : i32
      %dma_wait3A_182 = tpu.memref_slice %arg5[%arg1, %dma_wait3A_180, %dma_wait3A_181] : memref<16x1250x16xi32, #tpu.memory_space<hbm>> -> memref<1x1250x16xi32, #tpu.memory_space<hbm>>
      %dma_wait3A_183 = tpu.memref_squeeze %dma_wait3A_182 : memref<1x1250x16xi32, #tpu.memory_space<hbm>> -> memref<1250x16xi32, #tpu.memory_space<hbm>>
      tpu.wait_dma2 semaphore(%run_scoped3A : memref<!tpu.dma_semaphore, #tpu.memory_space<semaphore_mem>>) src(%dma_wait3A_183 : memref<1250x16xi32, #tpu.memory_space<hbm>>) dst(%arg12 : memref<1250x16xi32, #tpu.memory_space<vmem>>)
      tpu.yield
    }) : () -> ()
    %broadcast_in_dim3A = arith.constant 0.000000e+00 : f32
    %broadcast_in_dim3A_0 = vector.broadcast %broadcast_in_dim3A : f32 to vector<16xf32>
    %scan3A = arith.constant 0 : i32
    %scan3A_1 = arith.constant 0 : i32
    %scan3A_2 = arith.constant 625 : i32
    %scan3A_3 = arith.addi %scan3A_1, %scan3A_2 : i32
    %scan3A_4 = arith.constant 1 : i32
    scf.for %scan3A_169 = %scan3A_1 to %scan3A_3 step %scan3A_4  : i32 {
      %swap3A = arith.index_cast %scan3A_169 : i32 to index
      %swap3A_170 = arith.constant 0 : index
      %swap3A_171 = tpu.vector_load %arg13[%swap3A, %swap3A_170] {strides = array<i32>} : memref<625x16xf32, #tpu.memory_space<vmem>>, vector<16xf32>,
      tpu.vector_store %arg13[%swap3A, %swap3A_170], %broadcast_in_dim3A_0 {strides = array<i32>} : memref<625x16xf32, #tpu.memory_space<vmem>>, vector<16xf32>,
    }
    %scan3A_5 = arith.constant 625 : i32
    %broadcast_in_dim3A_6 = arith.constant 0.000000e+00 : f32
    %broadcast_in_dim3A_7 = vector.broadcast %broadcast_in_dim3A_6 : f32 to vector<16xf32>
    %scan3A_8 = arith.constant 0 : i32
    %scan3A_9 = arith.constant 0 : i32
    %scan3A_10 = arith.constant 80 : i32
    %scan3A_11 = arith.addi %scan3A_9, %scan3A_10 : i32
    %scan3A_12 = arith.constant 1 : i32
    scf.for %scan3A_169 = %scan3A_9 to %scan3A_11 step %scan3A_12  : i32 {
      %swap3A = arith.index_cast %scan3A_169 : i32 to index
      %swap3A_170 = arith.constant 0 : index
      %swap3A_171 = tpu.vector_load %arg11[%swap3A, %swap3A_170] {strides = array<i32>} : memref<80x64xf32, #tpu.memory_space<vmem>>, vector<16xf32>,
      tpu.vector_store %arg11[%swap3A, %swap3A_170], %broadcast_in_dim3A_7 {strides = array<i32>} : memref<80x64xf32, #tpu.memory_space<vmem>>, vector<16xf32>,
      %swap3A_172 = arith.index_cast %scan3A_169 : i32 to index
      %swap3A_173 = arith.constant 16 : index
      %swap3A_174 = tpu.vector_load %arg11[%swap3A_172, %swap3A_173] {strides = array<i32>} : memref<80x64xf32, #tpu.memory_space<vmem>>, vector<16xf32>,
      tpu.vector_store %arg11[%swap3A_172, %swap3A_173], %broadcast_in_dim3A_7 {strides = array<i32>} : memref<80x64xf32, #tpu.memory_space<vmem>>, vector<16xf32>,
      %swap3A_175 = arith.index_cast %scan3A_169 : i32 to index
      %swap3A_176 = arith.constant 32 : index
      %swap3A_177 = tpu.vector_load %arg11[%swap3A_175, %swap3A_176] {strides = array<i32>} : memref<80x64xf32, #tpu.memory_space<vmem>>, vector<16xf32>,
      tpu.vector_store %arg11[%swap3A_175, %swap3A_176], %broadcast_in_dim3A_7 {strides = array<i32>} : memref<80x64xf32, #tpu.memory_space<vmem>>, vector<16xf32>,
      %swap3A_178 = arith.index_cast %scan3A_169 : i32 to index
      %swap3A_179 = arith.constant 48 : index
      %swap3A_180 = tpu.vector_load %arg11[%swap3A_178, %swap3A_179] {strides = array<i32>} : memref<80x64xf32, #tpu.memory_space<vmem>>, vector<16xf32>,
      tpu.vector_store %arg11[%swap3A_178, %swap3A_179], %broadcast_in_dim3A_7 {strides = array<i32>} : memref<80x64xf32, #tpu.memory_space<vmem>>, vector<16xf32>,
    }
    %scan3A_13 = arith.constant 80 : i32
    %add3A = arith.constant 0 : i32
    %add3A_14 = arith.addi %arg1, %add3A : i32
    %lt3A = arith.constant 125 : i32
    %lt3A_15 = arith.cmpi slt, %add3A_14, %lt3A : i32
    %convert_element_type3A = arith.extui %lt3A_15 : i1 to i32
    %cond3A = arith.constant 0 : i32
    %cond3A_16 = arith.cmpi ne, %convert_element_type3A, %cond3A : i32
    scf.if %cond3A_16 {
      %mul3A = arith.constant 80 : i32
      %mul3A_169 = arith.muli %add3A_14, %mul3A : i32
      "tpu.region"() ({
        %run_scoped3A = tpu.sem_alloc : memref<!tpu.dma_semaphore, #tpu.memory_space<semaphore_mem>>
        %dma_start3A_170 = arith.constant 0 : i32
        %dma_start3A_171 = tpu.memref_slice %arg14[%mul3A_169, %dma_start3A_170] : memref<10000x64xf32, #tpu.memory_space<vmem_shared>> -> memref<80x64xf32, #tpu.memory_space<vmem_shared>>
        %dma_start3A_172 = arith.constant 0 : i32
        %dma_start3A_173 = tpu.memref_slice %arg14[%mul3A_169, %dma_start3A_172] : memref<10000x64xf32, #tpu.memory_space<vmem_shared>> -> memref<80x64xf32, #tpu.memory_space<vmem_shared>>
        tpu.enqueue_dma source(%arg11 : memref<80x64xf32, #tpu.memory_space<vmem>>) target(%dma_start3A_173 : memref<80x64xf32, #tpu.memory_space<vmem_shared>>) target_semaphore(%run_scoped3A : memref<!tpu.dma_semaphore, #tpu.memory_space<semaphore_mem>>)
        %dma_wait3A = arith.constant 0 : i32
        %dma_wait3A_174 = tpu.memref_slice %arg14[%mul3A_169, %dma_wait3A] : memref<10000x64xf32, #tpu.memory_space<vmem_shared>> -> memref<80x64xf32, #tpu.memory_space<vmem_shared>>
        %dma_wait3A_175 = arith.constant 0 : i32
        %dma_wait3A_176 = tpu.memref_slice %arg14[%mul3A_169, %dma_wait3A_175] : memref<10000x64xf32, #tpu.memory_space<vmem_shared>> -> memref<80x64xf32, #tpu.memory_space<vmem_shared>>
        tpu.wait_dma2 semaphore(%run_scoped3A : memref<!tpu.dma_semaphore, #tpu.memory_space<semaphore_mem>>) src(%arg11 : memref<80x64xf32, #tpu.memory_space<vmem>>) dst(%dma_wait3A_176 : memref<80x64xf32, #tpu.memory_space<vmem_shared>>)
        tpu.yield
      }) : () -> ()
    } else {
    }
    %add3A_17 = arith.constant 16 : i32
    %add3A_18 = arith.addi %arg1, %add3A_17 : i32
    %lt3A_19 = arith.constant 125 : i32
    %lt3A_20 = arith.cmpi slt, %add3A_18, %lt3A_19 : i32
    %convert_element_type3A_21 = arith.extui %lt3A_20 : i1 to i32
    %cond3A_22 = arith.constant 0 : i32
    %cond3A_23 = arith.cmpi ne, %convert_element_type3A_21, %cond3A_22 : i32
    scf.if %cond3A_23 {
      %mul3A = arith.constant 80 : i32
      %mul3A_169 = arith.muli %add3A_18, %mul3A : i32
      "tpu.region"() ({
        %run_scoped3A = tpu.sem_alloc : memref<!tpu.dma_semaphore, #tpu.memory_space<semaphore_mem>>
        %dma_start3A_170 = arith.constant 0 : i32
        %dma_start3A_171 = tpu.memref_slice %arg14[%mul3A_169, %dma_start3A_170] : memref<10000x64xf32, #tpu.memory_space<vmem_shared>> -> memref<80x64xf32, #tpu.memory_space<vmem_shared>>
        %dma_start3A_172 = arith.constant 0 : i32
        %dma_start3A_173 = tpu.memref_slice %arg14[%mul3A_169, %dma_start3A_172] : memref<10000x64xf32, #tpu.memory_space<vmem_shared>> -> memref<80x64xf32, #tpu.memory_space<vmem_shared>>
        tpu.enqueue_dma source(%arg11 : memref<80x64xf32, #tpu.memory_space<vmem>>) target(%dma_start3A_173 : memref<80x64xf32, #tpu.memory_space<vmem_shared>>) target_semaphore(%run_scoped3A : memref<!tpu.dma_semaphore, #tpu.memory_space<semaphore_mem>>)
        %dma_wait3A = arith.constant 0 : i32
        %dma_wait3A_174 = tpu.memref_slice %arg14[%mul3A_169, %dma_wait3A] : memref<10000x64xf32, #tpu.memory_space<vmem_shared>> -> memref<80x64xf32, #tpu.memory_space<vmem_shared>>
        %dma_wait3A_175 = arith.constant 0 : i32
        %dma_wait3A_176 = tpu.memref_slice %arg14[%mul3A_169, %dma_wait3A_175] : memref<10000x64xf32, #tpu.memory_space<vmem_shared>> -> memref<80x64xf32, #tpu.memory_space<vmem_shared>>
        tpu.wait_dma2 semaphore(%run_scoped3A : memref<!tpu.dma_semaphore, #tpu.memory_space<semaphore_mem>>) src(%arg11 : memref<80x64xf32, #tpu.memory_space<vmem>>) dst(%dma_wait3A_176 : memref<80x64xf32, #tpu.memory_space<vmem_shared>>)
        tpu.yield
      }) : () -> ()
    } else {
    }
    %add3A_24 = arith.constant 32 : i32
    %add3A_25 = arith.addi %arg1, %add3A_24 : i32
    %lt3A_26 = arith.constant 125 : i32
    %lt3A_27 = arith.cmpi slt, %add3A_25, %lt3A_26 : i32
    %convert_element_type3A_28 = arith.extui %lt3A_27 : i1 to i32
    %cond3A_29 = arith.constant 0 : i32
    %cond3A_30 = arith.cmpi ne, %convert_element_type3A_28, %cond3A_29 : i32
    scf.if %cond3A_30 {
      %mul3A = arith.constant 80 : i32
      %mul3A_169 = arith.muli %add3A_25, %mul3A : i32
      "tpu.region"() ({
        %run_scoped3A = tpu.sem_alloc : memref<!tpu.dma_semaphore, #tpu.memory_space<semaphore_mem>>
        %dma_start3A_170 = arith.constant 0 : i32
        %dma_start3A_171 = tpu.memref_slice %arg14[%mul3A_169, %dma_start3A_170] : memref<10000x64xf32, #tpu.memory_space<vmem_shared>> -> memref<80x64xf32, #tpu.memory_space<vmem_shared>>
        %dma_start3A_172 = arith.constant 0 : i32
        %dma_start3A_173 = tpu.memref_slice %arg14[%mul3A_169, %dma_start3A_172] : memref<10000x64xf32, #tpu.memory_space<vmem_shared>> -> memref<80x64xf32, #tpu.memory_space<vmem_shared>>
        tpu.enqueue_dma source(%arg11 : memref<80x64xf32, #tpu.memory_space<vmem>>) target(%dma_start3A_173 : memref<80x64xf32, #tpu.memory_space<vmem_shared>>) target_semaphore(%run_scoped3A : memref<!tpu.dma_semaphore, #tpu.memory_space<semaphore_mem>>)
        %dma_wait3A = arith.constant 0 : i32
        %dma_wait3A_174 = tpu.memref_slice %arg14[%mul3A_169, %dma_wait3A] : memref<10000x64xf32, #tpu.memory_space<vmem_shared>> -> memref<80x64xf32, #tpu.memory_space<vmem_shared>>
        %dma_wait3A_175 = arith.constant 0 : i32
        %dma_wait3A_176 = tpu.memref_slice %arg14[%mul3A_169, %dma_wait3A_175] : memref<10000x64xf32, #tpu.memory_space<vmem_shared>> -> memref<80x64xf32, #tpu.memory_space<vmem_shared>>
        tpu.wait_dma2 semaphore(%run_scoped3A : memref<!tpu.dma_semaphore, #tpu.memory_space<semaphore_mem>>) src(%arg11 : memref<80x64xf32, #tpu.memory_space<vmem>>) dst(%dma_wait3A_176 : memref<80x64xf32, #tpu.memory_space<vmem_shared>>)
        tpu.yield
      }) : () -> ()
    } else {
    }
    %add3A_31 = arith.constant 48 : i32
    %add3A_32 = arith.addi %arg1, %add3A_31 : i32
    %lt3A_33 = arith.constant 125 : i32
    %lt3A_34 = arith.cmpi slt, %add3A_32, %lt3A_33 : i32
    %convert_element_type3A_35 = arith.extui %lt3A_34 : i1 to i32
    %cond3A_36 = arith.constant 0 : i32
    %cond3A_37 = arith.cmpi ne, %convert_element_type3A_35, %cond3A_36 : i32
    scf.if %cond3A_37 {
      %mul3A = arith.constant 80 : i32
      %mul3A_169 = arith.muli %add3A_32, %mul3A : i32
      "tpu.region"() ({
        %run_scoped3A = tpu.sem_alloc : memref<!tpu.dma_semaphore, #tpu.memory_space<semaphore_mem>>
        %dma_start3A_170 = arith.constant 0 : i32
        %dma_start3A_171 = tpu.memref_slice %arg14[%mul3A_169, %dma_start3A_170] : memref<10000x64xf32, #tpu.memory_space<vmem_shared>> -> memref<80x64xf32, #tpu.memory_space<vmem_shared>>
        %dma_start3A_172 = arith.constant 0 : i32
        %dma_start3A_173 = tpu.memref_slice %arg14[%mul3A_169, %dma_start3A_172] : memref<10000x64xf32, #tpu.memory_space<vmem_shared>> -> memref<80x64xf32, #tpu.memory_space<vmem_shared>>
        tpu.enqueue_dma source(%arg11 : memref<80x64xf32, #tpu.memory_space<vmem>>) target(%dma_start3A_173 : memref<80x64xf32, #tpu.memory_space<vmem_shared>>) target_semaphore(%run_scoped3A : memref<!tpu.dma_semaphore, #tpu.memory_space<semaphore_mem>>)
        %dma_wait3A = arith.constant 0 : i32
        %dma_wait3A_174 = tpu.memref_slice %arg14[%mul3A_169, %dma_wait3A] : memref<10000x64xf32, #tpu.memory_space<vmem_shared>> -> memref<80x64xf32, #tpu.memory_space<vmem_shared>>
        %dma_wait3A_175 = arith.constant 0 : i32
        %dma_wait3A_176 = tpu.memref_slice %arg14[%mul3A_169, %dma_wait3A_175] : memref<10000x64xf32, #tpu.memory_space<vmem_shared>> -> memref<80x64xf32, #tpu.memory_space<vmem_shared>>
        tpu.wait_dma2 semaphore(%run_scoped3A : memref<!tpu.dma_semaphore, #tpu.memory_space<semaphore_mem>>) src(%arg11 : memref<80x64xf32, #tpu.memory_space<vmem>>) dst(%dma_wait3A_176 : memref<80x64xf32, #tpu.memory_space<vmem_shared>>)
        tpu.yield
      }) : () -> ()
    } else {
    }
    %add3A_38 = arith.constant 64 : i32
    %add3A_39 = arith.addi %arg1, %add3A_38 : i32
    %lt3A_40 = arith.constant 125 : i32
    %lt3A_41 = arith.cmpi slt, %add3A_39, %lt3A_40 : i32
    %convert_element_type3A_42 = arith.extui %lt3A_41 : i1 to i32
    %cond3A_43 = arith.constant 0 : i32
    %cond3A_44 = arith.cmpi ne, %convert_element_type3A_42, %cond3A_43 : i32
    scf.if %cond3A_44 {
      %mul3A = arith.constant 80 : i32
      %mul3A_169 = arith.muli %add3A_39, %mul3A : i32
      "tpu.region"() ({
        %run_scoped3A = tpu.sem_alloc : memref<!tpu.dma_semaphore, #tpu.memory_space<semaphore_mem>>
        %dma_start3A_170 = arith.constant 0 : i32
        %dma_start3A_171 = tpu.memref_slice %arg14[%mul3A_169, %dma_start3A_170] : memref<10000x64xf32, #tpu.memory_space<vmem_shared>> -> memref<80x64xf32, #tpu.memory_space<vmem_shared>>
        %dma_start3A_172 = arith.constant 0 : i32
        %dma_start3A_173 = tpu.memref_slice %arg14[%mul3A_169, %dma_start3A_172] : memref<10000x64xf32, #tpu.memory_space<vmem_shared>> -> memref<80x64xf32, #tpu.memory_space<vmem_shared>>
        tpu.enqueue_dma source(%arg11 : memref<80x64xf32, #tpu.memory_space<vmem>>) target(%dma_start3A_173 : memref<80x64xf32, #tpu.memory_space<vmem_shared>>) target_semaphore(%run_scoped3A : memref<!tpu.dma_semaphore, #tpu.memory_space<semaphore_mem>>)
        %dma_wait3A = arith.constant 0 : i32
        %dma_wait3A_174 = tpu.memref_slice %arg14[%mul3A_169, %dma_wait3A] : memref<10000x64xf32, #tpu.memory_space<vmem_shared>> -> memref<80x64xf32, #tpu.memory_space<vmem_shared>>
        %dma_wait3A_175 = arith.constant 0 : i32
        %dma_wait3A_176 = tpu.memref_slice %arg14[%mul3A_169, %dma_wait3A_175] : memref<10000x64xf32, #tpu.memory_space<vmem_shared>> -> memref<80x64xf32, #tpu.memory_space<vmem_shared>>
        tpu.wait_dma2 semaphore(%run_scoped3A : memref<!tpu.dma_semaphore, #tpu.memory_space<semaphore_mem>>) src(%arg11 : memref<80x64xf32, #tpu.memory_space<vmem>>) dst(%dma_wait3A_176 : memref<80x64xf32, #tpu.memory_space<vmem_shared>>)
        tpu.yield
      }) : () -> ()
    } else {
    }
    %add3A_45 = arith.constant 80 : i32
    %add3A_46 = arith.addi %arg1, %add3A_45 : i32
    %lt3A_47 = arith.constant 125 : i32
    %lt3A_48 = arith.cmpi slt, %add3A_46, %lt3A_47 : i32
    %convert_element_type3A_49 = arith.extui %lt3A_48 : i1 to i32
    %cond3A_50 = arith.constant 0 : i32
    %cond3A_51 = arith.cmpi ne, %convert_element_type3A_49, %cond3A_50 : i32
    scf.if %cond3A_51 {
      %mul3A = arith.constant 80 : i32
      %mul3A_169 = arith.muli %add3A_46, %mul3A : i32
      "tpu.region"() ({
        %run_scoped3A = tpu.sem_alloc : memref<!tpu.dma_semaphore, #tpu.memory_space<semaphore_mem>>
        %dma_start3A_170 = arith.constant 0 : i32
        %dma_start3A_171 = tpu.memref_slice %arg14[%mul3A_169, %dma_start3A_170] : memref<10000x64xf32, #tpu.memory_space<vmem_shared>> -> memref<80x64xf32, #tpu.memory_space<vmem_shared>>
        %dma_start3A_172 = arith.constant 0 : i32
        %dma_start3A_173 = tpu.memref_slice %arg14[%mul3A_169, %dma_start3A_172] : memref<10000x64xf32, #tpu.memory_space<vmem_shared>> -> memref<80x64xf32, #tpu.memory_space<vmem_shared>>
        tpu.enqueue_dma source(%arg11 : memref<80x64xf32, #tpu.memory_space<vmem>>) target(%dma_start3A_173 : memref<80x64xf32, #tpu.memory_space<vmem_shared>>) target_semaphore(%run_scoped3A : memref<!tpu.dma_semaphore, #tpu.memory_space<semaphore_mem>>)
        %dma_wait3A = arith.constant 0 : i32
        %dma_wait3A_174 = tpu.memref_slice %arg14[%mul3A_169, %dma_wait3A] : memref<10000x64xf32, #tpu.memory_space<vmem_shared>> -> memref<80x64xf32, #tpu.memory_space<vmem_shared>>
        %dma_wait3A_175 = arith.constant 0 : i32
        %dma_wait3A_176 = tpu.memref_slice %arg14[%mul3A_169, %dma_wait3A_175] : memref<10000x64xf32, #tpu.memory_space<vmem_shared>> -> memref<80x64xf32, #tpu.memory_space<vmem_shared>>
        tpu.wait_dma2 semaphore(%run_scoped3A : memref<!tpu.dma_semaphore, #tpu.memory_space<semaphore_mem>>) src(%arg11 : memref<80x64xf32, #tpu.memory_space<vmem>>) dst(%dma_wait3A_176 : memref<80x64xf32, #tpu.memory_space<vmem_shared>>)
        tpu.yield
      }) : () -> ()
    } else {
    }
    %add3A_52 = arith.constant 96 : i32
    %add3A_53 = arith.addi %arg1, %add3A_52 : i32
    %lt3A_54 = arith.constant 125 : i32
    %lt3A_55 = arith.cmpi slt, %add3A_53, %lt3A_54 : i32
    %convert_element_type3A_56 = arith.extui %lt3A_55 : i1 to i32
    %cond3A_57 = arith.constant 0 : i32
    %cond3A_58 = arith.cmpi ne, %convert_element_type3A_56, %cond3A_57 : i32
    scf.if %cond3A_58 {
      %mul3A = arith.constant 80 : i32
      %mul3A_169 = arith.muli %add3A_53, %mul3A : i32
      "tpu.region"() ({
        %run_scoped3A = tpu.sem_alloc : memref<!tpu.dma_semaphore, #tpu.memory_space<semaphore_mem>>
        %dma_start3A_170 = arith.constant 0 : i32
        %dma_start3A_171 = tpu.memref_slice %arg14[%mul3A_169, %dma_start3A_170] : memref<10000x64xf32, #tpu.memory_space<vmem_shared>> -> memref<80x64xf32, #tpu.memory_space<vmem_shared>>
        %dma_start3A_172 = arith.constant 0 : i32
        %dma_start3A_173 = tpu.memref_slice %arg14[%mul3A_169, %dma_start3A_172] : memref<10000x64xf32, #tpu.memory_space<vmem_shared>> -> memref<80x64xf32, #tpu.memory_space<vmem_shared>>
        tpu.enqueue_dma source(%arg11 : memref<80x64xf32, #tpu.memory_space<vmem>>) target(%dma_start3A_173 : memref<80x64xf32, #tpu.memory_space<vmem_shared>>) target_semaphore(%run_scoped3A : memref<!tpu.dma_semaphore, #tpu.memory_space<semaphore_mem>>)
        %dma_wait3A = arith.constant 0 : i32
        %dma_wait3A_174 = tpu.memref_slice %arg14[%mul3A_169, %dma_wait3A] : memref<10000x64xf32, #tpu.memory_space<vmem_shared>> -> memref<80x64xf32, #tpu.memory_space<vmem_shared>>
        %dma_wait3A_175 = arith.constant 0 : i32
        %dma_wait3A_176 = tpu.memref_slice %arg14[%mul3A_169, %dma_wait3A_175] : memref<10000x64xf32, #tpu.memory_space<vmem_shared>> -> memref<80x64xf32, #tpu.memory_space<vmem_shared>>
        tpu.wait_dma2 semaphore(%run_scoped3A : memref<!tpu.dma_semaphore, #tpu.memory_space<semaphore_mem>>) src(%arg11 : memref<80x64xf32, #tpu.memory_space<vmem>>) dst(%dma_wait3A_176 : memref<80x64xf32, #tpu.memory_space<vmem_shared>>)
        tpu.yield
      }) : () -> ()
    } else {
    }
    %add3A_59 = arith.constant 112 : i32
    %add3A_60 = arith.addi %arg1, %add3A_59 : i32
    %lt3A_61 = arith.constant 125 : i32
    %lt3A_62 = arith.cmpi slt, %add3A_60, %lt3A_61 : i32
    %convert_element_type3A_63 = arith.extui %lt3A_62 : i1 to i32
    %cond3A_64 = arith.constant 0 : i32
    %cond3A_65 = arith.cmpi ne, %convert_element_type3A_63, %cond3A_64 : i32
    scf.if %cond3A_65 {
      %mul3A = arith.constant 80 : i32
      %mul3A_169 = arith.muli %add3A_60, %mul3A : i32
      "tpu.region"() ({
        %run_scoped3A = tpu.sem_alloc : memref<!tpu.dma_semaphore, #tpu.memory_space<semaphore_mem>>
        %dma_start3A_170 = arith.constant 0 : i32
        %dma_start3A_171 = tpu.memref_slice %arg14[%mul3A_169, %dma_start3A_170] : memref<10000x64xf32, #tpu.memory_space<vmem_shared>> -> memref<80x64xf32, #tpu.memory_space<vmem_shared>>
        %dma_start3A_172 = arith.constant 0 : i32
        %dma_start3A_173 = tpu.memref_slice %arg14[%mul3A_169, %dma_start3A_172] : memref<10000x64xf32, #tpu.memory_space<vmem_shared>> -> memref<80x64xf32, #tpu.memory_space<vmem_shared>>
        tpu.enqueue_dma source(%arg11 : memref<80x64xf32, #tpu.memory_space<vmem>>) target(%dma_start3A_173 : memref<80x64xf32, #tpu.memory_space<vmem_shared>>) target_semaphore(%run_scoped3A : memref<!tpu.dma_semaphore, #tpu.memory_space<semaphore_mem>>)
        %dma_wait3A = arith.constant 0 : i32
        %dma_wait3A_174 = tpu.memref_slice %arg14[%mul3A_169, %dma_wait3A] : memref<10000x64xf32, #tpu.memory_space<vmem_shared>> -> memref<80x64xf32, #tpu.memory_space<vmem_shared>>
        %dma_wait3A_175 = arith.constant 0 : i32
        %dma_wait3A_176 = tpu.memref_slice %arg14[%mul3A_169, %dma_wait3A_175] : memref<10000x64xf32, #tpu.memory_space<vmem_shared>> -> memref<80x64xf32, #tpu.memory_space<vmem_shared>>
        tpu.wait_dma2 semaphore(%run_scoped3A : memref<!tpu.dma_semaphore, #tpu.memory_space<semaphore_mem>>) src(%arg11 : memref<80x64xf32, #tpu.memory_space<vmem>>) dst(%dma_wait3A_176 : memref<80x64xf32, #tpu.memory_space<vmem_shared>>)
        tpu.yield
      }) : () -> ()
    } else {
    }
    %broadcast_in_dim3A_66 = arith.constant 1.000000e+00 : f32
    %broadcast_in_dim3A_67 = vector.broadcast %broadcast_in_dim3A_66 : f32 to vector<16xf32>
    %broadcast_in_dim3A_68 = arith.constant 4 : i32
    %broadcast_in_dim3A_69 = vector.broadcast %broadcast_in_dim3A_68 : i32 to vector<16xi32>
    %broadcast_in_dim3A_70 = arith.constant 15 : i32
    %broadcast_in_dim3A_71 = vector.broadcast %broadcast_in_dim3A_70 : i32 to vector<16xi32>
    %add3A_72 = arith.constant 0 : i32
    %add3A_73 = arith.addi %add3A_72, %arg0 : i32
    "tpu.region"() ({
      %run_scoped3A = tpu.sem_alloc : memref<!tpu.dma_semaphore, #tpu.memory_space<semaphore_mem>>
      %dma_start3A_169 = arith.constant 0 : i32
      %dma_start3A_170 = arith.constant 0 : i32
      %dma_start3A_171 = tpu.memref_slice %arg3[%add3A_73, %arg1, %dma_start3A_169, %dma_start3A_170] : memref<2x16x200x100xi32, #tpu.memory_space<hbm>> -> memref<1x1x200x100xi32, #tpu.memory_space<hbm>>
      %dma_start3A_172 = tpu.memref_squeeze %dma_start3A_171 : memref<1x1x200x100xi32, #tpu.memory_space<hbm>> -> memref<200x100xi32, #tpu.memory_space<hbm>>
      %dma_start3A_173 = arith.constant 0 : i32
      %dma_start3A_174 = arith.constant 0 : i32
      %dma_start3A_175 = tpu.memref_slice %arg3[%add3A_73, %arg1, %dma_start3A_173, %dma_start3A_174] : memref<2x16x200x100xi32, #tpu.memory_space<hbm>> -> memref<1x1x200x100xi32, #tpu.memory_space<hbm>>
      %dma_start3A_176 = tpu.memref_squeeze %dma_start3A_175 : memref<1x1x200x100xi32, #tpu.memory_space<hbm>> -> memref<200x100xi32, #tpu.memory_space<hbm>>
      tpu.enqueue_dma source(%dma_start3A_176 : memref<200x100xi32, #tpu.memory_space<hbm>>) target(%arg8 : memref<200x100xi32, #tpu.memory_space<vmem>>) target_semaphore(%run_scoped3A : memref<!tpu.dma_semaphore, #tpu.memory_space<semaphore_mem>>)
      %dma_wait3A = arith.constant 0 : i32
      %dma_wait3A_177 = arith.constant 0 : i32
      %dma_wait3A_178 = tpu.memref_slice %arg3[%add3A_73, %arg1, %dma_wait3A, %dma_wait3A_177] : memref<2x16x200x100xi32, #tpu.memory_space<hbm>> -> memref<1x1x200x100xi32, #tpu.memory_space<hbm>>
      %dma_wait3A_179 = tpu.memref_squeeze %dma_wait3A_178 : memref<1x1x200x100xi32, #tpu.memory_space<hbm>> -> memref<200x100xi32, #tpu.memory_space<hbm>>
      %dma_wait3A_180 = arith.constant 0 : i32
      %dma_wait3A_181 = arith.constant 0 : i32
      %dma_wait3A_182 = tpu.memref_slice %arg3[%add3A_73, %arg1, %dma_wait3A_180, %dma_wait3A_181] : memref<2x16x200x100xi32, #tpu.memory_space<hbm>> -> memref<1x1x200x100xi32, #tpu.memory_space<hbm>>
      %dma_wait3A_183 = tpu.memref_squeeze %dma_wait3A_182 : memref<1x1x200x100xi32, #tpu.memory_space<hbm>> -> memref<200x100xi32, #tpu.memory_space<hbm>>
      tpu.wait_dma2 semaphore(%run_scoped3A : memref<!tpu.dma_semaphore, #tpu.memory_space<semaphore_mem>>) src(%dma_wait3A_183 : memref<200x100xi32, #tpu.memory_space<hbm>>) dst(%arg8 : memref<200x100xi32, #tpu.memory_space<vmem>>)
      tpu.yield
    }) : () -> ()
    %barrier3A = arith.constant 0 : index
    tpu.barrier barrier_id(%barrier3A)
    %dma_start3A = arith.constant 0 : i32
    %dma_start3A_74 = arith.constant 0 : i32
    %dma_start3A_75 = arith.constant 0 : i32
    %dma_start3A_76 = arith.constant 0 : i32
    %dma_start3A_77 = tpu.memref_slice %arg10[%dma_start3A_74, %dma_start3A_75, %dma_start3A_76] : memref<2x100x64xf32, #tpu.memory_space<vmem>> -> memref<1x100x64xf32, #tpu.memory_space<vmem>>
    %dma_start3A_78 = tpu.memref_squeeze %dma_start3A_77 : memref<1x100x64xf32, #tpu.memory_space<vmem>> -> memref<100x64xf32, #tpu.memory_space<vmem>>
    %dma_start3A_79 = arith.constant 0 : i32
    %dma_start3A_80 = tpu.memref_slice %arg8[%dma_start3A, %dma_start3A_79] : memref<200x100xi32, #tpu.memory_space<vmem>> -> memref<1x100xi32, #tpu.memory_space<vmem>>
    %dma_start3A_81 = tpu.memref_squeeze %dma_start3A_80 : memref<1x100xi32, #tpu.memory_space<vmem>> -> memref<100xi32, #tpu.memory_space<vmem>>
    %dma_start3A_82 = arith.constant 0 : i32
    %dma_start3A_83 = arith.constant 0 : i32
    %dma_start3A_84 = tpu.memref_slice %arg2[%dma_start3A_82, %dma_start3A_83] : memref<20000x64xf32, #tpu.memory_space<hbm>> -> memref<20000x64xf32, #tpu.memory_space<hbm>>
    tpu.enqueue_indirect_dma source(%dma_start3A_84 : memref<20000x64xf32, #tpu.memory_space<hbm>>) target(%dma_start3A_78 : memref<100x64xf32, #tpu.memory_space<vmem>>) offsets(%dma_start3A_81 : memref<100xi32, #tpu.memory_space<vmem>>) semaphore(%arg15 : memref<!tpu.dma_semaphore, #tpu.memory_space<semaphore_mem>>)
    %dma_start3A_85 = arith.constant 1 : i32
    %dma_start3A_86 = arith.constant 1 : i32
    %dma_start3A_87 = arith.constant 0 : i32
    %dma_start3A_88 = arith.constant 0 : i32
    %dma_start3A_89 = tpu.memref_slice %arg10[%dma_start3A_86, %dma_start3A_87, %dma_start3A_88] : memref<2x100x64xf32, #tpu.memory_space<vmem>> -> memref<1x100x64xf32, #tpu.memory_space<vmem>>
    %dma_start3A_90 = tpu.memref_squeeze %dma_start3A_89 : memref<1x100x64xf32, #tpu.memory_space<vmem>> -> memref<100x64xf32, #tpu.memory_space<vmem>>
    %dma_start3A_91 = arith.constant 0 : i32
    %dma_start3A_92 = tpu.memref_slice %arg8[%dma_start3A_85, %dma_start3A_91] : memref<200x100xi32, #tpu.memory_space<vmem>> -> memref<1x100xi32, #tpu.memory_space<vmem>>
    %dma_start3A_93 = tpu.memref_squeeze %dma_start3A_92 : memref<1x100xi32, #tpu.memory_space<vmem>> -> memref<100xi32, #tpu.memory_space<vmem>>
    %dma_start3A_94 = arith.constant 0 : i32
    %dma_start3A_95 = arith.constant 0 : i32
    %dma_start3A_96 = tpu.memref_slice %arg2[%dma_start3A_94, %dma_start3A_95] : memref<20000x64xf32, #tpu.memory_space<hbm>> -> memref<20000x64xf32, #tpu.memory_space<hbm>>
    tpu.enqueue_indirect_dma source(%dma_start3A_96 : memref<20000x64xf32, #tpu.memory_space<hbm>>) target(%dma_start3A_90 : memref<100x64xf32, #tpu.memory_space<vmem>>) offsets(%dma_start3A_93 : memref<100xi32, #tpu.memory_space<vmem>>) semaphore(%arg16 : memref<!tpu.dma_semaphore, #tpu.memory_space<semaphore_mem>>)
    %scan3A_97 = arith.constant 0 : i32
    %scan3A_98 = arith.constant 0 : i32
    %scan3A_99 = arith.constant 100 : i32
    %scan3A_100 = arith.addi %scan3A_98, %scan3A_99 : i32
    %scan3A_101 = arith.constant 1 : i32
    scf.for %scan3A_169 = %scan3A_98 to %scan3A_100 step %scan3A_101  : i32 {
      %mul3A = arith.constant 2 : i32
      %mul3A_170 = arith.muli %mul3A, %scan3A_169 : i32
      %add3A_171 = arith.constant 0 : i32
      %add3A_172 = arith.addi %mul3A_170, %add3A_171 : i32
      %dma_wait3A = arith.constant 0 : i32
      %dma_wait3A_173 = arith.constant 0 : i32
      %dma_wait3A_174 = arith.constant 0 : i32
      %dma_wait3A_175 = tpu.memref_slice %arg10[%dma_wait3A, %dma_wait3A_173, %dma_wait3A_174] : memref<2x100x64xf32, #tpu.memory_space<vmem>> -> memref<1x100x64xf32, #tpu.memory_space<vmem>>
      %dma_wait3A_176 = tpu.memref_squeeze %dma_wait3A_175 : memref<1x100x64xf32, #tpu.memory_space<vmem>> -> memref<100x64xf32, #tpu.memory_space<vmem>>
      %dma_wait3A_177 = arith.constant 0 : i32
      %dma_wait3A_178 = tpu.memref_slice %arg8[%add3A_172, %dma_wait3A_177] : memref<200x100xi32, #tpu.memory_space<vmem>> -> memref<1x100xi32, #tpu.memory_space<vmem>>
      %dma_wait3A_179 = tpu.memref_squeeze %dma_wait3A_178 : memref<1x100xi32, #tpu.memory_space<vmem>> -> memref<100xi32, #tpu.memory_space<vmem>>
      %dma_wait3A_180 = arith.constant 0 : i32
      %dma_wait3A_181 = arith.constant 0 : i32
      %dma_wait3A_182 = tpu.memref_slice %arg2[%dma_wait3A_180, %dma_wait3A_181] : memref<20000x64xf32, #tpu.memory_space<hbm>> -> memref<20000x64xf32, #tpu.memory_space<hbm>>
      tpu.wait_indirect_dma semaphore(%arg15 : memref<!tpu.dma_semaphore, #tpu.memory_space<semaphore_mem>>) src(%dma_wait3A_182 : memref<20000x64xf32, #tpu.memory_space<hbm>>) dst(%dma_wait3A_176 : memref<100x64xf32, #tpu.memory_space<vmem>>)
      %run_scoped3A = arith.constant 0 : i32
      "tpu.region"() ({
        %run_scoped3A_223 = tpu.sem_alloc : memref<!tpu.dma_semaphore, #tpu.memory_space<semaphore_mem>>
        %dma_start3A_224 = arith.constant 0 : i32
        %dma_start3A_225 = arith.constant 0 : i32
        %dma_start3A_226 = tpu.memref_slice %arg10[%run_scoped3A, %dma_start3A_224, %dma_start3A_225] : memref<2x100x64xf32, #tpu.memory_space<vmem>> -> memref<1x100x64xf32, #tpu.memory_space<vmem>>
        %dma_start3A_227 = tpu.memref_squeeze %dma_start3A_226 : memref<1x100x64xf32, #tpu.memory_space<vmem>> -> memref<100x64xf32, #tpu.memory_space<vmem>>
        %dma_start3A_228 = arith.constant 0 : i32
        %dma_start3A_229 = tpu.memref_slice %arg9[%add3A_172, %dma_start3A_228] : memref<200x100xi32, #tpu.memory_space<vmem>> -> memref<1x100xi32, #tpu.memory_space<vmem>>
        %dma_start3A_230 = tpu.memref_squeeze %dma_start3A_229 : memref<1x100xi32, #tpu.memory_space<vmem>> -> memref<100xi32, #tpu.memory_space<vmem>>
        %dma_start3A_231 = arith.constant 0 : i32
        %dma_start3A_232 = arith.constant 0 : i32
        %dma_start3A_233 = tpu.memref_slice %arg14[%dma_start3A_231, %dma_start3A_232] : memref<10000x64xf32, #tpu.memory_space<vmem_shared>> -> memref<10000x64xf32, #tpu.memory_space<vmem_shared>>
        tpu.enqueue_indirect_dma source(%dma_start3A_227 : memref<100x64xf32, #tpu.memory_space<vmem>>) target(%dma_start3A_233 : memref<10000x64xf32, #tpu.memory_space<vmem_shared>>) offsets(%dma_start3A_230 : memref<100xi32, #tpu.memory_space<vmem>>) semaphore(%run_scoped3A_223 : memref<!tpu.dma_semaphore, #tpu.memory_space<semaphore_mem>>) {add = true}
        %dma_wait3A_234 = arith.constant 0 : i32
        %dma_wait3A_235 = arith.constant 0 : i32
        %dma_wait3A_236 = tpu.memref_slice %arg10[%run_scoped3A, %dma_wait3A_234, %dma_wait3A_235] : memref<2x100x64xf32, #tpu.memory_space<vmem>> -> memref<1x100x64xf32, #tpu.memory_space<vmem>>
        %dma_wait3A_237 = tpu.memref_squeeze %dma_wait3A_236 : memref<1x100x64xf32, #tpu.memory_space<vmem>> -> memref<100x64xf32, #tpu.memory_space<vmem>>
        %dma_wait3A_238 = arith.constant 0 : i32
        %dma_wait3A_239 = tpu.memref_slice %arg9[%add3A_172, %dma_wait3A_238] : memref<200x100xi32, #tpu.memory_space<vmem>> -> memref<1x100xi32, #tpu.memory_space<vmem>>
        %dma_wait3A_240 = tpu.memref_squeeze %dma_wait3A_239 : memref<1x100xi32, #tpu.memory_space<vmem>> -> memref<100xi32, #tpu.memory_space<vmem>>
        %dma_wait3A_241 = arith.constant 0 : i32
        %dma_wait3A_242 = arith.constant 0 : i32
        %dma_wait3A_243 = tpu.memref_slice %arg14[%dma_wait3A_241, %dma_wait3A_242] : memref<10000x64xf32, #tpu.memory_space<vmem_shared>> -> memref<10000x64xf32, #tpu.memory_space<vmem_shared>>
        tpu.wait_indirect_dma semaphore(%run_scoped3A_223 : memref<!tpu.dma_semaphore, #tpu.memory_space<semaphore_mem>>) src(%dma_wait3A_237 : memref<100x64xf32, #tpu.memory_space<vmem>>) dst(%dma_wait3A_243 : memref<10000x64xf32, #tpu.memory_space<vmem_shared>>)
        tpu.yield
      }) : () -> ()
      %eq3A_183 = arith.constant 0 : i32
      %eq3A_184 = arith.cmpi eq, %arg0, %eq3A_183 : i32
      %convert_element_type3A_185 = arith.extui %eq3A_184 : i1 to i32
      %cond3A_186 = arith.constant 0 : i32
      %cond3A_187 = arith.cmpi ne, %convert_element_type3A_185, %cond3A_186 : i32
      scf.if %cond3A_187 {
        %mul3A_223 = arith.constant 6 : i32
        %mul3A_224 = arith.muli %mul3A_223, %add3A_172 : i32
        %add3A_225 = arith.constant 0 : i32
        %add3A_226 = arith.addi %mul3A_224, %add3A_225 : i32
        %get3A = arith.index_cast %add3A_226 : i32 to index
        %get3A_227 = arith.constant 0 : index
        %get3A_228 = tpu.vector_load %arg12[%get3A, %get3A_227] {strides = array<i32>} : memref<1250x16xi32, #tpu.memory_space<vmem>>, vector<16xi32>,
        %shift_right_logical3A = arith.shrui %get3A_228, %broadcast_in_dim3A_69 : vector<16xi32>
        %and3A = arith.andi %get3A_228, %broadcast_in_dim3A_71 : vector<16xi32>
        tpu.vector_store_idx %arg13[%shift_right_logical3A, %and3A], %broadcast_in_dim3A_67 {add = true} : memref<625x16xf32, #tpu.memory_space<vmem>>[vector<16xi32>, vector<16xi32>], vector<16xf32>,
        %mul3A_229 = arith.constant 6 : i32
        %mul3A_230 = arith.muli %mul3A_229, %add3A_172 : i32
        %add3A_231 = arith.constant 1 : i32
        %add3A_232 = arith.addi %mul3A_230, %add3A_231 : i32
        %get3A_233 = arith.index_cast %add3A_232 : i32 to index
        %get3A_234 = arith.constant 0 : index
        %get3A_235 = tpu.vector_load %arg12[%get3A_233, %get3A_234] {strides = array<i32>} : memref<1250x16xi32, #tpu.memory_space<vmem>>, vector<16xi32>,
        %shift_right_logical3A_236 = arith.shrui %get3A_235, %broadcast_in_dim3A_69 : vector<16xi32>
        %and3A_237 = arith.andi %get3A_235, %broadcast_in_dim3A_71 : vector<16xi32>
        tpu.vector_store_idx %arg13[%shift_right_logical3A_236, %and3A_237], %broadcast_in_dim3A_67 {add = true} : memref<625x16xf32, #tpu.memory_space<vmem>>[vector<16xi32>, vector<16xi32>], vector<16xf32>,
        %mul3A_238 = arith.constant 6 : i32
        %mul3A_239 = arith.muli %mul3A_238, %add3A_172 : i32
        %add3A_240 = arith.constant 2 : i32
        %add3A_241 = arith.addi %mul3A_239, %add3A_240 : i32
        %get3A_242 = arith.index_cast %add3A_241 : i32 to index
        %get3A_243 = arith.constant 0 : index
        %get3A_244 = tpu.vector_load %arg12[%get3A_242, %get3A_243] {strides = array<i32>} : memref<1250x16xi32, #tpu.memory_space<vmem>>, vector<16xi32>,
        %shift_right_logical3A_245 = arith.shrui %get3A_244, %broadcast_in_dim3A_69 : vector<16xi32>
        %and3A_246 = arith.andi %get3A_244, %broadcast_in_dim3A_71 : vector<16xi32>
        tpu.vector_store_idx %arg13[%shift_right_logical3A_245, %and3A_246], %broadcast_in_dim3A_67 {add = true} : memref<625x16xf32, #tpu.memory_space<vmem>>[vector<16xi32>, vector<16xi32>], vector<16xf32>,
        %mul3A_247 = arith.constant 6 : i32
        %mul3A_248 = arith.muli %mul3A_247, %add3A_172 : i32
        %add3A_249 = arith.constant 3 : i32
        %add3A_250 = arith.addi %mul3A_248, %add3A_249 : i32
        %get3A_251 = arith.index_cast %add3A_250 : i32 to index
        %get3A_252 = arith.constant 0 : index
        %get3A_253 = tpu.vector_load %arg12[%get3A_251, %get3A_252] {strides = array<i32>} : memref<1250x16xi32, #tpu.memory_space<vmem>>, vector<16xi32>,
        %shift_right_logical3A_254 = arith.shrui %get3A_253, %broadcast_in_dim3A_69 : vector<16xi32>
        %and3A_255 = arith.andi %get3A_253, %broadcast_in_dim3A_71 : vector<16xi32>
        tpu.vector_store_idx %arg13[%shift_right_logical3A_254, %and3A_255], %broadcast_in_dim3A_67 {add = true} : memref<625x16xf32, #tpu.memory_space<vmem>>[vector<16xi32>, vector<16xi32>], vector<16xf32>,
        %mul3A_256 = arith.constant 6 : i32
        %mul3A_257 = arith.muli %mul3A_256, %add3A_172 : i32
        %add3A_258 = arith.constant 4 : i32
        %add3A_259 = arith.addi %mul3A_257, %add3A_258 : i32
        %get3A_260 = arith.index_cast %add3A_259 : i32 to index
        %get3A_261 = arith.constant 0 : index
        %get3A_262 = tpu.vector_load %arg12[%get3A_260, %get3A_261] {strides = array<i32>} : memref<1250x16xi32, #tpu.memory_space<vmem>>, vector<16xi32>,
        %shift_right_logical3A_263 = arith.shrui %get3A_262, %broadcast_in_dim3A_69 : vector<16xi32>
        %and3A_264 = arith.andi %get3A_262, %broadcast_in_dim3A_71 : vector<16xi32>
        tpu.vector_store_idx %arg13[%shift_right_logical3A_263, %and3A_264], %broadcast_in_dim3A_67 {add = true} : memref<625x16xf32, #tpu.memory_space<vmem>>[vector<16xi32>, vector<16xi32>], vector<16xf32>,
        %mul3A_265 = arith.constant 6 : i32
        %mul3A_266 = arith.muli %mul3A_265, %add3A_172 : i32
        %add3A_267 = arith.constant 5 : i32
        %add3A_268 = arith.addi %mul3A_266, %add3A_267 : i32
        %get3A_269 = arith.index_cast %add3A_268 : i32 to index
        %get3A_270 = arith.constant 0 : index
        %get3A_271 = tpu.vector_load %arg12[%get3A_269, %get3A_270] {strides = array<i32>} : memref<1250x16xi32, #tpu.memory_space<vmem>>, vector<16xi32>,
        %shift_right_logical3A_272 = arith.shrui %get3A_271, %broadcast_in_dim3A_69 : vector<16xi32>
        %and3A_273 = arith.andi %get3A_271, %broadcast_in_dim3A_71 : vector<16xi32>
        tpu.vector_store_idx %arg13[%shift_right_logical3A_272, %and3A_273], %broadcast_in_dim3A_67 {add = true} : memref<625x16xf32, #tpu.memory_space<vmem>>[vector<16xi32>, vector<16xi32>], vector<16xf32>,
      } else {
      }
      %add3A_188 = arith.constant 2 : i32
      %add3A_189 = arith.addi %add3A_172, %add3A_188 : i32
      %lt3A_190 = arith.constant 200 : i32
      %lt3A_191 = arith.cmpi slt, %add3A_189, %lt3A_190 : i32
      %convert_element_type3A_192 = arith.extui %lt3A_191 : i1 to i32
      %cond3A_193 = arith.constant 0 : i32
      %cond3A_194 = arith.cmpi ne, %convert_element_type3A_192, %cond3A_193 : i32
      scf.if %cond3A_194 {
        %add3A_223 = arith.constant 2 : i32
        %add3A_224 = arith.addi %add3A_172, %add3A_223 : i32
        %dma_start3A_225 = arith.constant 0 : i32
        %dma_start3A_226 = arith.constant 0 : i32
        %dma_start3A_227 = arith.constant 0 : i32
        %dma_start3A_228 = tpu.memref_slice %arg10[%dma_start3A_225, %dma_start3A_226, %dma_start3A_227] : memref<2x100x64xf32, #tpu.memory_space<vmem>> -> memref<1x100x64xf32, #tpu.memory_space<vmem>>
        %dma_start3A_229 = tpu.memref_squeeze %dma_start3A_228 : memref<1x100x64xf32, #tpu.memory_space<vmem>> -> memref<100x64xf32, #tpu.memory_space<vmem>>
        %dma_start3A_230 = arith.constant 0 : i32
        %dma_start3A_231 = tpu.memref_slice %arg8[%add3A_224, %dma_start3A_230] : memref<200x100xi32, #tpu.memory_space<vmem>> -> memref<1x100xi32, #tpu.memory_space<vmem>>
        %dma_start3A_232 = tpu.memref_squeeze %dma_start3A_231 : memref<1x100xi32, #tpu.memory_space<vmem>> -> memref<100xi32, #tpu.memory_space<vmem>>
        %dma_start3A_233 = arith.constant 0 : i32
        %dma_start3A_234 = arith.constant 0 : i32
        %dma_start3A_235 = tpu.memref_slice %arg2[%dma_start3A_233, %dma_start3A_234] : memref<20000x64xf32, #tpu.memory_space<hbm>> -> memref<20000x64xf32, #tpu.memory_space<hbm>>
        tpu.enqueue_indirect_dma source(%dma_start3A_235 : memref<20000x64xf32, #tpu.memory_space<hbm>>) target(%dma_start3A_229 : memref<100x64xf32, #tpu.memory_space<vmem>>) offsets(%dma_start3A_232 : memref<100xi32, #tpu.memory_space<vmem>>) semaphore(%arg15 : memref<!tpu.dma_semaphore, #tpu.memory_space<semaphore_mem>>)
      } else {
      }
      %mul3A_195 = arith.constant 2 : i32
      %mul3A_196 = arith.muli %mul3A_195, %scan3A_169 : i32
      %add3A_197 = arith.constant 1 : i32
      %add3A_198 = arith.addi %mul3A_196, %add3A_197 : i32
      %dma_wait3A_199 = arith.constant 1 : i32
      %dma_wait3A_200 = arith.constant 0 : i32
      %dma_wait3A_201 = arith.constant 0 : i32
      %dma_wait3A_202 = tpu.memref_slice %arg10[%dma_wait3A_199, %dma_wait3A_200, %dma_wait3A_201] : memref<2x100x64xf32, #tpu.memory_space<vmem>> -> memref<1x100x64xf32, #tpu.memory_space<vmem>>
      %dma_wait3A_203 = tpu.memref_squeeze %dma_wait3A_202 : memref<1x100x64xf32, #tpu.memory_space<vmem>> -> memref<100x64xf32, #tpu.memory_space<vmem>>
      %dma_wait3A_204 = arith.constant 0 : i32
      %dma_wait3A_205 = tpu.memref_slice %arg8[%add3A_198, %dma_wait3A_204] : memref<200x100xi32, #tpu.memory_space<vmem>> -> memref<1x100xi32, #tpu.memory_space<vmem>>
      %dma_wait3A_206 = tpu.memref_squeeze %dma_wait3A_205 : memref<1x100xi32, #tpu.memory_space<vmem>> -> memref<100xi32, #tpu.memory_space<vmem>>
      %dma_wait3A_207 = arith.constant 0 : i32
      %dma_wait3A_208 = arith.constant 0 : i32
      %dma_wait3A_209 = tpu.memref_slice %arg2[%dma_wait3A_207, %dma_wait3A_208] : memref<20000x64xf32, #tpu.memory_space<hbm>> -> memref<20000x64xf32, #tpu.memory_space<hbm>>
      tpu.wait_indirect_dma semaphore(%arg16 : memref<!tpu.dma_semaphore, #tpu.memory_space<semaphore_mem>>) src(%dma_wait3A_209 : memref<20000x64xf32, #tpu.memory_space<hbm>>) dst(%dma_wait3A_203 : memref<100x64xf32, #tpu.memory_space<vmem>>)
      %run_scoped3A_210 = arith.constant 1 : i32
      "tpu.region"() ({
        %run_scoped3A_223 = tpu.sem_alloc : memref<!tpu.dma_semaphore, #tpu.memory_space<semaphore_mem>>
        %dma_start3A_224 = arith.constant 0 : i32
        %dma_start3A_225 = arith.constant 0 : i32
        %dma_start3A_226 = tpu.memref_slice %arg10[%run_scoped3A_210, %dma_start3A_224, %dma_start3A_225] : memref<2x100x64xf32, #tpu.memory_space<vmem>> -> memref<1x100x64xf32, #tpu.memory_space<vmem>>
        %dma_start3A_227 = tpu.memref_squeeze %dma_start3A_226 : memref<1x100x64xf32, #tpu.memory_space<vmem>> -> memref<100x64xf32, #tpu.memory_space<vmem>>
        %dma_start3A_228 = arith.constant 0 : i32
        %dma_start3A_229 = tpu.memref_slice %arg9[%add3A_198, %dma_start3A_228] : memref<200x100xi32, #tpu.memory_space<vmem>> -> memref<1x100xi32, #tpu.memory_space<vmem>>
        %dma_start3A_230 = tpu.memref_squeeze %dma_start3A_229 : memref<1x100xi32, #tpu.memory_space<vmem>> -> memref<100xi32, #tpu.memory_space<vmem>>
        %dma_start3A_231 = arith.constant 0 : i32
        %dma_start3A_232 = arith.constant 0 : i32
        %dma_start3A_233 = tpu.memref_slice %arg14[%dma_start3A_231, %dma_start3A_232] : memref<10000x64xf32, #tpu.memory_space<vmem_shared>> -> memref<10000x64xf32, #tpu.memory_space<vmem_shared>>
        tpu.enqueue_indirect_dma source(%dma_start3A_227 : memref<100x64xf32, #tpu.memory_space<vmem>>) target(%dma_start3A_233 : memref<10000x64xf32, #tpu.memory_space<vmem_shared>>) offsets(%dma_start3A_230 : memref<100xi32, #tpu.memory_space<vmem>>) semaphore(%run_scoped3A_223 : memref<!tpu.dma_semaphore, #tpu.memory_space<semaphore_mem>>) {add = true}
        %dma_wait3A_234 = arith.constant 0 : i32
        %dma_wait3A_235 = arith.constant 0 : i32
        %dma_wait3A_236 = tpu.memref_slice %arg10[%run_scoped3A_210, %dma_wait3A_234, %dma_wait3A_235] : memref<2x100x64xf32, #tpu.memory_space<vmem>> -> memref<1x100x64xf32, #tpu.memory_space<vmem>>
        %dma_wait3A_237 = tpu.memref_squeeze %dma_wait3A_236 : memref<1x100x64xf32, #tpu.memory_space<vmem>> -> memref<100x64xf32, #tpu.memory_space<vmem>>
        %dma_wait3A_238 = arith.constant 0 : i32
        %dma_wait3A_239 = tpu.memref_slice %arg9[%add3A_198, %dma_wait3A_238] : memref<200x100xi32, #tpu.memory_space<vmem>> -> memref<1x100xi32, #tpu.memory_space<vmem>>
        %dma_wait3A_240 = tpu.memref_squeeze %dma_wait3A_239 : memref<1x100xi32, #tpu.memory_space<vmem>> -> memref<100xi32, #tpu.memory_space<vmem>>
        %dma_wait3A_241 = arith.constant 0 : i32
        %dma_wait3A_242 = arith.constant 0 : i32
        %dma_wait3A_243 = tpu.memref_slice %arg14[%dma_wait3A_241, %dma_wait3A_242] : memref<10000x64xf32, #tpu.memory_space<vmem_shared>> -> memref<10000x64xf32, #tpu.memory_space<vmem_shared>>
        tpu.wait_indirect_dma semaphore(%run_scoped3A_223 : memref<!tpu.dma_semaphore, #tpu.memory_space<semaphore_mem>>) src(%dma_wait3A_237 : memref<100x64xf32, #tpu.memory_space<vmem>>) dst(%dma_wait3A_243 : memref<10000x64xf32, #tpu.memory_space<vmem_shared>>)
        tpu.yield
      }) : () -> ()
      %eq3A_211 = arith.constant 0 : i32
      %eq3A_212 = arith.cmpi eq, %arg0, %eq3A_211 : i32
      %convert_element_type3A_213 = arith.extui %eq3A_212 : i1 to i32
      %cond3A_214 = arith.constant 0 : i32
      %cond3A_215 = arith.cmpi ne, %convert_element_type3A_213, %cond3A_214 : i32
      scf.if %cond3A_215 {
        %mul3A_223 = arith.constant 6 : i32
        %mul3A_224 = arith.muli %mul3A_223, %add3A_198 : i32
        %add3A_225 = arith.constant 0 : i32
        %add3A_226 = arith.addi %mul3A_224, %add3A_225 : i32
        %get3A = arith.index_cast %add3A_226 : i32 to index
        %get3A_227 = arith.constant 0 : index
        %get3A_228 = tpu.vector_load %arg12[%get3A, %get3A_227] {strides = array<i32>} : memref<1250x16xi32, #tpu.memory_space<vmem>>, vector<16xi32>,
        %shift_right_logical3A = arith.shrui %get3A_228, %broadcast_in_dim3A_69 : vector<16xi32>
        %and3A = arith.andi %get3A_228, %broadcast_in_dim3A_71 : vector<16xi32>
        tpu.vector_store_idx %arg13[%shift_right_logical3A, %and3A], %broadcast_in_dim3A_67 {add = true} : memref<625x16xf32, #tpu.memory_space<vmem>>[vector<16xi32>, vector<16xi32>], vector<16xf32>,
        %mul3A_229 = arith.constant 6 : i32
        %mul3A_230 = arith.muli %mul3A_229, %add3A_198 : i32
        %add3A_231 = arith.constant 1 : i32
        %add3A_232 = arith.addi %mul3A_230, %add3A_231 : i32
        %get3A_233 = arith.index_cast %add3A_232 : i32 to index
        %get3A_234 = arith.constant 0 : index
        %get3A_235 = tpu.vector_load %arg12[%get3A_233, %get3A_234] {strides = array<i32>} : memref<1250x16xi32, #tpu.memory_space<vmem>>, vector<16xi32>,
        %shift_right_logical3A_236 = arith.shrui %get3A_235, %broadcast_in_dim3A_69 : vector<16xi32>
        %and3A_237 = arith.andi %get3A_235, %broadcast_in_dim3A_71 : vector<16xi32>
        tpu.vector_store_idx %arg13[%shift_right_logical3A_236, %and3A_237], %broadcast_in_dim3A_67 {add = true} : memref<625x16xf32, #tpu.memory_space<vmem>>[vector<16xi32>, vector<16xi32>], vector<16xf32>,
        %mul3A_238 = arith.constant 6 : i32
        %mul3A_239 = arith.muli %mul3A_238, %add3A_198 : i32
        %add3A_240 = arith.constant 2 : i32
        %add3A_241 = arith.addi %mul3A_239, %add3A_240 : i32
        %get3A_242 = arith.index_cast %add3A_241 : i32 to index
        %get3A_243 = arith.constant 0 : index
        %get3A_244 = tpu.vector_load %arg12[%get3A_242, %get3A_243] {strides = array<i32>} : memref<1250x16xi32, #tpu.memory_space<vmem>>, vector<16xi32>,
        %shift_right_logical3A_245 = arith.shrui %get3A_244, %broadcast_in_dim3A_69 : vector<16xi32>
        %and3A_246 = arith.andi %get3A_244, %broadcast_in_dim3A_71 : vector<16xi32>
        tpu.vector_store_idx %arg13[%shift_right_logical3A_245, %and3A_246], %broadcast_in_dim3A_67 {add = true} : memref<625x16xf32, #tpu.memory_space<vmem>>[vector<16xi32>, vector<16xi32>], vector<16xf32>,
        %mul3A_247 = arith.constant 6 : i32
        %mul3A_248 = arith.muli %mul3A_247, %add3A_198 : i32
        %add3A_249 = arith.constant 3 : i32
        %add3A_250 = arith.addi %mul3A_248, %add3A_249 : i32
        %get3A_251 = arith.index_cast %add3A_250 : i32 to index
        %get3A_252 = arith.constant 0 : index
        %get3A_253 = tpu.vector_load %arg12[%get3A_251, %get3A_252] {strides = array<i32>} : memref<1250x16xi32, #tpu.memory_space<vmem>>, vector<16xi32>,
        %shift_right_logical3A_254 = arith.shrui %get3A_253, %broadcast_in_dim3A_69 : vector<16xi32>
        %and3A_255 = arith.andi %get3A_253, %broadcast_in_dim3A_71 : vector<16xi32>
        tpu.vector_store_idx %arg13[%shift_right_logical3A_254, %and3A_255], %broadcast_in_dim3A_67 {add = true} : memref<625x16xf32, #tpu.memory_space<vmem>>[vector<16xi32>, vector<16xi32>], vector<16xf32>,
        %mul3A_256 = arith.constant 6 : i32
        %mul3A_257 = arith.muli %mul3A_256, %add3A_198 : i32
        %add3A_258 = arith.constant 4 : i32
        %add3A_259 = arith.addi %mul3A_257, %add3A_258 : i32
        %get3A_260 = arith.index_cast %add3A_259 : i32 to index
        %get3A_261 = arith.constant 0 : index
        %get3A_262 = tpu.vector_load %arg12[%get3A_260, %get3A_261] {strides = array<i32>} : memref<1250x16xi32, #tpu.memory_space<vmem>>, vector<16xi32>,
        %shift_right_logical3A_263 = arith.shrui %get3A_262, %broadcast_in_dim3A_69 : vector<16xi32>
        %and3A_264 = arith.andi %get3A_262, %broadcast_in_dim3A_71 : vector<16xi32>
        tpu.vector_store_idx %arg13[%shift_right_logical3A_263, %and3A_264], %broadcast_in_dim3A_67 {add = true} : memref<625x16xf32, #tpu.memory_space<vmem>>[vector<16xi32>, vector<16xi32>], vector<16xf32>,
        %mul3A_265 = arith.constant 6 : i32
        %mul3A_266 = arith.muli %mul3A_265, %add3A_198 : i32
        %add3A_267 = arith.constant 5 : i32
        %add3A_268 = arith.addi %mul3A_266, %add3A_267 : i32
        %get3A_269 = arith.index_cast %add3A_268 : i32 to index
        %get3A_270 = arith.constant 0 : index
        %get3A_271 = tpu.vector_load %arg12[%get3A_269, %get3A_270] {strides = array<i32>} : memref<1250x16xi32, #tpu.memory_space<vmem>>, vector<16xi32>,
        %shift_right_logical3A_272 = arith.shrui %get3A_271, %broadcast_in_dim3A_69 : vector<16xi32>
        %and3A_273 = arith.andi %get3A_271, %broadcast_in_dim3A_71 : vector<16xi32>
        tpu.vector_store_idx %arg13[%shift_right_logical3A_272, %and3A_273], %broadcast_in_dim3A_67 {add = true} : memref<625x16xf32, #tpu.memory_space<vmem>>[vector<16xi32>, vector<16xi32>], vector<16xf32>,
      } else {
      }
      %add3A_216 = arith.constant 2 : i32
      %add3A_217 = arith.addi %add3A_198, %add3A_216 : i32
      %lt3A_218 = arith.constant 200 : i32
      %lt3A_219 = arith.cmpi slt, %add3A_217, %lt3A_218 : i32
      %convert_element_type3A_220 = arith.extui %lt3A_219 : i1 to i32
      %cond3A_221 = arith.constant 0 : i32
      %cond3A_222 = arith.cmpi ne, %convert_element_type3A_220, %cond3A_221 : i32
      scf.if %cond3A_222 {
        %add3A_223 = arith.constant 2 : i32
        %add3A_224 = arith.addi %add3A_198, %add3A_223 : i32
        %dma_start3A_225 = arith.constant 1 : i32
        %dma_start3A_226 = arith.constant 0 : i32
        %dma_start3A_227 = arith.constant 0 : i32
        %dma_start3A_228 = tpu.memref_slice %arg10[%dma_start3A_225, %dma_start3A_226, %dma_start3A_227] : memref<2x100x64xf32, #tpu.memory_space<vmem>> -> memref<1x100x64xf32, #tpu.memory_space<vmem>>
        %dma_start3A_229 = tpu.memref_squeeze %dma_start3A_228 : memref<1x100x64xf32, #tpu.memory_space<vmem>> -> memref<100x64xf32, #tpu.memory_space<vmem>>
        %dma_start3A_230 = arith.constant 0 : i32
        %dma_start3A_231 = tpu.memref_slice %arg8[%add3A_224, %dma_start3A_230] : memref<200x100xi32, #tpu.memory_space<vmem>> -> memref<1x100xi32, #tpu.memory_space<vmem>>
        %dma_start3A_232 = tpu.memref_squeeze %dma_start3A_231 : memref<1x100xi32, #tpu.memory_space<vmem>> -> memref<100xi32, #tpu.memory_space<vmem>>
        %dma_start3A_233 = arith.constant 0 : i32
        %dma_start3A_234 = arith.constant 0 : i32
        %dma_start3A_235 = tpu.memref_slice %arg2[%dma_start3A_233, %dma_start3A_234] : memref<20000x64xf32, #tpu.memory_space<hbm>> -> memref<20000x64xf32, #tpu.memory_space<hbm>>
        tpu.enqueue_indirect_dma source(%dma_start3A_235 : memref<20000x64xf32, #tpu.memory_space<hbm>>) target(%dma_start3A_229 : memref<100x64xf32, #tpu.memory_space<vmem>>) offsets(%dma_start3A_232 : memref<100xi32, #tpu.memory_space<vmem>>) semaphore(%arg16 : memref<!tpu.dma_semaphore, #tpu.memory_space<semaphore_mem>>)
      } else {
      }
    }
    %scan3A_102 = arith.constant 100 : i32
    %eq3A = arith.constant 0 : i32
    %eq3A_103 = arith.cmpi eq, %arg0, %eq3A : i32
    %convert_element_type3A_104 = arith.extui %eq3A_103 : i1 to i32
    %cond3A_105 = arith.constant 0 : i32
    %cond3A_106 = arith.cmpi ne, %convert_element_type3A_104, %cond3A_105 : i32
    scf.if %cond3A_106 {
      %get3A = arith.constant 1200 : i32
      %get3A_169 = arith.index_cast %get3A : i32 to index
      %get3A_170 = arith.constant 0 : index
      %get3A_171 = tpu.vector_load %arg12[%get3A_169, %get3A_170] {strides = array<i32>} : memref<1250x16xi32, #tpu.memory_space<vmem>>, vector<16xi32>,
      %shift_right_logical3A = arith.shrui %get3A_171, %broadcast_in_dim3A_69 : vector<16xi32>
      %and3A = arith.andi %get3A_171, %broadcast_in_dim3A_71 : vector<16xi32>
      tpu.vector_store_idx %arg13[%shift_right_logical3A, %and3A], %broadcast_in_dim3A_67 {add = true} : memref<625x16xf32, #tpu.memory_space<vmem>>[vector<16xi32>, vector<16xi32>], vector<16xf32>,
      %get3A_172 = arith.constant 1201 : i32
      %get3A_173 = arith.index_cast %get3A_172 : i32 to index
      %get3A_174 = arith.constant 0 : index
      %get3A_175 = tpu.vector_load %arg12[%get3A_173, %get3A_174] {strides = array<i32>} : memref<1250x16xi32, #tpu.memory_space<vmem>>, vector<16xi32>,
      %shift_right_logical3A_176 = arith.shrui %get3A_175, %broadcast_in_dim3A_69 : vector<16xi32>
      %and3A_177 = arith.andi %get3A_175, %broadcast_in_dim3A_71 : vector<16xi32>
      tpu.vector_store_idx %arg13[%shift_right_logical3A_176, %and3A_177], %broadcast_in_dim3A_67 {add = true} : memref<625x16xf32, #tpu.memory_space<vmem>>[vector<16xi32>, vector<16xi32>], vector<16xf32>,
      %get3A_178 = arith.constant 1202 : i32
      %get3A_179 = arith.index_cast %get3A_178 : i32 to index
      %get3A_180 = arith.constant 0 : index
      %get3A_181 = tpu.vector_load %arg12[%get3A_179, %get3A_180] {strides = array<i32>} : memref<1250x16xi32, #tpu.memory_space<vmem>>, vector<16xi32>,
      %shift_right_logical3A_182 = arith.shrui %get3A_181, %broadcast_in_dim3A_69 : vector<16xi32>
      %and3A_183 = arith.andi %get3A_181, %broadcast_in_dim3A_71 : vector<16xi32>
      tpu.vector_store_idx %arg13[%shift_right_logical3A_182, %and3A_183], %broadcast_in_dim3A_67 {add = true} : memref<625x16xf32, #tpu.memory_space<vmem>>[vector<16xi32>, vector<16xi32>], vector<16xf32>,
      %get3A_184 = arith.constant 1203 : i32
      %get3A_185 = arith.index_cast %get3A_184 : i32 to index
      %get3A_186 = arith.constant 0 : index
      %get3A_187 = tpu.vector_load %arg12[%get3A_185, %get3A_186] {strides = array<i32>} : memref<1250x16xi32, #tpu.memory_space<vmem>>, vector<16xi32>,
      %shift_right_logical3A_188 = arith.shrui %get3A_187, %broadcast_in_dim3A_69 : vector<16xi32>
      %and3A_189 = arith.andi %get3A_187, %broadcast_in_dim3A_71 : vector<16xi32>
      tpu.vector_store_idx %arg13[%shift_right_logical3A_188, %and3A_189], %broadcast_in_dim3A_67 {add = true} : memref<625x16xf32, #tpu.memory_space<vmem>>[vector<16xi32>, vector<16xi32>], vector<16xf32>,
      %get3A_190 = arith.constant 1204 : i32
      %get3A_191 = arith.index_cast %get3A_190 : i32 to index
      %get3A_192 = arith.constant 0 : index
      %get3A_193 = tpu.vector_load %arg12[%get3A_191, %get3A_192] {strides = array<i32>} : memref<1250x16xi32, #tpu.memory_space<vmem>>, vector<16xi32>,
      %shift_right_logical3A_194 = arith.shrui %get3A_193, %broadcast_in_dim3A_69 : vector<16xi32>
      %and3A_195 = arith.andi %get3A_193, %broadcast_in_dim3A_71 : vector<16xi32>
      tpu.vector_store_idx %arg13[%shift_right_logical3A_194, %and3A_195], %broadcast_in_dim3A_67 {add = true} : memref<625x16xf32, #tpu.memory_space<vmem>>[vector<16xi32>, vector<16xi32>], vector<16xf32>,
      %get3A_196 = arith.constant 1205 : i32
      %get3A_197 = arith.index_cast %get3A_196 : i32 to index
      %get3A_198 = arith.constant 0 : index
      %get3A_199 = tpu.vector_load %arg12[%get3A_197, %get3A_198] {strides = array<i32>} : memref<1250x16xi32, #tpu.memory_space<vmem>>, vector<16xi32>,
      %shift_right_logical3A_200 = arith.shrui %get3A_199, %broadcast_in_dim3A_69 : vector<16xi32>
      %and3A_201 = arith.andi %get3A_199, %broadcast_in_dim3A_71 : vector<16xi32>
      tpu.vector_store_idx %arg13[%shift_right_logical3A_200, %and3A_201], %broadcast_in_dim3A_67 {add = true} : memref<625x16xf32, #tpu.memory_space<vmem>>[vector<16xi32>, vector<16xi32>], vector<16xf32>,
      %get3A_202 = arith.constant 1206 : i32
      %get3A_203 = arith.index_cast %get3A_202 : i32 to index
      %get3A_204 = arith.constant 0 : index
      %get3A_205 = tpu.vector_load %arg12[%get3A_203, %get3A_204] {strides = array<i32>} : memref<1250x16xi32, #tpu.memory_space<vmem>>, vector<16xi32>,
      %shift_right_logical3A_206 = arith.shrui %get3A_205, %broadcast_in_dim3A_69 : vector<16xi32>
      %and3A_207 = arith.andi %get3A_205, %broadcast_in_dim3A_71 : vector<16xi32>
      tpu.vector_store_idx %arg13[%shift_right_logical3A_206, %and3A_207], %broadcast_in_dim3A_67 {add = true} : memref<625x16xf32, #tpu.memory_space<vmem>>[vector<16xi32>, vector<16xi32>], vector<16xf32>,
      %get3A_208 = arith.constant 1207 : i32
      %get3A_209 = arith.index_cast %get3A_208 : i32 to index
      %get3A_210 = arith.constant 0 : index
      %get3A_211 = tpu.vector_load %arg12[%get3A_209, %get3A_210] {strides = array<i32>} : memref<1250x16xi32, #tpu.memory_space<vmem>>, vector<16xi32>,
      %shift_right_logical3A_212 = arith.shrui %get3A_211, %broadcast_in_dim3A_69 : vector<16xi32>
      %and3A_213 = arith.andi %get3A_211, %broadcast_in_dim3A_71 : vector<16xi32>
      tpu.vector_store_idx %arg13[%shift_right_logical3A_212, %and3A_213], %broadcast_in_dim3A_67 {add = true} : memref<625x16xf32, #tpu.memory_space<vmem>>[vector<16xi32>, vector<16xi32>], vector<16xf32>,
      %get3A_214 = arith.constant 1208 : i32
      %get3A_215 = arith.index_cast %get3A_214 : i32 to index
      %get3A_216 = arith.constant 0 : index
      %get3A_217 = tpu.vector_load %arg12[%get3A_215, %get3A_216] {strides = array<i32>} : memref<1250x16xi32, #tpu.memory_space<vmem>>, vector<16xi32>,
      %shift_right_logical3A_218 = arith.shrui %get3A_217, %broadcast_in_dim3A_69 : vector<16xi32>
      %and3A_219 = arith.andi %get3A_217, %broadcast_in_dim3A_71 : vector<16xi32>
      tpu.vector_store_idx %arg13[%shift_right_logical3A_218, %and3A_219], %broadcast_in_dim3A_67 {add = true} : memref<625x16xf32, #tpu.memory_space<vmem>>[vector<16xi32>, vector<16xi32>], vector<16xf32>,
      %get3A_220 = arith.constant 1209 : i32
      %get3A_221 = arith.index_cast %get3A_220 : i32 to index
      %get3A_222 = arith.constant 0 : index
      %get3A_223 = tpu.vector_load %arg12[%get3A_221, %get3A_222] {strides = array<i32>} : memref<1250x16xi32, #tpu.memory_space<vmem>>, vector<16xi32>,
      %shift_right_logical3A_224 = arith.shrui %get3A_223, %broadcast_in_dim3A_69 : vector<16xi32>
      %and3A_225 = arith.andi %get3A_223, %broadcast_in_dim3A_71 : vector<16xi32>
      tpu.vector_store_idx %arg13[%shift_right_logical3A_224, %and3A_225], %broadcast_in_dim3A_67 {add = true} : memref<625x16xf32, #tpu.memory_space<vmem>>[vector<16xi32>, vector<16xi32>], vector<16xf32>,
      %get3A_226 = arith.constant 1210 : i32
      %get3A_227 = arith.index_cast %get3A_226 : i32 to index
      %get3A_228 = arith.constant 0 : index
      %get3A_229 = tpu.vector_load %arg12[%get3A_227, %get3A_228] {strides = array<i32>} : memref<1250x16xi32, #tpu.memory_space<vmem>>, vector<16xi32>,
      %shift_right_logical3A_230 = arith.shrui %get3A_229, %broadcast_in_dim3A_69 : vector<16xi32>
      %and3A_231 = arith.andi %get3A_229, %broadcast_in_dim3A_71 : vector<16xi32>
      tpu.vector_store_idx %arg13[%shift_right_logical3A_230, %and3A_231], %broadcast_in_dim3A_67 {add = true} : memref<625x16xf32, #tpu.memory_space<vmem>>[vector<16xi32>, vector<16xi32>], vector<16xf32>,
      %get3A_232 = arith.constant 1211 : i32
      %get3A_233 = arith.index_cast %get3A_232 : i32 to index
      %get3A_234 = arith.constant 0 : index
      %get3A_235 = tpu.vector_load %arg12[%get3A_233, %get3A_234] {strides = array<i32>} : memref<1250x16xi32, #tpu.memory_space<vmem>>, vector<16xi32>,
      %shift_right_logical3A_236 = arith.shrui %get3A_235, %broadcast_in_dim3A_69 : vector<16xi32>
      %and3A_237 = arith.andi %get3A_235, %broadcast_in_dim3A_71 : vector<16xi32>
      tpu.vector_store_idx %arg13[%shift_right_logical3A_236, %and3A_237], %broadcast_in_dim3A_67 {add = true} : memref<625x16xf32, #tpu.memory_space<vmem>>[vector<16xi32>, vector<16xi32>], vector<16xf32>,
      %get3A_238 = arith.constant 1212 : i32
      %get3A_239 = arith.index_cast %get3A_238 : i32 to index
      %get3A_240 = arith.constant 0 : index
      %get3A_241 = tpu.vector_load %arg12[%get3A_239, %get3A_240] {strides = array<i32>} : memref<1250x16xi32, #tpu.memory_space<vmem>>, vector<16xi32>,
      %shift_right_logical3A_242 = arith.shrui %get3A_241, %broadcast_in_dim3A_69 : vector<16xi32>
      %and3A_243 = arith.andi %get3A_241, %broadcast_in_dim3A_71 : vector<16xi32>
      tpu.vector_store_idx %arg13[%shift_right_logical3A_242, %and3A_243], %broadcast_in_dim3A_67 {add = true} : memref<625x16xf32, #tpu.memory_space<vmem>>[vector<16xi32>, vector<16xi32>], vector<16xf32>,
      %get3A_244 = arith.constant 1213 : i32
      %get3A_245 = arith.index_cast %get3A_244 : i32 to index
      %get3A_246 = arith.constant 0 : index
      %get3A_247 = tpu.vector_load %arg12[%get3A_245, %get3A_246] {strides = array<i32>} : memref<1250x16xi32, #tpu.memory_space<vmem>>, vector<16xi32>,
      %shift_right_logical3A_248 = arith.shrui %get3A_247, %broadcast_in_dim3A_69 : vector<16xi32>
      %and3A_249 = arith.andi %get3A_247, %broadcast_in_dim3A_71 : vector<16xi32>
      tpu.vector_store_idx %arg13[%shift_right_logical3A_248, %and3A_249], %broadcast_in_dim3A_67 {add = true} : memref<625x16xf32, #tpu.memory_space<vmem>>[vector<16xi32>, vector<16xi32>], vector<16xf32>,
      %get3A_250 = arith.constant 1214 : i32
      %get3A_251 = arith.index_cast %get3A_250 : i32 to index
      %get3A_252 = arith.constant 0 : index
      %get3A_253 = tpu.vector_load %arg12[%get3A_251, %get3A_252] {strides = array<i32>} : memref<1250x16xi32, #tpu.memory_space<vmem>>, vector<16xi32>,
      %shift_right_logical3A_254 = arith.shrui %get3A_253, %broadcast_in_dim3A_69 : vector<16xi32>
      %and3A_255 = arith.andi %get3A_253, %broadcast_in_dim3A_71 : vector<16xi32>
      tpu.vector_store_idx %arg13[%shift_right_logical3A_254, %and3A_255], %broadcast_in_dim3A_67 {add = true} : memref<625x16xf32, #tpu.memory_space<vmem>>[vector<16xi32>, vector<16xi32>], vector<16xf32>,
      %get3A_256 = arith.constant 1215 : i32
      %get3A_257 = arith.index_cast %get3A_256 : i32 to index
      %get3A_258 = arith.constant 0 : index
      %get3A_259 = tpu.vector_load %arg12[%get3A_257, %get3A_258] {strides = array<i32>} : memref<1250x16xi32, #tpu.memory_space<vmem>>, vector<16xi32>,
      %shift_right_logical3A_260 = arith.shrui %get3A_259, %broadcast_in_dim3A_69 : vector<16xi32>
      %and3A_261 = arith.andi %get3A_259, %broadcast_in_dim3A_71 : vector<16xi32>
      tpu.vector_store_idx %arg13[%shift_right_logical3A_260, %and3A_261], %broadcast_in_dim3A_67 {add = true} : memref<625x16xf32, #tpu.memory_space<vmem>>[vector<16xi32>, vector<16xi32>], vector<16xf32>,
      %get3A_262 = arith.constant 1216 : i32
      %get3A_263 = arith.index_cast %get3A_262 : i32 to index
      %get3A_264 = arith.constant 0 : index
      %get3A_265 = tpu.vector_load %arg12[%get3A_263, %get3A_264] {strides = array<i32>} : memref<1250x16xi32, #tpu.memory_space<vmem>>, vector<16xi32>,
      %shift_right_logical3A_266 = arith.shrui %get3A_265, %broadcast_in_dim3A_69 : vector<16xi32>
      %and3A_267 = arith.andi %get3A_265, %broadcast_in_dim3A_71 : vector<16xi32>
      tpu.vector_store_idx %arg13[%shift_right_logical3A_266, %and3A_267], %broadcast_in_dim3A_67 {add = true} : memref<625x16xf32, #tpu.memory_space<vmem>>[vector<16xi32>, vector<16xi32>], vector<16xf32>,
      %get3A_268 = arith.constant 1217 : i32
      %get3A_269 = arith.index_cast %get3A_268 : i32 to index
      %get3A_270 = arith.constant 0 : index
      %get3A_271 = tpu.vector_load %arg12[%get3A_269, %get3A_270] {strides = array<i32>} : memref<1250x16xi32, #tpu.memory_space<vmem>>, vector<16xi32>,
      %shift_right_logical3A_272 = arith.shrui %get3A_271, %broadcast_in_dim3A_69 : vector<16xi32>
      %and3A_273 = arith.andi %get3A_271, %broadcast_in_dim3A_71 : vector<16xi32>
      tpu.vector_store_idx %arg13[%shift_right_logical3A_272, %and3A_273], %broadcast_in_dim3A_67 {add = true} : memref<625x16xf32, #tpu.memory_space<vmem>>[vector<16xi32>, vector<16xi32>], vector<16xf32>,
      %get3A_274 = arith.constant 1218 : i32
      %get3A_275 = arith.index_cast %get3A_274 : i32 to index
      %get3A_276 = arith.constant 0 : index
      %get3A_277 = tpu.vector_load %arg12[%get3A_275, %get3A_276] {strides = array<i32>} : memref<1250x16xi32, #tpu.memory_space<vmem>>, vector<16xi32>,
      %shift_right_logical3A_278 = arith.shrui %get3A_277, %broadcast_in_dim3A_69 : vector<16xi32>
      %and3A_279 = arith.andi %get3A_277, %broadcast_in_dim3A_71 : vector<16xi32>
      tpu.vector_store_idx %arg13[%shift_right_logical3A_278, %and3A_279], %broadcast_in_dim3A_67 {add = true} : memref<625x16xf32, #tpu.memory_space<vmem>>[vector<16xi32>, vector<16xi32>], vector<16xf32>,
      %get3A_280 = arith.constant 1219 : i32
      %get3A_281 = arith.index_cast %get3A_280 : i32 to index
      %get3A_282 = arith.constant 0 : index
      %get3A_283 = tpu.vector_load %arg12[%get3A_281, %get3A_282] {strides = array<i32>} : memref<1250x16xi32, #tpu.memory_space<vmem>>, vector<16xi32>,
      %shift_right_logical3A_284 = arith.shrui %get3A_283, %broadcast_in_dim3A_69 : vector<16xi32>
      %and3A_285 = arith.andi %get3A_283, %broadcast_in_dim3A_71 : vector<16xi32>
      tpu.vector_store_idx %arg13[%shift_right_logical3A_284, %and3A_285], %broadcast_in_dim3A_67 {add = true} : memref<625x16xf32, #tpu.memory_space<vmem>>[vector<16xi32>, vector<16xi32>], vector<16xf32>,
      %get3A_286 = arith.constant 1220 : i32
      %get3A_287 = arith.index_cast %get3A_286 : i32 to index
      %get3A_288 = arith.constant 0 : index
      %get3A_289 = tpu.vector_load %arg12[%get3A_287, %get3A_288] {strides = array<i32>} : memref<1250x16xi32, #tpu.memory_space<vmem>>, vector<16xi32>,
      %shift_right_logical3A_290 = arith.shrui %get3A_289, %broadcast_in_dim3A_69 : vector<16xi32>
      %and3A_291 = arith.andi %get3A_289, %broadcast_in_dim3A_71 : vector<16xi32>
      tpu.vector_store_idx %arg13[%shift_right_logical3A_290, %and3A_291], %broadcast_in_dim3A_67 {add = true} : memref<625x16xf32, #tpu.memory_space<vmem>>[vector<16xi32>, vector<16xi32>], vector<16xf32>,
      %get3A_292 = arith.constant 1221 : i32
      %get3A_293 = arith.index_cast %get3A_292 : i32 to index
      %get3A_294 = arith.constant 0 : index
      %get3A_295 = tpu.vector_load %arg12[%get3A_293, %get3A_294] {strides = array<i32>} : memref<1250x16xi32, #tpu.memory_space<vmem>>, vector<16xi32>,
      %shift_right_logical3A_296 = arith.shrui %get3A_295, %broadcast_in_dim3A_69 : vector<16xi32>
      %and3A_297 = arith.andi %get3A_295, %broadcast_in_dim3A_71 : vector<16xi32>
      tpu.vector_store_idx %arg13[%shift_right_logical3A_296, %and3A_297], %broadcast_in_dim3A_67 {add = true} : memref<625x16xf32, #tpu.memory_space<vmem>>[vector<16xi32>, vector<16xi32>], vector<16xf32>,
      %get3A_298 = arith.constant 1222 : i32
      %get3A_299 = arith.index_cast %get3A_298 : i32 to index
      %get3A_300 = arith.constant 0 : index
      %get3A_301 = tpu.vector_load %arg12[%get3A_299, %get3A_300] {strides = array<i32>} : memref<1250x16xi32, #tpu.memory_space<vmem>>, vector<16xi32>,
      %shift_right_logical3A_302 = arith.shrui %get3A_301, %broadcast_in_dim3A_69 : vector<16xi32>
      %and3A_303 = arith.andi %get3A_301, %broadcast_in_dim3A_71 : vector<16xi32>
      tpu.vector_store_idx %arg13[%shift_right_logical3A_302, %and3A_303], %broadcast_in_dim3A_67 {add = true} : memref<625x16xf32, #tpu.memory_space<vmem>>[vector<16xi32>, vector<16xi32>], vector<16xf32>,
      %get3A_304 = arith.constant 1223 : i32
      %get3A_305 = arith.index_cast %get3A_304 : i32 to index
      %get3A_306 = arith.constant 0 : index
      %get3A_307 = tpu.vector_load %arg12[%get3A_305, %get3A_306] {strides = array<i32>} : memref<1250x16xi32, #tpu.memory_space<vmem>>, vector<16xi32>,
      %shift_right_logical3A_308 = arith.shrui %get3A_307, %broadcast_in_dim3A_69 : vector<16xi32>
      %and3A_309 = arith.andi %get3A_307, %broadcast_in_dim3A_71 : vector<16xi32>
      tpu.vector_store_idx %arg13[%shift_right_logical3A_308, %and3A_309], %broadcast_in_dim3A_67 {add = true} : memref<625x16xf32, #tpu.memory_space<vmem>>[vector<16xi32>, vector<16xi32>], vector<16xf32>,
      %get3A_310 = arith.constant 1224 : i32
      %get3A_311 = arith.index_cast %get3A_310 : i32 to index
      %get3A_312 = arith.constant 0 : index
      %get3A_313 = tpu.vector_load %arg12[%get3A_311, %get3A_312] {strides = array<i32>} : memref<1250x16xi32, #tpu.memory_space<vmem>>, vector<16xi32>,
      %shift_right_logical3A_314 = arith.shrui %get3A_313, %broadcast_in_dim3A_69 : vector<16xi32>
      %and3A_315 = arith.andi %get3A_313, %broadcast_in_dim3A_71 : vector<16xi32>
      tpu.vector_store_idx %arg13[%shift_right_logical3A_314, %and3A_315], %broadcast_in_dim3A_67 {add = true} : memref<625x16xf32, #tpu.memory_space<vmem>>[vector<16xi32>, vector<16xi32>], vector<16xf32>,
      %get3A_316 = arith.constant 1225 : i32
      %get3A_317 = arith.index_cast %get3A_316 : i32 to index
      %get3A_318 = arith.constant 0 : index
      %get3A_319 = tpu.vector_load %arg12[%get3A_317, %get3A_318] {strides = array<i32>} : memref<1250x16xi32, #tpu.memory_space<vmem>>, vector<16xi32>,
      %shift_right_logical3A_320 = arith.shrui %get3A_319, %broadcast_in_dim3A_69 : vector<16xi32>
      %and3A_321 = arith.andi %get3A_319, %broadcast_in_dim3A_71 : vector<16xi32>
      tpu.vector_store_idx %arg13[%shift_right_logical3A_320, %and3A_321], %broadcast_in_dim3A_67 {add = true} : memref<625x16xf32, #tpu.memory_space<vmem>>[vector<16xi32>, vector<16xi32>], vector<16xf32>,
      %get3A_322 = arith.constant 1226 : i32
      %get3A_323 = arith.index_cast %get3A_322 : i32 to index
      %get3A_324 = arith.constant 0 : index
      %get3A_325 = tpu.vector_load %arg12[%get3A_323, %get3A_324] {strides = array<i32>} : memref<1250x16xi32, #tpu.memory_space<vmem>>, vector<16xi32>,
      %shift_right_logical3A_326 = arith.shrui %get3A_325, %broadcast_in_dim3A_69 : vector<16xi32>
      %and3A_327 = arith.andi %get3A_325, %broadcast_in_dim3A_71 : vector<16xi32>
      tpu.vector_store_idx %arg13[%shift_right_logical3A_326, %and3A_327], %broadcast_in_dim3A_67 {add = true} : memref<625x16xf32, #tpu.memory_space<vmem>>[vector<16xi32>, vector<16xi32>], vector<16xf32>,
      %get3A_328 = arith.constant 1227 : i32
      %get3A_329 = arith.index_cast %get3A_328 : i32 to index
      %get3A_330 = arith.constant 0 : index
      %get3A_331 = tpu.vector_load %arg12[%get3A_329, %get3A_330] {strides = array<i32>} : memref<1250x16xi32, #tpu.memory_space<vmem>>, vector<16xi32>,
      %shift_right_logical3A_332 = arith.shrui %get3A_331, %broadcast_in_dim3A_69 : vector<16xi32>
      %and3A_333 = arith.andi %get3A_331, %broadcast_in_dim3A_71 : vector<16xi32>
      tpu.vector_store_idx %arg13[%shift_right_logical3A_332, %and3A_333], %broadcast_in_dim3A_67 {add = true} : memref<625x16xf32, #tpu.memory_space<vmem>>[vector<16xi32>, vector<16xi32>], vector<16xf32>,
      %get3A_334 = arith.constant 1228 : i32
      %get3A_335 = arith.index_cast %get3A_334 : i32 to index
      %get3A_336 = arith.constant 0 : index
      %get3A_337 = tpu.vector_load %arg12[%get3A_335, %get3A_336] {strides = array<i32>} : memref<1250x16xi32, #tpu.memory_space<vmem>>, vector<16xi32>,
      %shift_right_logical3A_338 = arith.shrui %get3A_337, %broadcast_in_dim3A_69 : vector<16xi32>
      %and3A_339 = arith.andi %get3A_337, %broadcast_in_dim3A_71 : vector<16xi32>
      tpu.vector_store_idx %arg13[%shift_right_logical3A_338, %and3A_339], %broadcast_in_dim3A_67 {add = true} : memref<625x16xf32, #tpu.memory_space<vmem>>[vector<16xi32>, vector<16xi32>], vector<16xf32>,
      %get3A_340 = arith.constant 1229 : i32
      %get3A_341 = arith.index_cast %get3A_340 : i32 to index
      %get3A_342 = arith.constant 0 : index
      %get3A_343 = tpu.vector_load %arg12[%get3A_341, %get3A_342] {strides = array<i32>} : memref<1250x16xi32, #tpu.memory_space<vmem>>, vector<16xi32>,
      %shift_right_logical3A_344 = arith.shrui %get3A_343, %broadcast_in_dim3A_69 : vector<16xi32>
      %and3A_345 = arith.andi %get3A_343, %broadcast_in_dim3A_71 : vector<16xi32>
      tpu.vector_store_idx %arg13[%shift_right_logical3A_344, %and3A_345], %broadcast_in_dim3A_67 {add = true} : memref<625x16xf32, #tpu.memory_space<vmem>>[vector<16xi32>, vector<16xi32>], vector<16xf32>,
      %get3A_346 = arith.constant 1230 : i32
      %get3A_347 = arith.index_cast %get3A_346 : i32 to index
      %get3A_348 = arith.constant 0 : index
      %get3A_349 = tpu.vector_load %arg12[%get3A_347, %get3A_348] {strides = array<i32>} : memref<1250x16xi32, #tpu.memory_space<vmem>>, vector<16xi32>,
      %shift_right_logical3A_350 = arith.shrui %get3A_349, %broadcast_in_dim3A_69 : vector<16xi32>
      %and3A_351 = arith.andi %get3A_349, %broadcast_in_dim3A_71 : vector<16xi32>
      tpu.vector_store_idx %arg13[%shift_right_logical3A_350, %and3A_351], %broadcast_in_dim3A_67 {add = true} : memref<625x16xf32, #tpu.memory_space<vmem>>[vector<16xi32>, vector<16xi32>], vector<16xf32>,
      %get3A_352 = arith.constant 1231 : i32
      %get3A_353 = arith.index_cast %get3A_352 : i32 to index
      %get3A_354 = arith.constant 0 : index
      %get3A_355 = tpu.vector_load %arg12[%get3A_353, %get3A_354] {strides = array<i32>} : memref<1250x16xi32, #tpu.memory_space<vmem>>, vector<16xi32>,
      %shift_right_logical3A_356 = arith.shrui %get3A_355, %broadcast_in_dim3A_69 : vector<16xi32>
      %and3A_357 = arith.andi %get3A_355, %broadcast_in_dim3A_71 : vector<16xi32>
      tpu.vector_store_idx %arg13[%shift_right_logical3A_356, %and3A_357], %broadcast_in_dim3A_67 {add = true} : memref<625x16xf32, #tpu.memory_space<vmem>>[vector<16xi32>, vector<16xi32>], vector<16xf32>,
      %get3A_358 = arith.constant 1232 : i32
      %get3A_359 = arith.index_cast %get3A_358 : i32 to index
      %get3A_360 = arith.constant 0 : index
      %get3A_361 = tpu.vector_load %arg12[%get3A_359, %get3A_360] {strides = array<i32>} : memref<1250x16xi32, #tpu.memory_space<vmem>>, vector<16xi32>,
      %shift_right_logical3A_362 = arith.shrui %get3A_361, %broadcast_in_dim3A_69 : vector<16xi32>
      %and3A_363 = arith.andi %get3A_361, %broadcast_in_dim3A_71 : vector<16xi32>
      tpu.vector_store_idx %arg13[%shift_right_logical3A_362, %and3A_363], %broadcast_in_dim3A_67 {add = true} : memref<625x16xf32, #tpu.memory_space<vmem>>[vector<16xi32>, vector<16xi32>], vector<16xf32>,
      %get3A_364 = arith.constant 1233 : i32
      %get3A_365 = arith.index_cast %get3A_364 : i32 to index
      %get3A_366 = arith.constant 0 : index
      %get3A_367 = tpu.vector_load %arg12[%get3A_365, %get3A_366] {strides = array<i32>} : memref<1250x16xi32, #tpu.memory_space<vmem>>, vector<16xi32>,
      %shift_right_logical3A_368 = arith.shrui %get3A_367, %broadcast_in_dim3A_69 : vector<16xi32>
      %and3A_369 = arith.andi %get3A_367, %broadcast_in_dim3A_71 : vector<16xi32>
      tpu.vector_store_idx %arg13[%shift_right_logical3A_368, %and3A_369], %broadcast_in_dim3A_67 {add = true} : memref<625x16xf32, #tpu.memory_space<vmem>>[vector<16xi32>, vector<16xi32>], vector<16xf32>,
      %get3A_370 = arith.constant 1234 : i32
      %get3A_371 = arith.index_cast %get3A_370 : i32 to index
      %get3A_372 = arith.constant 0 : index
      %get3A_373 = tpu.vector_load %arg12[%get3A_371, %get3A_372] {strides = array<i32>} : memref<1250x16xi32, #tpu.memory_space<vmem>>, vector<16xi32>,
      %shift_right_logical3A_374 = arith.shrui %get3A_373, %broadcast_in_dim3A_69 : vector<16xi32>
      %and3A_375 = arith.andi %get3A_373, %broadcast_in_dim3A_71 : vector<16xi32>
      tpu.vector_store_idx %arg13[%shift_right_logical3A_374, %and3A_375], %broadcast_in_dim3A_67 {add = true} : memref<625x16xf32, #tpu.memory_space<vmem>>[vector<16xi32>, vector<16xi32>], vector<16xf32>,
      %get3A_376 = arith.constant 1235 : i32
      %get3A_377 = arith.index_cast %get3A_376 : i32 to index
      %get3A_378 = arith.constant 0 : index
      %get3A_379 = tpu.vector_load %arg12[%get3A_377, %get3A_378] {strides = array<i32>} : memref<1250x16xi32, #tpu.memory_space<vmem>>, vector<16xi32>,
      %shift_right_logical3A_380 = arith.shrui %get3A_379, %broadcast_in_dim3A_69 : vector<16xi32>
      %and3A_381 = arith.andi %get3A_379, %broadcast_in_dim3A_71 : vector<16xi32>
      tpu.vector_store_idx %arg13[%shift_right_logical3A_380, %and3A_381], %broadcast_in_dim3A_67 {add = true} : memref<625x16xf32, #tpu.memory_space<vmem>>[vector<16xi32>, vector<16xi32>], vector<16xf32>,
      %get3A_382 = arith.constant 1236 : i32
      %get3A_383 = arith.index_cast %get3A_382 : i32 to index
      %get3A_384 = arith.constant 0 : index
      %get3A_385 = tpu.vector_load %arg12[%get3A_383, %get3A_384] {strides = array<i32>} : memref<1250x16xi32, #tpu.memory_space<vmem>>, vector<16xi32>,
      %shift_right_logical3A_386 = arith.shrui %get3A_385, %broadcast_in_dim3A_69 : vector<16xi32>
      %and3A_387 = arith.andi %get3A_385, %broadcast_in_dim3A_71 : vector<16xi32>
      tpu.vector_store_idx %arg13[%shift_right_logical3A_386, %and3A_387], %broadcast_in_dim3A_67 {add = true} : memref<625x16xf32, #tpu.memory_space<vmem>>[vector<16xi32>, vector<16xi32>], vector<16xf32>,
      %get3A_388 = arith.constant 1237 : i32
      %get3A_389 = arith.index_cast %get3A_388 : i32 to index
      %get3A_390 = arith.constant 0 : index
      %get3A_391 = tpu.vector_load %arg12[%get3A_389, %get3A_390] {strides = array<i32>} : memref<1250x16xi32, #tpu.memory_space<vmem>>, vector<16xi32>,
      %shift_right_logical3A_392 = arith.shrui %get3A_391, %broadcast_in_dim3A_69 : vector<16xi32>
      %and3A_393 = arith.andi %get3A_391, %broadcast_in_dim3A_71 : vector<16xi32>
      tpu.vector_store_idx %arg13[%shift_right_logical3A_392, %and3A_393], %broadcast_in_dim3A_67 {add = true} : memref<625x16xf32, #tpu.memory_space<vmem>>[vector<16xi32>, vector<16xi32>], vector<16xf32>,
      %get3A_394 = arith.constant 1238 : i32
      %get3A_395 = arith.index_cast %get3A_394 : i32 to index
      %get3A_396 = arith.constant 0 : index
      %get3A_397 = tpu.vector_load %arg12[%get3A_395, %get3A_396] {strides = array<i32>} : memref<1250x16xi32, #tpu.memory_space<vmem>>, vector<16xi32>,
      %shift_right_logical3A_398 = arith.shrui %get3A_397, %broadcast_in_dim3A_69 : vector<16xi32>
      %and3A_399 = arith.andi %get3A_397, %broadcast_in_dim3A_71 : vector<16xi32>
      tpu.vector_store_idx %arg13[%shift_right_logical3A_398, %and3A_399], %broadcast_in_dim3A_67 {add = true} : memref<625x16xf32, #tpu.memory_space<vmem>>[vector<16xi32>, vector<16xi32>], vector<16xf32>,
      %get3A_400 = arith.constant 1239 : i32
      %get3A_401 = arith.index_cast %get3A_400 : i32 to index
      %get3A_402 = arith.constant 0 : index
      %get3A_403 = tpu.vector_load %arg12[%get3A_401, %get3A_402] {strides = array<i32>} : memref<1250x16xi32, #tpu.memory_space<vmem>>, vector<16xi32>,
      %shift_right_logical3A_404 = arith.shrui %get3A_403, %broadcast_in_dim3A_69 : vector<16xi32>
      %and3A_405 = arith.andi %get3A_403, %broadcast_in_dim3A_71 : vector<16xi32>
      tpu.vector_store_idx %arg13[%shift_right_logical3A_404, %and3A_405], %broadcast_in_dim3A_67 {add = true} : memref<625x16xf32, #tpu.memory_space<vmem>>[vector<16xi32>, vector<16xi32>], vector<16xf32>,
      %get3A_406 = arith.constant 1240 : i32
      %get3A_407 = arith.index_cast %get3A_406 : i32 to index
      %get3A_408 = arith.constant 0 : index
      %get3A_409 = tpu.vector_load %arg12[%get3A_407, %get3A_408] {strides = array<i32>} : memref<1250x16xi32, #tpu.memory_space<vmem>>, vector<16xi32>,
      %shift_right_logical3A_410 = arith.shrui %get3A_409, %broadcast_in_dim3A_69 : vector<16xi32>
      %and3A_411 = arith.andi %get3A_409, %broadcast_in_dim3A_71 : vector<16xi32>
      tpu.vector_store_idx %arg13[%shift_right_logical3A_410, %and3A_411], %broadcast_in_dim3A_67 {add = true} : memref<625x16xf32, #tpu.memory_space<vmem>>[vector<16xi32>, vector<16xi32>], vector<16xf32>,
      %get3A_412 = arith.constant 1241 : i32
      %get3A_413 = arith.index_cast %get3A_412 : i32 to index
      %get3A_414 = arith.constant 0 : index
      %get3A_415 = tpu.vector_load %arg12[%get3A_413, %get3A_414] {strides = array<i32>} : memref<1250x16xi32, #tpu.memory_space<vmem>>, vector<16xi32>,
      %shift_right_logical3A_416 = arith.shrui %get3A_415, %broadcast_in_dim3A_69 : vector<16xi32>
      %and3A_417 = arith.andi %get3A_415, %broadcast_in_dim3A_71 : vector<16xi32>
      tpu.vector_store_idx %arg13[%shift_right_logical3A_416, %and3A_417], %broadcast_in_dim3A_67 {add = true} : memref<625x16xf32, #tpu.memory_space<vmem>>[vector<16xi32>, vector<16xi32>], vector<16xf32>,
      %get3A_418 = arith.constant 1242 : i32
      %get3A_419 = arith.index_cast %get3A_418 : i32 to index
      %get3A_420 = arith.constant 0 : index
      %get3A_421 = tpu.vector_load %arg12[%get3A_419, %get3A_420] {strides = array<i32>} : memref<1250x16xi32, #tpu.memory_space<vmem>>, vector<16xi32>,
      %shift_right_logical3A_422 = arith.shrui %get3A_421, %broadcast_in_dim3A_69 : vector<16xi32>
      %and3A_423 = arith.andi %get3A_421, %broadcast_in_dim3A_71 : vector<16xi32>
      tpu.vector_store_idx %arg13[%shift_right_logical3A_422, %and3A_423], %broadcast_in_dim3A_67 {add = true} : memref<625x16xf32, #tpu.memory_space<vmem>>[vector<16xi32>, vector<16xi32>], vector<16xf32>,
      %get3A_424 = arith.constant 1243 : i32
      %get3A_425 = arith.index_cast %get3A_424 : i32 to index
      %get3A_426 = arith.constant 0 : index
      %get3A_427 = tpu.vector_load %arg12[%get3A_425, %get3A_426] {strides = array<i32>} : memref<1250x16xi32, #tpu.memory_space<vmem>>, vector<16xi32>,
      %shift_right_logical3A_428 = arith.shrui %get3A_427, %broadcast_in_dim3A_69 : vector<16xi32>
      %and3A_429 = arith.andi %get3A_427, %broadcast_in_dim3A_71 : vector<16xi32>
      tpu.vector_store_idx %arg13[%shift_right_logical3A_428, %and3A_429], %broadcast_in_dim3A_67 {add = true} : memref<625x16xf32, #tpu.memory_space<vmem>>[vector<16xi32>, vector<16xi32>], vector<16xf32>,
      %get3A_430 = arith.constant 1244 : i32
      %get3A_431 = arith.index_cast %get3A_430 : i32 to index
      %get3A_432 = arith.constant 0 : index
      %get3A_433 = tpu.vector_load %arg12[%get3A_431, %get3A_432] {strides = array<i32>} : memref<1250x16xi32, #tpu.memory_space<vmem>>, vector<16xi32>,
      %shift_right_logical3A_434 = arith.shrui %get3A_433, %broadcast_in_dim3A_69 : vector<16xi32>
      %and3A_435 = arith.andi %get3A_433, %broadcast_in_dim3A_71 : vector<16xi32>
      tpu.vector_store_idx %arg13[%shift_right_logical3A_434, %and3A_435], %broadcast_in_dim3A_67 {add = true} : memref<625x16xf32, #tpu.memory_space<vmem>>[vector<16xi32>, vector<16xi32>], vector<16xf32>,
      %get3A_436 = arith.constant 1245 : i32
      %get3A_437 = arith.index_cast %get3A_436 : i32 to index
      %get3A_438 = arith.constant 0 : index
      %get3A_439 = tpu.vector_load %arg12[%get3A_437, %get3A_438] {strides = array<i32>} : memref<1250x16xi32, #tpu.memory_space<vmem>>, vector<16xi32>,
      %shift_right_logical3A_440 = arith.shrui %get3A_439, %broadcast_in_dim3A_69 : vector<16xi32>
      %and3A_441 = arith.andi %get3A_439, %broadcast_in_dim3A_71 : vector<16xi32>
      tpu.vector_store_idx %arg13[%shift_right_logical3A_440, %and3A_441], %broadcast_in_dim3A_67 {add = true} : memref<625x16xf32, #tpu.memory_space<vmem>>[vector<16xi32>, vector<16xi32>], vector<16xf32>,
      %get3A_442 = arith.constant 1246 : i32
      %get3A_443 = arith.index_cast %get3A_442 : i32 to index
      %get3A_444 = arith.constant 0 : index
      %get3A_445 = tpu.vector_load %arg12[%get3A_443, %get3A_444] {strides = array<i32>} : memref<1250x16xi32, #tpu.memory_space<vmem>>, vector<16xi32>,
      %shift_right_logical3A_446 = arith.shrui %get3A_445, %broadcast_in_dim3A_69 : vector<16xi32>
      %and3A_447 = arith.andi %get3A_445, %broadcast_in_dim3A_71 : vector<16xi32>
      tpu.vector_store_idx %arg13[%shift_right_logical3A_446, %and3A_447], %broadcast_in_dim3A_67 {add = true} : memref<625x16xf32, #tpu.memory_space<vmem>>[vector<16xi32>, vector<16xi32>], vector<16xf32>,
      %get3A_448 = arith.constant 1247 : i32
      %get3A_449 = arith.index_cast %get3A_448 : i32 to index
      %get3A_450 = arith.constant 0 : index
      %get3A_451 = tpu.vector_load %arg12[%get3A_449, %get3A_450] {strides = array<i32>} : memref<1250x16xi32, #tpu.memory_space<vmem>>, vector<16xi32>,
      %shift_right_logical3A_452 = arith.shrui %get3A_451, %broadcast_in_dim3A_69 : vector<16xi32>
      %and3A_453 = arith.andi %get3A_451, %broadcast_in_dim3A_71 : vector<16xi32>
      tpu.vector_store_idx %arg13[%shift_right_logical3A_452, %and3A_453], %broadcast_in_dim3A_67 {add = true} : memref<625x16xf32, #tpu.memory_space<vmem>>[vector<16xi32>, vector<16xi32>], vector<16xf32>,
      %get3A_454 = arith.constant 1248 : i32
      %get3A_455 = arith.index_cast %get3A_454 : i32 to index
      %get3A_456 = arith.constant 0 : index
      %get3A_457 = tpu.vector_load %arg12[%get3A_455, %get3A_456] {strides = array<i32>} : memref<1250x16xi32, #tpu.memory_space<vmem>>, vector<16xi32>,
      %shift_right_logical3A_458 = arith.shrui %get3A_457, %broadcast_in_dim3A_69 : vector<16xi32>
      %and3A_459 = arith.andi %get3A_457, %broadcast_in_dim3A_71 : vector<16xi32>
      tpu.vector_store_idx %arg13[%shift_right_logical3A_458, %and3A_459], %broadcast_in_dim3A_67 {add = true} : memref<625x16xf32, #tpu.memory_space<vmem>>[vector<16xi32>, vector<16xi32>], vector<16xf32>,
      %get3A_460 = arith.constant 1249 : i32
      %get3A_461 = arith.index_cast %get3A_460 : i32 to index
      %get3A_462 = arith.constant 0 : index
      %get3A_463 = tpu.vector_load %arg12[%get3A_461, %get3A_462] {strides = array<i32>} : memref<1250x16xi32, #tpu.memory_space<vmem>>, vector<16xi32>,
      %shift_right_logical3A_464 = arith.shrui %get3A_463, %broadcast_in_dim3A_69 : vector<16xi32>
      %and3A_465 = arith.andi %get3A_463, %broadcast_in_dim3A_71 : vector<16xi32>
      tpu.vector_store_idx %arg13[%shift_right_logical3A_464, %and3A_465], %broadcast_in_dim3A_67 {add = true} : memref<625x16xf32, #tpu.memory_space<vmem>>[vector<16xi32>, vector<16xi32>], vector<16xf32>,
    } else {
    }
    %barrier3A_107 = arith.constant 0 : index
    tpu.barrier barrier_id(%barrier3A_107)
    %add3A_108 = arith.constant 0 : i32
    %add3A_109 = arith.addi %arg1, %add3A_108 : i32
    %lt3A_110 = arith.constant 125 : i32
    %lt3A_111 = arith.cmpi slt, %add3A_109, %lt3A_110 : i32
    %convert_element_type3A_112 = arith.extui %lt3A_111 : i1 to i32
    %cond3A_113 = arith.constant 0 : i32
    %cond3A_114 = arith.cmpi ne, %convert_element_type3A_112, %cond3A_113 : i32
    scf.if %cond3A_114 {
      %mul3A = arith.constant 80 : i32
      %mul3A_169 = arith.muli %add3A_109, %mul3A : i32
      %add3A_170 = arith.constant 0 : i32
      %add3A_171 = arith.addi %add3A_170, %arg0 : i32
      %mul3A_172 = arith.constant 64 : i32
      %mul3A_173 = arith.muli %add3A_171, %mul3A_172 : i32
      "tpu.region"() ({
        %run_scoped3A = tpu.sem_alloc : memref<!tpu.dma_semaphore, #tpu.memory_space<semaphore_mem>>
        %dma_start3A_174 = tpu.memref_slice %arg6[%mul3A_169, %mul3A_173] : memref<10000x128xf32, #tpu.memory_space<hbm>> -> memref<80x64xf32, #tpu.memory_space<hbm>>
        %dma_start3A_175 = arith.constant 0 : i32
        %dma_start3A_176 = tpu.memref_slice %arg14[%mul3A_169, %dma_start3A_175] : memref<10000x64xf32, #tpu.memory_space<vmem_shared>> -> memref<80x64xf32, #tpu.memory_space<vmem_shared>>
        tpu.enqueue_dma source(%dma_start3A_176 : memref<80x64xf32, #tpu.memory_space<vmem_shared>>) target(%dma_start3A_174 : memref<80x64xf32, #tpu.memory_space<hbm>>) target_semaphore(%run_scoped3A : memref<!tpu.dma_semaphore, #tpu.memory_space<semaphore_mem>>)
        %dma_wait3A = tpu.memref_slice %arg6[%mul3A_169, %mul3A_173] : memref<10000x128xf32, #tpu.memory_space<hbm>> -> memref<80x64xf32, #tpu.memory_space<hbm>>
        %dma_wait3A_177 = arith.constant 0 : i32
        %dma_wait3A_178 = tpu.memref_slice %arg14[%mul3A_169, %dma_wait3A_177] : memref<10000x64xf32, #tpu.memory_space<vmem_shared>> -> memref<80x64xf32, #tpu.memory_space<vmem_shared>>
        tpu.wait_dma2 semaphore(%run_scoped3A : memref<!tpu.dma_semaphore, #tpu.memory_space<semaphore_mem>>) src(%dma_wait3A_178 : memref<80x64xf32, #tpu.memory_space<vmem_shared>>) dst(%dma_wait3A : memref<80x64xf32, #tpu.memory_space<hbm>>)
        tpu.yield
      }) : () -> ()
    } else {
    }
    %add3A_115 = arith.constant 16 : i32
    %add3A_116 = arith.addi %arg1, %add3A_115 : i32
    %lt3A_117 = arith.constant 125 : i32
    %lt3A_118 = arith.cmpi slt, %add3A_116, %lt3A_117 : i32
    %convert_element_type3A_119 = arith.extui %lt3A_118 : i1 to i32
    %cond3A_120 = arith.constant 0 : i32
    %cond3A_121 = arith.cmpi ne, %convert_element_type3A_119, %cond3A_120 : i32
    scf.if %cond3A_121 {
      %mul3A = arith.constant 80 : i32
      %mul3A_169 = arith.muli %add3A_116, %mul3A : i32
      %add3A_170 = arith.constant 0 : i32
      %add3A_171 = arith.addi %add3A_170, %arg0 : i32
      %mul3A_172 = arith.constant 64 : i32
      %mul3A_173 = arith.muli %add3A_171, %mul3A_172 : i32
      "tpu.region"() ({
        %run_scoped3A = tpu.sem_alloc : memref<!tpu.dma_semaphore, #tpu.memory_space<semaphore_mem>>
        %dma_start3A_174 = tpu.memref_slice %arg6[%mul3A_169, %mul3A_173] : memref<10000x128xf32, #tpu.memory_space<hbm>> -> memref<80x64xf32, #tpu.memory_space<hbm>>
        %dma_start3A_175 = arith.constant 0 : i32
        %dma_start3A_176 = tpu.memref_slice %arg14[%mul3A_169, %dma_start3A_175] : memref<10000x64xf32, #tpu.memory_space<vmem_shared>> -> memref<80x64xf32, #tpu.memory_space<vmem_shared>>
        tpu.enqueue_dma source(%dma_start3A_176 : memref<80x64xf32, #tpu.memory_space<vmem_shared>>) target(%dma_start3A_174 : memref<80x64xf32, #tpu.memory_space<hbm>>) target_semaphore(%run_scoped3A : memref<!tpu.dma_semaphore, #tpu.memory_space<semaphore_mem>>)
        %dma_wait3A = tpu.memref_slice %arg6[%mul3A_169, %mul3A_173] : memref<10000x128xf32, #tpu.memory_space<hbm>> -> memref<80x64xf32, #tpu.memory_space<hbm>>
        %dma_wait3A_177 = arith.constant 0 : i32
        %dma_wait3A_178 = tpu.memref_slice %arg14[%mul3A_169, %dma_wait3A_177] : memref<10000x64xf32, #tpu.memory_space<vmem_shared>> -> memref<80x64xf32, #tpu.memory_space<vmem_shared>>
        tpu.wait_dma2 semaphore(%run_scoped3A : memref<!tpu.dma_semaphore, #tpu.memory_space<semaphore_mem>>) src(%dma_wait3A_178 : memref<80x64xf32, #tpu.memory_space<vmem_shared>>) dst(%dma_wait3A : memref<80x64xf32, #tpu.memory_space<hbm>>)
        tpu.yield
      }) : () -> ()
    } else {
    }
    %add3A_122 = arith.constant 32 : i32
    %add3A_123 = arith.addi %arg1, %add3A_122 : i32
    %lt3A_124 = arith.constant 125 : i32
    %lt3A_125 = arith.cmpi slt, %add3A_123, %lt3A_124 : i32
    %convert_element_type3A_126 = arith.extui %lt3A_125 : i1 to i32
    %cond3A_127 = arith.constant 0 : i32
    %cond3A_128 = arith.cmpi ne, %convert_element_type3A_126, %cond3A_127 : i32
    scf.if %cond3A_128 {
      %mul3A = arith.constant 80 : i32
      %mul3A_169 = arith.muli %add3A_123, %mul3A : i32
      %add3A_170 = arith.constant 0 : i32
      %add3A_171 = arith.addi %add3A_170, %arg0 : i32
      %mul3A_172 = arith.constant 64 : i32
      %mul3A_173 = arith.muli %add3A_171, %mul3A_172 : i32
      "tpu.region"() ({
        %run_scoped3A = tpu.sem_alloc : memref<!tpu.dma_semaphore, #tpu.memory_space<semaphore_mem>>
        %dma_start3A_174 = tpu.memref_slice %arg6[%mul3A_169, %mul3A_173] : memref<10000x128xf32, #tpu.memory_space<hbm>> -> memref<80x64xf32, #tpu.memory_space<hbm>>
        %dma_start3A_175 = arith.constant 0 : i32
        %dma_start3A_176 = tpu.memref_slice %arg14[%mul3A_169, %dma_start3A_175] : memref<10000x64xf32, #tpu.memory_space<vmem_shared>> -> memref<80x64xf32, #tpu.memory_space<vmem_shared>>
        tpu.enqueue_dma source(%dma_start3A_176 : memref<80x64xf32, #tpu.memory_space<vmem_shared>>) target(%dma_start3A_174 : memref<80x64xf32, #tpu.memory_space<hbm>>) target_semaphore(%run_scoped3A : memref<!tpu.dma_semaphore, #tpu.memory_space<semaphore_mem>>)
        %dma_wait3A = tpu.memref_slice %arg6[%mul3A_169, %mul3A_173] : memref<10000x128xf32, #tpu.memory_space<hbm>> -> memref<80x64xf32, #tpu.memory_space<hbm>>
        %dma_wait3A_177 = arith.constant 0 : i32
        %dma_wait3A_178 = tpu.memref_slice %arg14[%mul3A_169, %dma_wait3A_177] : memref<10000x64xf32, #tpu.memory_space<vmem_shared>> -> memref<80x64xf32, #tpu.memory_space<vmem_shared>>
        tpu.wait_dma2 semaphore(%run_scoped3A : memref<!tpu.dma_semaphore, #tpu.memory_space<semaphore_mem>>) src(%dma_wait3A_178 : memref<80x64xf32, #tpu.memory_space<vmem_shared>>) dst(%dma_wait3A : memref<80x64xf32, #tpu.memory_space<hbm>>)
        tpu.yield
      }) : () -> ()
    } else {
    }
    %add3A_129 = arith.constant 48 : i32
    %add3A_130 = arith.addi %arg1, %add3A_129 : i32
    %lt3A_131 = arith.constant 125 : i32
    %lt3A_132 = arith.cmpi slt, %add3A_130, %lt3A_131 : i32
    %convert_element_type3A_133 = arith.extui %lt3A_132 : i1 to i32
    %cond3A_134 = arith.constant 0 : i32
    %cond3A_135 = arith.cmpi ne, %convert_element_type3A_133, %cond3A_134 : i32
    scf.if %cond3A_135 {
      %mul3A = arith.constant 80 : i32
      %mul3A_169 = arith.muli %add3A_130, %mul3A : i32
      %add3A_170 = arith.constant 0 : i32
      %add3A_171 = arith.addi %add3A_170, %arg0 : i32
      %mul3A_172 = arith.constant 64 : i32
      %mul3A_173 = arith.muli %add3A_171, %mul3A_172 : i32
      "tpu.region"() ({
        %run_scoped3A = tpu.sem_alloc : memref<!tpu.dma_semaphore, #tpu.memory_space<semaphore_mem>>
        %dma_start3A_174 = tpu.memref_slice %arg6[%mul3A_169, %mul3A_173] : memref<10000x128xf32, #tpu.memory_space<hbm>> -> memref<80x64xf32, #tpu.memory_space<hbm>>
        %dma_start3A_175 = arith.constant 0 : i32
        %dma_start3A_176 = tpu.memref_slice %arg14[%mul3A_169, %dma_start3A_175] : memref<10000x64xf32, #tpu.memory_space<vmem_shared>> -> memref<80x64xf32, #tpu.memory_space<vmem_shared>>
        tpu.enqueue_dma source(%dma_start3A_176 : memref<80x64xf32, #tpu.memory_space<vmem_shared>>) target(%dma_start3A_174 : memref<80x64xf32, #tpu.memory_space<hbm>>) target_semaphore(%run_scoped3A : memref<!tpu.dma_semaphore, #tpu.memory_space<semaphore_mem>>)
        %dma_wait3A = tpu.memref_slice %arg6[%mul3A_169, %mul3A_173] : memref<10000x128xf32, #tpu.memory_space<hbm>> -> memref<80x64xf32, #tpu.memory_space<hbm>>
        %dma_wait3A_177 = arith.constant 0 : i32
        %dma_wait3A_178 = tpu.memref_slice %arg14[%mul3A_169, %dma_wait3A_177] : memref<10000x64xf32, #tpu.memory_space<vmem_shared>> -> memref<80x64xf32, #tpu.memory_space<vmem_shared>>
        tpu.wait_dma2 semaphore(%run_scoped3A : memref<!tpu.dma_semaphore, #tpu.memory_space<semaphore_mem>>) src(%dma_wait3A_178 : memref<80x64xf32, #tpu.memory_space<vmem_shared>>) dst(%dma_wait3A : memref<80x64xf32, #tpu.memory_space<hbm>>)
        tpu.yield
      }) : () -> ()
    } else {
    }
    %add3A_136 = arith.constant 64 : i32
    %add3A_137 = arith.addi %arg1, %add3A_136 : i32
    %lt3A_138 = arith.constant 125 : i32
    %lt3A_139 = arith.cmpi slt, %add3A_137, %lt3A_138 : i32
    %convert_element_type3A_140 = arith.extui %lt3A_139 : i1 to i32
    %cond3A_141 = arith.constant 0 : i32
    %cond3A_142 = arith.cmpi ne, %convert_element_type3A_140, %cond3A_141 : i32
    scf.if %cond3A_142 {
      %mul3A = arith.constant 80 : i32
      %mul3A_169 = arith.muli %add3A_137, %mul3A : i32
      %add3A_170 = arith.constant 0 : i32
      %add3A_171 = arith.addi %add3A_170, %arg0 : i32
      %mul3A_172 = arith.constant 64 : i32
      %mul3A_173 = arith.muli %add3A_171, %mul3A_172 : i32
      "tpu.region"() ({
        %run_scoped3A = tpu.sem_alloc : memref<!tpu.dma_semaphore, #tpu.memory_space<semaphore_mem>>
        %dma_start3A_174 = tpu.memref_slice %arg6[%mul3A_169, %mul3A_173] : memref<10000x128xf32, #tpu.memory_space<hbm>> -> memref<80x64xf32, #tpu.memory_space<hbm>>
        %dma_start3A_175 = arith.constant 0 : i32
        %dma_start3A_176 = tpu.memref_slice %arg14[%mul3A_169, %dma_start3A_175] : memref<10000x64xf32, #tpu.memory_space<vmem_shared>> -> memref<80x64xf32, #tpu.memory_space<vmem_shared>>
        tpu.enqueue_dma source(%dma_start3A_176 : memref<80x64xf32, #tpu.memory_space<vmem_shared>>) target(%dma_start3A_174 : memref<80x64xf32, #tpu.memory_space<hbm>>) target_semaphore(%run_scoped3A : memref<!tpu.dma_semaphore, #tpu.memory_space<semaphore_mem>>)
        %dma_wait3A = tpu.memref_slice %arg6[%mul3A_169, %mul3A_173] : memref<10000x128xf32, #tpu.memory_space<hbm>> -> memref<80x64xf32, #tpu.memory_space<hbm>>
        %dma_wait3A_177 = arith.constant 0 : i32
        %dma_wait3A_178 = tpu.memref_slice %arg14[%mul3A_169, %dma_wait3A_177] : memref<10000x64xf32, #tpu.memory_space<vmem_shared>> -> memref<80x64xf32, #tpu.memory_space<vmem_shared>>
        tpu.wait_dma2 semaphore(%run_scoped3A : memref<!tpu.dma_semaphore, #tpu.memory_space<semaphore_mem>>) src(%dma_wait3A_178 : memref<80x64xf32, #tpu.memory_space<vmem_shared>>) dst(%dma_wait3A : memref<80x64xf32, #tpu.memory_space<hbm>>)
        tpu.yield
      }) : () -> ()
    } else {
    }
    %add3A_143 = arith.constant 80 : i32
    %add3A_144 = arith.addi %arg1, %add3A_143 : i32
    %lt3A_145 = arith.constant 125 : i32
    %lt3A_146 = arith.cmpi slt, %add3A_144, %lt3A_145 : i32
    %convert_element_type3A_147 = arith.extui %lt3A_146 : i1 to i32
    %cond3A_148 = arith.constant 0 : i32
    %cond3A_149 = arith.cmpi ne, %convert_element_type3A_147, %cond3A_148 : i32
    scf.if %cond3A_149 {
      %mul3A = arith.constant 80 : i32
      %mul3A_169 = arith.muli %add3A_144, %mul3A : i32
      %add3A_170 = arith.constant 0 : i32
      %add3A_171 = arith.addi %add3A_170, %arg0 : i32
      %mul3A_172 = arith.constant 64 : i32
      %mul3A_173 = arith.muli %add3A_171, %mul3A_172 : i32
      "tpu.region"() ({
        %run_scoped3A = tpu.sem_alloc : memref<!tpu.dma_semaphore, #tpu.memory_space<semaphore_mem>>
        %dma_start3A_174 = tpu.memref_slice %arg6[%mul3A_169, %mul3A_173] : memref<10000x128xf32, #tpu.memory_space<hbm>> -> memref<80x64xf32, #tpu.memory_space<hbm>>
        %dma_start3A_175 = arith.constant 0 : i32
        %dma_start3A_176 = tpu.memref_slice %arg14[%mul3A_169, %dma_start3A_175] : memref<10000x64xf32, #tpu.memory_space<vmem_shared>> -> memref<80x64xf32, #tpu.memory_space<vmem_shared>>
        tpu.enqueue_dma source(%dma_start3A_176 : memref<80x64xf32, #tpu.memory_space<vmem_shared>>) target(%dma_start3A_174 : memref<80x64xf32, #tpu.memory_space<hbm>>) target_semaphore(%run_scoped3A : memref<!tpu.dma_semaphore, #tpu.memory_space<semaphore_mem>>)
        %dma_wait3A = tpu.memref_slice %arg6[%mul3A_169, %mul3A_173] : memref<10000x128xf32, #tpu.memory_space<hbm>> -> memref<80x64xf32, #tpu.memory_space<hbm>>
        %dma_wait3A_177 = arith.constant 0 : i32
        %dma_wait3A_178 = tpu.memref_slice %arg14[%mul3A_169, %dma_wait3A_177] : memref<10000x64xf32, #tpu.memory_space<vmem_shared>> -> memref<80x64xf32, #tpu.memory_space<vmem_shared>>
        tpu.wait_dma2 semaphore(%run_scoped3A : memref<!tpu.dma_semaphore, #tpu.memory_space<semaphore_mem>>) src(%dma_wait3A_178 : memref<80x64xf32, #tpu.memory_space<vmem_shared>>) dst(%dma_wait3A : memref<80x64xf32, #tpu.memory_space<hbm>>)
        tpu.yield
      }) : () -> ()
    } else {
    }
    %add3A_150 = arith.constant 96 : i32
    %add3A_151 = arith.addi %arg1, %add3A_150 : i32
    %lt3A_152 = arith.constant 125 : i32
    %lt3A_153 = arith.cmpi slt, %add3A_151, %lt3A_152 : i32
    %convert_element_type3A_154 = arith.extui %lt3A_153 : i1 to i32
    %cond3A_155 = arith.constant 0 : i32
    %cond3A_156 = arith.cmpi ne, %convert_element_type3A_154, %cond3A_155 : i32
    scf.if %cond3A_156 {
      %mul3A = arith.constant 80 : i32
      %mul3A_169 = arith.muli %add3A_151, %mul3A : i32
      %add3A_170 = arith.constant 0 : i32
      %add3A_171 = arith.addi %add3A_170, %arg0 : i32
      %mul3A_172 = arith.constant 64 : i32
      %mul3A_173 = arith.muli %add3A_171, %mul3A_172 : i32
      "tpu.region"() ({
        %run_scoped3A = tpu.sem_alloc : memref<!tpu.dma_semaphore, #tpu.memory_space<semaphore_mem>>
        %dma_start3A_174 = tpu.memref_slice %arg6[%mul3A_169, %mul3A_173] : memref<10000x128xf32, #tpu.memory_space<hbm>> -> memref<80x64xf32, #tpu.memory_space<hbm>>
        %dma_start3A_175 = arith.constant 0 : i32
        %dma_start3A_176 = tpu.memref_slice %arg14[%mul3A_169, %dma_start3A_175] : memref<10000x64xf32, #tpu.memory_space<vmem_shared>> -> memref<80x64xf32, #tpu.memory_space<vmem_shared>>
        tpu.enqueue_dma source(%dma_start3A_176 : memref<80x64xf32, #tpu.memory_space<vmem_shared>>) target(%dma_start3A_174 : memref<80x64xf32, #tpu.memory_space<hbm>>) target_semaphore(%run_scoped3A : memref<!tpu.dma_semaphore, #tpu.memory_space<semaphore_mem>>)
        %dma_wait3A = tpu.memref_slice %arg6[%mul3A_169, %mul3A_173] : memref<10000x128xf32, #tpu.memory_space<hbm>> -> memref<80x64xf32, #tpu.memory_space<hbm>>
        %dma_wait3A_177 = arith.constant 0 : i32
        %dma_wait3A_178 = tpu.memref_slice %arg14[%mul3A_169, %dma_wait3A_177] : memref<10000x64xf32, #tpu.memory_space<vmem_shared>> -> memref<80x64xf32, #tpu.memory_space<vmem_shared>>
        tpu.wait_dma2 semaphore(%run_scoped3A : memref<!tpu.dma_semaphore, #tpu.memory_space<semaphore_mem>>) src(%dma_wait3A_178 : memref<80x64xf32, #tpu.memory_space<vmem_shared>>) dst(%dma_wait3A : memref<80x64xf32, #tpu.memory_space<hbm>>)
        tpu.yield
      }) : () -> ()
    } else {
    }
    %add3A_157 = arith.constant 112 : i32
    %add3A_158 = arith.addi %arg1, %add3A_157 : i32
    %lt3A_159 = arith.constant 125 : i32
    %lt3A_160 = arith.cmpi slt, %add3A_158, %lt3A_159 : i32
    %convert_element_type3A_161 = arith.extui %lt3A_160 : i1 to i32
    %cond3A_162 = arith.constant 0 : i32
    %cond3A_163 = arith.cmpi ne, %convert_element_type3A_161, %cond3A_162 : i32
    scf.if %cond3A_163 {
      %mul3A = arith.constant 80 : i32
      %mul3A_169 = arith.muli %add3A_158, %mul3A : i32
      %add3A_170 = arith.constant 0 : i32
      %add3A_171 = arith.addi %add3A_170, %arg0 : i32
      %mul3A_172 = arith.constant 64 : i32
      %mul3A_173 = arith.muli %add3A_171, %mul3A_172 : i32
      "tpu.region"() ({
        %run_scoped3A = tpu.sem_alloc : memref<!tpu.dma_semaphore, #tpu.memory_space<semaphore_mem>>
        %dma_start3A_174 = tpu.memref_slice %arg6[%mul3A_169, %mul3A_173] : memref<10000x128xf32, #tpu.memory_space<hbm>> -> memref<80x64xf32, #tpu.memory_space<hbm>>
        %dma_start3A_175 = arith.constant 0 : i32
        %dma_start3A_176 = tpu.memref_slice %arg14[%mul3A_169, %dma_start3A_175] : memref<10000x64xf32, #tpu.memory_space<vmem_shared>> -> memref<80x64xf32, #tpu.memory_space<vmem_shared>>
        tpu.enqueue_dma source(%dma_start3A_176 : memref<80x64xf32, #tpu.memory_space<vmem_shared>>) target(%dma_start3A_174 : memref<80x64xf32, #tpu.memory_space<hbm>>) target_semaphore(%run_scoped3A : memref<!tpu.dma_semaphore, #tpu.memory_space<semaphore_mem>>)
        %dma_wait3A = tpu.memref_slice %arg6[%mul3A_169, %mul3A_173] : memref<10000x128xf32, #tpu.memory_space<hbm>> -> memref<80x64xf32, #tpu.memory_space<hbm>>
        %dma_wait3A_177 = arith.constant 0 : i32
        %dma_wait3A_178 = tpu.memref_slice %arg14[%mul3A_169, %dma_wait3A_177] : memref<10000x64xf32, #tpu.memory_space<vmem_shared>> -> memref<80x64xf32, #tpu.memory_space<vmem_shared>>
        tpu.wait_dma2 semaphore(%run_scoped3A : memref<!tpu.dma_semaphore, #tpu.memory_space<semaphore_mem>>) src(%dma_wait3A_178 : memref<80x64xf32, #tpu.memory_space<vmem_shared>>) dst(%dma_wait3A : memref<80x64xf32, #tpu.memory_space<hbm>>)
        tpu.yield
      }) : () -> ()
    } else {
    }
    %eq3A_164 = arith.constant 0 : i32
    %eq3A_165 = arith.cmpi eq, %arg0, %eq3A_164 : i32
    %convert_element_type3A_166 = arith.extui %eq3A_165 : i1 to i32
    %cond3A_167 = arith.constant 0 : i32
    %cond3A_168 = arith.cmpi ne, %convert_element_type3A_166, %cond3A_167 : i32
    scf.if %cond3A_168 {
      "tpu.region"() ({
        %run_scoped3A = tpu.sem_alloc : memref<!tpu.dma_semaphore, #tpu.memory_space<semaphore_mem>>
        %dma_start3A_169 = arith.constant 0 : i32
        %dma_start3A_170 = arith.constant 0 : i32
        %dma_start3A_171 = tpu.memref_slice %arg7[%arg1, %dma_start3A_169, %dma_start3A_170] : memref<16x625x16xf32, #tpu.memory_space<hbm>> -> memref<1x625x16xf32, #tpu.memory_space<hbm>>
        %dma_start3A_172 = tpu.memref_squeeze %dma_start3A_171 : memref<1x625x16xf32, #tpu.memory_space<hbm>> -> memref<625x16xf32, #tpu.memory_space<hbm>>
        %dma_start3A_173 = arith.constant 0 : i32
        %dma_start3A_174 = arith.constant 0 : i32
        %dma_start3A_175 = tpu.memref_slice %arg7[%arg1, %dma_start3A_173, %dma_start3A_174] : memref<16x625x16xf32, #tpu.memory_space<hbm>> -> memref<1x625x16xf32, #tpu.memory_space<hbm>>
        %dma_start3A_176 = tpu.memref_squeeze %dma_start3A_175 : memref<1x625x16xf32, #tpu.memory_space<hbm>> -> memref<625x16xf32, #tpu.memory_space<hbm>>
        tpu.enqueue_dma source(%arg13 : memref<625x16xf32, #tpu.memory_space<vmem>>) target(%dma_start3A_176 : memref<625x16xf32, #tpu.memory_space<hbm>>) target_semaphore(%run_scoped3A : memref<!tpu.dma_semaphore, #tpu.memory_space<semaphore_mem>>)
        %dma_wait3A = arith.constant 0 : i32
        %dma_wait3A_177 = arith.constant 0 : i32
        %dma_wait3A_178 = tpu.memref_slice %arg7[%arg1, %dma_wait3A, %dma_wait3A_177] : memref<16x625x16xf32, #tpu.memory_space<hbm>> -> memref<1x625x16xf32, #tpu.memory_space<hbm>>
        %dma_wait3A_179 = tpu.memref_squeeze %dma_wait3A_178 : memref<1x625x16xf32, #tpu.memory_space<hbm>> -> memref<625x16xf32, #tpu.memory_space<hbm>>
        %dma_wait3A_180 = arith.constant 0 : i32
        %dma_wait3A_181 = arith.constant 0 : i32
        %dma_wait3A_182 = tpu.memref_slice %arg7[%arg1, %dma_wait3A_180, %dma_wait3A_181] : memref<16x625x16xf32, #tpu.memory_space<hbm>> -> memref<1x625x16xf32, #tpu.memory_space<hbm>>
        %dma_wait3A_183 = tpu.memref_squeeze %dma_wait3A_182 : memref<1x625x16xf32, #tpu.memory_space<hbm>> -> memref<625x16xf32, #tpu.memory_space<hbm>>
        tpu.wait_dma2 semaphore(%run_scoped3A : memref<!tpu.dma_semaphore, #tpu.memory_space<semaphore_mem>>) src(%arg13 : memref<625x16xf32, #tpu.memory_space<vmem>>) dst(%dma_wait3A_183 : memref<625x16xf32, #tpu.memory_space<hbm>>)
        tpu.yield
      }) : () -> ()
    } else {
    }
    return
  }
}

module attributes {stable_mosaic.version = 14 : i64} {
  func.func @_idx_body(%arg0: i32, %arg1: memref<320000xi32, #tpu.memory_space<vmem>>, %arg2: memref<2x320000xi32, #tpu.memory_space<vmem>>, %arg3: memref<4x320000xi32, #tpu.memory_space<vmem>>) attributes {dimension_semantics = [#tpu.dimension_semantics<arbitrary>], iteration_bounds = array<i64: 1>, scalar_prefetch = 0 : i64, scratch_operands = 0 : i64, tpu.core_type = #tpu.core_type<tc>, window_params = [{pipeline_mode = #tpu.pipeline_mode<synchronous>, transform_indices = @transform_0, window_bounds = array<i64: 320000>}, {pipeline_mode = #tpu.pipeline_mode<synchronous>, transform_indices = @transform_1, window_bounds = array<i64: 2, 320000>}, {pipeline_mode = #tpu.pipeline_mode<synchronous>, transform_indices = @transform_2, window_bounds = array<i64: 4, 320000>}]} {
    %get3A = arith.constant 0 : index
    %get3A_0 = vector.load %arg1[%get3A] : memref<320000xi32, #tpu.memory_space<vmem>>, vector<320000xi32>
    %mul3A = arith.constant 2 : i32
    %mul3A_1 = vector.broadcast %mul3A : i32 to vector<320000xi32>
    %mul3A_2 = arith.muli %mul3A_1, %get3A_0 : vector<320000xi32>
    %swap3A = arith.constant 0 : index
    %swap3A_3 = arith.constant 0 : index
    %swap3A_4 = vector.load %arg2[%swap3A, %swap3A_3] : memref<2x320000xi32, #tpu.memory_space<vmem>>, vector<1x320000xi32>
    %swap3A_5 = vector.shape_cast %swap3A_4 : vector<1x320000xi32> to vector<320000xi32>
    %swap3A_6 = vector.shape_cast %mul3A_2 : vector<320000xi32> to vector<1x320000xi32>
    tpu.vector_store %arg2[%swap3A, %swap3A_3], %swap3A_6 {strides = array<i32>} : memref<2x320000xi32, #tpu.memory_space<vmem>>, vector<1x320000xi32>,
    %mul3A_7 = arith.constant 2 : i32
    %mul3A_8 = vector.broadcast %mul3A_7 : i32 to vector<320000xi32>
    %mul3A_9 = arith.muli %mul3A_8, %get3A_0 : vector<320000xi32>
    %add3A = arith.constant 1 : i32
    %add3A_10 = vector.broadcast %add3A : i32 to vector<320000xi32>
    %add3A_11 = arith.addi %mul3A_9, %add3A_10 : vector<320000xi32>
    %swap3A_12 = arith.constant 1 : index
    %swap3A_13 = arith.constant 0 : index
    %swap3A_14 = vector.load %arg2[%swap3A_12, %swap3A_13] : memref<2x320000xi32, #tpu.memory_space<vmem>>, vector<1x320000xi32>
    %swap3A_15 = vector.shape_cast %swap3A_14 : vector<1x320000xi32> to vector<320000xi32>
    %swap3A_16 = vector.shape_cast %add3A_11 : vector<320000xi32> to vector<1x320000xi32>
    tpu.vector_store %arg2[%swap3A_12, %swap3A_13], %swap3A_16 {strides = array<i32>} : memref<2x320000xi32, #tpu.memory_space<vmem>>, vector<1x320000xi32>,
    %mul3A_17 = arith.constant 4 : i32
    %mul3A_18 = vector.broadcast %mul3A_17 : i32 to vector<320000xi32>
    %mul3A_19 = arith.muli %mul3A_18, %get3A_0 : vector<320000xi32>
    %add3A_20 = arith.constant 0 : i32
    %add3A_21 = vector.broadcast %add3A_20 : i32 to vector<320000xi32>
    %add3A_22 = arith.addi %mul3A_19, %add3A_21 : vector<320000xi32>
    %swap3A_23 = arith.constant 0 : index
    %swap3A_24 = arith.constant 0 : index
    %swap3A_25 = vector.load %arg3[%swap3A_23, %swap3A_24] : memref<4x320000xi32, #tpu.memory_space<vmem>>, vector<1x320000xi32>
    %swap3A_26 = vector.shape_cast %swap3A_25 : vector<1x320000xi32> to vector<320000xi32>
    %swap3A_27 = vector.shape_cast %add3A_22 : vector<320000xi32> to vector<1x320000xi32>
    tpu.vector_store %arg3[%swap3A_23, %swap3A_24], %swap3A_27 {strides = array<i32>} : memref<4x320000xi32, #tpu.memory_space<vmem>>, vector<1x320000xi32>,
    %mul3A_28 = arith.constant 4 : i32
    %mul3A_29 = vector.broadcast %mul3A_28 : i32 to vector<320000xi32>
    %mul3A_30 = arith.muli %mul3A_29, %get3A_0 : vector<320000xi32>
    %add3A_31 = arith.constant 1 : i32
    %add3A_32 = vector.broadcast %add3A_31 : i32 to vector<320000xi32>
    %add3A_33 = arith.addi %mul3A_30, %add3A_32 : vector<320000xi32>
    %swap3A_34 = arith.constant 1 : index
    %swap3A_35 = arith.constant 0 : index
    %swap3A_36 = vector.load %arg3[%swap3A_34, %swap3A_35] : memref<4x320000xi32, #tpu.memory_space<vmem>>, vector<1x320000xi32>
    %swap3A_37 = vector.shape_cast %swap3A_36 : vector<1x320000xi32> to vector<320000xi32>
    %swap3A_38 = vector.shape_cast %add3A_33 : vector<320000xi32> to vector<1x320000xi32>
    tpu.vector_store %arg3[%swap3A_34, %swap3A_35], %swap3A_38 {strides = array<i32>} : memref<4x320000xi32, #tpu.memory_space<vmem>>, vector<1x320000xi32>,
    %mul3A_39 = arith.constant 4 : i32
    %mul3A_40 = vector.broadcast %mul3A_39 : i32 to vector<320000xi32>
    %mul3A_41 = arith.muli %mul3A_40, %get3A_0 : vector<320000xi32>
    %add3A_42 = arith.constant 2 : i32
    %add3A_43 = vector.broadcast %add3A_42 : i32 to vector<320000xi32>
    %add3A_44 = arith.addi %mul3A_41, %add3A_43 : vector<320000xi32>
    %swap3A_45 = arith.constant 2 : index
    %swap3A_46 = arith.constant 0 : index
    %swap3A_47 = vector.load %arg3[%swap3A_45, %swap3A_46] : memref<4x320000xi32, #tpu.memory_space<vmem>>, vector<1x320000xi32>
    %swap3A_48 = vector.shape_cast %swap3A_47 : vector<1x320000xi32> to vector<320000xi32>
    %swap3A_49 = vector.shape_cast %add3A_44 : vector<320000xi32> to vector<1x320000xi32>
    tpu.vector_store %arg3[%swap3A_45, %swap3A_46], %swap3A_49 {strides = array<i32>} : memref<4x320000xi32, #tpu.memory_space<vmem>>, vector<1x320000xi32>,
    %mul3A_50 = arith.constant 4 : i32
    %mul3A_51 = vector.broadcast %mul3A_50 : i32 to vector<320000xi32>
    %mul3A_52 = arith.muli %mul3A_51, %get3A_0 : vector<320000xi32>
    %add3A_53 = arith.constant 3 : i32
    %add3A_54 = vector.broadcast %add3A_53 : i32 to vector<320000xi32>
    %add3A_55 = arith.addi %mul3A_52, %add3A_54 : vector<320000xi32>
    %swap3A_56 = arith.constant 3 : index
    %swap3A_57 = arith.constant 0 : index
    %swap3A_58 = vector.load %arg3[%swap3A_56, %swap3A_57] : memref<4x320000xi32, #tpu.memory_space<vmem>>, vector<1x320000xi32>
    %swap3A_59 = vector.shape_cast %swap3A_58 : vector<1x320000xi32> to vector<320000xi32>
    %swap3A_60 = vector.shape_cast %add3A_55 : vector<320000xi32> to vector<1x320000xi32>
    tpu.vector_store %arg3[%swap3A_56, %swap3A_57], %swap3A_60 {strides = array<i32>} : memref<4x320000xi32, #tpu.memory_space<vmem>>, vector<1x320000xi32>,
    return
  }
  func.func @transform_0(%arg0: i32) -> i32 {
    %c0_i32 = arith.constant 0 : i32
    %c0_i32_0 = arith.constant 0 : i32
    return %c0_i32 : i32
  }
  func.func @transform_1(%arg0: i32) -> (i32, i32) {
    %c0_i32 = arith.constant 0 : i32
    %c0_i32_0 = arith.constant 0 : i32
    %c0_i32_1 = arith.constant 0 : i32
    return %c0_i32, %c0_i32_0 : i32, i32
  }
  func.func @transform_2(%arg0: i32) -> (i32, i32) {
    %c0_i32 = arith.constant 0 : i32
    %c0_i32_0 = arith.constant 0 : i32
    %c0_i32_1 = arith.constant 0 : i32
    return %c0_i32, %c0_i32_0 : i32, i32
  }
}

module attributes {stable_mosaic.version = 14 : i64} {
  func.func @_mm_body(%arg0: i32, %arg1: memref<2000x128xf32, #tpu.memory_space<vmem>>, %arg2: memref<128x256xf32, #tpu.memory_space<vmem>>, %arg3: memref<1x256xf32, #tpu.memory_space<vmem>>, %arg4: memref<2000x256xf32, #tpu.memory_space<vmem>>) attributes {dimension_semantics = [#tpu.dimension_semantics<arbitrary>], iteration_bounds = array<i64: 5>, scalar_prefetch = 0 : i64, scratch_operands = 0 : i64, tpu.core_type = #tpu.core_type<tc>, window_params = [{transform_indices = @transform_0, window_bounds = array<i64: 2000, 128>}, {pipeline_mode = #tpu.pipeline_mode<synchronous>, transform_indices = @transform_1, window_bounds = array<i64: 128, 256>}, {pipeline_mode = #tpu.pipeline_mode<synchronous>, transform_indices = @transform_2, window_bounds = array<i64: 1, 256>}, {transform_indices = @transform_3, window_bounds = array<i64: 2000, 256>}]} {
    %get3A = arith.constant 0 : index
    %get3A_0 = arith.constant 0 : index
    %get3A_1 = vector.load %arg1[%get3A, %get3A_0] : memref<2000x128xf32, #tpu.memory_space<vmem>>, vector<2000x128xf32>
    %get3A_2 = arith.constant 0 : index
    %get3A_3 = arith.constant 0 : index
    %get3A_4 = vector.load %arg2[%get3A_2, %get3A_3] : memref<128x256xf32, #tpu.memory_space<vmem>>, vector<128x256xf32>
    %dot_general3A = arith.constant dense<0.000000e+00> : vector<2000x256xf32>
    %dot_general3A_5 = tpu.matmul %get3A_1, %get3A_4, %dot_general3A {dimension_numbers = #tpu.dot_dimension_numbers<[1], [0], [0], [1], [0, 0, 1, 1], [], []>, transpose_lhs_hint = false} : vector<2000x128xf32>, vector<128x256xf32>, vector<2000x256xf32> -> vector<2000x256xf32>
    %get3A_6 = arith.constant 0 : index
    %get3A_7 = arith.constant 0 : index
    %get3A_8 = vector.load %arg3[%get3A_6, %get3A_7] : memref<1x256xf32, #tpu.memory_space<vmem>>, vector<1x256xf32>
    %add3A = vector.broadcast %get3A_8 : vector<1x256xf32> to vector<2000x256xf32>
    %add3A_9 = arith.addf %dot_general3A_5, %add3A : vector<2000x256xf32>
    %swap3A = arith.constant 0 : index
    %swap3A_10 = arith.constant 0 : index
    %swap3A_11 = vector.load %arg4[%swap3A, %swap3A_10] : memref<2000x256xf32, #tpu.memory_space<vmem>>, vector<2000x256xf32>
    tpu.vector_store %arg4[%swap3A, %swap3A_10], %add3A_9 {strides = array<i32>} : memref<2000x256xf32, #tpu.memory_space<vmem>>, vector<2000x256xf32>,
    return
  }
  func.func @transform_0(%arg0: i32) -> (i32, i32) {
    %c0_i32 = arith.constant 0 : i32
    %c0_i32_0 = arith.constant 0 : i32
    return %arg0, %c0_i32 : i32, i32
  }
  func.func @transform_1(%arg0: i32) -> (i32, i32) {
    %c0_i32 = arith.constant 0 : i32
    %c0_i32_0 = arith.constant 0 : i32
    %c0_i32_1 = arith.constant 0 : i32
    return %c0_i32, %c0_i32_0 : i32, i32
  }
  func.func @transform_2(%arg0: i32) -> (i32, i32) {
    %c0_i32 = arith.constant 0 : i32
    %c0_i32_0 = arith.constant 0 : i32
    %c0_i32_1 = arith.constant 0 : i32
    return %c0_i32, %c0_i32_0 : i32, i32
  }
  func.func @transform_3(%arg0: i32) -> (i32, i32) {
    %c0_i32 = arith.constant 0 : i32
    %c0_i32_0 = arith.constant 0 : i32
    return %arg0, %c0_i32 : i32, i32
  }
}

module attributes {stable_mosaic.version = 14 : i64} {
  func.func @_deg_body(%arg0: i32, %arg1: memref<16x10000xf32, #tpu.memory_space<vmem>>, %arg2: memref<10000x1xf32, #tpu.memory_space<vmem>>) attributes {dimension_semantics = [#tpu.dimension_semantics<arbitrary>], iteration_bounds = array<i64: 1>, scalar_prefetch = 0 : i64, scratch_operands = 0 : i64, tpu.core_type = #tpu.core_type<tc>, window_params = [{pipeline_mode = #tpu.pipeline_mode<synchronous>, transform_indices = @transform_0, window_bounds = array<i64: 16, 10000>}, {pipeline_mode = #tpu.pipeline_mode<synchronous>, transform_indices = @transform_1, window_bounds = array<i64: 10000, 1>}]} {
    %get3A = arith.constant 0 : index
    %get3A_0 = arith.constant 0 : index
    %get3A_1 = vector.load %arg1[%get3A, %get3A_0] : memref<16x10000xf32, #tpu.memory_space<vmem>>, vector<16x10000xf32>
    %reduce_sum3A = arith.constant dense<0.000000e+00> : vector<10000xf32>
    %reduce_sum3A_2 = vector.multi_reduction <add>, %get3A_1, %reduce_sum3A [0] : vector<16x10000xf32> to vector<10000xf32>
    %broadcast_in_dim3A = vector.shape_cast %reduce_sum3A_2 : vector<10000xf32> to vector<1x10000xf32>
    %max3A = arith.constant 1.000000e+00 : f32
    %max3A_3 = vector.broadcast %max3A : f32 to vector<1x10000xf32>
    %max3A_4 = arith.maximumf %broadcast_in_dim3A, %max3A_3 : vector<1x10000xf32>
    %div3A = arith.constant 1.000000e+00 : f32
    %div3A_5 = vector.broadcast %div3A : f32 to vector<1x10000xf32>
    %div3A_6 = arith.divf %div3A_5, %max3A_4 : vector<1x10000xf32>
    %transpose3A = tpu.transpose %div3A_6, [1, 0] : vector<1x10000xf32> -> vector<10000x1xf32>
    %swap3A = arith.constant 0 : index
    %swap3A_7 = arith.constant 0 : index
    %swap3A_8 = vector.load %arg2[%swap3A, %swap3A_7] : memref<10000x1xf32, #tpu.memory_space<vmem>>, vector<10000x1xf32>
    tpu.vector_store %arg2[%swap3A, %swap3A_7], %transpose3A {strides = array<i32>} : memref<10000x1xf32, #tpu.memory_space<vmem>>, vector<10000x1xf32>,
    return
  }
  func.func @transform_0(%arg0: i32) -> (i32, i32) {
    %c0_i32 = arith.constant 0 : i32
    %c0_i32_0 = arith.constant 0 : i32
    %c0_i32_1 = arith.constant 0 : i32
    return %c0_i32, %c0_i32_0 : i32, i32
  }
  func.func @transform_1(%arg0: i32) -> (i32, i32) {
    %c0_i32 = arith.constant 0 : i32
    %c0_i32_0 = arith.constant 0 : i32
    %c0_i32_1 = arith.constant 0 : i32
    return %c0_i32, %c0_i32_0 : i32, i32
  }
}

module attributes {stable_mosaic.version = 14 : i64} {
  func.func @_agg_mm_body(%arg0: i32, %arg1: memref<256000xf32, #tpu.memory_space<vmem>>, %arg2: memref<2000x1xf32, #tpu.memory_space<vmem>>, %arg3: memref<128x256xf32, #tpu.memory_space<vmem>>, %arg4: memref<2000x256xf32, #tpu.memory_space<vmem>>, %arg5: memref<512000xf32, #tpu.memory_space<vmem>>) attributes {dimension_semantics = [#tpu.dimension_semantics<arbitrary>], iteration_bounds = array<i64: 5>, scalar_prefetch = 0 : i64, scratch_operands = 0 : i64, tpu.core_type = #tpu.core_type<tc>, window_params = [{transform_indices = @transform_0, window_bounds = array<i64: 256000>}, {transform_indices = @transform_1, window_bounds = array<i64: 2000, 1>}, {pipeline_mode = #tpu.pipeline_mode<synchronous>, transform_indices = @transform_2, window_bounds = array<i64: 128, 256>}, {transform_indices = @transform_3, window_bounds = array<i64: 2000, 256>}, {transform_indices = @transform_4, window_bounds = array<i64: 512000>}]} {
    %get3A = arith.constant 0 : index
    %get3A_0 = vector.load %arg1[%get3A] : memref<256000xf32, #tpu.memory_space<vmem>>, vector<256000xf32>
    %reshape3A = vector.shape_cast %get3A_0 : vector<256000xf32> to vector<2000x128xf32>
    %get3A_1 = arith.constant 0 : index
    %get3A_2 = arith.constant 0 : index
    %get3A_3 = vector.load %arg2[%get3A_1, %get3A_2] : memref<2000x1xf32, #tpu.memory_space<vmem>>, vector<2000x1xf32>
    %mul3A = vector.broadcast %get3A_3 : vector<2000x1xf32> to vector<2000x128xf32>
    %mul3A_4 = arith.mulf %reshape3A, %mul3A : vector<2000x128xf32>
    %get3A_5 = arith.constant 0 : index
    %get3A_6 = arith.constant 0 : index
    %get3A_7 = vector.load %arg3[%get3A_5, %get3A_6] : memref<128x256xf32, #tpu.memory_space<vmem>>, vector<128x256xf32>
    %dot_general3A = arith.constant dense<0.000000e+00> : vector<2000x256xf32>
    %dot_general3A_8 = tpu.matmul %mul3A_4, %get3A_7, %dot_general3A {dimension_numbers = #tpu.dot_dimension_numbers<[1], [0], [0], [1], [0, 0, 1, 1], [], []>, transpose_lhs_hint = false} : vector<2000x128xf32>, vector<128x256xf32>, vector<2000x256xf32> -> vector<2000x256xf32>
    %get3A_9 = arith.constant 0 : index
    %get3A_10 = arith.constant 0 : index
    %get3A_11 = vector.load %arg4[%get3A_9, %get3A_10] : memref<2000x256xf32, #tpu.memory_space<vmem>>, vector<2000x256xf32>
    %add3A = arith.addf %dot_general3A_8, %get3A_11 : vector<2000x256xf32>
    %max3A = arith.constant 0.000000e+00 : f32
    %max3A_12 = vector.broadcast %max3A : f32 to vector<2000x256xf32>
    %max3A_13 = arith.maximumf %add3A, %max3A_12 : vector<2000x256xf32>
    %reshape3A_14 = vector.shape_cast %max3A_13 : vector<2000x256xf32> to vector<512000xf32>
    %swap3A = arith.constant 0 : index
    %swap3A_15 = vector.load %arg5[%swap3A] : memref<512000xf32, #tpu.memory_space<vmem>>, vector<512000xf32>
    tpu.vector_store %arg5[%swap3A], %reshape3A_14 {strides = array<i32>} : memref<512000xf32, #tpu.memory_space<vmem>>, vector<512000xf32>,
    return
  }
  func.func @transform_0(%arg0: i32) -> i32 {
    %c0_i32 = arith.constant 0 : i32
    return %arg0 : i32
  }
  func.func @transform_1(%arg0: i32) -> (i32, i32) {
    %c0_i32 = arith.constant 0 : i32
    %c0_i32_0 = arith.constant 0 : i32
    return %arg0, %c0_i32 : i32, i32
  }
  func.func @transform_2(%arg0: i32) -> (i32, i32) {
    %c0_i32 = arith.constant 0 : i32
    %c0_i32_0 = arith.constant 0 : i32
    %c0_i32_1 = arith.constant 0 : i32
    return %c0_i32, %c0_i32_0 : i32, i32
  }
  func.func @transform_3(%arg0: i32) -> (i32, i32) {
    %c0_i32 = arith.constant 0 : i32
    %c0_i32_0 = arith.constant 0 : i32
    return %arg0, %c0_i32 : i32, i32
  }
  func.func @transform_4(%arg0: i32) -> i32 {
    %c0_i32 = arith.constant 0 : i32
    return %arg0 : i32
  }
}

module attributes {stable_mosaic.version = 14 : i64} {
  func.func @_mm_flat_body(%arg0: i32, %arg1: memref<512000xf32, #tpu.memory_space<vmem>>, %arg2: memref<256x128xf32, #tpu.memory_space<vmem>>, %arg3: memref<1x128xf32, #tpu.memory_space<vmem>>, %arg4: memref<2000x128xf32, #tpu.memory_space<vmem>>) attributes {dimension_semantics = [#tpu.dimension_semantics<arbitrary>], iteration_bounds = array<i64: 5>, scalar_prefetch = 0 : i64, scratch_operands = 0 : i64, tpu.core_type = #tpu.core_type<tc>, window_params = [{transform_indices = @transform_0, window_bounds = array<i64: 512000>}, {pipeline_mode = #tpu.pipeline_mode<synchronous>, transform_indices = @transform_1, window_bounds = array<i64: 256, 128>}, {pipeline_mode = #tpu.pipeline_mode<synchronous>, transform_indices = @transform_2, window_bounds = array<i64: 1, 128>}, {transform_indices = @transform_3, window_bounds = array<i64: 2000, 128>}]} {
    %get3A = arith.constant 0 : index
    %get3A_0 = vector.load %arg1[%get3A] : memref<512000xf32, #tpu.memory_space<vmem>>, vector<512000xf32>
    %reshape3A = vector.shape_cast %get3A_0 : vector<512000xf32> to vector<2000x256xf32>
    %get3A_1 = arith.constant 0 : index
    %get3A_2 = arith.constant 0 : index
    %get3A_3 = vector.load %arg2[%get3A_1, %get3A_2] : memref<256x128xf32, #tpu.memory_space<vmem>>, vector<256x128xf32>
    %dot_general3A = arith.constant dense<0.000000e+00> : vector<2000x128xf32>
    %dot_general3A_4 = tpu.matmul %reshape3A, %get3A_3, %dot_general3A {dimension_numbers = #tpu.dot_dimension_numbers<[1], [0], [0], [1], [0, 0, 1, 1], [], []>, transpose_lhs_hint = false} : vector<2000x256xf32>, vector<256x128xf32>, vector<2000x128xf32> -> vector<2000x128xf32>
    %get3A_5 = arith.constant 0 : index
    %get3A_6 = arith.constant 0 : index
    %get3A_7 = vector.load %arg3[%get3A_5, %get3A_6] : memref<1x128xf32, #tpu.memory_space<vmem>>, vector<1x128xf32>
    %add3A = vector.broadcast %get3A_7 : vector<1x128xf32> to vector<2000x128xf32>
    %add3A_8 = arith.addf %dot_general3A_4, %add3A : vector<2000x128xf32>
    %swap3A = arith.constant 0 : index
    %swap3A_9 = arith.constant 0 : index
    %swap3A_10 = vector.load %arg4[%swap3A, %swap3A_9] : memref<2000x128xf32, #tpu.memory_space<vmem>>, vector<2000x128xf32>
    tpu.vector_store %arg4[%swap3A, %swap3A_9], %add3A_8 {strides = array<i32>} : memref<2000x128xf32, #tpu.memory_space<vmem>>, vector<2000x128xf32>,
    return
  }
  func.func @transform_0(%arg0: i32) -> i32 {
    %c0_i32 = arith.constant 0 : i32
    return %arg0 : i32
  }
  func.func @transform_1(%arg0: i32) -> (i32, i32) {
    %c0_i32 = arith.constant 0 : i32
    %c0_i32_0 = arith.constant 0 : i32
    %c0_i32_1 = arith.constant 0 : i32
    return %c0_i32, %c0_i32_0 : i32, i32
  }
  func.func @transform_2(%arg0: i32) -> (i32, i32) {
    %c0_i32 = arith.constant 0 : i32
    %c0_i32_0 = arith.constant 0 : i32
    %c0_i32_1 = arith.constant 0 : i32
    return %c0_i32, %c0_i32_0 : i32, i32
  }
  func.func @transform_3(%arg0: i32) -> (i32, i32) {
    %c0_i32 = arith.constant 0 : i32
    %c0_i32_0 = arith.constant 0 : i32
    return %arg0, %c0_i32 : i32, i32
  }
}

module attributes {stable_mosaic.version = 14 : i64} {
  func.func @_agg_mm_body(%arg0: i32, %arg1: memref<512000xf32, #tpu.memory_space<vmem>>, %arg2: memref<2000x1xf32, #tpu.memory_space<vmem>>, %arg3: memref<256x128xf32, #tpu.memory_space<vmem>>, %arg4: memref<2000x128xf32, #tpu.memory_space<vmem>>, %arg5: memref<2000x128xf32, #tpu.memory_space<vmem>>) attributes {dimension_semantics = [#tpu.dimension_semantics<arbitrary>], iteration_bounds = array<i64: 5>, scalar_prefetch = 0 : i64, scratch_operands = 0 : i64, tpu.core_type = #tpu.core_type<tc>, window_params = [{transform_indices = @transform_0, window_bounds = array<i64: 512000>}, {transform_indices = @transform_1, window_bounds = array<i64: 2000, 1>}, {pipeline_mode = #tpu.pipeline_mode<synchronous>, transform_indices = @transform_2, window_bounds = array<i64: 256, 128>}, {transform_indices = @transform_3, window_bounds = array<i64: 2000, 128>}, {transform_indices = @transform_4, window_bounds = array<i64: 2000, 128>}]} {
    %get3A = arith.constant 0 : index
    %get3A_0 = vector.load %arg1[%get3A] : memref<512000xf32, #tpu.memory_space<vmem>>, vector<512000xf32>
    %reshape3A = vector.shape_cast %get3A_0 : vector<512000xf32> to vector<2000x256xf32>
    %get3A_1 = arith.constant 0 : index
    %get3A_2 = arith.constant 0 : index
    %get3A_3 = vector.load %arg2[%get3A_1, %get3A_2] : memref<2000x1xf32, #tpu.memory_space<vmem>>, vector<2000x1xf32>
    %mul3A = vector.broadcast %get3A_3 : vector<2000x1xf32> to vector<2000x256xf32>
    %mul3A_4 = arith.mulf %reshape3A, %mul3A : vector<2000x256xf32>
    %get3A_5 = arith.constant 0 : index
    %get3A_6 = arith.constant 0 : index
    %get3A_7 = vector.load %arg3[%get3A_5, %get3A_6] : memref<256x128xf32, #tpu.memory_space<vmem>>, vector<256x128xf32>
    %dot_general3A = arith.constant dense<0.000000e+00> : vector<2000x128xf32>
    %dot_general3A_8 = tpu.matmul %mul3A_4, %get3A_7, %dot_general3A {dimension_numbers = #tpu.dot_dimension_numbers<[1], [0], [0], [1], [0, 0, 1, 1], [], []>, transpose_lhs_hint = false} : vector<2000x256xf32>, vector<256x128xf32>, vector<2000x128xf32> -> vector<2000x128xf32>
    %get3A_9 = arith.constant 0 : index
    %get3A_10 = arith.constant 0 : index
    %get3A_11 = vector.load %arg4[%get3A_9, %get3A_10] : memref<2000x128xf32, #tpu.memory_space<vmem>>, vector<2000x128xf32>
    %add3A = arith.addf %dot_general3A_8, %get3A_11 : vector<2000x128xf32>
    %swap3A = arith.constant 0 : index
    %swap3A_12 = arith.constant 0 : index
    %swap3A_13 = vector.load %arg5[%swap3A, %swap3A_12] : memref<2000x128xf32, #tpu.memory_space<vmem>>, vector<2000x128xf32>
    tpu.vector_store %arg5[%swap3A, %swap3A_12], %add3A {strides = array<i32>} : memref<2000x128xf32, #tpu.memory_space<vmem>>, vector<2000x128xf32>,
    return
  }
  func.func @transform_0(%arg0: i32) -> i32 {
    %c0_i32 = arith.constant 0 : i32
    return %arg0 : i32
  }
  func.func @transform_1(%arg0: i32) -> (i32, i32) {
    %c0_i32 = arith.constant 0 : i32
    %c0_i32_0 = arith.constant 0 : i32
    return %arg0, %c0_i32 : i32, i32
  }
  func.func @transform_2(%arg0: i32) -> (i32, i32) {
    %c0_i32 = arith.constant 0 : i32
    %c0_i32_0 = arith.constant 0 : i32
    %c0_i32_1 = arith.constant 0 : i32
    return %c0_i32, %c0_i32_0 : i32, i32
  }
  func.func @transform_3(%arg0: i32) -> (i32, i32) {
    %c0_i32 = arith.constant 0 : i32
    %c0_i32_0 = arith.constant 0 : i32
    return %arg0, %c0_i32 : i32, i32
  }
  func.func @transform_4(%arg0: i32) -> (i32, i32) {
    %c0_i32 = arith.constant 0 : i32
    %c0_i32_0 = arith.constant 0 : i32
    return %arg0, %c0_i32 : i32, i32
  }
}

</mosaic_0001>

<sc_bundles>
// kernel: kernel.10.cloned.1.call-start
scs
__scs_entry_jumppad:
0x0: {  	(pc) =	sbr.rel $0x88, $3  }
0x1: {  	(tag) =	ssettag $0x0;
	lr =	simm.s32 $0x1  }
0x2: {  	[smem:$0x3F99] =	sst lr;
	_ =	strace $0xD0000000  }
0x3: {  	_ = 	snop  }
0x4: {  	_ = 	snop  }
0x5: {  	_ = 	snop  }
0x6: {  	_ = 	snop  }
0x7: {  	_ = 	snop  }
__scs_overlays_trampoline_lowered:
0x8: {  	[smem:$0x3FA8] =	sst s0  }
0x9: {  	[smem:$0x3FA9] =	sst s1  }
0xa: {  	[smem:$0x3FAA] =	sst s2  }
0xb: {  	[smem:$0x3FAB] =	sst s3  }
0xc: {  	[smem:$0x3FAC] =	sst s4  }
0xd: {  	[smem:$0x3FAD] =	sst s5  }
0xe: {  	[smem:$0x3FAE] =	sst s6  }
0xf: {  	[smem:$0x3FAF] =	sst s7  }
0x10: {  	[smem:$0x3FB0] =	sst s8  }
0x11: {  	[smem:$0x3FB1] =	sst s9;
	s0 =	simm.s32 @!p0 $0x0  }
0x12: {  	s1 =	sld [smem:$0x3F97];
	s0 =	simm.s32 @p0 $0x1  }
0x13: {  	[smem:$0x3FB2] =	sst s0;
	s0 =	simm.s32 @!p1 $0x0  }
0x14: {  	s2 =	sld [smem:$0x3F96];
	s0 =	simm.s32 @p1 $0x1  }
0x15: {  	[smem:$0x3FB3] =	sst s0;
	s0 =	simm.s32 @!p2 $0x0  }
0x16: {  	s3 =	sld [smem:$0x3FDB];
	s0 =	simm.s32 @p2 $0x1  }
0x17: {  	s4 =	simm.s32 $0x1BF5;
	[smem:$0x3FB5] =	sst s0  }
0x18: {  	s0 =	sld [smem:$0x3F98];
	_ =	swait.ge [sflag:s4], $0x0  }
0x19: {  	s7 =	sld [smem:$0x3F99]  }
0x1a: {  	s8 =	sadd.s32 $0xFFFFE003, lr  }
0x1b: {  	s9 =	sadd.s32 $0xFFFFFEF7, lr;
	s5 =	simm.s32 $0xFFFFFFFF;
	p2 =	slt.u32 s8, $0xFFFFF086  }
0x1c: {  	p1 =	slt.u32 s9, $0xF7A;
	s5 =	simm.s32 @!p2 $0x0  }
0x1d: {  	s5 =	simm.s32 @p1 $0x1;
	p0 =	seq.s32 s7, s2  }
0x1e: {  	s7 =	smul.u32 @!p0 $0xF7A, s2;
	p2 =	seq.s32 @!p0 s5, $0x0  }
0x1f: {  	s9 =	smul.u32 $0xF7A, s1;
	s8 =	simm.s32 @!p0 $0x1BF5;
	p2 =	por !p2, p0  }
0x20: {  	[sflag:s8] =	ssyncset.s32 @!p0 $0xFFFFF086;
	s6 =	sadd.s32 @!p0 s3, s7;
	s7 =	simm.s32 @!p0 $0x108  }
0x21: {  	s3 =	sadd.s32 s3, s9;
	s6 =	sadd.s32 @!p0 $0x88, s6;
	s7 =	simm.s32 @p2 $0x1082  }
0x22: {  	[simem:s7], [sflag:s8] =	dma.local @!p0 [hbm:s6], $0xF7A  }
0x23: {  	s9 =	sor.u32 $0xD0000000, s2;
	s6 =	simm.s32 $0x108;
	_ =	swait.ge @!p0 [sflag:s8], $0x0  }
0x24: {  	s3 =	sadd.s32 $0x88, s3;
	s6 =	simm.s32 @!p1 $0x1082;
	[sflag:s4] =	ssyncset.s32 $0xFFFFF086  }
0x25: {  	[simem:s6], [sflag:s4] =	dma.local [hbm:s3], $0xF7A  }
0x26: {  	[smem:$0x3F99] =	sst s1;
	(tag) =	ssettag s2;
	_ =	strace s9  }
0x27: {  	s1 =	sld [smem:$0x3FA9]  }
0x28: {  	s2 =	sld [smem:$0x3FAA]  }
0x29: {  	s4 =	sld [smem:$0x3FAC]  }
0x2a: {  	p0 =	seq.s32 s5, $0x0;
	s5 =	sld [smem:$0x3FAD]  }
0x2b: {  	s6 =	sld [smem:$0x3FAE]  }
0x2c: {  	s7 =	sld [smem:$0x3FAF]  }
0x2d: {  	s3 =	simm.s32 $0x108;
	s8 =	sld [smem:$0x3FB0]  }
0x2e: {  	s3 =	simm.s32 @!p0 $0x1082;
	s9 =	sld [smem:$0x3FB1]  }
0x2f: {  	lr =	sadd.s32 s0, s3;
	s0 =	sld [smem:$0x3FA8]  }
0x30: {  	s3 =	sld [smem:$0x3FAB]  }
0x31: {  	[smem:$0x3FB4] =	sst s10  }
0x32: {  	s10 =	sld [smem:$0x3FB2];
	_ =	sdelay $0x3  }
0x33: {  	p0 =	seq.s32 s10, $0x1;
	s10 =	sld [smem:$0x3FB4];
	_ =	sdelay $0x3  }
0x34: {  	[smem:$0x3FB4] =	sst s10  }
0x35: {  	s10 =	sld [smem:$0x3FB3];
	_ =	sdelay $0x3  }
0x36: {  	p1 =	seq.s32 s10, $0x1;
	s10 =	sld [smem:$0x3FB4];
	_ =	sdelay $0x3  }
0x37: {  	[smem:$0x3FB4] =	sst s10  }
0x38: {  	s10 =	sld [smem:$0x3FB5]  }
0x39: {  	_ = 	snop;
	(pc) =	sbr.ind lr, $3  }
0x3a: {  	_ = 	snop  }
0x3b: {  	_ = 	snop  }
0x3c: {  	p2 =	seq.s32 s10, $0x1;
	s10 =	sld [smem:$0x3FB4]  }
0x3d: {  	_ =	shalt  }
0x3e: {  	_ =	shalt  }
0x3f: {  	_ =	shalt  }
0x40: {  	_ =	shalt  }
0x41: {  	_ =	shalt  }
0x42: {  	_ =	shalt  }
0x43: {  	_ =	shalt  }
0x44: {  	_ =	shalt  }
0x45: {  	_ =	shalt  }
0x46: {  	_ =	shalt  }
0x47: {  	_ =	shalt  }
0x48: {  	_ =	shalt  }
0x49: {  	_ =	shalt  }
0x4a: {  	_ =	shalt  }
0x4b: {  	_ =	shalt  }
0x4c: {  	_ =	shalt  }
0x4d: {  	_ =	shalt  }
0x4e: {  	_ =	shalt  }
0x4f: {  	_ =	shalt  }
0x50: {  	_ =	shalt  }
0x51: {  	_ =	shalt  }
0x52: {  	_ =	shalt  }
0x53: {  	_ =	shalt  }
0x54: {  	_ =	shalt  }
0x55: {  	_ =	shalt  }
0x56: {  	_ =	shalt  }
0x57: {  	_ =	shalt  }
0x58: {  	_ =	shalt  }
0x59: {  	_ =	shalt  }
0x5a: {  	_ =	shalt  }
0x5b: {  	_ =	shalt  }
0x5c: {  	_ =	shalt  }
0x5d: {  	_ =	shalt  }
0x5e: {  	_ =	shalt  }
0x5f: {  	_ =	shalt  }
0x60: {  	_ =	shalt  }
0x61: {  	_ =	shalt  }
0x62: {  	_ =	shalt  }
0x63: {  	_ =	shalt  }
0x64: {  	_ =	shalt  }
0x65: {  	_ =	shalt  }
0x66: {  	_ =	shalt  }
0x67: {  	_ =	shalt  }
0x68: {  	_ =	shalt  }
0x69: {  	_ =	shalt  }
0x6a: {  	_ =	shalt  }
0x6b: {  	_ =	shalt  }
0x6c: {  	_ =	shalt  }
0x6d: {  	_ =	shalt  }
0x6e: {  	_ =	shalt  }
0x6f: {  	_ =	shalt  }
0x70: {  	_ =	shalt  }
0x71: {  	_ =	shalt  }
0x72: {  	_ =	shalt  }
0x73: {  	_ =	shalt  }
0x74: {  	_ =	shalt  }
0x75: {  	_ =	shalt  }
0x76: {  	_ =	shalt  }
0x77: {  	_ =	shalt  }
0x78: {  	_ =	shalt  }
0x79: {  	_ =	shalt  }
0x7a: {  	_ =	shalt  }
0x7b: {  	_ =	shalt  }
0x7c: {  	_ =	shalt  }
0x7d: {  	_ =	shalt  }
0x7e: {  	_ =	shalt  }
0x7f: {  	_ =	shalt  }
0x80: {  	_ =	shalt  }
0x81: {  	_ =	shalt  }
0x82: {  	_ =	shalt  }
0x83: {  	_ =	shalt  }
0x84: {  	_ =	shalt  }
0x85: {  	_ =	shalt  }
0x86: {  	_ =	shalt  }
0x87: {  	_ =	shalt  }
.Lfunc_end0:
.L_simem_size_0:
called_computation_lowered:
.L_overlay_start_0:
0x88: {  	s2 =	sld [smem:$0x3FD9]  }
0x89: {  	s3 =	sld [smem:$0x3FFE];
	_ =	sdelay $0x1  }
0x8a: {  	s1 =	srdreg.scid  }
0x8b: {  	s0 =	sand.u32 $0x1, s1  }
0x8c: {  	s17 =	sshll.u32 s0, $0xA;
	s2 =	sadd.s32 s3, s2  }
0x8d: {  	s2 =	sadd.s32 s2, s17  }
0x8e: {  	[smem:$0x3FC0] =	sst s2  }
0x8f: {  	_ = 	snop  }
0x90: {  	s2 =	sld [smem:$0x3FC9]  }
0x91: {  	s18 =	sld [smem:$0x3FD0];
	(tm) =	ssettm $0x1  }
0x92: {  	s4 =	sld [smem:$0x3FFB];
	_ =	sdelay $0x3  }
0x93: {  	_ =	strace s4  }
0x94: {  	s4 =	sld [smem:$0x3FFC];
	_ =	sdelay $0x3  }
0x95: {  	_ =	strace s4  }
0x96: {  	s4 =	sld [smem:$0x3FFD];
	_ =	sdelay $0x3  }
0x97: {  	_ =	strace s4  }
0x98: {  	_ =	strace $0x8FFFFFFF  }
0x99: {  	s19 =	sld [smem:$0x3FDB];
	_ =	sdelay $0x1  }
0x9a: {  	s5 =	simm.s32 $_scs_section_size  }
0x9b: {  	s6 =	simm.s32 $_size__tile_overlayer_lowered;
	s7 =	simm.s32 $_tile_overlayer_lowered  }
0x9c: {  	s22 =	simm.s32 $0x1BFF;
	s21 =	sshll.u32 s7, $0x1;
	s4 =	sadd.s32 s5, s19  }
0x9d: {  	s8 =	simm.s32 $0x0;
	s20 =	sshll.u32 s6, $0x1;
	s6 =	sadd.s32 s21, s4  }
0x9e: {  	[timem:s8], [sflag:s22] =	dma.local [hbm:s6], s20  }
0x9f: {  	_ =	swait.ge [sflag:s22], s20  }
0xa0: {  	s5 =	ssub.s32 $0x0, s20;
	[sflag:s22] =	ssyncset.done $0x0  }
0xa1: {  	[sflag:s22] =	ssyncadd.s32 s5;
	_ =	sdelay $0x1  }
0xa2: {  	s23 =	simm.s32 $0x1B8B  }
0xa3: {  	_ =	swait.ge [sflag:s23], $0x1  }
0xa4: {  	[sflag:s23] =	ssyncset.done $0x0  }
0xa5: {  	s25 =	simm.s32 $0x1B8E;
	s24 =	sld [smem:$0x3FFE];
	[sflag:s23] =	ssyncadd.s32 $0xFFFFFFFF  }
0xa6: {  	s26 =	simm.s32 $execute0_lowered;
	[smem:$0x3FD2] =	sst s25  }
0xa7: {  	s6 =	sshll.u32 s26, $0x1;
	_ =	strace $0x80000046;
	[dreg:$0x1] =	wrdreg $0xFFFFFFFF  }
0xa8: {  	s28 =	simm.s32 $_size_execute0_lowered;
	s4 =	sadd.s32 s4, s6;
	[dreg:$0x0] =	wrdreg $0x0  }
0xa9: {  	s6 =	sshll.u32 s28, $0x1;
	[dreg:$0x2] =	wrdreg s4  }
0xaa: {  	[dreg:$0x3] =	wrdreg s6  }
0xab: {  	[dreg:$0x4] =	wrdreg $0xC0  }
0xac: {  	_ =	task [dreg:s8], $0x5FFFF  }
0xad: {  	[dreg:$0x1] =	wrdreg $0xFFFFFFFF  }
0xae: {  	[dreg:$0x0] =	wrdreg $0x60  }
0xaf: {  	[dreg:$0x2] =	wrdreg s2  }
0xb0: {  	[dreg:$0x3] =	wrdreg s24  }
0xb1: {  	[dreg:$0x4] =	wrdreg s18  }
0xb2: {  	[dreg:$0x5] =	wrdreg $0x15DB00  }
0xb3: {  	[dreg:$0x6] =	wrdreg $0x9  }
0xb4: {  	_ =	task.clear_ibuf [dreg:s8], $0x7FFFF;
	_ =	strace $0x90000046  }
0xb5: {  	s29 =	simm.s32 $0x9;
	_ =	strace $0x80000048  }
0xb6: {  	_ =	swait.ge [sflag:s29], $0x1  }
0xb7: {  	[sflag:s29] =	ssyncadd.s32 $0xFFFFFFFF  }
0xb8: {  	_ =	strace $0x90000048  }
0xb9: {  	_ =	sfence  }
0xba: {  	s30 =	sld [smem:$0x0];
	_ =	sdelay $0x2  }
0xbb: {  	s31 =	sshll.u32 s1, $0xD;
	s1 =	sshrl.u32 s1, $0x2  }
0xbc: {  	s3 =	sand.u32 $0x4000, s31;
	s1 =	sadd.s32 s1, s30  }
0xbd: {  	s0 =	sor.u32 s3, s0;
	s1 =	sshll.u32 s1, $0x11  }
0xbe: {  	s0 =	sor.u32 s1, s0  }
0xbf: {  	s0 =	sadd.s32 $0x8F2B, s0  }
0xc0: {  	[sflag:s0] =	ssyncadd.remote.s32 $0x1  }
0xc1: {  	_ =	sfence.sel $0xFFFF  }
0xc2: {  	[dreg:$0x0] =	wrdreg $0xFFFFFFFF;
	(pc) =	sbr.abs _section_cstart, $3  }
0xc3: {  	[dreg:$0x1] =	wrdreg $0xFFFFFFFF  }
0xc4: {  	_ =	task.clear_ibuf [dreg:s8], $0x2FFFF;
	_ =	strace $0x9FFFFFFF  }
0xc5: {  	(tm) =	ssettm $0x7FFFFFFF  }
tec
execute0_lowered:
.L_overlay_start_1:
0x0: {  	(tag) =	ssettag $0x1  }
0x1: {  	s0 =	srdreg.scid;
	s1 =	rddreg [dreg:$0x0]  }
0x2: {  	s26 =	stileid.u32;
	s3 =	rddreg [dreg:$0x1]  }
0x3: {  	s6 =	rddreg [dreg:$0x2];
	s22 =	smul.u32 $0x5140, s26  }
0x4: {  	s2 =	rddreg [dreg:$0x3];
	s8 =	smul.u32 $0x9C4, s26  }
0x5: {  	s28 =	simm.s32 $0x3;
	s30 =	simm.s32 $0xD480;
	s23 =	smul.u32 $0x4E2, s26  }
0x6: {  	s31 =	simm.s32 $0x64;
	s5 =	sand.u32 $0x1, s0;
	s10 =	smul.u32 $0x2800, s26  }
0x7: {  	s29 =	simm.s32 $0xBB80;
	s9 =	sor.u32 $0x10, s26;
	s4 =	smul.u32 $0x51400, s5  }
0x8: {  	s14 =	sor.u32 $0x20, s26;
	s15 =	sor.u32 $0x30, s26;
	s11 =	smul.u32 $0x2800, s9  }
0x9: {  	s16 =	sor.u32 $0x40, s26;
	s18 =	sor.u32 $0x50, s26;
	s12 =	smul.u32 $0x2800, s14  }
0xa: {  	s19 =	sor.u32 $0x60, s26;
	p1 =	sgt.u32 s26, $0xC;
	s17 =	smul.u32 $0x2800, s15  }
0xb: {  	s24 =	ssub.s32 $0x2, s5;
	s25 =	smul.u32 $0x2800, s16;
	s20 =	sshll.u32 s5, $0x6  }
0xc: {  	s21 =	smul.u32 $0x2800, s18;
	p0 =	sne.s32 s5, $0x0;
	s7 =	sshrl.u32 s22, $0x3  }
0xd: {  	s8 =	sadd.s32 s8, s3;
	s13 =	sshrl.u32 s24, $0x1;
	s10 =	sor.u32 s20, s10  }
0xe: {  	s4 =	sadd.s32 s22, s4;
	s7 =	sadd.s32 s7, s3;
	s22 =	sor.u32 $0x70, s26  }
0xf: {  	s10 =	sshrl.u32 s10, $0x3;
	s11 =	sor.u32 s20, s11;
	s12 =	sor.u32 s20, s12  }
0x10: {  	s17 =	sor.u32 s20, s17;
	s21 =	sor.u32 s20, s21;
	s4 =	sshrl.u32 s4, $0x3  }
0x11: {  	s10 =	sadd.s32 s6, s10;
	s11 =	sshrl.u32 s11, $0x3;
	s12 =	sshrl.u32 s12, $0x3  }
0x12: {  	s0 =	sadd.s32 s4, s3;
	s3 =	sadd.s32 s23, s3;
	s23 =	smul.u32 $0x2800, s19  }
0x13: {  	s7 =	sadd.s32 $0xCE00, s7;
	s4 =	ssub.s32 s24, s13;
	s24 =	smul.u32 $0x2800, s22  }
0x14: {  	s13 =	sor.u32 s20, s25;
	[dreg:$0x5] =	wrdreg s10;
	s10 =	sadd.s32 s6, s11  }
0x15: {  	s22 =	smul.u32 $0x5000, s22;
	[dreg:$0x6] =	wrdreg s10;
	s10 =	sadd.s32 s6, s12  }
0x16: {  	s11 =	sshrl.u32 s13, $0x3;
	s12 =	sshrl.u32 s21, $0x3;
	s23 =	sor.u32 s20, s23  }
0x17: {  	s20 =	sor.u32 s20, s24;
	s24 =	sshrl.u32 s17, $0x3;
	[dreg:$0x7] =	wrdreg s10  }
0x18: {  	s10 =	sadd.s32 s6, s11;
	s11 =	smul.u32 $0x5000, s16;
	s25 =	sadd.s32 s6, s24  }
0x19: {  	[dreg:$0x9] =	wrdreg s10;
	s13 =	sshrl.u32 s23, $0x3;
	s10 =	sadd.s32 s6, s12  }
0x1a: {  	s21 =	sshrl.u32 s20, $0x3;
	s23 =	simm.s32 $0x0;
	s24 =	smul.u32 $0x5000, s26  }
0x1b: {  	s20 =	smul.u32 $0x5000, s19;
	s26 =	simm.s32 $0x1;
	[dreg:$0x8] =	wrdreg s25  }
0x1c: {  	[dreg:$0xa] =	wrdreg s10;
	s17 =	sadd.s32 s6, s13;
	s25 =	smul.u32 $0x5000, s9  }
0x1d: {  	s6 =	sadd.s32 s6, s21;
	[smem:$0x7FF] =	sst s23;
	s9 =	smul.u32 $0x5000, s14  }
0x1e: {  	s14 =	sadd.s32 $0x3000, s8;
	s10 =	smul.u32 $0x5000, s15;
	[dreg:$0xb] =	wrdreg s17  }
0x1f: {  	s13 =	smul.u32 $0x5000, s18;
	s21 =	sshrl.u32 s11, $0x2;
	[dreg:$0xc] =	wrdreg s6  }
0x20: {  	s6 =	sshrl.u32 s24, $0x2;
	s19 =	sadd.s32 s21, s2;
	s24 =	sshrl.u32 s20, $0x2  }
0x21: {  	_ =	strace $0x80000047;
	[dreg:$0xd] =	wrdreg s7;
	s15 =	sadd.s32 s6, s2  }
0x22: {  	s5 =	sshrl.u32 s25, $0x2;
	s12 =	sshrl.u32 s9, $0x2;
	s18 =	sshrl.u32 s10, $0x2  }
0x23: {  	s23 =	sshrl.u32 s13, $0x2;
	s21 =	sadd.s32 s24, s2;
	s25 =	sshrl.u32 s22, $0x2  }
.Ltmp0:
0x24: {  	s24 =	sadd.s32 $0x2B800, s3;
	s3 =	simm.s32 $0xA280;
	(pc) =	sbr.rel .LBB2_1-.Ltmp0, $4  }
0x25: {  	s6 =	simm.s32 $0x8;
	s7 =	simm.s32 $0x0;
	s16 =	sadd.s32 s5, s2  }
0x26: {  	s17 =	sadd.s32 s12, s2;
	s18 =	sadd.s32 s18, s2;
	s20 =	sadd.s32 s23, s2  }
0x27: {  	s22 =	sadd.s32 s25, s2;
	s23 =	sadd.s32 $0x17200, s0;
	s25 =	smax.u32 s4, $0x1  }
0x28: {  	v0 =	vimm.f32 $0.0e+00;
	v1 =	vimm.f32 $1.000000000e+00;
	s0 =	simm.s32 $0x2;
	s4 =	simm.s32 $0x136A0;
	s5 =	simm.s32 $0x10  }
.LBB2_9:
0x29: {  	_ =	swait.ge [sflag:s0], $0x1900  }
0x2a: {  	[sflag:s0] =	ssyncset.done $0x0  }
0x2b: {  	s8 =	simm.s32 $0xA218;
	[sflag:s0] =	ssyncadd.s32 $0xFFFFE700  }
0x2c: {  	[spmem:s2] =	stream.indirect.scatter.add.f32 [tilespmem:s29], [sflag:$0x3], $0x40, s8, s31, $0xb8;
	[tilespmem:$0x1F9F0] =	vst v63  }
0x2d: {  	_ =	swait.ge [sflag:s28], $0x1900  }
0x2e: {  	[sflag:s28] =	ssyncset.done $0x0  }
0x2f: {  	[sflag:s28] =	ssyncadd.s32 $0xFFFFE700  }
.LBB2_10:
0x30: {  	s8 =	stileid.u32  }
0x31: {  	[bflag:$0x0] =	sbarrier.arrive $0xFFFF;
	s8 =	sshll.u32 s8, $0x6  }
0x32: {  	s9 =	sshrl.u32 s15, $0x3;
	s10 =	rddreg [dreg:$0x5];
	s8 =	sor.u32 $0x1C03, s8  }
0x33: {  	[hbm:s10@s5], [sflag:s8] =	dma.strided [spmem:s9@s6], $0x280, s26, $0x8   }
0x34: {  	_ =	swait.ge [sflag:s28], $0x280  }
0x35: {  	[sflag:s28] =	ssyncset.done $0x0  }
0x36: {  	s10 =	sshrl.u32 s16, $0x3;
	s11 =	rddreg [dreg:$0x6];
	[sflag:s28] =	ssyncadd.s32 $0xFFFFFD80  }
0x37: {  	[hbm:s11@s5], [sflag:s8] =	dma.strided [spmem:s10@s6], $0x280, s26, $0x8   }
0x38: {  	_ =	swait.ge [sflag:s28], $0x280  }
0x39: {  	[sflag:s28] =	ssyncset.done $0x0  }
0x3a: {  	s12 =	sshrl.u32 s17, $0x3;
	s13 =	rddreg [dreg:$0x7];
	[sflag:s28] =	ssyncadd.s32 $0xFFFFFD80  }
0x3b: {  	[hbm:s13@s5], [sflag:s8] =	dma.strided [spmem:s12@s6], $0x280, s26, $0x8   }
0x3c: {  	_ =	swait.ge [sflag:s28], $0x280  }
0x3d: {  	[sflag:s28] =	ssyncset.done $0x0  }
0x3e: {  	s10 =	sshrl.u32 s18, $0x3;
	s11 =	rddreg [dreg:$0x8];
	[sflag:s28] =	ssyncadd.s32 $0xFFFFFD80  }
0x3f: {  	[hbm:s11@s5], [sflag:s8] =	dma.strided [spmem:s10@s6], $0x280, s26, $0x8   }
0x40: {  	_ =	swait.ge [sflag:s28], $0x280  }
0x41: {  	[sflag:s28] =	ssyncset.done $0x0  }
0x42: {  	s12 =	sshrl.u32 s19, $0x3;
	s13 =	rddreg [dreg:$0x9];
	[sflag:s28] =	ssyncadd.s32 $0xFFFFFD80  }
0x43: {  	[hbm:s13@s5], [sflag:s8] =	dma.strided [spmem:s12@s6], $0x280, s26, $0x8   }
0x44: {  	_ =	swait.ge [sflag:s28], $0x280  }
0x45: {  	[sflag:s28] =	ssyncset.done $0x0  }
0x46: {  	s10 =	sshrl.u32 s20, $0x3;
	s11 =	rddreg [dreg:$0xa];
	[sflag:s28] =	ssyncadd.s32 $0xFFFFFD80  }
0x47: {  	[hbm:s11@s5], [sflag:s8] =	dma.strided [spmem:s10@s6], $0x280, s26, $0x8   }
0x48: {  	_ =	swait.ge [sflag:s28], $0x280  }
0x49: {  	[sflag:s28] =	ssyncset.done $0x0  }
0x4a: {  	s12 =	sshrl.u32 s21, $0x3;
	s13 =	rddreg [dreg:$0xb];
	[sflag:s28] =	ssyncadd.s32 $0xFFFFFD80  }
0x4b: {  	[hbm:s13@s5], [sflag:s8] =	dma.strided [spmem:s12@s6], $0x280, s26, $0x8   }
0x4c: {  	s9 =	sshrl.u32 @!p1 s22, $0x3;
	_ =	swait.ge [sflag:s28], $0x280  }
0x4d: {  	s10 =	simm.s32 @!p1 $0x1;
	s11 =	simm.s32 @!p1 $0x10;
	[sflag:s28] =	ssyncset.done $0x0  }
0x4e: {  	s12 =	simm.s32 @!p1 $0x8;
	s13 =	rddreg [dreg:$0xc];
	[sflag:s28] =	ssyncadd.s32 $0xFFFFFD80  }
0x4f: {  	[hbm:s13@s11], [sflag:s8] =	dma.strided @!p1 [spmem:s9@s12], $0x280, s10, $0x8   }
0x50: {  	s8 =	simm.s32 @!p1 $0x3  }
0x51: {  	s7 =	sadd.s32 $0x1, s7;
	_ =	swait.ge @!p1 [sflag:s8], $0x280  }
0x52: {  	p2 =	sne.s32 s7, s25;
	[sflag:s8] =	ssyncset.done @!p1 $0x0  }
0x53: {  	s9 =	simm.s32 @!p0 $0x136A0;
	[sflag:s8] =	ssyncadd.s32 @!p1 $0xFFFFFD80;
	s8 =	simm.s32 @!p0 $0x0  }
0x54: {  	[hbm4b:s24+s8] =	stream.linear.scatter @!p0 [tilespmem:s9], [sflag:$0x3], $0x2710, $0x38;
	[tilespmem:$0x1F9F0] =	vst v63  }
.Ltmp1:
0x55: {  	_ = 	snop;
	(pc) =	sbr.rel @!p2 .LBB2_11-.Ltmp1, $4  }
0x56: {  	s8 =	simm.s32 @!p0 $0x3  }
0x57: {  	_ =	swait.ge @!p0 [sflag:s8], $0x2710  }
0x58: {  	[sflag:s8] =	ssyncset.done @!p0 $0x0  }
0x59: {  	[sflag:s8] =	ssyncadd.s32 @!p0 $0xFFFFD8F0  }
.LBB2_1:
0x5a: {  	s8 =	simm.s32 $0x0;
	s9 =	rddreg [dreg:$0xd];
	s10 =	simm.s32 $0x5140  }
0x5b: {  	[tilespmem:s10], [sflag:$0x3] =	stream.linear.gather [hbm4b:s9+s8], $0x5140, $0x38;
	[tilespmem:$0x1F9F0] =	vst v63  }
0x5c: {  	_ =	swait.ge [sflag:s28], $0x5140  }
0x5d: {  	[sflag:s28] =	ssyncset.done $0x0  }
0x5e: {  	s13 =	simm.s32 $0xE880;
	[sflag:s28] =	ssyncadd.s32 $0xFFFFAEC0  }
0x5f: {  	[tilespmem:s13], [sflag:$0x3] =	stream.linear.gather [hbm4b:s14+s8], $0x4E20, $0x38;
	[tilespmem:$0x1F9F0] =	vst v63  }
0x60: {  	_ =	swait.ge [sflag:s28], $0x4E20  }
0x61: {  	[sflag:s28] =	ssyncset.done $0x0  }
0x62: {  	s8 =	simm.s32 $0x0;
	[sflag:s28] =	ssyncadd.s32 $0xFFFFB1E0  }
.LBB2_2:
0x63: {  	p2 =	sne.s32 s8, $0x9C00  }
.Ltmp2:
0x64: {  	_ = 	snop;
	(pc) =	sbr.rel @p2 .LBB2_2-.Ltmp2, $3  }
0x65: {  	_ =	sdelay $0x1  }
0x66: {  	s9 =	sshra.s32 s8, $0x2  }
0x67: {  	s8 =	sadd.s32 $0x40, s8;
	[tilespmem:s9+$0x136A0] =	vst v0  }
0x68: {  	s9 =	simm.s32 $0x100;
	s8 =	simm.s32 $0x0  }
.LBB2_4:
0x69: {  	p2 =	sne.s32 s9, $0x4F00;
	[tilespmem:s8+$0xD4B0] =	vst v0;
	s10 =	smov.u32 s9;
	s9 =	sadd.s32 $0x100, s9  }
.Ltmp3:
0x6a: {  	[tilespmem:s8+$0xD4A0] =	vst v0;
	(pc) =	sbr.rel @p2 .LBB2_4-.Ltmp3, $3  }
0x6b: {  	[tilespmem:s8+$0xD480] =	vst v0  }
0x6c: {  	[tilespmem:s8+$0xD490] =	vst v0;
	_ =	sdelay $0x1  }
0x6d: {  	s8 =	sshra.s32 s10, $0x2  }
0x6e: {  	[tilespmem:s8+$0xD4B0] =	vst v0  }
0x6f: {  	[tilespmem:s8+$0xD4A0] =	vst v0  }
0x70: {  	[tilespmem:s8+$0xD480] =	vst v0  }
0x71: {  	[tilespmem:s8+$0xD490] =	vst v0  }
0x72: {  	[spmem:s15] =	stream.linear.scatter [tilespmem:s30], [sflag:$0x3], $0x1400, $0x38;
	[tilespmem:$0x1F9F0] =	vst v63  }
0x73: {  	_ =	swait.ge [sflag:s28], $0x1400  }
0x74: {  	[sflag:s28] =	ssyncset.done $0x0  }
0x75: {  	[sflag:s28] =	ssyncadd.s32 $0xFFFFEC00  }
0x76: {  	[spmem:s16] =	stream.linear.scatter [tilespmem:s30], [sflag:$0x3], $0x1400, $0x38;
	[tilespmem:$0x1F9F0] =	vst v63  }
0x77: {  	_ =	swait.ge [sflag:s28], $0x1400  }
0x78: {  	[sflag:s28] =	ssyncset.done $0x0  }
0x79: {  	[sflag:s28] =	ssyncadd.s32 $0xFFFFEC00  }
0x7a: {  	[spmem:s17] =	stream.linear.scatter [tilespmem:s30], [sflag:$0x3], $0x1400, $0x38;
	[tilespmem:$0x1F9F0] =	vst v63  }
0x7b: {  	_ =	swait.ge [sflag:s28], $0x1400  }
0x7c: {  	[sflag:s28] =	ssyncset.done $0x0  }
0x7d: {  	[sflag:s28] =	ssyncadd.s32 $0xFFFFEC00  }
0x7e: {  	[spmem:s18] =	stream.linear.scatter [tilespmem:s30], [sflag:$0x3], $0x1400, $0x38;
	[tilespmem:$0x1F9F0] =	vst v63  }
0x7f: {  	_ =	swait.ge [sflag:s28], $0x1400  }
0x80: {  	[sflag:s28] =	ssyncset.done $0x0  }
0x81: {  	[sflag:s28] =	ssyncadd.s32 $0xFFFFEC00  }
0x82: {  	[spmem:s19] =	stream.linear.scatter [tilespmem:s30], [sflag:$0x3], $0x1400, $0x38;
	[tilespmem:$0x1F9F0] =	vst v63  }
0x83: {  	_ =	swait.ge [sflag:s28], $0x1400  }
0x84: {  	[sflag:s28] =	ssyncset.done $0x0  }
0x85: {  	[sflag:s28] =	ssyncadd.s32 $0xFFFFEC00  }
0x86: {  	[spmem:s20] =	stream.linear.scatter [tilespmem:s30], [sflag:$0x3], $0x1400, $0x38;
	[tilespmem:$0x1F9F0] =	vst v63  }
0x87: {  	_ =	swait.ge [sflag:s28], $0x1400  }
0x88: {  	[sflag:s28] =	ssyncset.done $0x0  }
0x89: {  	[sflag:s28] =	ssyncadd.s32 $0xFFFFEC00  }
0x8a: {  	[spmem:s21] =	stream.linear.scatter [tilespmem:s30], [sflag:$0x3], $0x1400, $0x38;
	[tilespmem:$0x1F9F0] =	vst v63  }
0x8b: {  	_ =	swait.ge [sflag:s28], $0x1400  }
0x8c: {  	[sflag:s28] =	ssyncset.done $0x0  }
0x8d: {  	s8 =	simm.s32 @!p1 $0xD480;
	[sflag:s28] =	ssyncadd.s32 $0xFFFFEC00  }
0x8e: {  	[spmem:s22] =	stream.linear.scatter @!p1 [tilespmem:s8], [sflag:$0x3], $0x1400, $0x38;
	[tilespmem:$0x1F9F0] =	vst v63  }
0x8f: {  	s8 =	simm.s32 @!p1 $0x3  }
0x90: {  	_ =	swait.ge @!p1 [sflag:s8], $0x1400  }
0x91: {  	[sflag:s8] =	ssyncset.done @!p1 $0x0  }
0x92: {  	[sflag:s8] =	ssyncadd.s32 @!p1 $0xFFFFEC00;
	s8 =	simm.s32 $0x0  }
0x93: {  	[tilespmem:s8], [sflag:$0x3] =	stream.linear.gather [hbm4b:s23+s8], $0x5140, $0x38;
	[tilespmem:$0x1F9F0] =	vst v63  }
0x94: {  	_ =	swait.ge [sflag:s28], $0x5140  }
0x95: {  	[sflag:s28] =	ssyncset.done $0x0  }
0x96: {  	[sflag:s28] =	ssyncadd.s32 $0xFFFFAEC0  }
0x97: {  	[bflag:$0x0] =	sbarrier.arrive $0xFFFF  }
0x98: {  	[tilespmem:s3], [sflag:$0x1] =	stream.indirect.gather [hbm4b:s1+s31], $0x40, s8, s31, $0xb8;
	[tilespmem:$0x1F9F0] =	vst v63  }
0x99: {  	s9 =	simm.s32 $0x68  }
0x9a: {  	[tilespmem:s29], [sflag:$0x2] =	stream.indirect.gather [hbm4b:s1+s31], $0x40, s9, s31, $0xb8;
	[tilespmem:$0x1F9F0] =	vst v63  }
0x9b: {  	s9 =	simm.s32 $0xE8E0  }
.LBB2_6:
0x9c: {  	_ =	swait.ge [sflag:s26], $0x1900  }
0x9d: {  	s10 =	sshra.s32 s8, $0x2;
	[sflag:s26] =	ssyncset.done $0x0  }
0x9e: {  	s11 =	sadd.s32 $0x5140, s10;
	[sflag:s26] =	ssyncadd.s32 $0xFFFFE700  }
0x9f: {  	[spmem:s2] =	stream.indirect.scatter.add.f32 [tilespmem:s3], [sflag:$0x3], $0x40, s11, s31, $0xb8;
	[tilespmem:$0x1F9F0] =	vst v63  }
0xa0: {  	_ =	swait.ge [sflag:s28], $0x1900  }
0xa1: {  	[sflag:s28] =	ssyncset.done $0x0  }
0xa2: {  	[sflag:s28] =	ssyncadd.s32 $0xFFFFE700  }
0xa3: {  	v2 =	vld @!p0 [tilespmem:s9+$0xFFFFFFA0];
	_ =	sdelay $0x6  }
0xa4: {  	v3 =	vimm.f32 @!p0 $1.000000000e+00;
	s11 =	simm.s32 @!p0 $0x136A0  }
0xa5: {  	[tilespmem:v2+s11+$0x0] =	vst.idx.add.f32.msk @!p0 $0xffff, v3  }
0xa6: {  	v2 =	vld @!p0 [tilespmem:s9+$0xFFFFFFB0];
	_ =	sdelay $0x7  }
0xa7: {  	[tilespmem:v2+s11+$0x0] =	vst.idx.add.f32.msk @!p0 $0xffff, v3  }
0xa8: {  	v2 =	vld @!p0 [tilespmem:s9+$0xFFFFFFC0];
	_ =	sdelay $0x7  }
0xa9: {  	[tilespmem:v2+s11+$0x0] =	vst.idx.add.f32.msk @!p0 $0xffff, v3  }
0xaa: {  	v2 =	vld @!p0 [tilespmem:s9+$0xFFFFFFD0];
	_ =	sdelay $0x7  }
0xab: {  	[tilespmem:v2+s11+$0x0] =	vst.idx.add.f32.msk @!p0 $0xffff, v3  }
0xac: {  	v2 =	vld @!p0 [tilespmem:s9+$0xFFFFFFE0];
	_ =	sdelay $0x7  }
0xad: {  	[tilespmem:v2+s11+$0x0] =	vst.idx.add.f32.msk @!p0 $0xffff, v3  }
0xae: {  	v2 =	vld @!p0 [tilespmem:s9+$0xFFFFFFF0];
	_ =	sdelay $0x7  }
0xaf: {  	s12 =	sadd.s32 $0xD0, s10;
	[tilespmem:v2+s11+$0x0] =	vst.idx.add.f32.msk @!p0 $0xffff, v3  }
0xb0: {  	[tilespmem:s3], [sflag:$0x1] =	stream.indirect.gather [hbm4b:s1+s31], $0x40, s12, s31, $0xb8;
	[tilespmem:$0x1F9F0] =	vst v63  }
0xb1: {  	_ =	swait.ge [sflag:s0], $0x1900  }
0xb2: {  	[sflag:s0] =	ssyncset.done $0x0  }
0xb3: {  	s13 =	sadd.s32 $0x51A8, s10;
	[sflag:s0] =	ssyncadd.s32 $0xFFFFE700  }
0xb4: {  	[spmem:s2] =	stream.indirect.scatter.add.f32 [tilespmem:s29], [sflag:$0x3], $0x40, s13, s31, $0xb8;
	[tilespmem:$0x1F9F0] =	vst v63  }
0xb5: {  	_ =	swait.ge [sflag:s28], $0x1900  }
0xb6: {  	[sflag:s28] =	ssyncset.done $0x0  }
0xb7: {  	[sflag:s28] =	ssyncadd.s32 $0xFFFFE700  }
0xb8: {  	v2 =	vld @!p0 [tilespmem:s9+$0x0];
	_ =	sdelay $0x7  }
0xb9: {  	[tilespmem:v2+s11+$0x0] =	vst.idx.add.f32.msk @!p0 $0xffff, v3  }
0xba: {  	v2 =	vld @!p0 [tilespmem:s9+$0x10];
	_ =	sdelay $0x7  }
0xbb: {  	[tilespmem:v2+s11+$0x0] =	vst.idx.add.f32.msk @!p0 $0xffff, v3  }
0xbc: {  	v2 =	vld @!p0 [tilespmem:s9+$0x20];
	_ =	sdelay $0x7  }
0xbd: {  	[tilespmem:v2+s11+$0x0] =	vst.idx.add.f32.msk @!p0 $0xffff, v3  }
0xbe: {  	v2 =	vld @!p0 [tilespmem:s9+$0x30];
	_ =	sdelay $0x7  }
0xbf: {  	[tilespmem:v2+s11+$0x0] =	vst.idx.add.f32.msk @!p0 $0xffff, v3  }
0xc0: {  	v2 =	vld @!p0 [tilespmem:s9+$0x40];
	_ =	sdelay $0x7  }
0xc1: {  	[tilespmem:v2+s11+$0x0] =	vst.idx.add.f32.msk @!p0 $0xffff, v3  }
0xc2: {  	v2 =	vld @!p0 [tilespmem:s9+$0x50];
	_ =	sdelay $0x2  }
0xc3: {  	s8 =	sadd.s32 $0x340, s8  }
0xc4: {  	p2 =	sne.s32 s8, $0x141C0  }
.Ltmp4:
0xc5: {  	_ = 	snop;
	(pc) =	sbr.rel @p2 .LBB2_6-.Ltmp4, $3  }
0xc6: {  	_ =	sdelay $0x1  }
0xc7: {  	s10 =	sadd.s32 $0x138, s10;
	s9 =	sadd.s32 $0xC0, s9;
	[tilespmem:v2+s11+$0x0] =	vst.idx.add.f32.msk @!p0 $0xffff, v3  }
0xc8: {  	[tilespmem:s29], [sflag:$0x2] =	stream.indirect.gather [hbm4b:s1+s31], $0x40, s10, s31, $0xb8;
	[tilespmem:$0x1F9F0] =	vst v63  }
0xc9: {  	_ =	swait.ge [sflag:s26], $0x1900  }
0xca: {  	[sflag:s26] =	ssyncset.done $0x0  }
.Ltmp5:
0xcb: {  	s8 =	simm.s32 $0xA1B0;
	[sflag:s26] =	ssyncadd.s32 $0xFFFFE700;
	(pc) =	sbr.rel @p0 .LBB2_9-.Ltmp5, $4  }
0xcc: {  	[spmem:s2] =	stream.indirect.scatter.add.f32 [tilespmem:s3], [sflag:$0x3], $0x40, s8, s31, $0xb8;
	[tilespmem:$0x1F9F0] =	vst v63  }
0xcd: {  	_ =	swait.ge [sflag:s28], $0x1900  }
0xce: {  	[sflag:s28] =	ssyncset.done $0x0  }
0xcf: {  	[sflag:s28] =	ssyncadd.s32 $0xFFFFE700  }
0xd0: {  	v2 =	vld [tilespmem:$0x132C0];
	_ =	sdelay $0x7  }
0xd1: {  	[tilespmem:v2+s4+$0x0] =	vst.idx.add.f32.msk $0xffff, v1  }
0xd2: {  	v2 =	vld [tilespmem:$0x132D0];
	_ =	sdelay $0x7  }
0xd3: {  	[tilespmem:v2+s4+$0x0] =	vst.idx.add.f32.msk $0xffff, v1  }
0xd4: {  	v2 =	vld [tilespmem:$0x132E0];
	_ =	sdelay $0x7  }
0xd5: {  	[tilespmem:v2+s4+$0x0] =	vst.idx.add.f32.msk $0xffff, v1  }
0xd6: {  	v2 =	vld [tilespmem:$0x132F0];
	_ =	sdelay $0x7  }
0xd7: {  	[tilespmem:v2+s4+$0x0] =	vst.idx.add.f32.msk $0xffff, v1  }
0xd8: {  	v2 =	vld [tilespmem:$0x13300];
	_ =	sdelay $0x7  }
0xd9: {  	[tilespmem:v2+s4+$0x0] =	vst.idx.add.f32.msk $0xffff, v1  }
0xda: {  	v2 =	vld [tilespmem:$0x13310];
	_ =	sdelay $0x7  }
0xdb: {  	[tilespmem:v2+s4+$0x0] =	vst.idx.add.f32.msk $0xffff, v1  }
0xdc: {  	_ =	swait.ge [sflag:s0], $0x1900  }
0xdd: {  	[sflag:s0] =	ssyncset.done $0x0  }
0xde: {  	s8 =	simm.s32 $0xA218;
	[sflag:s0] =	ssyncadd.s32 $0xFFFFE700  }
0xdf: {  	[spmem:s2] =	stream.indirect.scatter.add.f32 [tilespmem:s29], [sflag:$0x3], $0x40, s8, s31, $0xb8;
	[tilespmem:$0x1F9F0] =	vst v63  }
0xe0: {  	_ =	swait.ge [sflag:s28], $0x1900  }
0xe1: {  	[sflag:s28] =	ssyncset.done $0x0  }
0xe2: {  	[sflag:s28] =	ssyncadd.s32 $0xFFFFE700  }
0xe3: {  	v2 =	vld [tilespmem:$0x13320];
	_ =	sdelay $0x7  }
0xe4: {  	[tilespmem:v2+s4+$0x0] =	vst.idx.add.f32.msk $0xffff, v1  }
0xe5: {  	v2 =	vld [tilespmem:$0x13330];
	_ =	sdelay $0x7  }
0xe6: {  	[tilespmem:v2+s4+$0x0] =	vst.idx.add.f32.msk $0xffff, v1  }
0xe7: {  	v2 =	vld [tilespmem:$0x13340];
	_ =	sdelay $0x7  }
0xe8: {  	[tilespmem:v2+s4+$0x0] =	vst.idx.add.f32.msk $0xffff, v1  }
0xe9: {  	v2 =	vld [tilespmem:$0x13350];
	_ =	sdelay $0x7  }
0xea: {  	[tilespmem:v2+s4+$0x0] =	vst.idx.add.f32.msk $0xffff, v1  }
0xeb: {  	v2 =	vld [tilespmem:$0x13360];
	_ =	sdelay $0x7  }
0xec: {  	[tilespmem:v2+s4+$0x0] =	vst.idx.add.f32.msk $0xffff, v1  }
0xed: {  	v2 =	vld [tilespmem:$0x13370];
	_ =	sdelay $0x7  }
0xee: {  	[tilespmem:v2+s4+$0x0] =	vst.idx.add.f32.msk $0xffff, v1  }
0xef: {  	v2 =	vld [tilespmem:$0x13380];
	_ =	sdelay $0x7  }
0xf0: {  	[tilespmem:v2+s4+$0x0] =	vst.idx.add.f32.msk $0xffff, v1  }
0xf1: {  	v2 =	vld [tilespmem:$0x13390];
	_ =	sdelay $0x7  }
0xf2: {  	[tilespmem:v2+s4+$0x0] =	vst.idx.add.f32.msk $0xffff, v1  }
0xf3: {  	v2 =	vld [tilespmem:$0x133A0];
	_ =	sdelay $0x7  }
0xf4: {  	[tilespmem:v2+s4+$0x0] =	vst.idx.add.f32.msk $0xffff, v1  }
0xf5: {  	v2 =	vld [tilespmem:$0x133B0];
	_ =	sdelay $0x7  }
0xf6: {  	[tilespmem:v2+s4+$0x0] =	vst.idx.add.f32.msk $0xffff, v1  }
0xf7: {  	v2 =	vld [tilespmem:$0x133C0];
	_ =	sdelay $0x7  }
0xf8: {  	[tilespmem:v2+s4+$0x0] =	vst.idx.add.f32.msk $0xffff, v1  }
0xf9: {  	v2 =	vld [tilespmem:$0x133D0];
	_ =	sdelay $0x7  }
0xfa: {  	[tilespmem:v2+s4+$0x0] =	vst.idx.add.f32.msk $0xffff, v1  }
0xfb: {  	v2 =	vld [tilespmem:$0x133E0];
	_ =	sdelay $0x7  }
0xfc: {  	[tilespmem:v2+s4+$0x0] =	vst.idx.add.f32.msk $0xffff, v1  }
0xfd: {  	v2 =	vld [tilespmem:$0x133F0];
	_ =	sdelay $0x7  }
0xfe: {  	[tilespmem:v2+s4+$0x0] =	vst.idx.add.f32.msk $0xffff, v1  }
0xff: {  	v2 =	vld [tilespmem:$0x13400];
	_ =	sdelay $0x7  }
0x100: {  	[tilespmem:v2+s4+$0x0] =	vst.idx.add.f32.msk $0xffff, v1  }
0x101: {  	v2 =	vld [tilespmem:$0x13410];
	_ =	sdelay $0x7  }
0x102: {  	[tilespmem:v2+s4+$0x0] =	vst.idx.add.f32.msk $0xffff, v1  }
0x103: {  	v2 =	vld [tilespmem:$0x13420];
	_ =	sdelay $0x7  }
0x104: {  	[tilespmem:v2+s4+$0x0] =	vst.idx.add.f32.msk $0xffff, v1  }
0x105: {  	v2 =	vld [tilespmem:$0x13430];
	_ =	sdelay $0x7  }
0x106: {  	[tilespmem:v2+s4+$0x0] =	vst.idx.add.f32.msk $0xffff, v1  }
0x107: {  	v2 =	vld [tilespmem:$0x13440];
	_ =	sdelay $0x7  }
0x108: {  	[tilespmem:v2+s4+$0x0] =	vst.idx.add.f32.msk $0xffff, v1  }
0x109: {  	v2 =	vld [tilespmem:$0x13450];
	_ =	sdelay $0x7  }
0x10a: {  	[tilespmem:v2+s4+$0x0] =	vst.idx.add.f32.msk $0xffff, v1  }
0x10b: {  	v2 =	vld [tilespmem:$0x13460];
	_ =	sdelay $0x7  }
0x10c: {  	[tilespmem:v2+s4+$0x0] =	vst.idx.add.f32.msk $0xffff, v1  }
0x10d: {  	v2 =	vld [tilespmem:$0x13470];
	_ =	sdelay $0x7  }
0x10e: {  	[tilespmem:v2+s4+$0x0] =	vst.idx.add.f32.msk $0xffff, v1  }
0x10f: {  	v2 =	vld [tilespmem:$0x13480];
	_ =	sdelay $0x7  }
0x110: {  	[tilespmem:v2+s4+$0x0] =	vst.idx.add.f32.msk $0xffff, v1  }
0x111: {  	v2 =	vld [tilespmem:$0x13490];
	_ =	sdelay $0x7  }
0x112: {  	[tilespmem:v2+s4+$0x0] =	vst.idx.add.f32.msk $0xffff, v1  }
0x113: {  	v2 =	vld [tilespmem:$0x134A0];
	_ =	sdelay $0x7  }
0x114: {  	[tilespmem:v2+s4+$0x0] =	vst.idx.add.f32.msk $0xffff, v1  }
0x115: {  	v2 =	vld [tilespmem:$0x134B0];
	_ =	sdelay $0x7  }
0x116: {  	[tilespmem:v2+s4+$0x0] =	vst.idx.add.f32.msk $0xffff, v1  }
0x117: {  	v2 =	vld [tilespmem:$0x134C0];
	_ =	sdelay $0x7  }
0x118: {  	[tilespmem:v2+s4+$0x0] =	vst.idx.add.f32.msk $0xffff, v1  }
0x119: {  	v2 =	vld [tilespmem:$0x134D0];
	_ =	sdelay $0x7  }
0x11a: {  	[tilespmem:v2+s4+$0x0] =	vst.idx.add.f32.msk $0xffff, v1  }
0x11b: {  	v2 =	vld [tilespmem:$0x134E0];
	_ =	sdelay $0x7  }
0x11c: {  	[tilespmem:v2+s4+$0x0] =	vst.idx.add.f32.msk $0xffff, v1  }
0x11d: {  	v2 =	vld [tilespmem:$0x134F0];
	_ =	sdelay $0x7  }
0x11e: {  	[tilespmem:v2+s4+$0x0] =	vst.idx.add.f32.msk $0xffff, v1  }
0x11f: {  	v2 =	vld [tilespmem:$0x13500];
	_ =	sdelay $0x7  }
0x120: {  	[tilespmem:v2+s4+$0x0] =	vst.idx.add.f32.msk $0xffff, v1  }
0x121: {  	v2 =	vld [tilespmem:$0x13510];
	_ =	sdelay $0x7  }
0x122: {  	[tilespmem:v2+s4+$0x0] =	vst.idx.add.f32.msk $0xffff, v1  }
0x123: {  	v2 =	vld [tilespmem:$0x13520];
	_ =	sdelay $0x7  }
0x124: {  	[tilespmem:v2+s4+$0x0] =	vst.idx.add.f32.msk $0xffff, v1  }
0x125: {  	v2 =	vld [tilespmem:$0x13530];
	_ =	sdelay $0x7  }
0x126: {  	[tilespmem:v2+s4+$0x0] =	vst.idx.add.f32.msk $0xffff, v1  }
0x127: {  	v2 =	vld [tilespmem:$0x13540];
	_ =	sdelay $0x7  }
0x128: {  	[tilespmem:v2+s4+$0x0] =	vst.idx.add.f32.msk $0xffff, v1  }
0x129: {  	v2 =	vld [tilespmem:$0x13550];
	_ =	sdelay $0x7  }
0x12a: {  	[tilespmem:v2+s4+$0x0] =	vst.idx.add.f32.msk $0xffff, v1  }
0x12b: {  	v2 =	vld [tilespmem:$0x13560];
	_ =	sdelay $0x7  }
0x12c: {  	[tilespmem:v2+s4+$0x0] =	vst.idx.add.f32.msk $0xffff, v1  }
0x12d: {  	v2 =	vld [tilespmem:$0x13570];
	_ =	sdelay $0x7  }
0x12e: {  	[tilespmem:v2+s4+$0x0] =	vst.idx.add.f32.msk $0xffff, v1  }
0x12f: {  	v2 =	vld [tilespmem:$0x13580];
	_ =	sdelay $0x7  }
0x130: {  	[tilespmem:v2+s4+$0x0] =	vst.idx.add.f32.msk $0xffff, v1  }
0x131: {  	v2 =	vld [tilespmem:$0x13590];
	_ =	sdelay $0x7  }
0x132: {  	[tilespmem:v2+s4+$0x0] =	vst.idx.add.f32.msk $0xffff, v1  }
0x133: {  	v2 =	vld [tilespmem:$0x135A0];
	_ =	sdelay $0x7  }
0x134: {  	[tilespmem:v2+s4+$0x0] =	vst.idx.add.f32.msk $0xffff, v1  }
0x135: {  	v2 =	vld [tilespmem:$0x135B0];
	_ =	sdelay $0x7  }
0x136: {  	[tilespmem:v2+s4+$0x0] =	vst.idx.add.f32.msk $0xffff, v1  }
0x137: {  	v2 =	vld [tilespmem:$0x135C0];
	_ =	sdelay $0x7  }
0x138: {  	[tilespmem:v2+s4+$0x0] =	vst.idx.add.f32.msk $0xffff, v1  }
0x139: {  	v2 =	vld [tilespmem:$0x135D0];
	_ =	sdelay $0x7  }
0x13a: {  	[tilespmem:v2+s4+$0x0] =	vst.idx.add.f32.msk $0xffff, v1  }
0x13b: {  	v2 =	vld [tilespmem:$0x135E0];
	_ =	sdelay $0x7  }
0x13c: {  	[tilespmem:v2+s4+$0x0] =	vst.idx.add.f32.msk $0xffff, v1  }
0x13d: {  	v2 =	vld [tilespmem:$0x135F0];
	_ =	sdelay $0x7  }
0x13e: {  	[tilespmem:v2+s4+$0x0] =	vst.idx.add.f32.msk $0xffff, v1  }
0x13f: {  	v2 =	vld [tilespmem:$0x13600];
	_ =	sdelay $0x7  }
0x140: {  	[tilespmem:v2+s4+$0x0] =	vst.idx.add.f32.msk $0xffff, v1  }
0x141: {  	v2 =	vld [tilespmem:$0x13610];
	_ =	sdelay $0x7  }
0x142: {  	[tilespmem:v2+s4+$0x0] =	vst.idx.add.f32.msk $0xffff, v1  }
0x143: {  	v2 =	vld [tilespmem:$0x13620];
	_ =	sdelay $0x7  }
0x144: {  	[tilespmem:v2+s4+$0x0] =	vst.idx.add.f32.msk $0xffff, v1  }
0x145: {  	v2 =	vld [tilespmem:$0x13630];
	_ =	sdelay $0x7  }
0x146: {  	[tilespmem:v2+s4+$0x0] =	vst.idx.add.f32.msk $0xffff, v1  }
0x147: {  	v2 =	vld [tilespmem:$0x13640];
	_ =	sdelay $0x7  }
0x148: {  	[tilespmem:v2+s4+$0x0] =	vst.idx.add.f32.msk $0xffff, v1  }
0x149: {  	v2 =	vld [tilespmem:$0x13650];
	_ =	sdelay $0x7  }
0x14a: {  	[tilespmem:v2+s4+$0x0] =	vst.idx.add.f32.msk $0xffff, v1  }
0x14b: {  	v2 =	vld [tilespmem:$0x13660];
	_ =	sdelay $0x7  }
0x14c: {  	[tilespmem:v2+s4+$0x0] =	vst.idx.add.f32.msk $0xffff, v1  }
0x14d: {  	v2 =	vld [tilespmem:$0x13670];
	_ =	sdelay $0x7  }
0x14e: {  	[tilespmem:v2+s4+$0x0] =	vst.idx.add.f32.msk $0xffff, v1  }
0x14f: {  	v2 =	vld [tilespmem:$0x13680];
	_ =	sdelay $0x7  }
0x150: {  	[tilespmem:v2+s4+$0x0] =	vst.idx.add.f32.msk $0xffff, v1  }
0x151: {  	v2 =	vld [tilespmem:$0x13690];
	_ =	sdelay $0x3  }
.Ltmp6:
0x152: {  	_ = 	snop;
	(pc) =	sbr.rel .LBB2_10-.Ltmp6, $2  }
0x153: {  	_ =	sdelay $0x2  }
0x154: {  	[tilespmem:v2+s4+$0x0] =	vst.idx.add.f32.msk $0xffff, v1  }
.LBB2_11:
0x155: {  	_ =	sfence.sel $0x180000  }
0x156: {  	[bflag:$0x0] =	sbarrier.arrive $0xFFFF  }
0x157: {  	_ =	strace $0x90000047  }
0x158: {  	s0 =	stileid.u32;
	[bflag:$0x2] =	sbarrier.arrive $0xFFFF  }
0x159: {  	p0 =	sne.s32 s0, $0x0;
	s0 =	rddreg [dreg:$0x4]  }
0x15a: {  	s0 =	sadd.s32 @!p0 $0x100000, s0  }
0x15b: {  	[sflag:s0] =	ssyncadd.tile.s32 @!p0 $0x1;
	_ =	shalt  }
.Lfunc_end2:
_tile_overlayer_lowered:
.L_overlay_start_2:
0x15c: {  	(tag) =	ssettag $0x2  }
0x15d: {  	s0 =	rddreg [dreg:$0x0];
	s2 =	stileid.u32  }
0x15e: {  	s1 =	rddreg [dreg:$0x1];
	p0 =	sne.s32 s2, $0x0  }
0x15f: {  	s3 =	rddreg [dreg:$0x2];
	[bflag:$0x3] =	sbarrier.arrive $0xFFFF;
	s2 =	simm.s32 @!p0 $0x1C03  }
0x160: {  	[timem:s3], [sflag:s2] =	dma.local @!p0 [hbm:s0], s1  }
0x161: {  	s0 =	simm.s32 @!p0 $0x3  }
0x162: {  	_ =	swait.ge @!p0 [sflag:s0], s1  }
0x163: {  	s1 =	ssub.s32 @!p0 $0x0, s1;
	[sflag:s0] =	ssyncset.done @!p0 $0x0  }
0x164: {  	[sflag:s0] =	ssyncadd.s32 @!p0 s1  }
0x165: {  	[bflag:$0x3] =	sbarrier.arrive $0xFFFF  }
0x166: {  	_ =	shalt  }

// kernel: kernel.13.cloned.1.call-start
scs
__scs_entry_jumppad:
0x0: {  	(pc) =	sbr.rel $0x88, $3  }
0x1: {  	(tag) =	ssettag $0x0;
	lr =	simm.s32 $0x1  }
0x2: {  	[smem:$0x3F99] =	sst lr;
	_ =	strace $0xD0000000  }
0x3: {  	_ = 	snop  }
0x4: {  	_ = 	snop  }
0x5: {  	_ = 	snop  }
0x6: {  	_ = 	snop  }
0x7: {  	_ = 	snop  }
__scs_overlays_trampoline_lowered:
0x8: {  	[smem:$0x3FA8] =	sst s0  }
0x9: {  	[smem:$0x3FA9] =	sst s1  }
0xa: {  	[smem:$0x3FAA] =	sst s2  }
0xb: {  	[smem:$0x3FAB] =	sst s3  }
0xc: {  	[smem:$0x3FAC] =	sst s4  }
0xd: {  	[smem:$0x3FAD] =	sst s5  }
0xe: {  	[smem:$0x3FAE] =	sst s6  }
0xf: {  	[smem:$0x3FAF] =	sst s7  }
0x10: {  	[smem:$0x3FB0] =	sst s8  }
0x11: {  	[smem:$0x3FB1] =	sst s9;
	s0 =	simm.s32 @!p0 $0x0  }
0x12: {  	s1 =	sld [smem:$0x3F97];
	s0 =	simm.s32 @p0 $0x1  }
0x13: {  	[smem:$0x3FB2] =	sst s0;
	s0 =	simm.s32 @!p1 $0x0  }
0x14: {  	s2 =	sld [smem:$0x3F96];
	s0 =	simm.s32 @p1 $0x1  }
0x15: {  	[smem:$0x3FB3] =	sst s0;
	s0 =	simm.s32 @!p2 $0x0  }
0x16: {  	s3 =	sld [smem:$0x3FDB];
	s0 =	simm.s32 @p2 $0x1  }
0x17: {  	s4 =	simm.s32 $0x1BF5;
	[smem:$0x3FB5] =	sst s0  }
0x18: {  	s0 =	sld [smem:$0x3F98];
	_ =	swait.ge [sflag:s4], $0x0  }
0x19: {  	s7 =	sld [smem:$0x3F99]  }
0x1a: {  	s8 =	sadd.s32 $0xFFFFE003, lr  }
0x1b: {  	s9 =	sadd.s32 $0xFFFFFEF7, lr;
	s5 =	simm.s32 $0xFFFFFFFF;
	p2 =	slt.u32 s8, $0xFFFFF086  }
0x1c: {  	p1 =	slt.u32 s9, $0xF7A;
	s5 =	simm.s32 @!p2 $0x0  }
0x1d: {  	s5 =	simm.s32 @p1 $0x1;
	p0 =	seq.s32 s7, s2  }
0x1e: {  	s7 =	smul.u32 @!p0 $0xF7A, s2;
	p2 =	seq.s32 @!p0 s5, $0x0  }
0x1f: {  	s9 =	smul.u32 $0xF7A, s1;
	s8 =	simm.s32 @!p0 $0x1BF5;
	p2 =	por !p2, p0  }
0x20: {  	[sflag:s8] =	ssyncset.s32 @!p0 $0xFFFFF086;
	s6 =	sadd.s32 @!p0 s3, s7;
	s7 =	simm.s32 @!p0 $0x108  }
0x21: {  	s3 =	sadd.s32 s3, s9;
	s6 =	sadd.s32 @!p0 $0x88, s6;
	s7 =	simm.s32 @p2 $0x1082  }
0x22: {  	[simem:s7], [sflag:s8] =	dma.local @!p0 [hbm:s6], $0xF7A  }
0x23: {  	s9 =	sor.u32 $0xD0000000, s2;
	s6 =	simm.s32 $0x108;
	_ =	swait.ge @!p0 [sflag:s8], $0x0  }
0x24: {  	s3 =	sadd.s32 $0x88, s3;
	s6 =	simm.s32 @!p1 $0x1082;
	[sflag:s4] =	ssyncset.s32 $0xFFFFF086  }
0x25: {  	[simem:s6], [sflag:s4] =	dma.local [hbm:s3], $0xF7A  }
0x26: {  	[smem:$0x3F99] =	sst s1;
	(tag) =	ssettag s2;
	_ =	strace s9  }
0x27: {  	s1 =	sld [smem:$0x3FA9]  }
0x28: {  	s2 =	sld [smem:$0x3FAA]  }
0x29: {  	s4 =	sld [smem:$0x3FAC]  }
0x2a: {  	p0 =	seq.s32 s5, $0x0;
	s5 =	sld [smem:$0x3FAD]  }
0x2b: {  	s6 =	sld [smem:$0x3FAE]  }
0x2c: {  	s7 =	sld [smem:$0x3FAF]  }
0x2d: {  	s3 =	simm.s32 $0x108;
	s8 =	sld [smem:$0x3FB0]  }
0x2e: {  	s3 =	simm.s32 @!p0 $0x1082;
	s9 =	sld [smem:$0x3FB1]  }
0x2f: {  	lr =	sadd.s32 s0, s3;
	s0 =	sld [smem:$0x3FA8]  }
0x30: {  	s3 =	sld [smem:$0x3FAB]  }
0x31: {  	[smem:$0x3FB4] =	sst s10  }
0x32: {  	s10 =	sld [smem:$0x3FB2];
	_ =	sdelay $0x3  }
0x33: {  	p0 =	seq.s32 s10, $0x1;
	s10 =	sld [smem:$0x3FB4];
	_ =	sdelay $0x3  }
0x34: {  	[smem:$0x3FB4] =	sst s10  }
0x35: {  	s10 =	sld [smem:$0x3FB3];
	_ =	sdelay $0x3  }
0x36: {  	p1 =	seq.s32 s10, $0x1;
	s10 =	sld [smem:$0x3FB4];
	_ =	sdelay $0x3  }
0x37: {  	[smem:$0x3FB4] =	sst s10  }
0x38: {  	s10 =	sld [smem:$0x3FB5]  }
0x39: {  	_ = 	snop;
	(pc) =	sbr.ind lr, $3  }
0x3a: {  	_ = 	snop  }
0x3b: {  	_ = 	snop  }
0x3c: {  	p2 =	seq.s32 s10, $0x1;
	s10 =	sld [smem:$0x3FB4]  }
0x3d: {  	_ =	shalt  }
0x3e: {  	_ =	shalt  }
0x3f: {  	_ =	shalt  }
0x40: {  	_ =	shalt  }
0x41: {  	_ =	shalt  }
0x42: {  	_ =	shalt  }
0x43: {  	_ =	shalt  }
0x44: {  	_ =	shalt  }
0x45: {  	_ =	shalt  }
0x46: {  	_ =	shalt  }
0x47: {  	_ =	shalt  }
0x48: {  	_ =	shalt  }
0x49: {  	_ =	shalt  }
0x4a: {  	_ =	shalt  }
0x4b: {  	_ =	shalt  }
0x4c: {  	_ =	shalt  }
0x4d: {  	_ =	shalt  }
0x4e: {  	_ =	shalt  }
0x4f: {  	_ =	shalt  }
0x50: {  	_ =	shalt  }
0x51: {  	_ =	shalt  }
0x52: {  	_ =	shalt  }
0x53: {  	_ =	shalt  }
0x54: {  	_ =	shalt  }
0x55: {  	_ =	shalt  }
0x56: {  	_ =	shalt  }
0x57: {  	_ =	shalt  }
0x58: {  	_ =	shalt  }
0x59: {  	_ =	shalt  }
0x5a: {  	_ =	shalt  }
0x5b: {  	_ =	shalt  }
0x5c: {  	_ =	shalt  }
0x5d: {  	_ =	shalt  }
0x5e: {  	_ =	shalt  }
0x5f: {  	_ =	shalt  }
0x60: {  	_ =	shalt  }
0x61: {  	_ =	shalt  }
0x62: {  	_ =	shalt  }
0x63: {  	_ =	shalt  }
0x64: {  	_ =	shalt  }
0x65: {  	_ =	shalt  }
0x66: {  	_ =	shalt  }
0x67: {  	_ =	shalt  }
0x68: {  	_ =	shalt  }
0x69: {  	_ =	shalt  }
0x6a: {  	_ =	shalt  }
0x6b: {  	_ =	shalt  }
0x6c: {  	_ =	shalt  }
0x6d: {  	_ =	shalt  }
0x6e: {  	_ =	shalt  }
0x6f: {  	_ =	shalt  }
0x70: {  	_ =	shalt  }
0x71: {  	_ =	shalt  }
0x72: {  	_ =	shalt  }
0x73: {  	_ =	shalt  }
0x74: {  	_ =	shalt  }
0x75: {  	_ =	shalt  }
0x76: {  	_ =	shalt  }
0x77: {  	_ =	shalt  }
0x78: {  	_ =	shalt  }
0x79: {  	_ =	shalt  }
0x7a: {  	_ =	shalt  }
0x7b: {  	_ =	shalt  }
0x7c: {  	_ =	shalt  }
0x7d: {  	_ =	shalt  }
0x7e: {  	_ =	shalt  }
0x7f: {  	_ =	shalt  }
0x80: {  	_ =	shalt  }
0x81: {  	_ =	shalt  }
0x82: {  	_ =	shalt  }
0x83: {  	_ =	shalt  }
0x84: {  	_ =	shalt  }
0x85: {  	_ =	shalt  }
0x86: {  	_ =	shalt  }
0x87: {  	_ =	shalt  }
.Lfunc_end0:
.L_simem_size_0:
called_computation.1_lowered:
.L_overlay_start_0:
0x88: {  	s2 =	sld [smem:$0x3FD9]  }
0x89: {  	s3 =	sld [smem:$0x3FFE];
	_ =	sdelay $0x1  }
0x8a: {  	s1 =	srdreg.scid  }
0x8b: {  	s0 =	sand.u32 $0x1, s1  }
0x8c: {  	s16 =	sshll.u32 s0, $0xA;
	s2 =	sadd.s32 s3, s2  }
0x8d: {  	s2 =	sadd.s32 s2, s16  }
0x8e: {  	[smem:$0x3FC0] =	sst s2  }
0x8f: {  	_ = 	snop  }
0x90: {  	(tm) =	ssettm $0x1  }
0x91: {  	s17 =	sld [smem:$0x3FFB];
	_ =	sdelay $0x3  }
0x92: {  	_ =	strace s17  }
0x93: {  	s2 =	sld [smem:$0x3FFC];
	_ =	sdelay $0x3  }
0x94: {  	_ =	strace s2  }
0x95: {  	s2 =	sld [smem:$0x3FFD];
	_ =	sdelay $0x3  }
0x96: {  	_ =	strace s2  }
0x97: {  	_ =	strace $0x8FFFFFFF  }
0x98: {  	s18 =	sld [smem:$0x3FDB];
	_ =	sdelay $0x1  }
0x99: {  	s19 =	simm.s32 $_scs_section_size  }
0x9a: {  	s4 =	simm.s32 $_size__tile_overlayer_lowered;
	s5 =	simm.s32 $_tile_overlayer_lowered  }
0x9b: {  	s22 =	simm.s32 $0x1BFF;
	s21 =	sshll.u32 s5, $0x1;
	s2 =	sadd.s32 s19, s18  }
0x9c: {  	s6 =	simm.s32 $0x0;
	s20 =	sshll.u32 s4, $0x1;
	s4 =	sadd.s32 s21, s2  }
0x9d: {  	[timem:s6], [sflag:s22] =	dma.local [hbm:s4], s20  }
0x9e: {  	_ =	swait.ge [sflag:s22], s20  }
0x9f: {  	s3 =	ssub.s32 $0x0, s20;
	[sflag:s22] =	ssyncset.done $0x0  }
0xa0: {  	[sflag:s22] =	ssyncadd.s32 s3;
	_ =	sdelay $0x1  }
0xa1: {  	s23 =	simm.s32 $0x1B8B  }
0xa2: {  	_ =	swait.ge [sflag:s23], $0x1  }
0xa3: {  	[sflag:s23] =	ssyncset.done $0x0  }
0xa4: {  	s25 =	simm.s32 $0x1B8E;
	s24 =	sld [smem:$0x3FFE];
	[sflag:s23] =	ssyncadd.s32 $0xFFFFFFFF  }
0xa5: {  	s26 =	simm.s32 $execute0_lowered;
	[smem:$0x3FD2] =	sst s25  }
0xa6: {  	s4 =	sshll.u32 s26, $0x1;
	_ =	strace $0x80000049;
	[dreg:$0x1] =	wrdreg $0xFFFFFFFF  }
0xa7: {  	s28 =	simm.s32 $_size_execute0_lowered;
	s2 =	sadd.s32 s2, s4;
	[dreg:$0x0] =	wrdreg $0x0  }
0xa8: {  	s4 =	sshll.u32 s28, $0x1;
	[dreg:$0x2] =	wrdreg s2  }
0xa9: {  	[dreg:$0x3] =	wrdreg s4  }
0xaa: {  	[dreg:$0x4] =	wrdreg $0xC0  }
0xab: {  	_ =	task [dreg:s6], $0x5FFFF  }
0xac: {  	[dreg:$0x1] =	wrdreg $0xFFFFFFFF  }
0xad: {  	[dreg:$0x0] =	wrdreg $0x60  }
0xae: {  	[dreg:$0x2] =	wrdreg s24  }
0xaf: {  	[dreg:$0x3] =	wrdreg $0xE8800  }
0xb0: {  	[dreg:$0x4] =	wrdreg $0x9  }
0xb1: {  	_ =	task.clear_ibuf [dreg:s6], $0x5FFFF;
	_ =	strace $0x90000049  }
0xb2: {  	s29 =	simm.s32 $0x9;
	_ =	strace $0x8000004B  }
0xb3: {  	_ =	swait.ge [sflag:s29], $0x1  }
0xb4: {  	[sflag:s29] =	ssyncadd.s32 $0xFFFFFFFF  }
0xb5: {  	_ =	strace $0x9000004B  }
0xb6: {  	_ =	sfence  }
0xb7: {  	s30 =	sld [smem:$0x0];
	_ =	sdelay $0x2  }
0xb8: {  	s31 =	sshll.u32 s1, $0xD;
	s1 =	sshrl.u32 s1, $0x2  }
0xb9: {  	s3 =	sand.u32 $0x4000, s31;
	s1 =	sadd.s32 s1, s30  }
0xba: {  	s0 =	sor.u32 s3, s0;
	s1 =	sshll.u32 s1, $0x11  }
0xbb: {  	s0 =	sor.u32 s1, s0  }
0xbc: {  	s0 =	sadd.s32 $0x8F2B, s0  }
0xbd: {  	[sflag:s0] =	ssyncadd.remote.s32 $0x1  }
0xbe: {  	_ =	sfence.sel $0xFFFF  }
0xbf: {  	[dreg:$0x0] =	wrdreg $0xFFFFFFFF;
	(pc) =	sbr.abs _section_cstart, $3  }
0xc0: {  	[dreg:$0x1] =	wrdreg $0xFFFFFFFF  }
0xc1: {  	_ =	task.clear_ibuf [dreg:s6], $0x2FFFF;
	_ =	strace $0x9FFFFFFF  }
0xc2: {  	(tm) =	ssettm $0x7FFFFFFF  }
0xc3: {  	_ =	shalt  }
tec
execute0_lowered:
.L_overlay_start_1:
0x0: {  	(tag) =	ssettag $0x1  }
0x1: {  	s0 =	srdreg.scid;
	s1 =	rddreg [dreg:$0x0]  }
0x2: {  	s2 =	simm.s32 $0x0;
	s19 =	stileid.u32;
	s12 =	sand.u32 $0x1, s0  }
0x3: {  	[smem:$0x7FF] =	sst s2;
	s13 =	sadd.s32 $0x30800, s1;
	s4 =	smul.u32 $0x5000, s19  }
0x4: {  	s10 =	smul.u32 $0x5140, s19;
	s11 =	sadd.s32 $0xA7400, s1;
	p0 =	sgt.u32 s19, $0xC  }
0x5: {  	s0 =	ssub.s32 $0x2, s12;
	s5 =	smul.u32 $0x51400, s12;
	s15 =	sshll.u32 s12, $0x6  }
0x6: {  	s12 =	sor.u32 $0x2, s12;
	s17 =	sshrl.u32 s0, $0x1;
	s9 =	sadd.s32 $0x50000, s4  }
0x7: {  	s6 =	sadd.s32 $0xA0000, s4;
	s7 =	sadd.s32 $0xF0000, s4;
	s8 =	sadd.s32 $0x140000, s4  }
0x8: {  	s3 =	sadd.s32 $0x190000, s4;
	s2 =	sadd.s32 $0x1E0000, s4;
	s16 =	sor.u32 s15, s4  }
0x9: {  	s0 =	ssub.s32 s0, s17;
	s14 =	sadd.s32 s10, s5;
	s5 =	sadd.s32 $0x230000, s4  }
0xa: {  	s18 =	sshrl.u32 s16, $0x3;
	s20 =	sor.u32 s15, s9;
	s22 =	sor.u32 s15, s6  }
0xb: {  	s24 =	sor.u32 s15, s7;
	s26 =	sor.u32 s15, s8;
	s29 =	sor.u32 s15, s3  }
0xc: {  	s17 =	sor.u32 s15, s2;
	s14 =	sshrl.u32 s14, $0x3;
	s21 =	sshrl.u32 s20, $0x3  }
0xd: {  	s23 =	sshrl.u32 s22, $0x3;
	s25 =	sshrl.u32 s24, $0x3;
	s28 =	sshrl.u32 s26, $0x3  }
0xe: {  	s30 =	sshrl.u32 s29, $0x3;
	s31 =	sshrl.u32 s17, $0x3;
	s15 =	sor.u32 s15, s5  }
0xf: {  	s0 =	smax.u32 s0, $0x1;
	s14 =	sadd.s32 s13, s14;
	s17 =	sadd.s32 s11, s31  }
0x10: {  	s15 =	sshrl.u32 s15, $0x3;
	[dreg:$0x3] =	wrdreg s14;
	s14 =	sadd.s32 s11, s18  }
0x11: {  	s18 =	smul.u32 $0x51400, s12;
	[dreg:$0xa] =	wrdreg s17;
	s12 =	sshll.u32 s12, $0x6  }
0x12: {  	[dreg:$0x4] =	wrdreg s14;
	s14 =	sadd.s32 s11, s21;
	s20 =	sor.u32 s4, s12  }
0x13: {  	s21 =	sadd.s32 s11, s15;
	s22 =	sor.u32 s12, s9;
	s24 =	sor.u32 s12, s6  }
0x14: {  	s26 =	sor.u32 s12, s7;
	s29 =	sor.u32 s12, s8;
	s31 =	sor.u32 s12, s3  }
0x15: {  	s16 =	sor.u32 s12, s2;
	s12 =	sor.u32 s12, s5;
	[dreg:$0x5] =	wrdreg s14  }
0x16: {  	s14 =	sadd.s32 s11, s23;
	s18 =	sadd.s32 s10, s18;
	[dreg:$0xc] =	wrdreg s21  }
0x17: {  	s23 =	sshrl.u32 s22, $0x3;
	s15 =	sshrl.u32 s31, $0x3;
	s17 =	sshrl.u32 s16, $0x3  }
0x18: {  	s12 =	sshrl.u32 s12, $0x3;
	s10 =	sshrl.u32 s10, $0x3;
	s22 =	sadd.s32 $0x59200, s1  }
0x19: {  	s21 =	sshrl.u32 s4, $0x2;
	s4 =	simm.s32 $0xA280;
	[dreg:$0x6] =	wrdreg s14  }
0x1a: {  	s14 =	sadd.s32 s11, s25;
	s25 =	sshrl.u32 s24, $0x3;
	s10 =	sadd.s32 s10, s1  }
0x1b: {  	s24 =	sshrl.u32 s6, $0x2;
	[dreg:$0x7] =	wrdreg s14;
	s14 =	sadd.s32 s11, s28  }
0x1c: {  	s6 =	simm.s32 $0xBB80;
	[dreg:$0x8] =	wrdreg s14;
	s14 =	sadd.s32 s11, s30  }
0x1d: {  	s28 =	sshrl.u32 s26, $0x3;
	[dreg:$0x9] =	wrdreg s14;
	s14 =	sshrl.u32 s18, $0x3  }
0x1e: {  	s26 =	sshrl.u32 s8, $0x2;
	s8 =	simm.s32 $0x2;
	s13 =	sadd.s32 s13, s14  }
0x1f: {  	s30 =	sshrl.u32 s29, $0x3;
	s29 =	sshrl.u32 s2, $0x2;
	[dreg:$0xb] =	wrdreg s13  }
0x20: {  	s2 =	simm.s32 $0xD480;
	s13 =	sshrl.u32 s20, $0x3;
	s20 =	rddreg [dreg:$0x1]  }
0x21: {  	s18 =	sadd.s32 $0xCE00, s10;
	s13 =	sadd.s32 s11, s13;
	s10 =	sadd.s32 s21, s20  }
0x22: {  	s21 =	sadd.s32 s24, s20;
	[dreg:$0xd] =	wrdreg s13;
	s13 =	sadd.s32 s11, s23  }
0x23: {  	s24 =	sadd.s32 s26, s20;
	[dreg:$0xe] =	wrdreg s13;
	s13 =	sadd.s32 s11, s25  }
0x24: {  	s1 =	sadd.s32 s29, s20;
	[dreg:$0xf] =	wrdreg s13;
	s13 =	sadd.s32 s11, s28  }
0x25: {  	s26 =	simm.s32 $0x68;
	[dreg:$0x10] =	wrdreg s13;
	s13 =	sadd.s32 s11, s30  }
0x26: {  	s23 =	sshrl.u32 s9, $0x2;
	[dreg:$0x11] =	wrdreg s13;
	s13 =	sadd.s32 s11, s15  }
0x27: {  	s25 =	sshrl.u32 s7, $0x2;
	[dreg:$0x12] =	wrdreg s13;
	s13 =	sadd.s32 s11, s17  }
0x28: {  	s7 =	simm.s32 $0x1;
	s11 =	sadd.s32 s11, s12;
	[dreg:$0x13] =	wrdreg s13  }
0x29: {  	s28 =	sshrl.u32 s3, $0x2;
	s3 =	simm.s32 $0x64;
	[dreg:$0x14] =	wrdreg s11  }
0x2a: {  	s30 =	sshrl.u32 s5, $0x2;
	_ =	strace $0x8000004A;
	[dreg:$0x15] =	wrdreg s18  }
0x2b: {  	s31 =	sadd.s32 s30, s20;
	s17 =	sadd.s32 s23, s20;
	[dreg:$0x16] =	wrdreg s1  }
0x2c: {  	s23 =	sadd.s32 s25, s20;
	s25 =	sadd.s32 s28, s20;
	[dreg:$0x17] =	wrdreg s31  }
0x2d: {  	s12 =	simm.s32 $0x8;
	s11 =	simm.s32 $0x20;
	[dreg:$0x19] =	wrdreg s0  }
0x2e: {  	v0 =	vimm.f32 $0.0e+00;
	s13 =	simm.s32 $0x0;
	s0 =	simm.s32 $0x3;
	[dreg:$0x18] =	wrdreg s10  }
.LBB2_1:
0x2f: {  	s1 =	simm.s32 $0x0;
	s5 =	rddreg [dreg:$0x15];
	s9 =	simm.s32 $0x5140  }
0x30: {  	[tilespmem:s9], [sflag:$0x3] =	stream.linear.gather [hbm4b:s5+s1], $0x5140, $0x38;
	[tilespmem:$0x184C0] =	vst v63  }
0x31: {  	_ =	swait.ge [sflag:s0], $0x5140  }
0x32: {  	[sflag:s0] =	ssyncset.done $0x0  }
0x33: {  	s5 =	simm.s32 $0x100;
	s1 =	simm.s32 $0x0;
	[sflag:s0] =	ssyncadd.s32 $0xFFFFAEC0  }
.LBB2_2:
0x34: {  	p1 =	sne.s32 s5, $0x4F00;
	[tilespmem:s1+$0xD4B0] =	vst v0;
	s9 =	smov.u32 s5;
	s5 =	sadd.s32 $0x100, s5  }
.Ltmp0:
0x35: {  	[tilespmem:s1+$0xD4A0] =	vst v0;
	(pc) =	sbr.rel @p1 .LBB2_2-.Ltmp0, $3  }
0x36: {  	[tilespmem:s1+$0xD480] =	vst v0  }
0x37: {  	[tilespmem:s1+$0xD490] =	vst v0;
	_ =	sdelay $0x1  }
0x38: {  	s1 =	sshra.s32 s9, $0x2  }
0x39: {  	[tilespmem:s1+$0xD4B0] =	vst v0  }
0x3a: {  	[tilespmem:s1+$0xD4A0] =	vst v0  }
0x3b: {  	[tilespmem:s1+$0xD480] =	vst v0  }
0x3c: {  	[tilespmem:s1+$0xD490] =	vst v0  }
0x3d: {  	[spmem:s10] =	stream.linear.scatter [tilespmem:s2], [sflag:$0x3], $0x1400, $0x38;
	[tilespmem:$0x184C0] =	vst v63  }
0x3e: {  	_ =	swait.ge [sflag:s0], $0x1400  }
0x3f: {  	[sflag:s0] =	ssyncset.done $0x0  }
0x40: {  	[sflag:s0] =	ssyncadd.s32 $0xFFFFEC00  }
0x41: {  	[spmem:s17] =	stream.linear.scatter [tilespmem:s2], [sflag:$0x3], $0x1400, $0x38;
	[tilespmem:$0x184C0] =	vst v63  }
0x42: {  	_ =	swait.ge [sflag:s0], $0x1400  }
0x43: {  	[sflag:s0] =	ssyncset.done $0x0  }
0x44: {  	[sflag:s0] =	ssyncadd.s32 $0xFFFFEC00  }
0x45: {  	[spmem:s21] =	stream.linear.scatter [tilespmem:s2], [sflag:$0x3], $0x1400, $0x38;
	[tilespmem:$0x184C0] =	vst v63  }
0x46: {  	_ =	swait.ge [sflag:s0], $0x1400  }
0x47: {  	[sflag:s0] =	ssyncset.done $0x0  }
0x48: {  	[sflag:s0] =	ssyncadd.s32 $0xFFFFEC00  }
0x49: {  	[spmem:s23] =	stream.linear.scatter [tilespmem:s2], [sflag:$0x3], $0x1400, $0x38;
	[tilespmem:$0x184C0] =	vst v63  }
0x4a: {  	_ =	swait.ge [sflag:s0], $0x1400  }
0x4b: {  	[sflag:s0] =	ssyncset.done $0x0  }
0x4c: {  	[sflag:s0] =	ssyncadd.s32 $0xFFFFEC00  }
0x4d: {  	[spmem:s24] =	stream.linear.scatter [tilespmem:s2], [sflag:$0x3], $0x1400, $0x38;
	[tilespmem:$0x184C0] =	vst v63  }
0x4e: {  	_ =	swait.ge [sflag:s0], $0x1400  }
0x4f: {  	[sflag:s0] =	ssyncset.done $0x0  }
0x50: {  	[sflag:s0] =	ssyncadd.s32 $0xFFFFEC00  }
0x51: {  	[spmem:s25] =	stream.linear.scatter [tilespmem:s2], [sflag:$0x3], $0x1400, $0x38;
	[tilespmem:$0x184C0] =	vst v63  }
0x52: {  	_ =	swait.ge [sflag:s0], $0x1400  }
0x53: {  	[sflag:s0] =	ssyncset.done $0x0  }
0x54: {  	s18 =	rddreg [dreg:$0x16];
	[sflag:s0] =	ssyncadd.s32 $0xFFFFEC00  }
0x55: {  	[spmem:s18] =	stream.linear.scatter [tilespmem:s2], [sflag:$0x3], $0x1400, $0x38;
	[tilespmem:$0x184C0] =	vst v63  }
0x56: {  	_ =	swait.ge [sflag:s0], $0x1400  }
0x57: {  	[sflag:s0] =	ssyncset.done $0x0  }
0x58: {  	s1 =	simm.s32 @!p0 $0xD480;
	s5 =	rddreg [dreg:$0x17];
	[sflag:s0] =	ssyncadd.s32 $0xFFFFEC00  }
0x59: {  	[spmem:s5] =	stream.linear.scatter @!p0 [tilespmem:s1], [sflag:$0x3], $0x1400, $0x38;
	[tilespmem:$0x184C0] =	vst v63  }
0x5a: {  	s1 =	simm.s32 @!p0 $0x3  }
0x5b: {  	_ =	swait.ge @!p0 [sflag:s1], $0x1400  }
0x5c: {  	[sflag:s1] =	ssyncset.done @!p0 $0x0  }
0x5d: {  	s19 =	simm.s32 $0x0;
	s28 =	rddreg [dreg:$0x3];
	[sflag:s1] =	ssyncadd.s32 @!p0 $0xFFFFEC00  }
0x5e: {  	[tilespmem:s19], [sflag:$0x3] =	stream.linear.gather [hbm4b:s28+s19], $0x5140, $0x38;
	[tilespmem:$0x184C0] =	vst v63  }
0x5f: {  	_ =	swait.ge [sflag:s0], $0x5140  }
0x60: {  	[sflag:s0] =	ssyncset.done $0x0  }
0x61: {  	[sflag:s0] =	ssyncadd.s32 $0xFFFFAEC0  }
0x62: {  	[bflag:$0x0] =	sbarrier.arrive $0xFFFF  }
0x63: {  	[tilespmem:s4], [sflag:$0x1] =	stream.indirect.gather [hbm4b:s22+s3], $0x40, s19, s3, $0xb8;
	[tilespmem:$0x184C0] =	vst v63  }
0x64: {  	_ = 	snop  }
0x65: {  	[tilespmem:s6], [sflag:$0x2] =	stream.indirect.gather [hbm4b:s22+s3], $0x40, s26, s3, $0xb8;
	[tilespmem:$0x184C0] =	vst v63  }
0x66: {  	_ =	swait.ge [sflag:s7], $0x1900  }
0x67: {  	[sflag:s7] =	ssyncset.done $0x0  }
0x68: {  	s29 =	simm.s32 $0x5140;
	[sflag:s7] =	ssyncadd.s32 $0xFFFFE700  }
0x69: {  	[spmem:s20] =	stream.indirect.scatter.add.f32 [tilespmem:s4], [sflag:$0x3], $0x40, s29, s3, $0xb8;
	[tilespmem:$0x184C0] =	vst v63  }
0x6a: {  	_ =	swait.ge [sflag:s0], $0x1900  }
0x6b: {  	[sflag:s0] =	ssyncset.done $0x0  }
0x6c: {  	s30 =	simm.s32 $0xD0;
	[sflag:s0] =	ssyncadd.s32 $0xFFFFE700  }
0x6d: {  	[tilespmem:s4], [sflag:$0x1] =	stream.indirect.gather [hbm4b:s22+s3], $0x40, s30, s3, $0xb8;
	[tilespmem:$0x184C0] =	vst v63  }
0x6e: {  	_ =	swait.ge [sflag:s8], $0x1900  }
0x6f: {  	[sflag:s8] =	ssyncset.done $0x0  }
0x70: {  	s31 =	simm.s32 $0x51A8;
	[sflag:s8] =	ssyncadd.s32 $0xFFFFE700  }
0x71: {  	[spmem:s20] =	stream.indirect.scatter.add.f32 [tilespmem:s6], [sflag:$0x3], $0x40, s31, s3, $0xb8;
	[tilespmem:$0x184C0] =	vst v63  }
0x72: {  	_ =	swait.ge [sflag:s0], $0x1900  }
0x73: {  	[sflag:s0] =	ssyncset.done $0x0  }
0x74: {  	s5 =	simm.s32 $0x138;
	s1 =	simm.s32 $0x340;
	[sflag:s0] =	ssyncadd.s32 $0xFFFFE700  }
.LBB2_4:
0x75: {  	[tilespmem:s6], [sflag:$0x2] =	stream.indirect.gather [hbm4b:s22+s3], $0x40, s5, s3, $0xb8;
	[tilespmem:$0x184C0] =	vst v63  }
0x76: {  	s5 =	smov.u32 s1  }
0x77: {  	p1 =	sne.s32 s1, $0x13E80;
	s1 =	sadd.s32 $0x340, s1;
	_ =	swait.ge [sflag:s7], $0x1900  }
0x78: {  	s5 =	sshra.s32 s5, $0x2;
	[sflag:s7] =	ssyncset.done $0x0  }
0x79: {  	s9 =	sadd.s32 $0x5140, s5;
	[sflag:s7] =	ssyncadd.s32 $0xFFFFE700  }
0x7a: {  	[spmem:s20] =	stream.indirect.scatter.add.f32 [tilespmem:s4], [sflag:$0x3], $0x40, s9, s3, $0xb8;
	[tilespmem:$0x184C0] =	vst v63  }
0x7b: {  	_ =	swait.ge [sflag:s0], $0x1900  }
0x7c: {  	[sflag:s0] =	ssyncset.done $0x0  }
0x7d: {  	s9 =	sadd.s32 $0xD0, s5;
	[sflag:s0] =	ssyncadd.s32 $0xFFFFE700  }
0x7e: {  	[tilespmem:s4], [sflag:$0x1] =	stream.indirect.gather [hbm4b:s22+s3], $0x40, s9, s3, $0xb8;
	[tilespmem:$0x184C0] =	vst v63  }
0x7f: {  	_ =	swait.ge [sflag:s8], $0x1900  }
0x80: {  	[sflag:s8] =	ssyncset.done $0x0  }
.Ltmp1:
0x81: {  	s9 =	sadd.s32 $0x51A8, s5;
	[sflag:s8] =	ssyncadd.s32 $0xFFFFE700;
	(pc) =	sbr.rel @p1 .LBB2_4-.Ltmp1, $4  }
0x82: {  	[spmem:s20] =	stream.indirect.scatter.add.f32 [tilespmem:s6], [sflag:$0x3], $0x40, s9, s3, $0xb8;
	[tilespmem:$0x184C0] =	vst v63  }
0x83: {  	_ =	swait.ge [sflag:s0], $0x1900  }
0x84: {  	[sflag:s0] =	ssyncset.done $0x0  }
0x85: {  	s5 =	sadd.s32 $0x138, s5;
	[sflag:s0] =	ssyncadd.s32 $0xFFFFE700  }
0x86: {  	[tilespmem:s6], [sflag:$0x2] =	stream.indirect.gather [hbm4b:s22+s3], $0x40, s5, s3, $0xb8;
	[tilespmem:$0x184C0] =	vst v63  }
0x87: {  	_ =	swait.ge [sflag:s7], $0x1900  }
0x88: {  	[sflag:s7] =	ssyncset.done $0x0  }
0x89: {  	s1 =	simm.s32 $0xA1B0;
	[sflag:s7] =	ssyncadd.s32 $0xFFFFE700  }
0x8a: {  	[spmem:s20] =	stream.indirect.scatter.add.f32 [tilespmem:s4], [sflag:$0x3], $0x40, s1, s3, $0xb8;
	[tilespmem:$0x184C0] =	vst v63  }
0x8b: {  	_ =	swait.ge [sflag:s0], $0x1900  }
0x8c: {  	[sflag:s0] =	ssyncset.done $0x0  }
0x8d: {  	[sflag:s0] =	ssyncadd.s32 $0xFFFFE700  }
0x8e: {  	_ =	swait.ge [sflag:s8], $0x1900  }
0x8f: {  	[sflag:s8] =	ssyncset.done $0x0  }
0x90: {  	s16 =	simm.s32 $0xA218;
	[sflag:s8] =	ssyncadd.s32 $0xFFFFE700  }
0x91: {  	[spmem:s20] =	stream.indirect.scatter.add.f32 [tilespmem:s6], [sflag:$0x3], $0x40, s16, s3, $0xb8;
	[tilespmem:$0x184C0] =	vst v63  }
0x92: {  	_ =	swait.ge [sflag:s0], $0x1900  }
0x93: {  	[sflag:s0] =	ssyncset.done $0x0  }
0x94: {  	s18 =	stileid.u32;
	[sflag:s0] =	ssyncadd.s32 $0xFFFFE700  }
0x95: {  	s1 =	sshll.u32 s18, $0x6;
	[bflag:$0x0] =	sbarrier.arrive $0xFFFF  }
0x96: {  	s15 =	sshrl.u32 s10, $0x3;
	s14 =	sor.u32 $0x1C03, s1;
	s19 =	rddreg [dreg:$0x4]  }
0x97: {  	[hbm:s19@s11], [sflag:s14] =	dma.strided [spmem:s15@s12], $0x280, s7, $0x8   }
0x98: {  	_ =	swait.ge [sflag:s0], $0x280  }
0x99: {  	[sflag:s0] =	ssyncset.done $0x0  }
0x9a: {  	[sflag:s0] =	ssyncadd.s32 $0xFFFFFD80  }
0x9b: {  	[spmem:s10] =	stream.linear.scatter [tilespmem:s2], [sflag:$0x3], $0x1400, $0x38;
	[tilespmem:$0x184C0] =	vst v63  }
0x9c: {  	_ =	swait.ge [sflag:s0], $0x1400  }
0x9d: {  	[sflag:s0] =	ssyncset.done $0x0  }
0x9e: {  	s16 =	sshrl.u32 s17, $0x3;
	s26 =	rddreg [dreg:$0x5];
	[sflag:s0] =	ssyncadd.s32 $0xFFFFEC00  }
0x9f: {  	[hbm:s26@s11], [sflag:s14] =	dma.strided [spmem:s16@s12], $0x280, s7, $0x8   }
0xa0: {  	_ =	swait.ge [sflag:s0], $0x280  }
0xa1: {  	[sflag:s0] =	ssyncset.done $0x0  }
0xa2: {  	[sflag:s0] =	ssyncadd.s32 $0xFFFFFD80  }
0xa3: {  	[spmem:s17] =	stream.linear.scatter [tilespmem:s2], [sflag:$0x3], $0x1400, $0x38;
	[tilespmem:$0x184C0] =	vst v63  }
0xa4: {  	_ =	swait.ge [sflag:s0], $0x1400  }
0xa5: {  	s28 =	smov.u32 s17;
	[sflag:s0] =	ssyncset.done $0x0  }
0xa6: {  	s17 =	sshrl.u32 s21, $0x3;
	s5 =	rddreg [dreg:$0x6];
	[sflag:s0] =	ssyncadd.s32 $0xFFFFEC00  }
0xa7: {  	[hbm:s5@s11], [sflag:s14] =	dma.strided [spmem:s17@s12], $0x280, s7, $0x8   }
0xa8: {  	_ =	swait.ge [sflag:s0], $0x280  }
0xa9: {  	[sflag:s0] =	ssyncset.done $0x0  }
0xaa: {  	[sflag:s0] =	ssyncadd.s32 $0xFFFFFD80  }
0xab: {  	[spmem:s21] =	stream.linear.scatter [tilespmem:s2], [sflag:$0x3], $0x1400, $0x38;
	[tilespmem:$0x184C0] =	vst v63  }
0xac: {  	_ =	swait.ge [sflag:s0], $0x1400  }
0xad: {  	[sflag:s0] =	ssyncset.done $0x0  }
0xae: {  	s19 =	sshrl.u32 s23, $0x3;
	s9 =	rddreg [dreg:$0x7];
	[sflag:s0] =	ssyncadd.s32 $0xFFFFEC00  }
0xaf: {  	[hbm:s9@s11], [sflag:s14] =	dma.strided [spmem:s19@s12], $0x280, s7, $0x8   }
0xb0: {  	_ =	swait.ge [sflag:s0], $0x280  }
0xb1: {  	[sflag:s0] =	ssyncset.done $0x0  }
0xb2: {  	[sflag:s0] =	ssyncadd.s32 $0xFFFFFD80  }
0xb3: {  	[spmem:s23] =	stream.linear.scatter [tilespmem:s2], [sflag:$0x3], $0x1400, $0x38;
	[tilespmem:$0x184C0] =	vst v63  }
0xb4: {  	_ =	swait.ge [sflag:s0], $0x1400  }
0xb5: {  	s29 =	smov.u32 s21;
	[sflag:s0] =	ssyncset.done $0x0  }
0xb6: {  	s21 =	sshrl.u32 s24, $0x3;
	s10 =	rddreg [dreg:$0x8];
	[sflag:s0] =	ssyncadd.s32 $0xFFFFEC00  }
0xb7: {  	[hbm:s10@s11], [sflag:s14] =	dma.strided [spmem:s21@s12], $0x280, s7, $0x8   }
0xb8: {  	_ =	swait.ge [sflag:s0], $0x280  }
0xb9: {  	[sflag:s0] =	ssyncset.done $0x0  }
0xba: {  	[sflag:s0] =	ssyncadd.s32 $0xFFFFFD80  }
0xbb: {  	[spmem:s24] =	stream.linear.scatter [tilespmem:s2], [sflag:$0x3], $0x1400, $0x38;
	[tilespmem:$0x184C0] =	vst v63  }
0xbc: {  	_ =	swait.ge [sflag:s0], $0x1400  }
0xbd: {  	s30 =	smov.u32 s23;
	[sflag:s0] =	ssyncset.done $0x0  }
0xbe: {  	s23 =	sshrl.u32 s25, $0x3;
	s18 =	rddreg [dreg:$0x9];
	[sflag:s0] =	ssyncadd.s32 $0xFFFFEC00  }
0xbf: {  	[hbm:s18@s11], [sflag:s14] =	dma.strided [spmem:s23@s12], $0x280, s7, $0x8   }
0xc0: {  	_ =	swait.ge [sflag:s0], $0x280  }
0xc1: {  	[sflag:s0] =	ssyncset.done $0x0  }
0xc2: {  	[sflag:s0] =	ssyncadd.s32 $0xFFFFFD80  }
0xc3: {  	[spmem:s25] =	stream.linear.scatter [tilespmem:s2], [sflag:$0x3], $0x1400, $0x38;
	[tilespmem:$0x184C0] =	vst v63  }
0xc4: {  	_ =	swait.ge [sflag:s0], $0x1400  }
0xc5: {  	s31 =	smov.u32 s24;
	[sflag:s0] =	ssyncset.done $0x0;
	s9 =	rddreg [dreg:$0x16]  }
0xc6: {  	s24 =	rddreg [dreg:$0xa];
	[sflag:s0] =	ssyncadd.s32 $0xFFFFEC00;
	s1 =	sshrl.u32 s9, $0x3  }
0xc7: {  	[hbm:s24@s11], [sflag:s14] =	dma.strided [spmem:s1@s12], $0x280, s7, $0x8   }
0xc8: {  	_ =	swait.ge [sflag:s0], $0x280  }
0xc9: {  	[sflag:s0] =	ssyncset.done $0x0  }
0xca: {  	s10 =	simm.s32 @!p0 $0x20;
	[sflag:s0] =	ssyncadd.s32 $0xFFFFFD80  }
0xcb: {  	[spmem:s9] =	stream.linear.scatter [tilespmem:s2], [sflag:$0x3], $0x1400, $0x38;
	[tilespmem:$0x184C0] =	vst v63  }
0xcc: {  	s18 =	smov.u32 s25;
	s24 =	simm.s32 @!p0 $0x8;
	_ =	swait.ge [sflag:s0], $0x1400  }
0xcd: {  	s9 =	simm.s32 @!p0 $0x1;
	[sflag:s0] =	ssyncset.done $0x0;
	s26 =	rddreg [dreg:$0x17]  }
0xce: {  	s25 =	rddreg [dreg:$0xc];
	[sflag:s0] =	ssyncadd.s32 $0xFFFFEC00;
	s5 =	sshrl.u32 @!p0 s26, $0x3  }
0xcf: {  	[hbm:s25@s10], [sflag:s14] =	dma.strided @!p0 [spmem:s5@s24], $0x280, s9, $0x8   }
0xd0: {  	s9 =	simm.s32 @!p0 $0x3  }
0xd1: {  	_ =	swait.ge @!p0 [sflag:s9], $0x280  }
0xd2: {  	[sflag:s9] =	ssyncset.done @!p0 $0x0  }
0xd3: {  	s10 =	simm.s32 @!p0 $0xD480;
	[sflag:s9] =	ssyncadd.s32 @!p0 $0xFFFFFD80  }
0xd4: {  	[spmem:s26] =	stream.linear.scatter @!p0 [tilespmem:s10], [sflag:$0x3], $0x1400, $0x38;
	[tilespmem:$0x184C0] =	vst v63  }
0xd5: {  	_ =	swait.ge @!p0 [sflag:s9], $0x1400  }
0xd6: {  	[sflag:s9] =	ssyncset.done @!p0 $0x0  }
0xd7: {  	s25 =	simm.s32 $0x0;
	s26 =	rddreg [dreg:$0xb];
	[sflag:s9] =	ssyncadd.s32 @!p0 $0xFFFFEC00  }
0xd8: {  	[tilespmem:s25], [sflag:$0x3] =	stream.linear.gather [hbm4b:s26+s25], $0x5140, $0x38;
	[tilespmem:$0x184C0] =	vst v63  }
0xd9: {  	_ =	swait.ge [sflag:s0], $0x5140  }
0xda: {  	[sflag:s0] =	ssyncset.done $0x0  }
0xdb: {  	[sflag:s0] =	ssyncadd.s32 $0xFFFFAEC0  }
0xdc: {  	[bflag:$0x0] =	sbarrier.arrive $0xFFFF  }
0xdd: {  	[tilespmem:s4], [sflag:$0x1] =	stream.indirect.gather [hbm4b:s22+s3], $0x40, s25, s3, $0xb8;
	[tilespmem:$0x184C0] =	vst v63  }
0xde: {  	s26 =	simm.s32 $0x68  }
0xdf: {  	[tilespmem:s6], [sflag:$0x2] =	stream.indirect.gather [hbm4b:s22+s3], $0x40, s26, s3, $0xb8;
	[tilespmem:$0x184C0] =	vst v63  }
0xe0: {  	_ =	swait.ge [sflag:s7], $0x1900  }
0xe1: {  	[sflag:s7] =	ssyncset.done $0x0  }
0xe2: {  	s10 =	simm.s32 $0x5140;
	[sflag:s7] =	ssyncadd.s32 $0xFFFFE700  }
0xe3: {  	[spmem:s20] =	stream.indirect.scatter.add.f32 [tilespmem:s4], [sflag:$0x3], $0x40, s10, s3, $0xb8;
	[tilespmem:$0x184C0] =	vst v63  }
0xe4: {  	_ =	swait.ge [sflag:s0], $0x1900  }
0xe5: {  	[sflag:s0] =	ssyncset.done $0x0  }
0xe6: {  	s24 =	simm.s32 $0xD0;
	[sflag:s0] =	ssyncadd.s32 $0xFFFFE700  }
0xe7: {  	[tilespmem:s4], [sflag:$0x1] =	stream.indirect.gather [hbm4b:s22+s3], $0x40, s24, s3, $0xb8;
	[tilespmem:$0x184C0] =	vst v63  }
0xe8: {  	_ =	swait.ge [sflag:s8], $0x1900  }
0xe9: {  	[sflag:s8] =	ssyncset.done $0x0  }
0xea: {  	s25 =	simm.s32 $0x51A8;
	[sflag:s8] =	ssyncadd.s32 $0xFFFFE700  }
0xeb: {  	[spmem:s20] =	stream.indirect.scatter.add.f32 [tilespmem:s6], [sflag:$0x3], $0x40, s25, s3, $0xb8;
	[tilespmem:$0x184C0] =	vst v63  }
0xec: {  	_ =	swait.ge [sflag:s0], $0x1900  }
0xed: {  	[sflag:s0] =	ssyncset.done $0x0  }
0xee: {  	s9 =	simm.s32 $0x340;
	s10 =	simm.s32 $0x138;
	[sflag:s0] =	ssyncadd.s32 $0xFFFFE700  }
.LBB2_6:
0xef: {  	[tilespmem:s6], [sflag:$0x2] =	stream.indirect.gather [hbm4b:s22+s3], $0x40, s10, s3, $0xb8;
	[tilespmem:$0x184C0] =	vst v63  }
0xf0: {  	s10 =	smov.u32 s9  }
0xf1: {  	p1 =	sne.s32 s9, $0x13E80;
	s9 =	sadd.s32 $0x340, s9;
	_ =	swait.ge [sflag:s7], $0x1900  }
0xf2: {  	s10 =	sshra.s32 s10, $0x2;
	[sflag:s7] =	ssyncset.done $0x0  }
0xf3: {  	s24 =	sadd.s32 $0x5140, s10;
	[sflag:s7] =	ssyncadd.s32 $0xFFFFE700  }
0xf4: {  	[spmem:s20] =	stream.indirect.scatter.add.f32 [tilespmem:s4], [sflag:$0x3], $0x40, s24, s3, $0xb8;
	[tilespmem:$0x184C0] =	vst v63  }
0xf5: {  	_ =	swait.ge [sflag:s0], $0x1900  }
0xf6: {  	[sflag:s0] =	ssyncset.done $0x0  }
0xf7: {  	s24 =	sadd.s32 $0xD0, s10;
	[sflag:s0] =	ssyncadd.s32 $0xFFFFE700  }
0xf8: {  	[tilespmem:s4], [sflag:$0x1] =	stream.indirect.gather [hbm4b:s22+s3], $0x40, s24, s3, $0xb8;
	[tilespmem:$0x184C0] =	vst v63  }
0xf9: {  	_ =	swait.ge [sflag:s8], $0x1900  }
0xfa: {  	[sflag:s8] =	ssyncset.done $0x0  }
.Ltmp2:
0xfb: {  	s24 =	sadd.s32 $0x51A8, s10;
	[sflag:s8] =	ssyncadd.s32 $0xFFFFE700;
	(pc) =	sbr.rel @p1 .LBB2_6-.Ltmp2, $4  }
0xfc: {  	[spmem:s20] =	stream.indirect.scatter.add.f32 [tilespmem:s6], [sflag:$0x3], $0x40, s24, s3, $0xb8;
	[tilespmem:$0x184C0] =	vst v63  }
0xfd: {  	_ =	swait.ge [sflag:s0], $0x1900  }
0xfe: {  	[sflag:s0] =	ssyncset.done $0x0  }
0xff: {  	s10 =	sadd.s32 $0x138, s10;
	[sflag:s0] =	ssyncadd.s32 $0xFFFFE700  }
0x100: {  	[tilespmem:s6], [sflag:$0x2] =	stream.indirect.gather [hbm4b:s22+s3], $0x40, s10, s3, $0xb8;
	[tilespmem:$0x184C0] =	vst v63  }
0x101: {  	_ =	swait.ge [sflag:s7], $0x1900  }
0x102: {  	[sflag:s7] =	ssyncset.done $0x0  }
0x103: {  	s9 =	simm.s32 $0xA1B0;
	[sflag:s7] =	ssyncadd.s32 $0xFFFFE700  }
0x104: {  	[spmem:s20] =	stream.indirect.scatter.add.f32 [tilespmem:s4], [sflag:$0x3], $0x40, s9, s3, $0xb8;
	[tilespmem:$0x184C0] =	vst v63  }
0x105: {  	_ =	swait.ge [sflag:s0], $0x1900  }
0x106: {  	[sflag:s0] =	ssyncset.done $0x0  }
0x107: {  	[sflag:s0] =	ssyncadd.s32 $0xFFFFE700  }
0x108: {  	_ =	swait.ge [sflag:s8], $0x1900  }
0x109: {  	[sflag:s8] =	ssyncset.done $0x0  }
0x10a: {  	s25 =	simm.s32 $0xA218;
	[sflag:s8] =	ssyncadd.s32 $0xFFFFE700  }
0x10b: {  	[spmem:s20] =	stream.indirect.scatter.add.f32 [tilespmem:s6], [sflag:$0x3], $0x40, s25, s3, $0xb8;
	[tilespmem:$0x184C0] =	vst v63  }
0x10c: {  	_ =	swait.ge [sflag:s0], $0x1900  }
0x10d: {  	[sflag:s0] =	ssyncset.done $0x0  }
0x10e: {  	[sflag:s0] =	ssyncadd.s32 $0xFFFFE700  }
0x10f: {  	[bflag:$0x0] =	sbarrier.arrive $0xFFFF  }
0x110: {  	s10 =	rddreg [dreg:$0xd]  }
0x111: {  	[hbm:s10@s11], [sflag:s14] =	dma.strided [spmem:s15@s12], $0x280, s7, $0x8   }
0x112: {  	_ =	swait.ge [sflag:s0], $0x280  }
0x113: {  	[sflag:s0] =	ssyncset.done $0x0  }
0x114: {  	s15 =	rddreg [dreg:$0xe];
	[sflag:s0] =	ssyncadd.s32 $0xFFFFFD80  }
0x115: {  	[hbm:s15@s11], [sflag:s14] =	dma.strided [spmem:s16@s12], $0x280, s7, $0x8   }
0x116: {  	_ =	swait.ge [sflag:s0], $0x280  }
0x117: {  	[sflag:s0] =	ssyncset.done $0x0  }
0x118: {  	s16 =	rddreg [dreg:$0xf];
	[sflag:s0] =	ssyncadd.s32 $0xFFFFFD80  }
0x119: {  	[hbm:s16@s11], [sflag:s14] =	dma.strided [spmem:s17@s12], $0x280, s7, $0x8   }
0x11a: {  	_ =	swait.ge [sflag:s0], $0x280  }
0x11b: {  	[sflag:s0] =	ssyncset.done $0x0  }
0x11c: {  	s17 =	rddreg [dreg:$0x10];
	[sflag:s0] =	ssyncadd.s32 $0xFFFFFD80  }
0x11d: {  	[hbm:s17@s11], [sflag:s14] =	dma.strided [spmem:s19@s12], $0x280, s7, $0x8   }
0x11e: {  	_ =	swait.ge [sflag:s0], $0x280  }
0x11f: {  	[sflag:s0] =	ssyncset.done $0x0  }
0x120: {  	s19 =	rddreg [dreg:$0x11];
	[sflag:s0] =	ssyncadd.s32 $0xFFFFFD80  }
0x121: {  	[hbm:s19@s11], [sflag:s14] =	dma.strided [spmem:s21@s12], $0x280, s7, $0x8   }
0x122: {  	_ =	swait.ge [sflag:s0], $0x280  }
0x123: {  	[sflag:s0] =	ssyncset.done $0x0  }
0x124: {  	s21 =	rddreg [dreg:$0x12];
	[sflag:s0] =	ssyncadd.s32 $0xFFFFFD80  }
0x125: {  	[hbm:s21@s11], [sflag:s14] =	dma.strided [spmem:s23@s12], $0x280, s7, $0x8   }
0x126: {  	_ =	swait.ge [sflag:s0], $0x280  }
0x127: {  	[sflag:s0] =	ssyncset.done $0x0  }
0x128: {  	s24 =	rddreg [dreg:$0x13];
	[sflag:s0] =	ssyncadd.s32 $0xFFFFFD80  }
0x129: {  	[hbm:s24@s11], [sflag:s14] =	dma.strided [spmem:s1@s12], $0x280, s7, $0x8   }
0x12a: {  	_ =	swait.ge [sflag:s0], $0x280  }
0x12b: {  	s9 =	simm.s32 @!p0 $0x20;
	s10 =	simm.s32 @!p0 $0x8;
	[sflag:s0] =	ssyncset.done $0x0  }
0x12c: {  	s1 =	simm.s32 @!p0 $0x1;
	s15 =	rddreg [dreg:$0x14];
	[sflag:s0] =	ssyncadd.s32 $0xFFFFFD80  }
0x12d: {  	[hbm:s15@s9], [sflag:s14] =	dma.strided @!p0 [spmem:s5@s10], $0x280, s1, $0x8   }
0x12e: {  	s1 =	simm.s32 @!p0 $0x3  }
0x12f: {  	_ =	swait.ge @!p0 [sflag:s1], $0x280  }
0x130: {  	s13 =	sadd.s32 $0x1, s13;
	s25 =	rddreg [dreg:$0x19]  }
0x131: {  	p1 =	sne.s32 s13, s25  }
.Ltmp3:
0x132: {  	_ = 	snop;
	(pc) =	sbr.rel @p1 .LBB2_1-.Ltmp3, $4  }
0x133: {  	_ = 	snop  }
0x134: {  	s17 =	smov.u32 s28;
	s21 =	smov.u32 s29  }
0x135: {  	s23 =	smov.u32 s30;
	s24 =	smov.u32 s31;
	[sflag:s1] =	ssyncset.done @!p0 $0x0  }
0x136: {  	s10 =	rddreg [dreg:$0x18];
	[sflag:s1] =	ssyncadd.s32 @!p0 $0xFFFFFD80;
	s25 =	smov.u32 s18  }
0x137: {  	_ =	sfence.sel $0x180000  }
0x138: {  	[bflag:$0x0] =	sbarrier.arrive $0xFFFF  }
0x139: {  	_ =	strace $0x9000004A  }
0x13a: {  	s0 =	stileid.u32;
	[bflag:$0x2] =	sbarrier.arrive $0xFFFF  }
0x13b: {  	p0 =	sne.s32 s0, $0x0;
	s0 =	rddreg [dreg:$0x2]  }
0x13c: {  	s0 =	sadd.s32 @!p0 $0x100000, s0  }
0x13d: {  	[sflag:s0] =	ssyncadd.tile.s32 @!p0 $0x1;
	_ =	shalt  }
.Lfunc_end2:
_tile_overlayer_lowered:
.L_overlay_start_2:
0x13e: {  	(tag) =	ssettag $0x2  }
0x13f: {  	s0 =	rddreg [dreg:$0x0];
	s2 =	stileid.u32  }
0x140: {  	s1 =	rddreg [dreg:$0x1];
	p0 =	sne.s32 s2, $0x0  }
0x141: {  	s3 =	rddreg [dreg:$0x2];
	[bflag:$0x3] =	sbarrier.arrive $0xFFFF;
	s2 =	simm.s32 @!p0 $0x1C03  }
0x142: {  	[timem:s3], [sflag:s2] =	dma.local @!p0 [hbm:s0], s1  }
0x143: {  	s0 =	simm.s32 @!p0 $0x3  }
0x144: {  	_ =	swait.ge @!p0 [sflag:s0], s1  }
0x145: {  	s1 =	ssub.s32 @!p0 $0x0, s1;
	[sflag:s0] =	ssyncset.done @!p0 $0x0  }
0x146: {  	[sflag:s0] =	ssyncadd.s32 @!p0 s1  }
0x147: {  	[bflag:$0x3] =	sbarrier.arrive $0xFFFF  }
0x148: {  	_ =	shalt  }

</sc_bundles>
